<compile_context>
chip_gen: v7x
topology: tpu7x:2x2x1
jax: 0.10.2.dev20260603
libtpu: 0.0.44.dev20260713+nightly
codegen_flags: <defaults>
</compile_context>

<pallas_src>
import functools

import jax
import jax.numpy as jnp
from jax import lax
from jax.experimental import pallas as pl
from jax.experimental.pallas import tpu as pltpu
from jax.experimental.pallas import tpu_sc as plsc

N = 10000
E = 320000
D_IN = 128
D_HID = 128
D_OUT = 64

NC = 2
NS = 16
B = 128
EROWS = E // B
ROWS_PER_TILE = 79
LAST_ROWS = EROWS - (NC * NS - 1) * ROWS_PER_TILE

NPAD = 10240
NPT = NPAD // NS

BN = 512
GRID = (N + BN - 1) // BN

DEG_ROWS = EROWS // NS
DEG_EXTRA = EROWS % NS


def _mesh():
  return plsc.VectorSubcoreMesh(core_axis_name="c", subcore_axis_name="s")


def _fill(ref, n16, value):
  def body(i, _):
    ref[pl.ds(i * 16, 16)] = jnp.full((16,), value, jnp.float32)
    return 0

  lax.fori_loop(0, n16, body, 0)


def _bcast16(v, k):
  dnums = lax.GatherDimensionNumbers(
      offset_dims=(), collapsed_slice_dims=(0,), start_index_map=(0,))
  return lax.gather(v, jnp.full((16, 1), k, jnp.int32), dnums, (1,),
                    mode=lax.GatherScatterMode.PROMISE_IN_BOUNDS)


def _newton_rsqrt16(x):
  s = 0.5 * (x + 1.0)
  for _ in range(20):
    s = 0.5 * (s + x / s)
  return 1.0 / s


def _agg_loop(ei_hbm, gsrc, acc_s, stg, isl, gsem, ssem, isem, row0, nb):
  pltpu.sync_copy(ei_hbm.at[:, row0], isl[0])
  pltpu.async_copy(ei_hbm.at[:, row0 + 1], isl[1], isem[1])
  pltpu.async_copy(gsrc.at[isl[0].at[0]], stg[0], gsem[0])
  plsc.subcore_barrier()

  def group(gidx, _):
    j0 = gidx * 6
    for b in range(6):
      j = j0 + b
      sb = b % 2
      il = b % 3

      @pl.when(j < nb)
      def _():
        @pl.when(j >= 1)
        def _():
          pltpu.make_async_copy(stg[1 - sb], acc_s.at[isl[il].at[1]],
                                ssem[1 - sb]).wait()

        @pl.when(j + 1 < nb)
        def _():
          pltpu.make_async_copy(ei_hbm.at[:, row0], isl[(il + 1) % 3],
                                isem[(il + 1) % 3]).wait()
          pltpu.async_copy(gsrc.at[isl[(il + 1) % 3].at[0]], stg[1 - sb],
                           gsem[1 - sb])

        @pl.when(j + 2 < nb)
        def _():
          pltpu.async_copy(ei_hbm.at[:, row0 + j + 2], isl[(il + 2) % 3],
                           isem[(il + 2) % 3])

        pltpu.make_async_copy(gsrc.at[isl[il].at[0]], stg[sb],
                              gsem[sb]).wait()
        pltpu.async_copy(stg[sb], acc_s.at[isl[il].at[1]], ssem[sb],
                         add=True)

    return 0

  lax.fori_loop(0, (ROWS_PER_TILE + 5) // 6, group, 0)
  pltpu.make_async_copy(stg[0], acc_s.at[isl[0].at[1]], ssem[0]).wait()


DEG_MAX = DEG_ROWS + 1


def _deg_body(ei_hbm, dinv_hbm,
              idx_all, ones_v, zb, degv, dinvv, deg_s, dsem):
  cid = lax.axis_index("c")
  sid = lax.axis_index("s")
  base = sid * NPT

  _fill(ones_v, B // 16, 1.0)
  _fill(zb, NPT // 16, 0.0)
  pltpu.sync_copy(zb, deg_s.at[pl.ds(base, NPT)])

  nbd = jnp.where(sid < DEG_EXTRA, DEG_ROWS + 1, DEG_ROWS)
  row0d = sid * DEG_ROWS + jnp.minimum(sid, DEG_EXTRA)
  row0c = jnp.minimum(row0d, EROWS - DEG_MAX)
  off = row0d - row0c
  pltpu.sync_copy(ei_hbm.at[:, pl.ds(row0c, DEG_MAX)], idx_all)
  plsc.subcore_barrier()

  def fire(j, _):
    pltpu.async_copy(ones_v, deg_s.at[idx_all.at[1, off + j]], dsem,
                     add=True)
    return 0

  lax.fori_loop(0, nbd, fire, 0)

  def drain(j, _):
    pltpu.make_async_copy(ones_v, deg_s.at[idx_all.at[1, 0]], dsem).wait()
    return 0

  lax.fori_loop(0, nbd, drain, 0)
  plsc.subcore_barrier()

  pltpu.sync_copy(deg_s.at[pl.ds(base, NPT)], degv)

  def newton(i, _):
    d = degv[pl.ds(i * 16, 16)] + 1.0
    dinvv[pl.ds(i * 16, 16)] = _newton_rsqrt16(d)
    return 0

  lax.fori_loop(0, NPT // 16, newton, 0)

  @pl.when(cid == 0)
  def _():
    pltpu.sync_copy(dinvv, dinv_hbm.at[pl.ds(base, NPT)])


def _sc_degree(ei3):
  k = pl.kernel(
      _deg_body,
      out_type=jax.ShapeDtypeStruct((NPAD,), jnp.float32),
      mesh=_mesh(),
      compiler_params=pltpu.CompilerParams(use_tc_tiling_on_sc=False),
      scratch_types=(
          [pltpu.VMEM((2, DEG_MAX, B), jnp.int32)]
          + [pltpu.VMEM((B,), jnp.float32)]
          + [pltpu.VMEM((NPT,), jnp.float32)]
          + [pltpu.VMEM((NPT,), jnp.float32)]
          + [pltpu.VMEM((NPT,), jnp.float32)]
          + [pltpu.VMEM_SHARED((NPAD,), jnp.float32)]
          + [pltpu.SemaphoreType.DMA]
      ),
  )
  return k(ei3)


def _agg_body(g_hbm, ei_hbm, out_hbm,
              stg0, stg1, isl0, isl1, isl2, acc_s,
              gs0, gs1, ss0, ss1, is0, is1, is2, D):
  stg = (stg0, stg1)
  isl = (isl0, isl1, isl2)
  cid = lax.axis_index("c")
  sid = lax.axis_index("s")
  wid = cid * NS + sid

  def fill_stg(i, _):
    r = i // (D // 16)
    c = i % (D // 16)
    stg0[r, pl.ds(c * 16, 16)] = jnp.zeros((16,), jnp.float32)
    return 0

  lax.fori_loop(0, B * (D // 16), fill_stg, 0)
  base = sid * NPT
  for kk in range(NPT // B):
    pltpu.sync_copy(stg0, acc_s.at[pl.ds(base + kk * B, B)])

  nb = jnp.where(wid == NC * NS - 1, LAST_ROWS, ROWS_PER_TILE)
  row0 = wid * ROWS_PER_TILE
  _agg_loop(ei_hbm, g_hbm, acc_s, stg, isl, (gs0, gs1), (ss0, ss1),
            (is0, is1, is2), row0, nb)

  plsc.subcore_barrier()
  pltpu.sync_copy(acc_s.at[pl.ds(base, NPT)],
                  out_hbm.at[cid, pl.ds(base, NPT)])


def _sc_aggregate(g, ei3, D):
  k = pl.kernel(
      functools.partial(_agg_body, D=D),
      out_type=jax.ShapeDtypeStruct((NC, NPAD, D), jnp.float32),
      mesh=_mesh(),
      compiler_params=pltpu.CompilerParams(use_tc_tiling_on_sc=False),
      scratch_types=(
          [pltpu.VMEM((B, D), jnp.float32) for _ in range(2)]
          + [pltpu.VMEM((2, B), jnp.int32) for _ in range(3)]
          + [pltpu.VMEM_SHARED((NPAD, D), jnp.float32)]
          + [pltpu.SemaphoreType.DMA for _ in range(7)]
      ),
  )
  return k(g, ei3)


def _tc1_body(dinv_ref, x_ref, w1_ref, g1_ref):
  h = jnp.dot(x_ref[...], w1_ref[...], preferred_element_type=jnp.float32)
  g1_ref[...] = h * dinv_ref[...]


def _tc1(dinv, x, W1):
  return pl.pallas_call(
      _tc1_body,
      grid=(GRID,),
      in_specs=[
          pl.BlockSpec((BN, 1), lambda i: (i, 0)),
          pl.BlockSpec((BN, D_IN), lambda i: (i, 0)),
          pl.BlockSpec((D_IN, D_HID), lambda i: (0, 0)),
      ],
      out_specs=pl.BlockSpec((BN, D_HID), lambda i: (i, 0)),
      out_shape=jax.ShapeDtypeStruct((N, D_HID), jnp.float32),
  )(dinv, x, W1)


def _tc2_body(dinv_ref, accp_ref, g1_ref, w2_ref, b1_ref, g2_ref):
  dinv = dinv_ref[...]
  agg = accp_ref[0] + accp_ref[1] + g1_ref[...]
  t = jnp.maximum(agg * dinv + b1_ref[...], 0.0)
  h2 = jnp.dot(t, w2_ref[...], preferred_element_type=jnp.float32)
  g2_ref[...] = h2 * dinv


def _tc2(dinv, accp, g1, W2, b1):
  return pl.pallas_call(
      _tc2_body,
      grid=(GRID,),
      in_specs=[
          pl.BlockSpec((BN, 1), lambda i: (i, 0)),
          pl.BlockSpec((NC, BN, D_HID), lambda i: (0, i, 0)),
          pl.BlockSpec((BN, D_HID), lambda i: (i, 0)),
          pl.BlockSpec((D_HID, D_OUT), lambda i: (0, 0)),
          pl.BlockSpec((D_HID,), lambda i: (0,)),
      ],
      out_specs=pl.BlockSpec((BN, D_OUT), lambda i: (i, 0)),
      out_shape=jax.ShapeDtypeStruct((N, D_OUT), jnp.float32),
  )(dinv, accp, g1, W2, b1)


def _tc3_body(dinv_ref, accp_ref, g2_ref, b2_ref, fcw_ref, fcb_ref, out_ref):
  dinv = dinv_ref[...]
  agg = accp_ref[0] + accp_ref[1] + g2_ref[...]
  t = agg * dinv + b2_ref[...]
  o = jnp.dot(t, fcw_ref[...], preferred_element_type=jnp.float32)
  out_ref[...] = 1.0 / (1.0 + jnp.exp(-(o + fcb_ref[...])))


def _tc3(dinv, accp, g2, b2, fc_W, fc_b):
  return pl.pallas_call(
      _tc3_body,
      grid=(GRID,),
      in_specs=[
          pl.BlockSpec((BN, 1), lambda i: (i, 0)),
          pl.BlockSpec((NC, BN, D_OUT), lambda i: (0, i, 0)),
          pl.BlockSpec((BN, D_OUT), lambda i: (i, 0)),
          pl.BlockSpec((D_OUT,), lambda i: (0,)),
          pl.BlockSpec((D_OUT, 1), lambda i: (0, 0)),
          pl.BlockSpec((1,), lambda i: (0,)),
      ],
      out_specs=pl.BlockSpec((BN, 1), lambda i: (i, 0)),
      out_shape=jax.ShapeDtypeStruct((N, 1), jnp.float32),
  )(dinv, accp, g2, b2, fc_W, fc_b)


def kernel(x, edge_index, W1, b1, W2, b2, fc_W, fc_b):
  ei3 = edge_index.astype(jnp.int32).reshape(2, EROWS, B)

  dinvf = _sc_degree(ei3)
  dinv = dinvf[:N].reshape(N, 1)
  g1 = _tc1(dinv, x, W1)
  acc1 = _sc_aggregate(g1, ei3, D_HID)
  g2 = _tc2(dinv, acc1, g1, W2, b1)
  acc2 = _sc_aggregate(g2, ei3, D_OUT)
  return _tc3(dinv, acc2, g2, b2, fc_W, fc_b)

# --- scband reference (transcript-rebuilt; emitter-appended) ---
"""Pipeline reference for scband-gnnmodel-17626545783539 (READ-ONLY COPY).

The authoritative reference and input builder live on the scoring server;
editing this copy changes nothing except your own understanding.
"""

import jax, jax.numpy as jnp
import numpy as np

N_NODES = 10000
N_EDGES = 320000
D_IN = 128
D_HID = 128
D_OUT = 64


def setup_inputs(seed: int = 0) -> dict:
    key = jax.random.key(seed)
    ks = jax.random.split(key, 8)
    x = jax.random.normal(ks[0], (N_NODES, D_IN), dtype=jnp.float32)
    edge_index = jax.random.randint(ks[1], (2, N_EDGES), 0, N_NODES, dtype=jnp.int64)
    # GCNConv layer 1 params (Glorot-style scale)
    W1 = jax.random.normal(ks[2], (D_IN, D_HID), dtype=jnp.float32) * (1.0 / np.sqrt(D_IN))
    b1 = jnp.zeros((D_HID,), dtype=jnp.float32)
    # GCNConv layer 2 params
    W2 = jax.random.normal(ks[3], (D_HID, D_OUT), dtype=jnp.float32) * (1.0 / np.sqrt(D_HID))
    b2 = jnp.zeros((D_OUT,), dtype=jnp.float32)
    # Final linear layer
    fc_W = jax.random.normal(ks[4], (D_OUT, 1), dtype=jnp.float32) * (1.0 / np.sqrt(D_OUT))
    fc_b = jnp.zeros((1,), dtype=jnp.float32)
    return {"x": x, "edge_index": edge_index, "W1": W1, "b1": b1, "W2": W2, "b2": b2, "fc_W": fc_W, "fc_b": fc_b}


def _gcn_conv(x, src, dst, W, b):
    # PyG-style GCNConv: self-loops + symmetric normalization D^-1/2 A D^-1/2 (X W) + b
    n = x.shape[0]
    loop = jnp.arange(n, dtype=src.dtype)
    s = jnp.concatenate([src, loop])
    d = jnp.concatenate([dst, loop])
    deg = jnp.zeros((n,), dtype=x.dtype).at[d].add(1.0)
    deg_inv_sqrt = jnp.where(deg > 0, 1.0 / jnp.sqrt(deg), 0.0)
    norm = deg_inv_sqrt[s] * deg_inv_sqrt[d]
    h = x @ W
    msg = h[s] * norm[:, None]
    out = jnp.zeros((n, h.shape[1]), dtype=x.dtype).at[d].add(msg)
    return out + b


def reference(x, edge_index, W1, b1, W2, b2, fc_W, fc_b):
    src = edge_index[0]
    dst = edge_index[1]
    h = jax.nn.relu(_gcn_conv(x, src, dst, W1, b1))
    h = _gcn_conv(h, src, dst, W2, b2)
    out = h @ fc_W + fc_b
    return jax.nn.sigmoid(out)

if __name__ == "__main__":
    import jax
    _d = setup_inputs()
    print(jax.jit(kernel)(*tuple(_d.values())))

</pallas_src>

<mosaic_0001>
#map = affine_map<(d0, d1) -> (0, 0)>
#map1 = affine_map<(d0, d1) -> (0, 0, 0)>
module attributes {stable_mosaic.version = 14 : i64} {
  func.func @_agg_body(%arg0: i32, %arg1: i32, %arg2: memref<10000x128xf32, #tpu.memory_space<hbm>>, %arg3: memref<2x2500x128xi32, #tpu.memory_space<hbm>>, %arg4: memref<2x10240x128xf32, #tpu.memory_space<hbm>>, %arg5: memref<128x128xf32, #tpu.memory_space<vmem>>, %arg6: memref<128x128xf32, #tpu.memory_space<vmem>>, %arg7: memref<2x128xi32, #tpu.memory_space<vmem>>, %arg8: memref<2x128xi32, #tpu.memory_space<vmem>>, %arg9: memref<2x128xi32, #tpu.memory_space<vmem>>, %arg10: memref<10240x128xf32, #tpu.memory_space<vmem_shared>>, %arg11: memref<!tpu.dma_semaphore, #tpu.memory_space<semaphore_mem>>, %arg12: memref<!tpu.dma_semaphore, #tpu.memory_space<semaphore_mem>>, %arg13: memref<!tpu.dma_semaphore, #tpu.memory_space<semaphore_mem>>, %arg14: memref<!tpu.dma_semaphore, #tpu.memory_space<semaphore_mem>>, %arg15: memref<!tpu.dma_semaphore, #tpu.memory_space<semaphore_mem>>, %arg16: memref<!tpu.dma_semaphore, #tpu.memory_space<semaphore_mem>>, %arg17: memref<!tpu.dma_semaphore, #tpu.memory_space<semaphore_mem>>) attributes {dimension_semantics = [#tpu.dimension_semantics<core_parallel>, #tpu.dimension_semantics<subcore_parallel>], iteration_bounds = array<i64: 2, 16>, scalar_prefetch = 0 : i64, scratch_operands = 13 : i64, tpu.core_type = #tpu.core_type<sc_vector_subcore>, window_params = [{transform_indices = #map}, {transform_indices = #map1}, {transform_indices = #map1}]} {
    %mul3A = arith.constant 16 : i32
    %mul3A_0 = arith.muli %arg0, %mul3A : i32
    %add3A = arith.addi %mul3A_0, %arg1 : i32
    %scan3A = arith.constant 0 : i32
    %scan3A_1 = arith.constant 0 : i32
    %scan3A_2 = arith.constant 1024 : i32
    %scan3A_3 = arith.addi %scan3A_1, %scan3A_2 : i32
    %scan3A_4 = arith.constant 1 : i32
    %scan3A_5 = scf.for %scan3A_53 = %scan3A_1 to %scan3A_3 step %scan3A_4 iter_args(%scan3A_54 = %scan3A) -> (i32)  : i32 {
      %jit3A_55 = arith.constant 8 : i32
      %div3A = arith.divsi %scan3A_53, %jit3A_55 : i32
      %sign3A = arith.constant 0 : i32
      %sign3A_56 = arith.cmpi sgt, %scan3A_53, %sign3A : i32
      %sign3A_57 = arith.extui %sign3A_56 : i1 to i32
      %sign3A_58 = arith.constant 0 : i32
      %sign3A_59 = arith.cmpi slt, %scan3A_53, %sign3A_58 : i32
      %sign3A_60 = arith.extui %sign3A_59 : i1 to i32
      %sign3A_61 = arith.subi %sign3A_57, %sign3A_60 : i32
      %sign3A_62 = arith.constant 0 : i32
      %sign3A_63 = arith.cmpi sgt, %jit3A_55, %sign3A_62 : i32
      %sign3A_64 = arith.extui %sign3A_63 : i1 to i32
      %sign3A_65 = arith.constant 0 : i32
      %sign3A_66 = arith.cmpi slt, %jit3A_55, %sign3A_65 : i32
      %sign3A_67 = arith.extui %sign3A_66 : i1 to i32
      %sign3A_68 = arith.subi %sign3A_64, %sign3A_67 : i32
      %ne3A = arith.cmpi ne, %sign3A_61, %sign3A_68 : i32
      %rem3A = arith.remsi %scan3A_53, %jit3A_55 : i32
      %ne3A_69 = arith.constant 0 : i32
      %ne3A_70 = arith.cmpi ne, %rem3A, %ne3A_69 : i32
      %and3A = arith.andi %ne3A, %ne3A_70 : i1
      %sub3A = arith.constant 1 : i32
      %sub3A_71 = arith.subi %div3A, %sub3A : i32
      %select_n3A_72 = arith.select %and3A, %sub3A_71, %div3A : i32
      %jit3A_73 = arith.constant 8 : i32
      %eq3A_74 = arith.constant 0 : i32
      %eq3A_75 = arith.cmpi eq, %jit3A_73, %eq3A_74 : i32
      %jit3A_76 = arith.constant 1 : i32
      %select_n3A_77 = arith.select %eq3A_75, %jit3A_76, %jit3A_73 : i32
      %rem3A_78 = arith.remsi %scan3A_53, %select_n3A_77 : i32
      %ne3A_79 = arith.constant 0 : i32
      %ne3A_80 = arith.cmpi ne, %rem3A_78, %ne3A_79 : i32
      %lt3A = arith.constant 0 : i32
      %lt3A_81 = arith.cmpi slt, %rem3A_78, %lt3A : i32
      %lt3A_82 = arith.constant 0 : i32
      %lt3A_83 = arith.cmpi slt, %select_n3A_77, %lt3A_82 : i32
      %ne3A_84 = arith.xori %lt3A_81, %lt3A_83 : i1
      %and3A_85 = arith.andi %ne3A_84, %ne3A_80 : i1
      %add3A_86 = arith.addi %rem3A_78, %select_n3A_77 : i32
      %select_n3A_87 = arith.select %and3A_85, %add3A_86, %rem3A_78 : i32
      %broadcast_in_dim3A = arith.constant 0.000000e+00 : f32
      %broadcast_in_dim3A_88 = vector.broadcast %broadcast_in_dim3A : f32 to vector<16xf32>
      %mul3A_89 = arith.constant 16 : i32
      %mul3A_90 = arith.muli %select_n3A_87, %mul3A_89 : i32
      %swap3A = arith.index_cast %select_n3A_72 : i32 to index
      %swap3A_91 = arith.index_cast %mul3A_90 : i32 to index
      %swap3A_92 = tpu.vector_load %arg5[%swap3A, %swap3A_91] {strides = array<i32>} : memref<128x128xf32, #tpu.memory_space<vmem>>, vector<1x16xf32>,
      %swap3A_93 = vector.shape_cast %swap3A_92 : vector<1x16xf32> to vector<16xf32>
      %swap3A_94 = vector.shape_cast %broadcast_in_dim3A_88 : vector<16xf32> to vector<1x16xf32>
      tpu.vector_store %arg5[%swap3A, %swap3A_91], %swap3A_94 {strides = array<i32>} : memref<128x128xf32, #tpu.memory_space<vmem>>, vector<1x16xf32>,
      %scan3A_95 = arith.constant 0 : i32
      scf.yield %scan3A_95 : i32
    }
    %scan3A_6 = arith.constant 1024 : i32
    %mul3A_7 = arith.constant 640 : i32
    %mul3A_8 = arith.muli %arg1, %mul3A_7 : i32
    %add3A_9 = arith.constant 0 : i32
    %add3A_10 = arith.addi %mul3A_8, %add3A_9 : i32
    "tpu.region"() ({
      %run_scoped3A = tpu.sem_alloc : memref<!tpu.dma_semaphore, #tpu.memory_space<semaphore_mem>>
      %dma_start3A_53 = arith.constant 0 : i32
      %dma_start3A_54 = tpu.memref_slice %arg10[%add3A_10, %dma_start3A_53] : memref<10240x128xf32, #tpu.memory_space<vmem_shared>> -> memref<128x128xf32, #tpu.memory_space<vmem_shared>>
      %dma_start3A_55 = arith.constant 0 : i32
      %dma_start3A_56 = tpu.memref_slice %arg10[%add3A_10, %dma_start3A_55] : memref<10240x128xf32, #tpu.memory_space<vmem_shared>> -> memref<128x128xf32, #tpu.memory_space<vmem_shared>>
      tpu.enqueue_dma source(%arg5 : memref<128x128xf32, #tpu.memory_space<vmem>>) target(%dma_start3A_56 : memref<128x128xf32, #tpu.memory_space<vmem_shared>>) target_semaphore(%run_scoped3A : memref<!tpu.dma_semaphore, #tpu.memory_space<semaphore_mem>>)
      %dma_wait3A_57 = arith.constant 0 : i32
      %dma_wait3A_58 = tpu.memref_slice %arg10[%add3A_10, %dma_wait3A_57] : memref<10240x128xf32, #tpu.memory_space<vmem_shared>> -> memref<128x128xf32, #tpu.memory_space<vmem_shared>>
      %dma_wait3A_59 = arith.constant 0 : i32
      %dma_wait3A_60 = tpu.memref_slice %arg10[%add3A_10, %dma_wait3A_59] : memref<10240x128xf32, #tpu.memory_space<vmem_shared>> -> memref<128x128xf32, #tpu.memory_space<vmem_shared>>
      tpu.wait_dma2 semaphore(%run_scoped3A : memref<!tpu.dma_semaphore, #tpu.memory_space<semaphore_mem>>) src(%arg5 : memref<128x128xf32, #tpu.memory_space<vmem>>) dst(%dma_wait3A_60 : memref<128x128xf32, #tpu.memory_space<vmem_shared>>)
      tpu.yield
    }) : () -> ()
    %add3A_11 = arith.constant 128 : i32
    %add3A_12 = arith.addi %mul3A_8, %add3A_11 : i32
    "tpu.region"() ({
      %run_scoped3A = tpu.sem_alloc : memref<!tpu.dma_semaphore, #tpu.memory_space<semaphore_mem>>
      %dma_start3A_53 = arith.constant 0 : i32
      %dma_start3A_54 = tpu.memref_slice %arg10[%add3A_12, %dma_start3A_53] : memref<10240x128xf32, #tpu.memory_space<vmem_shared>> -> memref<128x128xf32, #tpu.memory_space<vmem_shared>>
      %dma_start3A_55 = arith.constant 0 : i32
      %dma_start3A_56 = tpu.memref_slice %arg10[%add3A_12, %dma_start3A_55] : memref<10240x128xf32, #tpu.memory_space<vmem_shared>> -> memref<128x128xf32, #tpu.memory_space<vmem_shared>>
      tpu.enqueue_dma source(%arg5 : memref<128x128xf32, #tpu.memory_space<vmem>>) target(%dma_start3A_56 : memref<128x128xf32, #tpu.memory_space<vmem_shared>>) target_semaphore(%run_scoped3A : memref<!tpu.dma_semaphore, #tpu.memory_space<semaphore_mem>>)
      %dma_wait3A_57 = arith.constant 0 : i32
      %dma_wait3A_58 = tpu.memref_slice %arg10[%add3A_12, %dma_wait3A_57] : memref<10240x128xf32, #tpu.memory_space<vmem_shared>> -> memref<128x128xf32, #tpu.memory_space<vmem_shared>>
      %dma_wait3A_59 = arith.constant 0 : i32
      %dma_wait3A_60 = tpu.memref_slice %arg10[%add3A_12, %dma_wait3A_59] : memref<10240x128xf32, #tpu.memory_space<vmem_shared>> -> memref<128x128xf32, #tpu.memory_space<vmem_shared>>
      tpu.wait_dma2 semaphore(%run_scoped3A : memref<!tpu.dma_semaphore, #tpu.memory_space<semaphore_mem>>) src(%arg5 : memref<128x128xf32, #tpu.memory_space<vmem>>) dst(%dma_wait3A_60 : memref<128x128xf32, #tpu.memory_space<vmem_shared>>)
      tpu.yield
    }) : () -> ()
    %add3A_13 = arith.constant 256 : i32
    %add3A_14 = arith.addi %mul3A_8, %add3A_13 : i32
    "tpu.region"() ({
      %run_scoped3A = tpu.sem_alloc : memref<!tpu.dma_semaphore, #tpu.memory_space<semaphore_mem>>
      %dma_start3A_53 = arith.constant 0 : i32
      %dma_start3A_54 = tpu.memref_slice %arg10[%add3A_14, %dma_start3A_53] : memref<10240x128xf32, #tpu.memory_space<vmem_shared>> -> memref<128x128xf32, #tpu.memory_space<vmem_shared>>
      %dma_start3A_55 = arith.constant 0 : i32
      %dma_start3A_56 = tpu.memref_slice %arg10[%add3A_14, %dma_start3A_55] : memref<10240x128xf32, #tpu.memory_space<vmem_shared>> -> memref<128x128xf32, #tpu.memory_space<vmem_shared>>
      tpu.enqueue_dma source(%arg5 : memref<128x128xf32, #tpu.memory_space<vmem>>) target(%dma_start3A_56 : memref<128x128xf32, #tpu.memory_space<vmem_shared>>) target_semaphore(%run_scoped3A : memref<!tpu.dma_semaphore, #tpu.memory_space<semaphore_mem>>)
      %dma_wait3A_57 = arith.constant 0 : i32
      %dma_wait3A_58 = tpu.memref_slice %arg10[%add3A_14, %dma_wait3A_57] : memref<10240x128xf32, #tpu.memory_space<vmem_shared>> -> memref<128x128xf32, #tpu.memory_space<vmem_shared>>
      %dma_wait3A_59 = arith.constant 0 : i32
      %dma_wait3A_60 = tpu.memref_slice %arg10[%add3A_14, %dma_wait3A_59] : memref<10240x128xf32, #tpu.memory_space<vmem_shared>> -> memref<128x128xf32, #tpu.memory_space<vmem_shared>>
      tpu.wait_dma2 semaphore(%run_scoped3A : memref<!tpu.dma_semaphore, #tpu.memory_space<semaphore_mem>>) src(%arg5 : memref<128x128xf32, #tpu.memory_space<vmem>>) dst(%dma_wait3A_60 : memref<128x128xf32, #tpu.memory_space<vmem_shared>>)
      tpu.yield
    }) : () -> ()
    %add3A_15 = arith.constant 384 : i32
    %add3A_16 = arith.addi %mul3A_8, %add3A_15 : i32
    "tpu.region"() ({
      %run_scoped3A = tpu.sem_alloc : memref<!tpu.dma_semaphore, #tpu.memory_space<semaphore_mem>>
      %dma_start3A_53 = arith.constant 0 : i32
      %dma_start3A_54 = tpu.memref_slice %arg10[%add3A_16, %dma_start3A_53] : memref<10240x128xf32, #tpu.memory_space<vmem_shared>> -> memref<128x128xf32, #tpu.memory_space<vmem_shared>>
      %dma_start3A_55 = arith.constant 0 : i32
      %dma_start3A_56 = tpu.memref_slice %arg10[%add3A_16, %dma_start3A_55] : memref<10240x128xf32, #tpu.memory_space<vmem_shared>> -> memref<128x128xf32, #tpu.memory_space<vmem_shared>>
      tpu.enqueue_dma source(%arg5 : memref<128x128xf32, #tpu.memory_space<vmem>>) target(%dma_start3A_56 : memref<128x128xf32, #tpu.memory_space<vmem_shared>>) target_semaphore(%run_scoped3A : memref<!tpu.dma_semaphore, #tpu.memory_space<semaphore_mem>>)
      %dma_wait3A_57 = arith.constant 0 : i32
      %dma_wait3A_58 = tpu.memref_slice %arg10[%add3A_16, %dma_wait3A_57] : memref<10240x128xf32, #tpu.memory_space<vmem_shared>> -> memref<128x128xf32, #tpu.memory_space<vmem_shared>>
      %dma_wait3A_59 = arith.constant 0 : i32
      %dma_wait3A_60 = tpu.memref_slice %arg10[%add3A_16, %dma_wait3A_59] : memref<10240x128xf32, #tpu.memory_space<vmem_shared>> -> memref<128x128xf32, #tpu.memory_space<vmem_shared>>
      tpu.wait_dma2 semaphore(%run_scoped3A : memref<!tpu.dma_semaphore, #tpu.memory_space<semaphore_mem>>) src(%arg5 : memref<128x128xf32, #tpu.memory_space<vmem>>) dst(%dma_wait3A_60 : memref<128x128xf32, #tpu.memory_space<vmem_shared>>)
      tpu.yield
    }) : () -> ()
    %add3A_17 = arith.constant 512 : i32
    %add3A_18 = arith.addi %mul3A_8, %add3A_17 : i32
    "tpu.region"() ({
      %run_scoped3A = tpu.sem_alloc : memref<!tpu.dma_semaphore, #tpu.memory_space<semaphore_mem>>
      %dma_start3A_53 = arith.constant 0 : i32
      %dma_start3A_54 = tpu.memref_slice %arg10[%add3A_18, %dma_start3A_53] : memref<10240x128xf32, #tpu.memory_space<vmem_shared>> -> memref<128x128xf32, #tpu.memory_space<vmem_shared>>
      %dma_start3A_55 = arith.constant 0 : i32
      %dma_start3A_56 = tpu.memref_slice %arg10[%add3A_18, %dma_start3A_55] : memref<10240x128xf32, #tpu.memory_space<vmem_shared>> -> memref<128x128xf32, #tpu.memory_space<vmem_shared>>
      tpu.enqueue_dma source(%arg5 : memref<128x128xf32, #tpu.memory_space<vmem>>) target(%dma_start3A_56 : memref<128x128xf32, #tpu.memory_space<vmem_shared>>) target_semaphore(%run_scoped3A : memref<!tpu.dma_semaphore, #tpu.memory_space<semaphore_mem>>)
      %dma_wait3A_57 = arith.constant 0 : i32
      %dma_wait3A_58 = tpu.memref_slice %arg10[%add3A_18, %dma_wait3A_57] : memref<10240x128xf32, #tpu.memory_space<vmem_shared>> -> memref<128x128xf32, #tpu.memory_space<vmem_shared>>
      %dma_wait3A_59 = arith.constant 0 : i32
      %dma_wait3A_60 = tpu.memref_slice %arg10[%add3A_18, %dma_wait3A_59] : memref<10240x128xf32, #tpu.memory_space<vmem_shared>> -> memref<128x128xf32, #tpu.memory_space<vmem_shared>>
      tpu.wait_dma2 semaphore(%run_scoped3A : memref<!tpu.dma_semaphore, #tpu.memory_space<semaphore_mem>>) src(%arg5 : memref<128x128xf32, #tpu.memory_space<vmem>>) dst(%dma_wait3A_60 : memref<128x128xf32, #tpu.memory_space<vmem_shared>>)
      tpu.yield
    }) : () -> ()
    %eq3A = arith.constant 31 : i32
    %eq3A_19 = arith.cmpi eq, %add3A, %eq3A : i32
    %jit3A = arith.constant 51 : i32
    %jit3A_20 = arith.constant 79 : i32
    %select_n3A = arith.select %eq3A_19, %jit3A, %jit3A_20 : i32
    %mul3A_21 = arith.constant 79 : i32
    %mul3A_22 = arith.muli %add3A, %mul3A_21 : i32
    "tpu.region"() ({
      %run_scoped3A = tpu.sem_alloc : memref<!tpu.dma_semaphore, #tpu.memory_space<semaphore_mem>>
      %dma_start3A_53 = arith.constant 0 : i32
      %dma_start3A_54 = arith.constant 0 : i32
      %dma_start3A_55 = tpu.memref_slice %arg3[%dma_start3A_53, %mul3A_22, %dma_start3A_54] : memref<2x2500x128xi32, #tpu.memory_space<hbm>> -> memref<2x1x128xi32, #tpu.memory_space<hbm>>
      %dma_start3A_56 = tpu.memref_squeeze %dma_start3A_55 : memref<2x1x128xi32, #tpu.memory_space<hbm>> -> memref<2x128xi32, #tpu.memory_space<hbm>>
      %dma_start3A_57 = arith.constant 0 : i32
      %dma_start3A_58 = arith.constant 0 : i32
      %dma_start3A_59 = tpu.memref_slice %arg3[%dma_start3A_57, %mul3A_22, %dma_start3A_58] : memref<2x2500x128xi32, #tpu.memory_space<hbm>> -> memref<2x1x128xi32, #tpu.memory_space<hbm>>
      %dma_start3A_60 = tpu.memref_squeeze %dma_start3A_59 : memref<2x1x128xi32, #tpu.memory_space<hbm>> -> memref<2x128xi32, #tpu.memory_space<hbm>>
      tpu.enqueue_dma source(%dma_start3A_60 : memref<2x128xi32, #tpu.memory_space<hbm>>) target(%arg7 : memref<2x128xi32, #tpu.memory_space<vmem>>) target_semaphore(%run_scoped3A : memref<!tpu.dma_semaphore, #tpu.memory_space<semaphore_mem>>)
      %dma_wait3A_61 = arith.constant 0 : i32
      %dma_wait3A_62 = arith.constant 0 : i32
      %dma_wait3A_63 = tpu.memref_slice %arg3[%dma_wait3A_61, %mul3A_22, %dma_wait3A_62] : memref<2x2500x128xi32, #tpu.memory_space<hbm>> -> memref<2x1x128xi32, #tpu.memory_space<hbm>>
      %dma_wait3A_64 = tpu.memref_squeeze %dma_wait3A_63 : memref<2x1x128xi32, #tpu.memory_space<hbm>> -> memref<2x128xi32, #tpu.memory_space<hbm>>
      %dma_wait3A_65 = arith.constant 0 : i32
      %dma_wait3A_66 = arith.constant 0 : i32
      %dma_wait3A_67 = tpu.memref_slice %arg3[%dma_wait3A_65, %mul3A_22, %dma_wait3A_66] : memref<2x2500x128xi32, #tpu.memory_space<hbm>> -> memref<2x1x128xi32, #tpu.memory_space<hbm>>
      %dma_wait3A_68 = tpu.memref_squeeze %dma_wait3A_67 : memref<2x1x128xi32, #tpu.memory_space<hbm>> -> memref<2x128xi32, #tpu.memory_space<hbm>>
      tpu.wait_dma2 semaphore(%run_scoped3A : memref<!tpu.dma_semaphore, #tpu.memory_space<semaphore_mem>>) src(%dma_wait3A_68 : memref<2x128xi32, #tpu.memory_space<hbm>>) dst(%arg7 : memref<2x128xi32, #tpu.memory_space<vmem>>)
      tpu.yield
    }) : () -> ()
    %add3A_23 = arith.constant 1 : i32
    %add3A_24 = arith.addi %mul3A_22, %add3A_23 : i32
    %dma_start3A = arith.constant 0 : i32
    %dma_start3A_25 = arith.constant 0 : i32
    %dma_start3A_26 = tpu.memref_slice %arg3[%dma_start3A, %add3A_24, %dma_start3A_25] : memref<2x2500x128xi32, #tpu.memory_space<hbm>> -> memref<2x1x128xi32, #tpu.memory_space<hbm>>
    %dma_start3A_27 = tpu.memref_squeeze %dma_start3A_26 : memref<2x1x128xi32, #tpu.memory_space<hbm>> -> memref<2x128xi32, #tpu.memory_space<hbm>>
    %dma_start3A_28 = arith.constant 0 : i32
    %dma_start3A_29 = arith.constant 0 : i32
    %dma_start3A_30 = tpu.memref_slice %arg3[%dma_start3A_28, %add3A_24, %dma_start3A_29] : memref<2x2500x128xi32, #tpu.memory_space<hbm>> -> memref<2x1x128xi32, #tpu.memory_space<hbm>>
    %dma_start3A_31 = tpu.memref_squeeze %dma_start3A_30 : memref<2x1x128xi32, #tpu.memory_space<hbm>> -> memref<2x128xi32, #tpu.memory_space<hbm>>
    tpu.enqueue_dma source(%dma_start3A_31 : memref<2x128xi32, #tpu.memory_space<hbm>>) target(%arg8 : memref<2x128xi32, #tpu.memory_space<vmem>>) target_semaphore(%arg16 : memref<!tpu.dma_semaphore, #tpu.memory_space<semaphore_mem>>)
    %dma_start3A_32 = arith.constant 0 : i32
    %dma_start3A_33 = arith.constant 0 : i32
    %dma_start3A_34 = tpu.memref_slice %arg7[%dma_start3A_32, %dma_start3A_33] : memref<2x128xi32, #tpu.memory_space<vmem>> -> memref<1x128xi32, #tpu.memory_space<vmem>>
    %dma_start3A_35 = tpu.memref_squeeze %dma_start3A_34 : memref<1x128xi32, #tpu.memory_space<vmem>> -> memref<128xi32, #tpu.memory_space<vmem>>
    %dma_start3A_36 = arith.constant 0 : i32
    %dma_start3A_37 = arith.constant 0 : i32
    %dma_start3A_38 = tpu.memref_slice %arg2[%dma_start3A_36, %dma_start3A_37] : memref<10000x128xf32, #tpu.memory_space<hbm>> -> memref<10000x128xf32, #tpu.memory_space<hbm>>
    tpu.enqueue_indirect_dma source(%dma_start3A_38 : memref<10000x128xf32, #tpu.memory_space<hbm>>) target(%arg5 : memref<128x128xf32, #tpu.memory_space<vmem>>) offsets(%dma_start3A_35 : memref<128xi32, #tpu.memory_space<vmem>>) semaphore(%arg11 : memref<!tpu.dma_semaphore, #tpu.memory_space<semaphore_mem>>)
    %barrier3A = arith.constant 0 : index
    tpu.barrier barrier_id(%barrier3A)
    %scan3A_39 = arith.constant 0 : i32
    %scan3A_40 = arith.constant 0 : i32
    %scan3A_41 = arith.constant 14 : i32
    %scan3A_42 = arith.addi %scan3A_40, %scan3A_41 : i32
    %scan3A_43 = arith.constant 1 : i32
    %scan3A_44 = scf.for %scan3A_53 = %scan3A_40 to %scan3A_42 step %scan3A_43 iter_args(%scan3A_54 = %scan3A_39) -> (i32)  : i32 {
      %mul3A_55 = arith.constant 6 : i32
      %mul3A_56 = arith.muli %scan3A_53, %mul3A_55 : i32
      %add3A_57 = arith.constant 0 : i32
      %add3A_58 = arith.addi %mul3A_56, %add3A_57 : i32
      %lt3A = arith.cmpi slt, %add3A_58, %select_n3A : i32
      %convert_element_type3A = arith.extui %lt3A : i1 to i32
      %cond3A = arith.constant 0 : i32
      %cond3A_59 = arith.cmpi ne, %convert_element_type3A, %cond3A : i32
      scf.if %cond3A_59 {
        %ge3A = arith.constant 1 : i32
        %ge3A_91 = arith.cmpi sge, %add3A_58, %ge3A : i32
        %convert_element_type3A_92 = arith.extui %ge3A_91 : i1 to i32
        %cond3A_93 = arith.constant 0 : i32
        %cond3A_94 = arith.cmpi ne, %convert_element_type3A_92, %cond3A_93 : i32
        scf.if %cond3A_94 {
          %dma_wait3A_121 = arith.constant 1 : i32
          %dma_wait3A_122 = arith.constant 0 : i32
          %dma_wait3A_123 = tpu.memref_slice %arg7[%dma_wait3A_121, %dma_wait3A_122] : memref<2x128xi32, #tpu.memory_space<vmem>> -> memref<1x128xi32, #tpu.memory_space<vmem>>
          %dma_wait3A_124 = tpu.memref_squeeze %dma_wait3A_123 : memref<1x128xi32, #tpu.memory_space<vmem>> -> memref<128xi32, #tpu.memory_space<vmem>>
          %dma_wait3A_125 = arith.constant 0 : i32
          %dma_wait3A_126 = arith.constant 0 : i32
          %dma_wait3A_127 = tpu.memref_slice %arg10[%dma_wait3A_125, %dma_wait3A_126] : memref<10240x128xf32, #tpu.memory_space<vmem_shared>> -> memref<10240x128xf32, #tpu.memory_space<vmem_shared>>
          tpu.wait_indirect_dma semaphore(%arg14 : memref<!tpu.dma_semaphore, #tpu.memory_space<semaphore_mem>>) src(%arg6 : memref<128x128xf32, #tpu.memory_space<vmem>>) dst(%dma_wait3A_127 : memref<10240x128xf32, #tpu.memory_space<vmem_shared>>)
        } else {
        }
        %add3A_95 = arith.constant 1 : i32
        %add3A_96 = arith.addi %add3A_58, %add3A_95 : i32
        %lt3A_97 = arith.cmpi slt, %add3A_96, %select_n3A : i32
        %convert_element_type3A_98 = arith.extui %lt3A_97 : i1 to i32
        %cond3A_99 = arith.constant 0 : i32
        %cond3A_100 = arith.cmpi ne, %convert_element_type3A_98, %cond3A_99 : i32
        scf.if %cond3A_100 {
          %dma_wait3A_121 = arith.constant 0 : i32
          %dma_wait3A_122 = arith.constant 0 : i32
          %dma_wait3A_123 = tpu.memref_slice %arg3[%dma_wait3A_121, %mul3A_22, %dma_wait3A_122] : memref<2x2500x128xi32, #tpu.memory_space<hbm>> -> memref<2x1x128xi32, #tpu.memory_space<hbm>>
          %dma_wait3A_124 = tpu.memref_squeeze %dma_wait3A_123 : memref<2x1x128xi32, #tpu.memory_space<hbm>> -> memref<2x128xi32, #tpu.memory_space<hbm>>
          %dma_wait3A_125 = arith.constant 0 : i32
          %dma_wait3A_126 = arith.constant 0 : i32
          %dma_wait3A_127 = tpu.memref_slice %arg3[%dma_wait3A_125, %mul3A_22, %dma_wait3A_126] : memref<2x2500x128xi32, #tpu.memory_space<hbm>> -> memref<2x1x128xi32, #tpu.memory_space<hbm>>
          %dma_wait3A_128 = tpu.memref_squeeze %dma_wait3A_127 : memref<2x1x128xi32, #tpu.memory_space<hbm>> -> memref<2x128xi32, #tpu.memory_space<hbm>>
          tpu.wait_dma2 semaphore(%arg16 : memref<!tpu.dma_semaphore, #tpu.memory_space<semaphore_mem>>) src(%dma_wait3A_128 : memref<2x128xi32, #tpu.memory_space<hbm>>) dst(%arg8 : memref<2x128xi32, #tpu.memory_space<vmem>>)
          %dma_start3A_129 = arith.constant 0 : i32
          %dma_start3A_130 = arith.constant 0 : i32
          %dma_start3A_131 = tpu.memref_slice %arg8[%dma_start3A_129, %dma_start3A_130] : memref<2x128xi32, #tpu.memory_space<vmem>> -> memref<1x128xi32, #tpu.memory_space<vmem>>
          %dma_start3A_132 = tpu.memref_squeeze %dma_start3A_131 : memref<1x128xi32, #tpu.memory_space<vmem>> -> memref<128xi32, #tpu.memory_space<vmem>>
          %dma_start3A_133 = arith.constant 0 : i32
          %dma_start3A_134 = arith.constant 0 : i32
          %dma_start3A_135 = tpu.memref_slice %arg2[%dma_start3A_133, %dma_start3A_134] : memref<10000x128xf32, #tpu.memory_space<hbm>> -> memref<10000x128xf32, #tpu.memory_space<hbm>>
          tpu.enqueue_indirect_dma source(%dma_start3A_135 : memref<10000x128xf32, #tpu.memory_space<hbm>>) target(%arg6 : memref<128x128xf32, #tpu.memory_space<vmem>>) offsets(%dma_start3A_132 : memref<128xi32, #tpu.memory_space<vmem>>) semaphore(%arg12 : memref<!tpu.dma_semaphore, #tpu.memory_space<semaphore_mem>>)
        } else {
        }
        %add3A_101 = arith.constant 2 : i32
        %add3A_102 = arith.addi %add3A_58, %add3A_101 : i32
        %lt3A_103 = arith.cmpi slt, %add3A_102, %select_n3A : i32
        %convert_element_type3A_104 = arith.extui %lt3A_103 : i1 to i32
        %cond3A_105 = arith.constant 0 : i32
        %cond3A_106 = arith.cmpi ne, %convert_element_type3A_104, %cond3A_105 : i32
        scf.if %cond3A_106 {
          %add3A_121 = arith.addi %mul3A_22, %add3A_58 : i32
          %add3A_122 = arith.constant 2 : i32
          %add3A_123 = arith.addi %add3A_121, %add3A_122 : i32
          %dma_start3A_124 = arith.constant 0 : i32
          %dma_start3A_125 = arith.constant 0 : i32
          %dma_start3A_126 = tpu.memref_slice %arg3[%dma_start3A_124, %add3A_123, %dma_start3A_125] : memref<2x2500x128xi32, #tpu.memory_space<hbm>> -> memref<2x1x128xi32, #tpu.memory_space<hbm>>
          %dma_start3A_127 = tpu.memref_squeeze %dma_start3A_126 : memref<2x1x128xi32, #tpu.memory_space<hbm>> -> memref<2x128xi32, #tpu.memory_space<hbm>>
          %dma_start3A_128 = arith.constant 0 : i32
          %dma_start3A_129 = arith.constant 0 : i32
          %dma_start3A_130 = tpu.memref_slice %arg3[%dma_start3A_128, %add3A_123, %dma_start3A_129] : memref<2x2500x128xi32, #tpu.memory_space<hbm>> -> memref<2x1x128xi32, #tpu.memory_space<hbm>>
          %dma_start3A_131 = tpu.memref_squeeze %dma_start3A_130 : memref<2x1x128xi32, #tpu.memory_space<hbm>> -> memref<2x128xi32, #tpu.memory_space<hbm>>
          tpu.enqueue_dma source(%dma_start3A_131 : memref<2x128xi32, #tpu.memory_space<hbm>>) target(%arg9 : memref<2x128xi32, #tpu.memory_space<vmem>>) target_semaphore(%arg17 : memref<!tpu.dma_semaphore, #tpu.memory_space<semaphore_mem>>)
        } else {
        }
        %dma_wait3A_107 = arith.constant 0 : i32
        %dma_wait3A_108 = arith.constant 0 : i32
        %dma_wait3A_109 = tpu.memref_slice %arg7[%dma_wait3A_107, %dma_wait3A_108] : memref<2x128xi32, #tpu.memory_space<vmem>> -> memref<1x128xi32, #tpu.memory_space<vmem>>
        %dma_wait3A_110 = tpu.memref_squeeze %dma_wait3A_109 : memref<1x128xi32, #tpu.memory_space<vmem>> -> memref<128xi32, #tpu.memory_space<vmem>>
        %dma_wait3A_111 = arith.constant 0 : i32
        %dma_wait3A_112 = arith.constant 0 : i32
        %dma_wait3A_113 = tpu.memref_slice %arg2[%dma_wait3A_111, %dma_wait3A_112] : memref<10000x128xf32, #tpu.memory_space<hbm>> -> memref<10000x128xf32, #tpu.memory_space<hbm>>
        tpu.wait_indirect_dma semaphore(%arg11 : memref<!tpu.dma_semaphore, #tpu.memory_space<semaphore_mem>>) src(%dma_wait3A_113 : memref<10000x128xf32, #tpu.memory_space<hbm>>) dst(%arg5 : memref<128x128xf32, #tpu.memory_space<vmem>>)
        %dma_start3A_114 = arith.constant 1 : i32
        %dma_start3A_115 = arith.constant 0 : i32
        %dma_start3A_116 = tpu.memref_slice %arg7[%dma_start3A_114, %dma_start3A_115] : memref<2x128xi32, #tpu.memory_space<vmem>> -> memref<1x128xi32, #tpu.memory_space<vmem>>
        %dma_start3A_117 = tpu.memref_squeeze %dma_start3A_116 : memref<1x128xi32, #tpu.memory_space<vmem>> -> memref<128xi32, #tpu.memory_space<vmem>>
        %dma_start3A_118 = arith.constant 0 : i32
        %dma_start3A_119 = arith.constant 0 : i32
        %dma_start3A_120 = tpu.memref_slice %arg10[%dma_start3A_118, %dma_start3A_119] : memref<10240x128xf32, #tpu.memory_space<vmem_shared>> -> memref<10240x128xf32, #tpu.memory_space<vmem_shared>>
        tpu.enqueue_indirect_dma source(%arg5 : memref<128x128xf32, #tpu.memory_space<vmem>>) target(%dma_start3A_120 : memref<10240x128xf32, #tpu.memory_space<vmem_shared>>) offsets(%dma_start3A_117 : memref<128xi32, #tpu.memory_space<vmem>>) semaphore(%arg13 : memref<!tpu.dma_semaphore, #tpu.memory_space<semaphore_mem>>) {add = true}
      } else {
      }
      %add3A_60 = arith.constant 1 : i32
      %add3A_61 = arith.addi %mul3A_56, %add3A_60 : i32
      %lt3A_62 = arith.cmpi slt, %add3A_61, %select_n3A : i32
      %convert_element_type3A_63 = arith.extui %lt3A_62 : i1 to i32
      %cond3A_64 = arith.constant 0 : i32
      %cond3A_65 = arith.cmpi ne, %convert_element_type3A_63, %cond3A_64 : i32
      scf.if %cond3A_65 {
        %ge3A = arith.constant 1 : i32
        %ge3A_91 = arith.cmpi sge, %add3A_61, %ge3A : i32
        %convert_element_type3A_92 = arith.extui %ge3A_91 : i1 to i32
        %cond3A_93 = arith.constant 0 : i32
        %cond3A_94 = arith.cmpi ne, %convert_element_type3A_92, %cond3A_93 : i32
        scf.if %cond3A_94 {
          %dma_wait3A_121 = arith.constant 1 : i32
          %dma_wait3A_122 = arith.constant 0 : i32
          %dma_wait3A_123 = tpu.memref_slice %arg8[%dma_wait3A_121, %dma_wait3A_122] : memref<2x128xi32, #tpu.memory_space<vmem>> -> memref<1x128xi32, #tpu.memory_space<vmem>>
          %dma_wait3A_124 = tpu.memref_squeeze %dma_wait3A_123 : memref<1x128xi32, #tpu.memory_space<vmem>> -> memref<128xi32, #tpu.memory_space<vmem>>
          %dma_wait3A_125 = arith.constant 0 : i32
          %dma_wait3A_126 = arith.constant 0 : i32
          %dma_wait3A_127 = tpu.memref_slice %arg10[%dma_wait3A_125, %dma_wait3A_126] : memref<10240x128xf32, #tpu.memory_space<vmem_shared>> -> memref<10240x128xf32, #tpu.memory_space<vmem_shared>>
          tpu.wait_indirect_dma semaphore(%arg13 : memref<!tpu.dma_semaphore, #tpu.memory_space<semaphore_mem>>) src(%arg5 : memref<128x128xf32, #tpu.memory_space<vmem>>) dst(%dma_wait3A_127 : memref<10240x128xf32, #tpu.memory_space<vmem_shared>>)
        } else {
        }
        %add3A_95 = arith.constant 1 : i32
        %add3A_96 = arith.addi %add3A_61, %add3A_95 : i32
        %lt3A_97 = arith.cmpi slt, %add3A_96, %select_n3A : i32
        %convert_element_type3A_98 = arith.extui %lt3A_97 : i1 to i32
        %cond3A_99 = arith.constant 0 : i32
        %cond3A_100 = arith.cmpi ne, %convert_element_type3A_98, %cond3A_99 : i32
        scf.if %cond3A_100 {
          %dma_wait3A_121 = arith.constant 0 : i32
          %dma_wait3A_122 = arith.constant 0 : i32
          %dma_wait3A_123 = tpu.memref_slice %arg3[%dma_wait3A_121, %mul3A_22, %dma_wait3A_122] : memref<2x2500x128xi32, #tpu.memory_space<hbm>> -> memref<2x1x128xi32, #tpu.memory_space<hbm>>
          %dma_wait3A_124 = tpu.memref_squeeze %dma_wait3A_123 : memref<2x1x128xi32, #tpu.memory_space<hbm>> -> memref<2x128xi32, #tpu.memory_space<hbm>>
          %dma_wait3A_125 = arith.constant 0 : i32
          %dma_wait3A_126 = arith.constant 0 : i32
          %dma_wait3A_127 = tpu.memref_slice %arg3[%dma_wait3A_125, %mul3A_22, %dma_wait3A_126] : memref<2x2500x128xi32, #tpu.memory_space<hbm>> -> memref<2x1x128xi32, #tpu.memory_space<hbm>>
          %dma_wait3A_128 = tpu.memref_squeeze %dma_wait3A_127 : memref<2x1x128xi32, #tpu.memory_space<hbm>> -> memref<2x128xi32, #tpu.memory_space<hbm>>
          tpu.wait_dma2 semaphore(%arg17 : memref<!tpu.dma_semaphore, #tpu.memory_space<semaphore_mem>>) src(%dma_wait3A_128 : memref<2x128xi32, #tpu.memory_space<hbm>>) dst(%arg9 : memref<2x128xi32, #tpu.memory_space<vmem>>)
          %dma_start3A_129 = arith.constant 0 : i32
          %dma_start3A_130 = arith.constant 0 : i32
          %dma_start3A_131 = tpu.memref_slice %arg9[%dma_start3A_129, %dma_start3A_130] : memref<2x128xi32, #tpu.memory_space<vmem>> -> memref<1x128xi32, #tpu.memory_space<vmem>>
          %dma_start3A_132 = tpu.memref_squeeze %dma_start3A_131 : memref<1x128xi32, #tpu.memory_space<vmem>> -> memref<128xi32, #tpu.memory_space<vmem>>
          %dma_start3A_133 = arith.constant 0 : i32
          %dma_start3A_134 = arith.constant 0 : i32
          %dma_start3A_135 = tpu.memref_slice %arg2[%dma_start3A_133, %dma_start3A_134] : memref<10000x128xf32, #tpu.memory_space<hbm>> -> memref<10000x128xf32, #tpu.memory_space<hbm>>
          tpu.enqueue_indirect_dma source(%dma_start3A_135 : memref<10000x128xf32, #tpu.memory_space<hbm>>) target(%arg5 : memref<128x128xf32, #tpu.memory_space<vmem>>) offsets(%dma_start3A_132 : memref<128xi32, #tpu.memory_space<vmem>>) semaphore(%arg11 : memref<!tpu.dma_semaphore, #tpu.memory_space<semaphore_mem>>)
        } else {
        }
        %add3A_101 = arith.constant 2 : i32
        %add3A_102 = arith.addi %add3A_61, %add3A_101 : i32
        %lt3A_103 = arith.cmpi slt, %add3A_102, %select_n3A : i32
        %convert_element_type3A_104 = arith.extui %lt3A_103 : i1 to i32
        %cond3A_105 = arith.constant 0 : i32
        %cond3A_106 = arith.cmpi ne, %convert_element_type3A_104, %cond3A_105 : i32
        scf.if %cond3A_106 {
          %add3A_121 = arith.addi %mul3A_22, %add3A_61 : i32
          %add3A_122 = arith.constant 2 : i32
          %add3A_123 = arith.addi %add3A_121, %add3A_122 : i32
          %dma_start3A_124 = arith.constant 0 : i32
          %dma_start3A_125 = arith.constant 0 : i32
          %dma_start3A_126 = tpu.memref_slice %arg3[%dma_start3A_124, %add3A_123, %dma_start3A_125] : memref<2x2500x128xi32, #tpu.memory_space<hbm>> -> memref<2x1x128xi32, #tpu.memory_space<hbm>>
          %dma_start3A_127 = tpu.memref_squeeze %dma_start3A_126 : memref<2x1x128xi32, #tpu.memory_space<hbm>> -> memref<2x128xi32, #tpu.memory_space<hbm>>
          %dma_start3A_128 = arith.constant 0 : i32
          %dma_start3A_129 = arith.constant 0 : i32
          %dma_start3A_130 = tpu.memref_slice %arg3[%dma_start3A_128, %add3A_123, %dma_start3A_129] : memref<2x2500x128xi32, #tpu.memory_space<hbm>> -> memref<2x1x128xi32, #tpu.memory_space<hbm>>
          %dma_start3A_131 = tpu.memref_squeeze %dma_start3A_130 : memref<2x1x128xi32, #tpu.memory_space<hbm>> -> memref<2x128xi32, #tpu.memory_space<hbm>>
          tpu.enqueue_dma source(%dma_start3A_131 : memref<2x128xi32, #tpu.memory_space<hbm>>) target(%arg7 : memref<2x128xi32, #tpu.memory_space<vmem>>) target_semaphore(%arg15 : memref<!tpu.dma_semaphore, #tpu.memory_space<semaphore_mem>>)
        } else {
        }
        %dma_wait3A_107 = arith.constant 0 : i32
        %dma_wait3A_108 = arith.constant 0 : i32
        %dma_wait3A_109 = tpu.memref_slice %arg8[%dma_wait3A_107, %dma_wait3A_108] : memref<2x128xi32, #tpu.memory_space<vmem>> -> memref<1x128xi32, #tpu.memory_space<vmem>>
        %dma_wait3A_110 = tpu.memref_squeeze %dma_wait3A_109 : memref<1x128xi32, #tpu.memory_space<vmem>> -> memref<128xi32, #tpu.memory_space<vmem>>
        %dma_wait3A_111 = arith.constant 0 : i32
        %dma_wait3A_112 = arith.constant 0 : i32
        %dma_wait3A_113 = tpu.memref_slice %arg2[%dma_wait3A_111, %dma_wait3A_112] : memref<10000x128xf32, #tpu.memory_space<hbm>> -> memref<10000x128xf32, #tpu.memory_space<hbm>>
        tpu.wait_indirect_dma semaphore(%arg12 : memref<!tpu.dma_semaphore, #tpu.memory_space<semaphore_mem>>) src(%dma_wait3A_113 : memref<10000x128xf32, #tpu.memory_space<hbm>>) dst(%arg6 : memref<128x128xf32, #tpu.memory_space<vmem>>)
        %dma_start3A_114 = arith.constant 1 : i32
        %dma_start3A_115 = arith.constant 0 : i32
        %dma_start3A_116 = tpu.memref_slice %arg8[%dma_start3A_114, %dma_start3A_115] : memref<2x128xi32, #tpu.memory_space<vmem>> -> memref<1x128xi32, #tpu.memory_space<vmem>>
        %dma_start3A_117 = tpu.memref_squeeze %dma_start3A_116 : memref<1x128xi32, #tpu.memory_space<vmem>> -> memref<128xi32, #tpu.memory_space<vmem>>
        %dma_start3A_118 = arith.constant 0 : i32
        %dma_start3A_119 = arith.constant 0 : i32
        %dma_start3A_120 = tpu.memref_slice %arg10[%dma_start3A_118, %dma_start3A_119] : memref<10240x128xf32, #tpu.memory_space<vmem_shared>> -> memref<10240x128xf32, #tpu.memory_space<vmem_shared>>
        tpu.enqueue_indirect_dma source(%arg6 : memref<128x128xf32, #tpu.memory_space<vmem>>) target(%dma_start3A_120 : memref<10240x128xf32, #tpu.memory_space<vmem_shared>>) offsets(%dma_start3A_117 : memref<128xi32, #tpu.memory_space<vmem>>) semaphore(%arg14 : memref<!tpu.dma_semaphore, #tpu.memory_space<semaphore_mem>>) {add = true}
      } else {
      }
      %add3A_66 = arith.constant 2 : i32
      %add3A_67 = arith.addi %mul3A_56, %add3A_66 : i32
      %lt3A_68 = arith.cmpi slt, %add3A_67, %select_n3A : i32
      %convert_element_type3A_69 = arith.extui %lt3A_68 : i1 to i32
      %cond3A_70 = arith.constant 0 : i32
      %cond3A_71 = arith.cmpi ne, %convert_element_type3A_69, %cond3A_70 : i32
      scf.if %cond3A_71 {
        %ge3A = arith.constant 1 : i32
        %ge3A_91 = arith.cmpi sge, %add3A_67, %ge3A : i32
        %convert_element_type3A_92 = arith.extui %ge3A_91 : i1 to i32
        %cond3A_93 = arith.constant 0 : i32
        %cond3A_94 = arith.cmpi ne, %convert_element_type3A_92, %cond3A_93 : i32
        scf.if %cond3A_94 {
          %dma_wait3A_121 = arith.constant 1 : i32
          %dma_wait3A_122 = arith.constant 0 : i32
          %dma_wait3A_123 = tpu.memref_slice %arg9[%dma_wait3A_121, %dma_wait3A_122] : memref<2x128xi32, #tpu.memory_space<vmem>> -> memref<1x128xi32, #tpu.memory_space<vmem>>
          %dma_wait3A_124 = tpu.memref_squeeze %dma_wait3A_123 : memref<1x128xi32, #tpu.memory_space<vmem>> -> memref<128xi32, #tpu.memory_space<vmem>>
          %dma_wait3A_125 = arith.constant 0 : i32
          %dma_wait3A_126 = arith.constant 0 : i32
          %dma_wait3A_127 = tpu.memref_slice %arg10[%dma_wait3A_125, %dma_wait3A_126] : memref<10240x128xf32, #tpu.memory_space<vmem_shared>> -> memref<10240x128xf32, #tpu.memory_space<vmem_shared>>
          tpu.wait_indirect_dma semaphore(%arg14 : memref<!tpu.dma_semaphore, #tpu.memory_space<semaphore_mem>>) src(%arg6 : memref<128x128xf32, #tpu.memory_space<vmem>>) dst(%dma_wait3A_127 : memref<10240x128xf32, #tpu.memory_space<vmem_shared>>)
        } else {
        }
        %add3A_95 = arith.constant 1 : i32
        %add3A_96 = arith.addi %add3A_67, %add3A_95 : i32
        %lt3A_97 = arith.cmpi slt, %add3A_96, %select_n3A : i32
        %convert_element_type3A_98 = arith.extui %lt3A_97 : i1 to i32
        %cond3A_99 = arith.constant 0 : i32
        %cond3A_100 = arith.cmpi ne, %convert_element_type3A_98, %cond3A_99 : i32
        scf.if %cond3A_100 {
          %dma_wait3A_121 = arith.constant 0 : i32
          %dma_wait3A_122 = arith.constant 0 : i32
          %dma_wait3A_123 = tpu.memref_slice %arg3[%dma_wait3A_121, %mul3A_22, %dma_wait3A_122] : memref<2x2500x128xi32, #tpu.memory_space<hbm>> -> memref<2x1x128xi32, #tpu.memory_space<hbm>>
          %dma_wait3A_124 = tpu.memref_squeeze %dma_wait3A_123 : memref<2x1x128xi32, #tpu.memory_space<hbm>> -> memref<2x128xi32, #tpu.memory_space<hbm>>
          %dma_wait3A_125 = arith.constant 0 : i32
          %dma_wait3A_126 = arith.constant 0 : i32
          %dma_wait3A_127 = tpu.memref_slice %arg3[%dma_wait3A_125, %mul3A_22, %dma_wait3A_126] : memref<2x2500x128xi32, #tpu.memory_space<hbm>> -> memref<2x1x128xi32, #tpu.memory_space<hbm>>
          %dma_wait3A_128 = tpu.memref_squeeze %dma_wait3A_127 : memref<2x1x128xi32, #tpu.memory_space<hbm>> -> memref<2x128xi32, #tpu.memory_space<hbm>>
          tpu.wait_dma2 semaphore(%arg15 : memref<!tpu.dma_semaphore, #tpu.memory_space<semaphore_mem>>) src(%dma_wait3A_128 : memref<2x128xi32, #tpu.memory_space<hbm>>) dst(%arg7 : memref<2x128xi32, #tpu.memory_space<vmem>>)
          %dma_start3A_129 = arith.constant 0 : i32
          %dma_start3A_130 = arith.constant 0 : i32
          %dma_start3A_131 = tpu.memref_slice %arg7[%dma_start3A_129, %dma_start3A_130] : memref<2x128xi32, #tpu.memory_space<vmem>> -> memref<1x128xi32, #tpu.memory_space<vmem>>
          %dma_start3A_132 = tpu.memref_squeeze %dma_start3A_131 : memref<1x128xi32, #tpu.memory_space<vmem>> -> memref<128xi32, #tpu.memory_space<vmem>>
          %dma_start3A_133 = arith.constant 0 : i32
          %dma_start3A_134 = arith.constant 0 : i32
          %dma_start3A_135 = tpu.memref_slice %arg2[%dma_start3A_133, %dma_start3A_134] : memref<10000x128xf32, #tpu.memory_space<hbm>> -> memref<10000x128xf32, #tpu.memory_space<hbm>>
          tpu.enqueue_indirect_dma source(%dma_start3A_135 : memref<10000x128xf32, #tpu.memory_space<hbm>>) target(%arg6 : memref<128x128xf32, #tpu.memory_space<vmem>>) offsets(%dma_start3A_132 : memref<128xi32, #tpu.memory_space<vmem>>) semaphore(%arg12 : memref<!tpu.dma_semaphore, #tpu.memory_space<semaphore_mem>>)
        } else {
        }
        %add3A_101 = arith.constant 2 : i32
        %add3A_102 = arith.addi %add3A_67, %add3A_101 : i32
        %lt3A_103 = arith.cmpi slt, %add3A_102, %select_n3A : i32
        %convert_element_type3A_104 = arith.extui %lt3A_103 : i1 to i32
        %cond3A_105 = arith.constant 0 : i32
        %cond3A_106 = arith.cmpi ne, %convert_element_type3A_104, %cond3A_105 : i32
        scf.if %cond3A_106 {
          %add3A_121 = arith.addi %mul3A_22, %add3A_67 : i32
          %add3A_122 = arith.constant 2 : i32
          %add3A_123 = arith.addi %add3A_121, %add3A_122 : i32
          %dma_start3A_124 = arith.constant 0 : i32
          %dma_start3A_125 = arith.constant 0 : i32
          %dma_start3A_126 = tpu.memref_slice %arg3[%dma_start3A_124, %add3A_123, %dma_start3A_125] : memref<2x2500x128xi32, #tpu.memory_space<hbm>> -> memref<2x1x128xi32, #tpu.memory_space<hbm>>
          %dma_start3A_127 = tpu.memref_squeeze %dma_start3A_126 : memref<2x1x128xi32, #tpu.memory_space<hbm>> -> memref<2x128xi32, #tpu.memory_space<hbm>>
          %dma_start3A_128 = arith.constant 0 : i32
          %dma_start3A_129 = arith.constant 0 : i32
          %dma_start3A_130 = tpu.memref_slice %arg3[%dma_start3A_128, %add3A_123, %dma_start3A_129] : memref<2x2500x128xi32, #tpu.memory_space<hbm>> -> memref<2x1x128xi32, #tpu.memory_space<hbm>>
          %dma_start3A_131 = tpu.memref_squeeze %dma_start3A_130 : memref<2x1x128xi32, #tpu.memory_space<hbm>> -> memref<2x128xi32, #tpu.memory_space<hbm>>
          tpu.enqueue_dma source(%dma_start3A_131 : memref<2x128xi32, #tpu.memory_space<hbm>>) target(%arg8 : memref<2x128xi32, #tpu.memory_space<vmem>>) target_semaphore(%arg16 : memref<!tpu.dma_semaphore, #tpu.memory_space<semaphore_mem>>)
        } else {
        }
        %dma_wait3A_107 = arith.constant 0 : i32
        %dma_wait3A_108 = arith.constant 0 : i32
        %dma_wait3A_109 = tpu.memref_slice %arg9[%dma_wait3A_107, %dma_wait3A_108] : memref<2x128xi32, #tpu.memory_space<vmem>> -> memref<1x128xi32, #tpu.memory_space<vmem>>
        %dma_wait3A_110 = tpu.memref_squeeze %dma_wait3A_109 : memref<1x128xi32, #tpu.memory_space<vmem>> -> memref<128xi32, #tpu.memory_space<vmem>>
        %dma_wait3A_111 = arith.constant 0 : i32
        %dma_wait3A_112 = arith.constant 0 : i32
        %dma_wait3A_113 = tpu.memref_slice %arg2[%dma_wait3A_111, %dma_wait3A_112] : memref<10000x128xf32, #tpu.memory_space<hbm>> -> memref<10000x128xf32, #tpu.memory_space<hbm>>
        tpu.wait_indirect_dma semaphore(%arg11 : memref<!tpu.dma_semaphore, #tpu.memory_space<semaphore_mem>>) src(%dma_wait3A_113 : memref<10000x128xf32, #tpu.memory_space<hbm>>) dst(%arg5 : memref<128x128xf32, #tpu.memory_space<vmem>>)
        %dma_start3A_114 = arith.constant 1 : i32
        %dma_start3A_115 = arith.constant 0 : i32
        %dma_start3A_116 = tpu.memref_slice %arg9[%dma_start3A_114, %dma_start3A_115] : memref<2x128xi32, #tpu.memory_space<vmem>> -> memref<1x128xi32, #tpu.memory_space<vmem>>
        %dma_start3A_117 = tpu.memref_squeeze %dma_start3A_116 : memref<1x128xi32, #tpu.memory_space<vmem>> -> memref<128xi32, #tpu.memory_space<vmem>>
        %dma_start3A_118 = arith.constant 0 : i32
        %dma_start3A_119 = arith.constant 0 : i32
        %dma_start3A_120 = tpu.memref_slice %arg10[%dma_start3A_118, %dma_start3A_119] : memref<10240x128xf32, #tpu.memory_space<vmem_shared>> -> memref<10240x128xf32, #tpu.memory_space<vmem_shared>>
        tpu.enqueue_indirect_dma source(%arg5 : memref<128x128xf32, #tpu.memory_space<vmem>>) target(%dma_start3A_120 : memref<10240x128xf32, #tpu.memory_space<vmem_shared>>) offsets(%dma_start3A_117 : memref<128xi32, #tpu.memory_space<vmem>>) semaphore(%arg13 : memref<!tpu.dma_semaphore, #tpu.memory_space<semaphore_mem>>) {add = true}
      } else {
      }
      %add3A_72 = arith.constant 3 : i32
      %add3A_73 = arith.addi %mul3A_56, %add3A_72 : i32
      %lt3A_74 = arith.cmpi slt, %add3A_73, %select_n3A : i32
      %convert_element_type3A_75 = arith.extui %lt3A_74 : i1 to i32
      %cond3A_76 = arith.constant 0 : i32
      %cond3A_77 = arith.cmpi ne, %convert_element_type3A_75, %cond3A_76 : i32
      scf.if %cond3A_77 {
        %ge3A = arith.constant 1 : i32
        %ge3A_91 = arith.cmpi sge, %add3A_73, %ge3A : i32
        %convert_element_type3A_92 = arith.extui %ge3A_91 : i1 to i32
        %cond3A_93 = arith.constant 0 : i32
        %cond3A_94 = arith.cmpi ne, %convert_element_type3A_92, %cond3A_93 : i32
        scf.if %cond3A_94 {
          %dma_wait3A_121 = arith.constant 1 : i32
          %dma_wait3A_122 = arith.constant 0 : i32
          %dma_wait3A_123 = tpu.memref_slice %arg7[%dma_wait3A_121, %dma_wait3A_122] : memref<2x128xi32, #tpu.memory_space<vmem>> -> memref<1x128xi32, #tpu.memory_space<vmem>>
          %dma_wait3A_124 = tpu.memref_squeeze %dma_wait3A_123 : memref<1x128xi32, #tpu.memory_space<vmem>> -> memref<128xi32, #tpu.memory_space<vmem>>
          %dma_wait3A_125 = arith.constant 0 : i32
          %dma_wait3A_126 = arith.constant 0 : i32
          %dma_wait3A_127 = tpu.memref_slice %arg10[%dma_wait3A_125, %dma_wait3A_126] : memref<10240x128xf32, #tpu.memory_space<vmem_shared>> -> memref<10240x128xf32, #tpu.memory_space<vmem_shared>>
          tpu.wait_indirect_dma semaphore(%arg13 : memref<!tpu.dma_semaphore, #tpu.memory_space<semaphore_mem>>) src(%arg5 : memref<128x128xf32, #tpu.memory_space<vmem>>) dst(%dma_wait3A_127 : memref<10240x128xf32, #tpu.memory_space<vmem_shared>>)
        } else {
        }
        %add3A_95 = arith.constant 1 : i32
        %add3A_96 = arith.addi %add3A_73, %add3A_95 : i32
        %lt3A_97 = arith.cmpi slt, %add3A_96, %select_n3A : i32
        %convert_element_type3A_98 = arith.extui %lt3A_97 : i1 to i32
        %cond3A_99 = arith.constant 0 : i32
        %cond3A_100 = arith.cmpi ne, %convert_element_type3A_98, %cond3A_99 : i32
        scf.if %cond3A_100 {
          %dma_wait3A_121 = arith.constant 0 : i32
          %dma_wait3A_122 = arith.constant 0 : i32
          %dma_wait3A_123 = tpu.memref_slice %arg3[%dma_wait3A_121, %mul3A_22, %dma_wait3A_122] : memref<2x2500x128xi32, #tpu.memory_space<hbm>> -> memref<2x1x128xi32, #tpu.memory_space<hbm>>
          %dma_wait3A_124 = tpu.memref_squeeze %dma_wait3A_123 : memref<2x1x128xi32, #tpu.memory_space<hbm>> -> memref<2x128xi32, #tpu.memory_space<hbm>>
          %dma_wait3A_125 = arith.constant 0 : i32
          %dma_wait3A_126 = arith.constant 0 : i32
          %dma_wait3A_127 = tpu.memref_slice %arg3[%dma_wait3A_125, %mul3A_22, %dma_wait3A_126] : memref<2x2500x128xi32, #tpu.memory_space<hbm>> -> memref<2x1x128xi32, #tpu.memory_space<hbm>>
          %dma_wait3A_128 = tpu.memref_squeeze %dma_wait3A_127 : memref<2x1x128xi32, #tpu.memory_space<hbm>> -> memref<2x128xi32, #tpu.memory_space<hbm>>
          tpu.wait_dma2 semaphore(%arg16 : memref<!tpu.dma_semaphore, #tpu.memory_space<semaphore_mem>>) src(%dma_wait3A_128 : memref<2x128xi32, #tpu.memory_space<hbm>>) dst(%arg8 : memref<2x128xi32, #tpu.memory_space<vmem>>)
          %dma_start3A_129 = arith.constant 0 : i32
          %dma_start3A_130 = arith.constant 0 : i32
          %dma_start3A_131 = tpu.memref_slice %arg8[%dma_start3A_129, %dma_start3A_130] : memref<2x128xi32, #tpu.memory_space<vmem>> -> memref<1x128xi32, #tpu.memory_space<vmem>>
          %dma_start3A_132 = tpu.memref_squeeze %dma_start3A_131 : memref<1x128xi32, #tpu.memory_space<vmem>> -> memref<128xi32, #tpu.memory_space<vmem>>
          %dma_start3A_133 = arith.constant 0 : i32
          %dma_start3A_134 = arith.constant 0 : i32
          %dma_start3A_135 = tpu.memref_slice %arg2[%dma_start3A_133, %dma_start3A_134] : memref<10000x128xf32, #tpu.memory_space<hbm>> -> memref<10000x128xf32, #tpu.memory_space<hbm>>
          tpu.enqueue_indirect_dma source(%dma_start3A_135 : memref<10000x128xf32, #tpu.memory_space<hbm>>) target(%arg5 : memref<128x128xf32, #tpu.memory_space<vmem>>) offsets(%dma_start3A_132 : memref<128xi32, #tpu.memory_space<vmem>>) semaphore(%arg11 : memref<!tpu.dma_semaphore, #tpu.memory_space<semaphore_mem>>)
        } else {
        }
        %add3A_101 = arith.constant 2 : i32
        %add3A_102 = arith.addi %add3A_73, %add3A_101 : i32
        %lt3A_103 = arith.cmpi slt, %add3A_102, %select_n3A : i32
        %convert_element_type3A_104 = arith.extui %lt3A_103 : i1 to i32
        %cond3A_105 = arith.constant 0 : i32
        %cond3A_106 = arith.cmpi ne, %convert_element_type3A_104, %cond3A_105 : i32
        scf.if %cond3A_106 {
          %add3A_121 = arith.addi %mul3A_22, %add3A_73 : i32
          %add3A_122 = arith.constant 2 : i32
          %add3A_123 = arith.addi %add3A_121, %add3A_122 : i32
          %dma_start3A_124 = arith.constant 0 : i32
          %dma_start3A_125 = arith.constant 0 : i32
          %dma_start3A_126 = tpu.memref_slice %arg3[%dma_start3A_124, %add3A_123, %dma_start3A_125] : memref<2x2500x128xi32, #tpu.memory_space<hbm>> -> memref<2x1x128xi32, #tpu.memory_space<hbm>>
          %dma_start3A_127 = tpu.memref_squeeze %dma_start3A_126 : memref<2x1x128xi32, #tpu.memory_space<hbm>> -> memref<2x128xi32, #tpu.memory_space<hbm>>
          %dma_start3A_128 = arith.constant 0 : i32
          %dma_start3A_129 = arith.constant 0 : i32
          %dma_start3A_130 = tpu.memref_slice %arg3[%dma_start3A_128, %add3A_123, %dma_start3A_129] : memref<2x2500x128xi32, #tpu.memory_space<hbm>> -> memref<2x1x128xi32, #tpu.memory_space<hbm>>
          %dma_start3A_131 = tpu.memref_squeeze %dma_start3A_130 : memref<2x1x128xi32, #tpu.memory_space<hbm>> -> memref<2x128xi32, #tpu.memory_space<hbm>>
          tpu.enqueue_dma source(%dma_start3A_131 : memref<2x128xi32, #tpu.memory_space<hbm>>) target(%arg9 : memref<2x128xi32, #tpu.memory_space<vmem>>) target_semaphore(%arg17 : memref<!tpu.dma_semaphore, #tpu.memory_space<semaphore_mem>>)
        } else {
        }
        %dma_wait3A_107 = arith.constant 0 : i32
        %dma_wait3A_108 = arith.constant 0 : i32
        %dma_wait3A_109 = tpu.memref_slice %arg7[%dma_wait3A_107, %dma_wait3A_108] : memref<2x128xi32, #tpu.memory_space<vmem>> -> memref<1x128xi32, #tpu.memory_space<vmem>>
        %dma_wait3A_110 = tpu.memref_squeeze %dma_wait3A_109 : memref<1x128xi32, #tpu.memory_space<vmem>> -> memref<128xi32, #tpu.memory_space<vmem>>
        %dma_wait3A_111 = arith.constant 0 : i32
        %dma_wait3A_112 = arith.constant 0 : i32
        %dma_wait3A_113 = tpu.memref_slice %arg2[%dma_wait3A_111, %dma_wait3A_112] : memref<10000x128xf32, #tpu.memory_space<hbm>> -> memref<10000x128xf32, #tpu.memory_space<hbm>>
        tpu.wait_indirect_dma semaphore(%arg12 : memref<!tpu.dma_semaphore, #tpu.memory_space<semaphore_mem>>) src(%dma_wait3A_113 : memref<10000x128xf32, #tpu.memory_space<hbm>>) dst(%arg6 : memref<128x128xf32, #tpu.memory_space<vmem>>)
        %dma_start3A_114 = arith.constant 1 : i32
        %dma_start3A_115 = arith.constant 0 : i32
        %dma_start3A_116 = tpu.memref_slice %arg7[%dma_start3A_114, %dma_start3A_115] : memref<2x128xi32, #tpu.memory_space<vmem>> -> memref<1x128xi32, #tpu.memory_space<vmem>>
        %dma_start3A_117 = tpu.memref_squeeze %dma_start3A_116 : memref<1x128xi32, #tpu.memory_space<vmem>> -> memref<128xi32, #tpu.memory_space<vmem>>
        %dma_start3A_118 = arith.constant 0 : i32
        %dma_start3A_119 = arith.constant 0 : i32
        %dma_start3A_120 = tpu.memref_slice %arg10[%dma_start3A_118, %dma_start3A_119] : memref<10240x128xf32, #tpu.memory_space<vmem_shared>> -> memref<10240x128xf32, #tpu.memory_space<vmem_shared>>
        tpu.enqueue_indirect_dma source(%arg6 : memref<128x128xf32, #tpu.memory_space<vmem>>) target(%dma_start3A_120 : memref<10240x128xf32, #tpu.memory_space<vmem_shared>>) offsets(%dma_start3A_117 : memref<128xi32, #tpu.memory_space<vmem>>) semaphore(%arg14 : memref<!tpu.dma_semaphore, #tpu.memory_space<semaphore_mem>>) {add = true}
      } else {
      }
      %add3A_78 = arith.constant 4 : i32
      %add3A_79 = arith.addi %mul3A_56, %add3A_78 : i32
      %lt3A_80 = arith.cmpi slt, %add3A_79, %select_n3A : i32
      %convert_element_type3A_81 = arith.extui %lt3A_80 : i1 to i32
      %cond3A_82 = arith.constant 0 : i32
      %cond3A_83 = arith.cmpi ne, %convert_element_type3A_81, %cond3A_82 : i32
      scf.if %cond3A_83 {
        %ge3A = arith.constant 1 : i32
        %ge3A_91 = arith.cmpi sge, %add3A_79, %ge3A : i32
        %convert_element_type3A_92 = arith.extui %ge3A_91 : i1 to i32
        %cond3A_93 = arith.constant 0 : i32
        %cond3A_94 = arith.cmpi ne, %convert_element_type3A_92, %cond3A_93 : i32
        scf.if %cond3A_94 {
          %dma_wait3A_121 = arith.constant 1 : i32
          %dma_wait3A_122 = arith.constant 0 : i32
          %dma_wait3A_123 = tpu.memref_slice %arg8[%dma_wait3A_121, %dma_wait3A_122] : memref<2x128xi32, #tpu.memory_space<vmem>> -> memref<1x128xi32, #tpu.memory_space<vmem>>
          %dma_wait3A_124 = tpu.memref_squeeze %dma_wait3A_123 : memref<1x128xi32, #tpu.memory_space<vmem>> -> memref<128xi32, #tpu.memory_space<vmem>>
          %dma_wait3A_125 = arith.constant 0 : i32
          %dma_wait3A_126 = arith.constant 0 : i32
          %dma_wait3A_127 = tpu.memref_slice %arg10[%dma_wait3A_125, %dma_wait3A_126] : memref<10240x128xf32, #tpu.memory_space<vmem_shared>> -> memref<10240x128xf32, #tpu.memory_space<vmem_shared>>
          tpu.wait_indirect_dma semaphore(%arg14 : memref<!tpu.dma_semaphore, #tpu.memory_space<semaphore_mem>>) src(%arg6 : memref<128x128xf32, #tpu.memory_space<vmem>>) dst(%dma_wait3A_127 : memref<10240x128xf32, #tpu.memory_space<vmem_shared>>)
        } else {
        }
        %add3A_95 = arith.constant 1 : i32
        %add3A_96 = arith.addi %add3A_79, %add3A_95 : i32
        %lt3A_97 = arith.cmpi slt, %add3A_96, %select_n3A : i32
        %convert_element_type3A_98 = arith.extui %lt3A_97 : i1 to i32
        %cond3A_99 = arith.constant 0 : i32
        %cond3A_100 = arith.cmpi ne, %convert_element_type3A_98, %cond3A_99 : i32
        scf.if %cond3A_100 {
          %dma_wait3A_121 = arith.constant 0 : i32
          %dma_wait3A_122 = arith.constant 0 : i32
          %dma_wait3A_123 = tpu.memref_slice %arg3[%dma_wait3A_121, %mul3A_22, %dma_wait3A_122] : memref<2x2500x128xi32, #tpu.memory_space<hbm>> -> memref<2x1x128xi32, #tpu.memory_space<hbm>>
          %dma_wait3A_124 = tpu.memref_squeeze %dma_wait3A_123 : memref<2x1x128xi32, #tpu.memory_space<hbm>> -> memref<2x128xi32, #tpu.memory_space<hbm>>
          %dma_wait3A_125 = arith.constant 0 : i32
          %dma_wait3A_126 = arith.constant 0 : i32
          %dma_wait3A_127 = tpu.memref_slice %arg3[%dma_wait3A_125, %mul3A_22, %dma_wait3A_126] : memref<2x2500x128xi32, #tpu.memory_space<hbm>> -> memref<2x1x128xi32, #tpu.memory_space<hbm>>
          %dma_wait3A_128 = tpu.memref_squeeze %dma_wait3A_127 : memref<2x1x128xi32, #tpu.memory_space<hbm>> -> memref<2x128xi32, #tpu.memory_space<hbm>>
          tpu.wait_dma2 semaphore(%arg17 : memref<!tpu.dma_semaphore, #tpu.memory_space<semaphore_mem>>) src(%dma_wait3A_128 : memref<2x128xi32, #tpu.memory_space<hbm>>) dst(%arg9 : memref<2x128xi32, #tpu.memory_space<vmem>>)
          %dma_start3A_129 = arith.constant 0 : i32
          %dma_start3A_130 = arith.constant 0 : i32
          %dma_start3A_131 = tpu.memref_slice %arg9[%dma_start3A_129, %dma_start3A_130] : memref<2x128xi32, #tpu.memory_space<vmem>> -> memref<1x128xi32, #tpu.memory_space<vmem>>
          %dma_start3A_132 = tpu.memref_squeeze %dma_start3A_131 : memref<1x128xi32, #tpu.memory_space<vmem>> -> memref<128xi32, #tpu.memory_space<vmem>>
          %dma_start3A_133 = arith.constant 0 : i32
          %dma_start3A_134 = arith.constant 0 : i32
          %dma_start3A_135 = tpu.memref_slice %arg2[%dma_start3A_133, %dma_start3A_134] : memref<10000x128xf32, #tpu.memory_space<hbm>> -> memref<10000x128xf32, #tpu.memory_space<hbm>>
          tpu.enqueue_indirect_dma source(%dma_start3A_135 : memref<10000x128xf32, #tpu.memory_space<hbm>>) target(%arg6 : memref<128x128xf32, #tpu.memory_space<vmem>>) offsets(%dma_start3A_132 : memref<128xi32, #tpu.memory_space<vmem>>) semaphore(%arg12 : memref<!tpu.dma_semaphore, #tpu.memory_space<semaphore_mem>>)
        } else {
        }
        %add3A_101 = arith.constant 2 : i32
        %add3A_102 = arith.addi %add3A_79, %add3A_101 : i32
        %lt3A_103 = arith.cmpi slt, %add3A_102, %select_n3A : i32
        %convert_element_type3A_104 = arith.extui %lt3A_103 : i1 to i32
        %cond3A_105 = arith.constant 0 : i32
        %cond3A_106 = arith.cmpi ne, %convert_element_type3A_104, %cond3A_105 : i32
        scf.if %cond3A_106 {
          %add3A_121 = arith.addi %mul3A_22, %add3A_79 : i32
          %add3A_122 = arith.constant 2 : i32
          %add3A_123 = arith.addi %add3A_121, %add3A_122 : i32
          %dma_start3A_124 = arith.constant 0 : i32
          %dma_start3A_125 = arith.constant 0 : i32
          %dma_start3A_126 = tpu.memref_slice %arg3[%dma_start3A_124, %add3A_123, %dma_start3A_125] : memref<2x2500x128xi32, #tpu.memory_space<hbm>> -> memref<2x1x128xi32, #tpu.memory_space<hbm>>
          %dma_start3A_127 = tpu.memref_squeeze %dma_start3A_126 : memref<2x1x128xi32, #tpu.memory_space<hbm>> -> memref<2x128xi32, #tpu.memory_space<hbm>>
          %dma_start3A_128 = arith.constant 0 : i32
          %dma_start3A_129 = arith.constant 0 : i32
          %dma_start3A_130 = tpu.memref_slice %arg3[%dma_start3A_128, %add3A_123, %dma_start3A_129] : memref<2x2500x128xi32, #tpu.memory_space<hbm>> -> memref<2x1x128xi32, #tpu.memory_space<hbm>>
          %dma_start3A_131 = tpu.memref_squeeze %dma_start3A_130 : memref<2x1x128xi32, #tpu.memory_space<hbm>> -> memref<2x128xi32, #tpu.memory_space<hbm>>
          tpu.enqueue_dma source(%dma_start3A_131 : memref<2x128xi32, #tpu.memory_space<hbm>>) target(%arg7 : memref<2x128xi32, #tpu.memory_space<vmem>>) target_semaphore(%arg15 : memref<!tpu.dma_semaphore, #tpu.memory_space<semaphore_mem>>)
        } else {
        }
        %dma_wait3A_107 = arith.constant 0 : i32
        %dma_wait3A_108 = arith.constant 0 : i32
        %dma_wait3A_109 = tpu.memref_slice %arg8[%dma_wait3A_107, %dma_wait3A_108] : memref<2x128xi32, #tpu.memory_space<vmem>> -> memref<1x128xi32, #tpu.memory_space<vmem>>
        %dma_wait3A_110 = tpu.memref_squeeze %dma_wait3A_109 : memref<1x128xi32, #tpu.memory_space<vmem>> -> memref<128xi32, #tpu.memory_space<vmem>>
        %dma_wait3A_111 = arith.constant 0 : i32
        %dma_wait3A_112 = arith.constant 0 : i32
        %dma_wait3A_113 = tpu.memref_slice %arg2[%dma_wait3A_111, %dma_wait3A_112] : memref<10000x128xf32, #tpu.memory_space<hbm>> -> memref<10000x128xf32, #tpu.memory_space<hbm>>
        tpu.wait_indirect_dma semaphore(%arg11 : memref<!tpu.dma_semaphore, #tpu.memory_space<semaphore_mem>>) src(%dma_wait3A_113 : memref<10000x128xf32, #tpu.memory_space<hbm>>) dst(%arg5 : memref<128x128xf32, #tpu.memory_space<vmem>>)
        %dma_start3A_114 = arith.constant 1 : i32
        %dma_start3A_115 = arith.constant 0 : i32
        %dma_start3A_116 = tpu.memref_slice %arg8[%dma_start3A_114, %dma_start3A_115] : memref<2x128xi32, #tpu.memory_space<vmem>> -> memref<1x128xi32, #tpu.memory_space<vmem>>
        %dma_start3A_117 = tpu.memref_squeeze %dma_start3A_116 : memref<1x128xi32, #tpu.memory_space<vmem>> -> memref<128xi32, #tpu.memory_space<vmem>>
        %dma_start3A_118 = arith.constant 0 : i32
        %dma_start3A_119 = arith.constant 0 : i32
        %dma_start3A_120 = tpu.memref_slice %arg10[%dma_start3A_118, %dma_start3A_119] : memref<10240x128xf32, #tpu.memory_space<vmem_shared>> -> memref<10240x128xf32, #tpu.memory_space<vmem_shared>>
        tpu.enqueue_indirect_dma source(%arg5 : memref<128x128xf32, #tpu.memory_space<vmem>>) target(%dma_start3A_120 : memref<10240x128xf32, #tpu.memory_space<vmem_shared>>) offsets(%dma_start3A_117 : memref<128xi32, #tpu.memory_space<vmem>>) semaphore(%arg13 : memref<!tpu.dma_semaphore, #tpu.memory_space<semaphore_mem>>) {add = true}
      } else {
      }
      %add3A_84 = arith.constant 5 : i32
      %add3A_85 = arith.addi %mul3A_56, %add3A_84 : i32
      %lt3A_86 = arith.cmpi slt, %add3A_85, %select_n3A : i32
      %convert_element_type3A_87 = arith.extui %lt3A_86 : i1 to i32
      %cond3A_88 = arith.constant 0 : i32
      %cond3A_89 = arith.cmpi ne, %convert_element_type3A_87, %cond3A_88 : i32
      scf.if %cond3A_89 {
        %ge3A = arith.constant 1 : i32
        %ge3A_91 = arith.cmpi sge, %add3A_85, %ge3A : i32
        %convert_element_type3A_92 = arith.extui %ge3A_91 : i1 to i32
        %cond3A_93 = arith.constant 0 : i32
        %cond3A_94 = arith.cmpi ne, %convert_element_type3A_92, %cond3A_93 : i32
        scf.if %cond3A_94 {
          %dma_wait3A_121 = arith.constant 1 : i32
          %dma_wait3A_122 = arith.constant 0 : i32
          %dma_wait3A_123 = tpu.memref_slice %arg9[%dma_wait3A_121, %dma_wait3A_122] : memref<2x128xi32, #tpu.memory_space<vmem>> -> memref<1x128xi32, #tpu.memory_space<vmem>>
          %dma_wait3A_124 = tpu.memref_squeeze %dma_wait3A_123 : memref<1x128xi32, #tpu.memory_space<vmem>> -> memref<128xi32, #tpu.memory_space<vmem>>
          %dma_wait3A_125 = arith.constant 0 : i32
          %dma_wait3A_126 = arith.constant 0 : i32
          %dma_wait3A_127 = tpu.memref_slice %arg10[%dma_wait3A_125, %dma_wait3A_126] : memref<10240x128xf32, #tpu.memory_space<vmem_shared>> -> memref<10240x128xf32, #tpu.memory_space<vmem_shared>>
          tpu.wait_indirect_dma semaphore(%arg13 : memref<!tpu.dma_semaphore, #tpu.memory_space<semaphore_mem>>) src(%arg5 : memref<128x128xf32, #tpu.memory_space<vmem>>) dst(%dma_wait3A_127 : memref<10240x128xf32, #tpu.memory_space<vmem_shared>>)
        } else {
        }
        %add3A_95 = arith.constant 1 : i32
        %add3A_96 = arith.addi %add3A_85, %add3A_95 : i32
        %lt3A_97 = arith.cmpi slt, %add3A_96, %select_n3A : i32
        %convert_element_type3A_98 = arith.extui %lt3A_97 : i1 to i32
        %cond3A_99 = arith.constant 0 : i32
        %cond3A_100 = arith.cmpi ne, %convert_element_type3A_98, %cond3A_99 : i32
        scf.if %cond3A_100 {
          %dma_wait3A_121 = arith.constant 0 : i32
          %dma_wait3A_122 = arith.constant 0 : i32
          %dma_wait3A_123 = tpu.memref_slice %arg3[%dma_wait3A_121, %mul3A_22, %dma_wait3A_122] : memref<2x2500x128xi32, #tpu.memory_space<hbm>> -> memref<2x1x128xi32, #tpu.memory_space<hbm>>
          %dma_wait3A_124 = tpu.memref_squeeze %dma_wait3A_123 : memref<2x1x128xi32, #tpu.memory_space<hbm>> -> memref<2x128xi32, #tpu.memory_space<hbm>>
          %dma_wait3A_125 = arith.constant 0 : i32
          %dma_wait3A_126 = arith.constant 0 : i32
          %dma_wait3A_127 = tpu.memref_slice %arg3[%dma_wait3A_125, %mul3A_22, %dma_wait3A_126] : memref<2x2500x128xi32, #tpu.memory_space<hbm>> -> memref<2x1x128xi32, #tpu.memory_space<hbm>>
          %dma_wait3A_128 = tpu.memref_squeeze %dma_wait3A_127 : memref<2x1x128xi32, #tpu.memory_space<hbm>> -> memref<2x128xi32, #tpu.memory_space<hbm>>
          tpu.wait_dma2 semaphore(%arg15 : memref<!tpu.dma_semaphore, #tpu.memory_space<semaphore_mem>>) src(%dma_wait3A_128 : memref<2x128xi32, #tpu.memory_space<hbm>>) dst(%arg7 : memref<2x128xi32, #tpu.memory_space<vmem>>)
          %dma_start3A_129 = arith.constant 0 : i32
          %dma_start3A_130 = arith.constant 0 : i32
          %dma_start3A_131 = tpu.memref_slice %arg7[%dma_start3A_129, %dma_start3A_130] : memref<2x128xi32, #tpu.memory_space<vmem>> -> memref<1x128xi32, #tpu.memory_space<vmem>>
          %dma_start3A_132 = tpu.memref_squeeze %dma_start3A_131 : memref<1x128xi32, #tpu.memory_space<vmem>> -> memref<128xi32, #tpu.memory_space<vmem>>
          %dma_start3A_133 = arith.constant 0 : i32
          %dma_start3A_134 = arith.constant 0 : i32
          %dma_start3A_135 = tpu.memref_slice %arg2[%dma_start3A_133, %dma_start3A_134] : memref<10000x128xf32, #tpu.memory_space<hbm>> -> memref<10000x128xf32, #tpu.memory_space<hbm>>
          tpu.enqueue_indirect_dma source(%dma_start3A_135 : memref<10000x128xf32, #tpu.memory_space<hbm>>) target(%arg5 : memref<128x128xf32, #tpu.memory_space<vmem>>) offsets(%dma_start3A_132 : memref<128xi32, #tpu.memory_space<vmem>>) semaphore(%arg11 : memref<!tpu.dma_semaphore, #tpu.memory_space<semaphore_mem>>)
        } else {
        }
        %add3A_101 = arith.constant 2 : i32
        %add3A_102 = arith.addi %add3A_85, %add3A_101 : i32
        %lt3A_103 = arith.cmpi slt, %add3A_102, %select_n3A : i32
        %convert_element_type3A_104 = arith.extui %lt3A_103 : i1 to i32
        %cond3A_105 = arith.constant 0 : i32
        %cond3A_106 = arith.cmpi ne, %convert_element_type3A_104, %cond3A_105 : i32
        scf.if %cond3A_106 {
          %add3A_121 = arith.addi %mul3A_22, %add3A_85 : i32
          %add3A_122 = arith.constant 2 : i32
          %add3A_123 = arith.addi %add3A_121, %add3A_122 : i32
          %dma_start3A_124 = arith.constant 0 : i32
          %dma_start3A_125 = arith.constant 0 : i32
          %dma_start3A_126 = tpu.memref_slice %arg3[%dma_start3A_124, %add3A_123, %dma_start3A_125] : memref<2x2500x128xi32, #tpu.memory_space<hbm>> -> memref<2x1x128xi32, #tpu.memory_space<hbm>>
          %dma_start3A_127 = tpu.memref_squeeze %dma_start3A_126 : memref<2x1x128xi32, #tpu.memory_space<hbm>> -> memref<2x128xi32, #tpu.memory_space<hbm>>
          %dma_start3A_128 = arith.constant 0 : i32
          %dma_start3A_129 = arith.constant 0 : i32
          %dma_start3A_130 = tpu.memref_slice %arg3[%dma_start3A_128, %add3A_123, %dma_start3A_129] : memref<2x2500x128xi32, #tpu.memory_space<hbm>> -> memref<2x1x128xi32, #tpu.memory_space<hbm>>
          %dma_start3A_131 = tpu.memref_squeeze %dma_start3A_130 : memref<2x1x128xi32, #tpu.memory_space<hbm>> -> memref<2x128xi32, #tpu.memory_space<hbm>>
          tpu.enqueue_dma source(%dma_start3A_131 : memref<2x128xi32, #tpu.memory_space<hbm>>) target(%arg8 : memref<2x128xi32, #tpu.memory_space<vmem>>) target_semaphore(%arg16 : memref<!tpu.dma_semaphore, #tpu.memory_space<semaphore_mem>>)
        } else {
        }
        %dma_wait3A_107 = arith.constant 0 : i32
        %dma_wait3A_108 = arith.constant 0 : i32
        %dma_wait3A_109 = tpu.memref_slice %arg9[%dma_wait3A_107, %dma_wait3A_108] : memref<2x128xi32, #tpu.memory_space<vmem>> -> memref<1x128xi32, #tpu.memory_space<vmem>>
        %dma_wait3A_110 = tpu.memref_squeeze %dma_wait3A_109 : memref<1x128xi32, #tpu.memory_space<vmem>> -> memref<128xi32, #tpu.memory_space<vmem>>
        %dma_wait3A_111 = arith.constant 0 : i32
        %dma_wait3A_112 = arith.constant 0 : i32
        %dma_wait3A_113 = tpu.memref_slice %arg2[%dma_wait3A_111, %dma_wait3A_112] : memref<10000x128xf32, #tpu.memory_space<hbm>> -> memref<10000x128xf32, #tpu.memory_space<hbm>>
        tpu.wait_indirect_dma semaphore(%arg12 : memref<!tpu.dma_semaphore, #tpu.memory_space<semaphore_mem>>) src(%dma_wait3A_113 : memref<10000x128xf32, #tpu.memory_space<hbm>>) dst(%arg6 : memref<128x128xf32, #tpu.memory_space<vmem>>)
        %dma_start3A_114 = arith.constant 1 : i32
        %dma_start3A_115 = arith.constant 0 : i32
        %dma_start3A_116 = tpu.memref_slice %arg9[%dma_start3A_114, %dma_start3A_115] : memref<2x128xi32, #tpu.memory_space<vmem>> -> memref<1x128xi32, #tpu.memory_space<vmem>>
        %dma_start3A_117 = tpu.memref_squeeze %dma_start3A_116 : memref<1x128xi32, #tpu.memory_space<vmem>> -> memref<128xi32, #tpu.memory_space<vmem>>
        %dma_start3A_118 = arith.constant 0 : i32
        %dma_start3A_119 = arith.constant 0 : i32
        %dma_start3A_120 = tpu.memref_slice %arg10[%dma_start3A_118, %dma_start3A_119] : memref<10240x128xf32, #tpu.memory_space<vmem_shared>> -> memref<10240x128xf32, #tpu.memory_space<vmem_shared>>
        tpu.enqueue_indirect_dma source(%arg6 : memref<128x128xf32, #tpu.memory_space<vmem>>) target(%dma_start3A_120 : memref<10240x128xf32, #tpu.memory_space<vmem_shared>>) offsets(%dma_start3A_117 : memref<128xi32, #tpu.memory_space<vmem>>) semaphore(%arg14 : memref<!tpu.dma_semaphore, #tpu.memory_space<semaphore_mem>>) {add = true}
      } else {
      }
      %scan3A_90 = arith.constant 0 : i32
      scf.yield %scan3A_90 : i32
    }
    %scan3A_45 = arith.constant 14 : i32
    %dma_wait3A = arith.constant 1 : i32
    %dma_wait3A_46 = arith.constant 0 : i32
    %dma_wait3A_47 = tpu.memref_slice %arg7[%dma_wait3A, %dma_wait3A_46] : memref<2x128xi32, #tpu.memory_space<vmem>> -> memref<1x128xi32, #tpu.memory_space<vmem>>
    %dma_wait3A_48 = tpu.memref_squeeze %dma_wait3A_47 : memref<1x128xi32, #tpu.memory_space<vmem>> -> memref<128xi32, #tpu.memory_space<vmem>>
    %dma_wait3A_49 = arith.constant 0 : i32
    %dma_wait3A_50 = arith.constant 0 : i32
    %dma_wait3A_51 = tpu.memref_slice %arg10[%dma_wait3A_49, %dma_wait3A_50] : memref<10240x128xf32, #tpu.memory_space<vmem_shared>> -> memref<10240x128xf32, #tpu.memory_space<vmem_shared>>
    tpu.wait_indirect_dma semaphore(%arg13 : memref<!tpu.dma_semaphore, #tpu.memory_space<semaphore_mem>>) src(%arg5 : memref<128x128xf32, #tpu.memory_space<vmem>>) dst(%dma_wait3A_51 : memref<10240x128xf32, #tpu.memory_space<vmem_shared>>)
    %barrier3A_52 = arith.constant 0 : index
    tpu.barrier barrier_id(%barrier3A_52)
    "tpu.region"() ({
      %run_scoped3A = tpu.sem_alloc : memref<!tpu.dma_semaphore, #tpu.memory_space<semaphore_mem>>
      %dma_start3A_53 = arith.constant 0 : i32
      %dma_start3A_54 = tpu.memref_slice %arg4[%arg0, %mul3A_8, %dma_start3A_53] : memref<2x10240x128xf32, #tpu.memory_space<hbm>> -> memref<1x640x128xf32, #tpu.memory_space<hbm>>
      %dma_start3A_55 = tpu.memref_squeeze %dma_start3A_54 : memref<1x640x128xf32, #tpu.memory_space<hbm>> -> memref<640x128xf32, #tpu.memory_space<hbm>>
      %dma_start3A_56 = arith.constant 0 : i32
      %dma_start3A_57 = tpu.memref_slice %arg10[%mul3A_8, %dma_start3A_56] : memref<10240x128xf32, #tpu.memory_space<vmem_shared>> -> memref<640x128xf32, #tpu.memory_space<vmem_shared>>
      tpu.enqueue_dma source(%dma_start3A_57 : memref<640x128xf32, #tpu.memory_space<vmem_shared>>) target(%dma_start3A_55 : memref<640x128xf32, #tpu.memory_space<hbm>>) target_semaphore(%run_scoped3A : memref<!tpu.dma_semaphore, #tpu.memory_space<semaphore_mem>>)
      %dma_wait3A_58 = arith.constant 0 : i32
      %dma_wait3A_59 = tpu.memref_slice %arg4[%arg0, %mul3A_8, %dma_wait3A_58] : memref<2x10240x128xf32, #tpu.memory_space<hbm>> -> memref<1x640x128xf32, #tpu.memory_space<hbm>>
      %dma_wait3A_60 = tpu.memref_squeeze %dma_wait3A_59 : memref<1x640x128xf32, #tpu.memory_space<hbm>> -> memref<640x128xf32, #tpu.memory_space<hbm>>
      %dma_wait3A_61 = arith.constant 0 : i32
      %dma_wait3A_62 = tpu.memref_slice %arg10[%mul3A_8, %dma_wait3A_61] : memref<10240x128xf32, #tpu.memory_space<vmem_shared>> -> memref<640x128xf32, #tpu.memory_space<vmem_shared>>
      tpu.wait_dma2 semaphore(%run_scoped3A : memref<!tpu.dma_semaphore, #tpu.memory_space<semaphore_mem>>) src(%dma_wait3A_62 : memref<640x128xf32, #tpu.memory_space<vmem_shared>>) dst(%dma_wait3A_60 : memref<640x128xf32, #tpu.memory_space<hbm>>)
      tpu.yield
    }) : () -> ()
    return
  }
}

#map = affine_map<(d0, d1) -> (0, 0)>
#map1 = affine_map<(d0, d1) -> (0, 0, 0)>
module attributes {stable_mosaic.version = 14 : i64} {
  func.func @_agg_body(%arg0: i32, %arg1: i32, %arg2: memref<10000x64xf32, #tpu.memory_space<hbm>>, %arg3: memref<2x2500x128xi32, #tpu.memory_space<hbm>>, %arg4: memref<2x10240x64xf32, #tpu.memory_space<hbm>>, %arg5: memref<128x64xf32, #tpu.memory_space<vmem>>, %arg6: memref<128x64xf32, #tpu.memory_space<vmem>>, %arg7: memref<2x128xi32, #tpu.memory_space<vmem>>, %arg8: memref<2x128xi32, #tpu.memory_space<vmem>>, %arg9: memref<2x128xi32, #tpu.memory_space<vmem>>, %arg10: memref<10240x64xf32, #tpu.memory_space<vmem_shared>>, %arg11: memref<!tpu.dma_semaphore, #tpu.memory_space<semaphore_mem>>, %arg12: memref<!tpu.dma_semaphore, #tpu.memory_space<semaphore_mem>>, %arg13: memref<!tpu.dma_semaphore, #tpu.memory_space<semaphore_mem>>, %arg14: memref<!tpu.dma_semaphore, #tpu.memory_space<semaphore_mem>>, %arg15: memref<!tpu.dma_semaphore, #tpu.memory_space<semaphore_mem>>, %arg16: memref<!tpu.dma_semaphore, #tpu.memory_space<semaphore_mem>>, %arg17: memref<!tpu.dma_semaphore, #tpu.memory_space<semaphore_mem>>) attributes {dimension_semantics = [#tpu.dimension_semantics<core_parallel>, #tpu.dimension_semantics<subcore_parallel>], iteration_bounds = array<i64: 2, 16>, scalar_prefetch = 0 : i64, scratch_operands = 13 : i64, tpu.core_type = #tpu.core_type<sc_vector_subcore>, window_params = [{transform_indices = #map}, {transform_indices = #map1}, {transform_indices = #map1}]} {
    %mul3A = arith.constant 16 : i32
    %mul3A_0 = arith.muli %arg0, %mul3A : i32
    %add3A = arith.addi %mul3A_0, %arg1 : i32
    %scan3A = arith.constant 0 : i32
    %scan3A_1 = arith.constant 0 : i32
    %scan3A_2 = arith.constant 512 : i32
    %scan3A_3 = arith.addi %scan3A_1, %scan3A_2 : i32
    %scan3A_4 = arith.constant 1 : i32
    %scan3A_5 = scf.for %scan3A_53 = %scan3A_1 to %scan3A_3 step %scan3A_4 iter_args(%scan3A_54 = %scan3A) -> (i32)  : i32 {
      %jit3A_55 = arith.constant 4 : i32
      %div3A = arith.divsi %scan3A_53, %jit3A_55 : i32
      %sign3A = arith.constant 0 : i32
      %sign3A_56 = arith.cmpi sgt, %scan3A_53, %sign3A : i32
      %sign3A_57 = arith.extui %sign3A_56 : i1 to i32
      %sign3A_58 = arith.constant 0 : i32
      %sign3A_59 = arith.cmpi slt, %scan3A_53, %sign3A_58 : i32
      %sign3A_60 = arith.extui %sign3A_59 : i1 to i32
      %sign3A_61 = arith.subi %sign3A_57, %sign3A_60 : i32
      %sign3A_62 = arith.constant 0 : i32
      %sign3A_63 = arith.cmpi sgt, %jit3A_55, %sign3A_62 : i32
      %sign3A_64 = arith.extui %sign3A_63 : i1 to i32
      %sign3A_65 = arith.constant 0 : i32
      %sign3A_66 = arith.cmpi slt, %jit3A_55, %sign3A_65 : i32
      %sign3A_67 = arith.extui %sign3A_66 : i1 to i32
      %sign3A_68 = arith.subi %sign3A_64, %sign3A_67 : i32
      %ne3A = arith.cmpi ne, %sign3A_61, %sign3A_68 : i32
      %rem3A = arith.remsi %scan3A_53, %jit3A_55 : i32
      %ne3A_69 = arith.constant 0 : i32
      %ne3A_70 = arith.cmpi ne, %rem3A, %ne3A_69 : i32
      %and3A = arith.andi %ne3A, %ne3A_70 : i1
      %sub3A = arith.constant 1 : i32
      %sub3A_71 = arith.subi %div3A, %sub3A : i32
      %select_n3A_72 = arith.select %and3A, %sub3A_71, %div3A : i32
      %jit3A_73 = arith.constant 4 : i32
      %eq3A_74 = arith.constant 0 : i32
      %eq3A_75 = arith.cmpi eq, %jit3A_73, %eq3A_74 : i32
      %jit3A_76 = arith.constant 1 : i32
      %select_n3A_77 = arith.select %eq3A_75, %jit3A_76, %jit3A_73 : i32
      %rem3A_78 = arith.remsi %scan3A_53, %select_n3A_77 : i32
      %ne3A_79 = arith.constant 0 : i32
      %ne3A_80 = arith.cmpi ne, %rem3A_78, %ne3A_79 : i32
      %lt3A = arith.constant 0 : i32
      %lt3A_81 = arith.cmpi slt, %rem3A_78, %lt3A : i32
      %lt3A_82 = arith.constant 0 : i32
      %lt3A_83 = arith.cmpi slt, %select_n3A_77, %lt3A_82 : i32
      %ne3A_84 = arith.xori %lt3A_81, %lt3A_83 : i1
      %and3A_85 = arith.andi %ne3A_84, %ne3A_80 : i1
      %add3A_86 = arith.addi %rem3A_78, %select_n3A_77 : i32
      %select_n3A_87 = arith.select %and3A_85, %add3A_86, %rem3A_78 : i32
      %broadcast_in_dim3A = arith.constant 0.000000e+00 : f32
      %broadcast_in_dim3A_88 = vector.broadcast %broadcast_in_dim3A : f32 to vector<16xf32>
      %mul3A_89 = arith.constant 16 : i32
      %mul3A_90 = arith.muli %select_n3A_87, %mul3A_89 : i32
      %swap3A = arith.index_cast %select_n3A_72 : i32 to index
      %swap3A_91 = arith.index_cast %mul3A_90 : i32 to index
      %swap3A_92 = tpu.vector_load %arg5[%swap3A, %swap3A_91] {strides = array<i32>} : memref<128x64xf32, #tpu.memory_space<vmem>>, vector<1x16xf32>,
      %swap3A_93 = vector.shape_cast %swap3A_92 : vector<1x16xf32> to vector<16xf32>
      %swap3A_94 = vector.shape_cast %broadcast_in_dim3A_88 : vector<16xf32> to vector<1x16xf32>
      tpu.vector_store %arg5[%swap3A, %swap3A_91], %swap3A_94 {strides = array<i32>} : memref<128x64xf32, #tpu.memory_space<vmem>>, vector<1x16xf32>,
      %scan3A_95 = arith.constant 0 : i32
      scf.yield %scan3A_95 : i32
    }
    %scan3A_6 = arith.constant 512 : i32
    %mul3A_7 = arith.constant 640 : i32
    %mul3A_8 = arith.muli %arg1, %mul3A_7 : i32
    %add3A_9 = arith.constant 0 : i32
    %add3A_10 = arith.addi %mul3A_8, %add3A_9 : i32
    "tpu.region"() ({
      %run_scoped3A = tpu.sem_alloc : memref<!tpu.dma_semaphore, #tpu.memory_space<semaphore_mem>>
      %dma_start3A_53 = arith.constant 0 : i32
      %dma_start3A_54 = tpu.memref_slice %arg10[%add3A_10, %dma_start3A_53] : memref<10240x64xf32, #tpu.memory_space<vmem_shared>> -> memref<128x64xf32, #tpu.memory_space<vmem_shared>>
      %dma_start3A_55 = arith.constant 0 : i32
      %dma_start3A_56 = tpu.memref_slice %arg10[%add3A_10, %dma_start3A_55] : memref<10240x64xf32, #tpu.memory_space<vmem_shared>> -> memref<128x64xf32, #tpu.memory_space<vmem_shared>>
      tpu.enqueue_dma source(%arg5 : memref<128x64xf32, #tpu.memory_space<vmem>>) target(%dma_start3A_56 : memref<128x64xf32, #tpu.memory_space<vmem_shared>>) target_semaphore(%run_scoped3A : memref<!tpu.dma_semaphore, #tpu.memory_space<semaphore_mem>>)
      %dma_wait3A_57 = arith.constant 0 : i32
      %dma_wait3A_58 = tpu.memref_slice %arg10[%add3A_10, %dma_wait3A_57] : memref<10240x64xf32, #tpu.memory_space<vmem_shared>> -> memref<128x64xf32, #tpu.memory_space<vmem_shared>>
      %dma_wait3A_59 = arith.constant 0 : i32
      %dma_wait3A_60 = tpu.memref_slice %arg10[%add3A_10, %dma_wait3A_59] : memref<10240x64xf32, #tpu.memory_space<vmem_shared>> -> memref<128x64xf32, #tpu.memory_space<vmem_shared>>
      tpu.wait_dma2 semaphore(%run_scoped3A : memref<!tpu.dma_semaphore, #tpu.memory_space<semaphore_mem>>) src(%arg5 : memref<128x64xf32, #tpu.memory_space<vmem>>) dst(%dma_wait3A_60 : memref<128x64xf32, #tpu.memory_space<vmem_shared>>)
      tpu.yield
    }) : () -> ()
    %add3A_11 = arith.constant 128 : i32
    %add3A_12 = arith.addi %mul3A_8, %add3A_11 : i32
    "tpu.region"() ({
      %run_scoped3A = tpu.sem_alloc : memref<!tpu.dma_semaphore, #tpu.memory_space<semaphore_mem>>
      %dma_start3A_53 = arith.constant 0 : i32
      %dma_start3A_54 = tpu.memref_slice %arg10[%add3A_12, %dma_start3A_53] : memref<10240x64xf32, #tpu.memory_space<vmem_shared>> -> memref<128x64xf32, #tpu.memory_space<vmem_shared>>
      %dma_start3A_55 = arith.constant 0 : i32
      %dma_start3A_56 = tpu.memref_slice %arg10[%add3A_12, %dma_start3A_55] : memref<10240x64xf32, #tpu.memory_space<vmem_shared>> -> memref<128x64xf32, #tpu.memory_space<vmem_shared>>
      tpu.enqueue_dma source(%arg5 : memref<128x64xf32, #tpu.memory_space<vmem>>) target(%dma_start3A_56 : memref<128x64xf32, #tpu.memory_space<vmem_shared>>) target_semaphore(%run_scoped3A : memref<!tpu.dma_semaphore, #tpu.memory_space<semaphore_mem>>)
      %dma_wait3A_57 = arith.constant 0 : i32
      %dma_wait3A_58 = tpu.memref_slice %arg10[%add3A_12, %dma_wait3A_57] : memref<10240x64xf32, #tpu.memory_space<vmem_shared>> -> memref<128x64xf32, #tpu.memory_space<vmem_shared>>
      %dma_wait3A_59 = arith.constant 0 : i32
      %dma_wait3A_60 = tpu.memref_slice %arg10[%add3A_12, %dma_wait3A_59] : memref<10240x64xf32, #tpu.memory_space<vmem_shared>> -> memref<128x64xf32, #tpu.memory_space<vmem_shared>>
      tpu.wait_dma2 semaphore(%run_scoped3A : memref<!tpu.dma_semaphore, #tpu.memory_space<semaphore_mem>>) src(%arg5 : memref<128x64xf32, #tpu.memory_space<vmem>>) dst(%dma_wait3A_60 : memref<128x64xf32, #tpu.memory_space<vmem_shared>>)
      tpu.yield
    }) : () -> ()
    %add3A_13 = arith.constant 256 : i32
    %add3A_14 = arith.addi %mul3A_8, %add3A_13 : i32
    "tpu.region"() ({
      %run_scoped3A = tpu.sem_alloc : memref<!tpu.dma_semaphore, #tpu.memory_space<semaphore_mem>>
      %dma_start3A_53 = arith.constant 0 : i32
      %dma_start3A_54 = tpu.memref_slice %arg10[%add3A_14, %dma_start3A_53] : memref<10240x64xf32, #tpu.memory_space<vmem_shared>> -> memref<128x64xf32, #tpu.memory_space<vmem_shared>>
      %dma_start3A_55 = arith.constant 0 : i32
      %dma_start3A_56 = tpu.memref_slice %arg10[%add3A_14, %dma_start3A_55] : memref<10240x64xf32, #tpu.memory_space<vmem_shared>> -> memref<128x64xf32, #tpu.memory_space<vmem_shared>>
      tpu.enqueue_dma source(%arg5 : memref<128x64xf32, #tpu.memory_space<vmem>>) target(%dma_start3A_56 : memref<128x64xf32, #tpu.memory_space<vmem_shared>>) target_semaphore(%run_scoped3A : memref<!tpu.dma_semaphore, #tpu.memory_space<semaphore_mem>>)
      %dma_wait3A_57 = arith.constant 0 : i32
      %dma_wait3A_58 = tpu.memref_slice %arg10[%add3A_14, %dma_wait3A_57] : memref<10240x64xf32, #tpu.memory_space<vmem_shared>> -> memref<128x64xf32, #tpu.memory_space<vmem_shared>>
      %dma_wait3A_59 = arith.constant 0 : i32
      %dma_wait3A_60 = tpu.memref_slice %arg10[%add3A_14, %dma_wait3A_59] : memref<10240x64xf32, #tpu.memory_space<vmem_shared>> -> memref<128x64xf32, #tpu.memory_space<vmem_shared>>
      tpu.wait_dma2 semaphore(%run_scoped3A : memref<!tpu.dma_semaphore, #tpu.memory_space<semaphore_mem>>) src(%arg5 : memref<128x64xf32, #tpu.memory_space<vmem>>) dst(%dma_wait3A_60 : memref<128x64xf32, #tpu.memory_space<vmem_shared>>)
      tpu.yield
    }) : () -> ()
    %add3A_15 = arith.constant 384 : i32
    %add3A_16 = arith.addi %mul3A_8, %add3A_15 : i32
    "tpu.region"() ({
      %run_scoped3A = tpu.sem_alloc : memref<!tpu.dma_semaphore, #tpu.memory_space<semaphore_mem>>
      %dma_start3A_53 = arith.constant 0 : i32
      %dma_start3A_54 = tpu.memref_slice %arg10[%add3A_16, %dma_start3A_53] : memref<10240x64xf32, #tpu.memory_space<vmem_shared>> -> memref<128x64xf32, #tpu.memory_space<vmem_shared>>
      %dma_start3A_55 = arith.constant 0 : i32
      %dma_start3A_56 = tpu.memref_slice %arg10[%add3A_16, %dma_start3A_55] : memref<10240x64xf32, #tpu.memory_space<vmem_shared>> -> memref<128x64xf32, #tpu.memory_space<vmem_shared>>
      tpu.enqueue_dma source(%arg5 : memref<128x64xf32, #tpu.memory_space<vmem>>) target(%dma_start3A_56 : memref<128x64xf32, #tpu.memory_space<vmem_shared>>) target_semaphore(%run_scoped3A : memref<!tpu.dma_semaphore, #tpu.memory_space<semaphore_mem>>)
      %dma_wait3A_57 = arith.constant 0 : i32
      %dma_wait3A_58 = tpu.memref_slice %arg10[%add3A_16, %dma_wait3A_57] : memref<10240x64xf32, #tpu.memory_space<vmem_shared>> -> memref<128x64xf32, #tpu.memory_space<vmem_shared>>
      %dma_wait3A_59 = arith.constant 0 : i32
      %dma_wait3A_60 = tpu.memref_slice %arg10[%add3A_16, %dma_wait3A_59] : memref<10240x64xf32, #tpu.memory_space<vmem_shared>> -> memref<128x64xf32, #tpu.memory_space<vmem_shared>>
      tpu.wait_dma2 semaphore(%run_scoped3A : memref<!tpu.dma_semaphore, #tpu.memory_space<semaphore_mem>>) src(%arg5 : memref<128x64xf32, #tpu.memory_space<vmem>>) dst(%dma_wait3A_60 : memref<128x64xf32, #tpu.memory_space<vmem_shared>>)
      tpu.yield
    }) : () -> ()
    %add3A_17 = arith.constant 512 : i32
    %add3A_18 = arith.addi %mul3A_8, %add3A_17 : i32
    "tpu.region"() ({
      %run_scoped3A = tpu.sem_alloc : memref<!tpu.dma_semaphore, #tpu.memory_space<semaphore_mem>>
      %dma_start3A_53 = arith.constant 0 : i32
      %dma_start3A_54 = tpu.memref_slice %arg10[%add3A_18, %dma_start3A_53] : memref<10240x64xf32, #tpu.memory_space<vmem_shared>> -> memref<128x64xf32, #tpu.memory_space<vmem_shared>>
      %dma_start3A_55 = arith.constant 0 : i32
      %dma_start3A_56 = tpu.memref_slice %arg10[%add3A_18, %dma_start3A_55] : memref<10240x64xf32, #tpu.memory_space<vmem_shared>> -> memref<128x64xf32, #tpu.memory_space<vmem_shared>>
      tpu.enqueue_dma source(%arg5 : memref<128x64xf32, #tpu.memory_space<vmem>>) target(%dma_start3A_56 : memref<128x64xf32, #tpu.memory_space<vmem_shared>>) target_semaphore(%run_scoped3A : memref<!tpu.dma_semaphore, #tpu.memory_space<semaphore_mem>>)
      %dma_wait3A_57 = arith.constant 0 : i32
      %dma_wait3A_58 = tpu.memref_slice %arg10[%add3A_18, %dma_wait3A_57] : memref<10240x64xf32, #tpu.memory_space<vmem_shared>> -> memref<128x64xf32, #tpu.memory_space<vmem_shared>>
      %dma_wait3A_59 = arith.constant 0 : i32
      %dma_wait3A_60 = tpu.memref_slice %arg10[%add3A_18, %dma_wait3A_59] : memref<10240x64xf32, #tpu.memory_space<vmem_shared>> -> memref<128x64xf32, #tpu.memory_space<vmem_shared>>
      tpu.wait_dma2 semaphore(%run_scoped3A : memref<!tpu.dma_semaphore, #tpu.memory_space<semaphore_mem>>) src(%arg5 : memref<128x64xf32, #tpu.memory_space<vmem>>) dst(%dma_wait3A_60 : memref<128x64xf32, #tpu.memory_space<vmem_shared>>)
      tpu.yield
    }) : () -> ()
    %eq3A = arith.constant 31 : i32
    %eq3A_19 = arith.cmpi eq, %add3A, %eq3A : i32
    %jit3A = arith.constant 51 : i32
    %jit3A_20 = arith.constant 79 : i32
    %select_n3A = arith.select %eq3A_19, %jit3A, %jit3A_20 : i32
    %mul3A_21 = arith.constant 79 : i32
    %mul3A_22 = arith.muli %add3A, %mul3A_21 : i32
    "tpu.region"() ({
      %run_scoped3A = tpu.sem_alloc : memref<!tpu.dma_semaphore, #tpu.memory_space<semaphore_mem>>
      %dma_start3A_53 = arith.constant 0 : i32
      %dma_start3A_54 = arith.constant 0 : i32
      %dma_start3A_55 = tpu.memref_slice %arg3[%dma_start3A_53, %mul3A_22, %dma_start3A_54] : memref<2x2500x128xi32, #tpu.memory_space<hbm>> -> memref<2x1x128xi32, #tpu.memory_space<hbm>>
      %dma_start3A_56 = tpu.memref_squeeze %dma_start3A_55 : memref<2x1x128xi32, #tpu.memory_space<hbm>> -> memref<2x128xi32, #tpu.memory_space<hbm>>
      %dma_start3A_57 = arith.constant 0 : i32
      %dma_start3A_58 = arith.constant 0 : i32
      %dma_start3A_59 = tpu.memref_slice %arg3[%dma_start3A_57, %mul3A_22, %dma_start3A_58] : memref<2x2500x128xi32, #tpu.memory_space<hbm>> -> memref<2x1x128xi32, #tpu.memory_space<hbm>>
      %dma_start3A_60 = tpu.memref_squeeze %dma_start3A_59 : memref<2x1x128xi32, #tpu.memory_space<hbm>> -> memref<2x128xi32, #tpu.memory_space<hbm>>
      tpu.enqueue_dma source(%dma_start3A_60 : memref<2x128xi32, #tpu.memory_space<hbm>>) target(%arg7 : memref<2x128xi32, #tpu.memory_space<vmem>>) target_semaphore(%run_scoped3A : memref<!tpu.dma_semaphore, #tpu.memory_space<semaphore_mem>>)
      %dma_wait3A_61 = arith.constant 0 : i32
      %dma_wait3A_62 = arith.constant 0 : i32
      %dma_wait3A_63 = tpu.memref_slice %arg3[%dma_wait3A_61, %mul3A_22, %dma_wait3A_62] : memref<2x2500x128xi32, #tpu.memory_space<hbm>> -> memref<2x1x128xi32, #tpu.memory_space<hbm>>
      %dma_wait3A_64 = tpu.memref_squeeze %dma_wait3A_63 : memref<2x1x128xi32, #tpu.memory_space<hbm>> -> memref<2x128xi32, #tpu.memory_space<hbm>>
      %dma_wait3A_65 = arith.constant 0 : i32
      %dma_wait3A_66 = arith.constant 0 : i32
      %dma_wait3A_67 = tpu.memref_slice %arg3[%dma_wait3A_65, %mul3A_22, %dma_wait3A_66] : memref<2x2500x128xi32, #tpu.memory_space<hbm>> -> memref<2x1x128xi32, #tpu.memory_space<hbm>>
      %dma_wait3A_68 = tpu.memref_squeeze %dma_wait3A_67 : memref<2x1x128xi32, #tpu.memory_space<hbm>> -> memref<2x128xi32, #tpu.memory_space<hbm>>
      tpu.wait_dma2 semaphore(%run_scoped3A : memref<!tpu.dma_semaphore, #tpu.memory_space<semaphore_mem>>) src(%dma_wait3A_68 : memref<2x128xi32, #tpu.memory_space<hbm>>) dst(%arg7 : memref<2x128xi32, #tpu.memory_space<vmem>>)
      tpu.yield
    }) : () -> ()
    %add3A_23 = arith.constant 1 : i32
    %add3A_24 = arith.addi %mul3A_22, %add3A_23 : i32
    %dma_start3A = arith.constant 0 : i32
    %dma_start3A_25 = arith.constant 0 : i32
    %dma_start3A_26 = tpu.memref_slice %arg3[%dma_start3A, %add3A_24, %dma_start3A_25] : memref<2x2500x128xi32, #tpu.memory_space<hbm>> -> memref<2x1x128xi32, #tpu.memory_space<hbm>>
    %dma_start3A_27 = tpu.memref_squeeze %dma_start3A_26 : memref<2x1x128xi32, #tpu.memory_space<hbm>> -> memref<2x128xi32, #tpu.memory_space<hbm>>
    %dma_start3A_28 = arith.constant 0 : i32
    %dma_start3A_29 = arith.constant 0 : i32
    %dma_start3A_30 = tpu.memref_slice %arg3[%dma_start3A_28, %add3A_24, %dma_start3A_29] : memref<2x2500x128xi32, #tpu.memory_space<hbm>> -> memref<2x1x128xi32, #tpu.memory_space<hbm>>
    %dma_start3A_31 = tpu.memref_squeeze %dma_start3A_30 : memref<2x1x128xi32, #tpu.memory_space<hbm>> -> memref<2x128xi32, #tpu.memory_space<hbm>>
    tpu.enqueue_dma source(%dma_start3A_31 : memref<2x128xi32, #tpu.memory_space<hbm>>) target(%arg8 : memref<2x128xi32, #tpu.memory_space<vmem>>) target_semaphore(%arg16 : memref<!tpu.dma_semaphore, #tpu.memory_space<semaphore_mem>>)
    %dma_start3A_32 = arith.constant 0 : i32
    %dma_start3A_33 = arith.constant 0 : i32
    %dma_start3A_34 = tpu.memref_slice %arg7[%dma_start3A_32, %dma_start3A_33] : memref<2x128xi32, #tpu.memory_space<vmem>> -> memref<1x128xi32, #tpu.memory_space<vmem>>
    %dma_start3A_35 = tpu.memref_squeeze %dma_start3A_34 : memref<1x128xi32, #tpu.memory_space<vmem>> -> memref<128xi32, #tpu.memory_space<vmem>>
    %dma_start3A_36 = arith.constant 0 : i32
    %dma_start3A_37 = arith.constant 0 : i32
    %dma_start3A_38 = tpu.memref_slice %arg2[%dma_start3A_36, %dma_start3A_37] : memref<10000x64xf32, #tpu.memory_space<hbm>> -> memref<10000x64xf32, #tpu.memory_space<hbm>>
    tpu.enqueue_indirect_dma source(%dma_start3A_38 : memref<10000x64xf32, #tpu.memory_space<hbm>>) target(%arg5 : memref<128x64xf32, #tpu.memory_space<vmem>>) offsets(%dma_start3A_35 : memref<128xi32, #tpu.memory_space<vmem>>) semaphore(%arg11 : memref<!tpu.dma_semaphore, #tpu.memory_space<semaphore_mem>>)
    %barrier3A = arith.constant 0 : index
    tpu.barrier barrier_id(%barrier3A)
    %scan3A_39 = arith.constant 0 : i32
    %scan3A_40 = arith.constant 0 : i32
    %scan3A_41 = arith.constant 14 : i32
    %scan3A_42 = arith.addi %scan3A_40, %scan3A_41 : i32
    %scan3A_43 = arith.constant 1 : i32
    %scan3A_44 = scf.for %scan3A_53 = %scan3A_40 to %scan3A_42 step %scan3A_43 iter_args(%scan3A_54 = %scan3A_39) -> (i32)  : i32 {
      %mul3A_55 = arith.constant 6 : i32
      %mul3A_56 = arith.muli %scan3A_53, %mul3A_55 : i32
      %add3A_57 = arith.constant 0 : i32
      %add3A_58 = arith.addi %mul3A_56, %add3A_57 : i32
      %lt3A = arith.cmpi slt, %add3A_58, %select_n3A : i32
      %convert_element_type3A = arith.extui %lt3A : i1 to i32
      %cond3A = arith.constant 0 : i32
      %cond3A_59 = arith.cmpi ne, %convert_element_type3A, %cond3A : i32
      scf.if %cond3A_59 {
        %ge3A = arith.constant 1 : i32
        %ge3A_91 = arith.cmpi sge, %add3A_58, %ge3A : i32
        %convert_element_type3A_92 = arith.extui %ge3A_91 : i1 to i32
        %cond3A_93 = arith.constant 0 : i32
        %cond3A_94 = arith.cmpi ne, %convert_element_type3A_92, %cond3A_93 : i32
        scf.if %cond3A_94 {
          %dma_wait3A_121 = arith.constant 1 : i32
          %dma_wait3A_122 = arith.constant 0 : i32
          %dma_wait3A_123 = tpu.memref_slice %arg7[%dma_wait3A_121, %dma_wait3A_122] : memref<2x128xi32, #tpu.memory_space<vmem>> -> memref<1x128xi32, #tpu.memory_space<vmem>>
          %dma_wait3A_124 = tpu.memref_squeeze %dma_wait3A_123 : memref<1x128xi32, #tpu.memory_space<vmem>> -> memref<128xi32, #tpu.memory_space<vmem>>
          %dma_wait3A_125 = arith.constant 0 : i32
          %dma_wait3A_126 = arith.constant 0 : i32
          %dma_wait3A_127 = tpu.memref_slice %arg10[%dma_wait3A_125, %dma_wait3A_126] : memref<10240x64xf32, #tpu.memory_space<vmem_shared>> -> memref<10240x64xf32, #tpu.memory_space<vmem_shared>>
          tpu.wait_indirect_dma semaphore(%arg14 : memref<!tpu.dma_semaphore, #tpu.memory_space<semaphore_mem>>) src(%arg6 : memref<128x64xf32, #tpu.memory_space<vmem>>) dst(%dma_wait3A_127 : memref<10240x64xf32, #tpu.memory_space<vmem_shared>>)
        } else {
        }
        %add3A_95 = arith.constant 1 : i32
        %add3A_96 = arith.addi %add3A_58, %add3A_95 : i32
        %lt3A_97 = arith.cmpi slt, %add3A_96, %select_n3A : i32
        %convert_element_type3A_98 = arith.extui %lt3A_97 : i1 to i32
        %cond3A_99 = arith.constant 0 : i32
        %cond3A_100 = arith.cmpi ne, %convert_element_type3A_98, %cond3A_99 : i32
        scf.if %cond3A_100 {
          %dma_wait3A_121 = arith.constant 0 : i32
          %dma_wait3A_122 = arith.constant 0 : i32
          %dma_wait3A_123 = tpu.memref_slice %arg3[%dma_wait3A_121, %mul3A_22, %dma_wait3A_122] : memref<2x2500x128xi32, #tpu.memory_space<hbm>> -> memref<2x1x128xi32, #tpu.memory_space<hbm>>
          %dma_wait3A_124 = tpu.memref_squeeze %dma_wait3A_123 : memref<2x1x128xi32, #tpu.memory_space<hbm>> -> memref<2x128xi32, #tpu.memory_space<hbm>>
          %dma_wait3A_125 = arith.constant 0 : i32
          %dma_wait3A_126 = arith.constant 0 : i32
          %dma_wait3A_127 = tpu.memref_slice %arg3[%dma_wait3A_125, %mul3A_22, %dma_wait3A_126] : memref<2x2500x128xi32, #tpu.memory_space<hbm>> -> memref<2x1x128xi32, #tpu.memory_space<hbm>>
          %dma_wait3A_128 = tpu.memref_squeeze %dma_wait3A_127 : memref<2x1x128xi32, #tpu.memory_space<hbm>> -> memref<2x128xi32, #tpu.memory_space<hbm>>
          tpu.wait_dma2 semaphore(%arg16 : memref<!tpu.dma_semaphore, #tpu.memory_space<semaphore_mem>>) src(%dma_wait3A_128 : memref<2x128xi32, #tpu.memory_space<hbm>>) dst(%arg8 : memref<2x128xi32, #tpu.memory_space<vmem>>)
          %dma_start3A_129 = arith.constant 0 : i32
          %dma_start3A_130 = arith.constant 0 : i32
          %dma_start3A_131 = tpu.memref_slice %arg8[%dma_start3A_129, %dma_start3A_130] : memref<2x128xi32, #tpu.memory_space<vmem>> -> memref<1x128xi32, #tpu.memory_space<vmem>>
          %dma_start3A_132 = tpu.memref_squeeze %dma_start3A_131 : memref<1x128xi32, #tpu.memory_space<vmem>> -> memref<128xi32, #tpu.memory_space<vmem>>
          %dma_start3A_133 = arith.constant 0 : i32
          %dma_start3A_134 = arith.constant 0 : i32
          %dma_start3A_135 = tpu.memref_slice %arg2[%dma_start3A_133, %dma_start3A_134] : memref<10000x64xf32, #tpu.memory_space<hbm>> -> memref<10000x64xf32, #tpu.memory_space<hbm>>
          tpu.enqueue_indirect_dma source(%dma_start3A_135 : memref<10000x64xf32, #tpu.memory_space<hbm>>) target(%arg6 : memref<128x64xf32, #tpu.memory_space<vmem>>) offsets(%dma_start3A_132 : memref<128xi32, #tpu.memory_space<vmem>>) semaphore(%arg12 : memref<!tpu.dma_semaphore, #tpu.memory_space<semaphore_mem>>)
        } else {
        }
        %add3A_101 = arith.constant 2 : i32
        %add3A_102 = arith.addi %add3A_58, %add3A_101 : i32
        %lt3A_103 = arith.cmpi slt, %add3A_102, %select_n3A : i32
        %convert_element_type3A_104 = arith.extui %lt3A_103 : i1 to i32
        %cond3A_105 = arith.constant 0 : i32
        %cond3A_106 = arith.cmpi ne, %convert_element_type3A_104, %cond3A_105 : i32
        scf.if %cond3A_106 {
          %add3A_121 = arith.addi %mul3A_22, %add3A_58 : i32
          %add3A_122 = arith.constant 2 : i32
          %add3A_123 = arith.addi %add3A_121, %add3A_122 : i32
          %dma_start3A_124 = arith.constant 0 : i32
          %dma_start3A_125 = arith.constant 0 : i32
          %dma_start3A_126 = tpu.memref_slice %arg3[%dma_start3A_124, %add3A_123, %dma_start3A_125] : memref<2x2500x128xi32, #tpu.memory_space<hbm>> -> memref<2x1x128xi32, #tpu.memory_space<hbm>>
          %dma_start3A_127 = tpu.memref_squeeze %dma_start3A_126 : memref<2x1x128xi32, #tpu.memory_space<hbm>> -> memref<2x128xi32, #tpu.memory_space<hbm>>
          %dma_start3A_128 = arith.constant 0 : i32
          %dma_start3A_129 = arith.constant 0 : i32
          %dma_start3A_130 = tpu.memref_slice %arg3[%dma_start3A_128, %add3A_123, %dma_start3A_129] : memref<2x2500x128xi32, #tpu.memory_space<hbm>> -> memref<2x1x128xi32, #tpu.memory_space<hbm>>
          %dma_start3A_131 = tpu.memref_squeeze %dma_start3A_130 : memref<2x1x128xi32, #tpu.memory_space<hbm>> -> memref<2x128xi32, #tpu.memory_space<hbm>>
          tpu.enqueue_dma source(%dma_start3A_131 : memref<2x128xi32, #tpu.memory_space<hbm>>) target(%arg9 : memref<2x128xi32, #tpu.memory_space<vmem>>) target_semaphore(%arg17 : memref<!tpu.dma_semaphore, #tpu.memory_space<semaphore_mem>>)
        } else {
        }
        %dma_wait3A_107 = arith.constant 0 : i32
        %dma_wait3A_108 = arith.constant 0 : i32
        %dma_wait3A_109 = tpu.memref_slice %arg7[%dma_wait3A_107, %dma_wait3A_108] : memref<2x128xi32, #tpu.memory_space<vmem>> -> memref<1x128xi32, #tpu.memory_space<vmem>>
        %dma_wait3A_110 = tpu.memref_squeeze %dma_wait3A_109 : memref<1x128xi32, #tpu.memory_space<vmem>> -> memref<128xi32, #tpu.memory_space<vmem>>
        %dma_wait3A_111 = arith.constant 0 : i32
        %dma_wait3A_112 = arith.constant 0 : i32
        %dma_wait3A_113 = tpu.memref_slice %arg2[%dma_wait3A_111, %dma_wait3A_112] : memref<10000x64xf32, #tpu.memory_space<hbm>> -> memref<10000x64xf32, #tpu.memory_space<hbm>>
        tpu.wait_indirect_dma semaphore(%arg11 : memref<!tpu.dma_semaphore, #tpu.memory_space<semaphore_mem>>) src(%dma_wait3A_113 : memref<10000x64xf32, #tpu.memory_space<hbm>>) dst(%arg5 : memref<128x64xf32, #tpu.memory_space<vmem>>)
        %dma_start3A_114 = arith.constant 1 : i32
        %dma_start3A_115 = arith.constant 0 : i32
        %dma_start3A_116 = tpu.memref_slice %arg7[%dma_start3A_114, %dma_start3A_115] : memref<2x128xi32, #tpu.memory_space<vmem>> -> memref<1x128xi32, #tpu.memory_space<vmem>>
        %dma_start3A_117 = tpu.memref_squeeze %dma_start3A_116 : memref<1x128xi32, #tpu.memory_space<vmem>> -> memref<128xi32, #tpu.memory_space<vmem>>
        %dma_start3A_118 = arith.constant 0 : i32
        %dma_start3A_119 = arith.constant 0 : i32
        %dma_start3A_120 = tpu.memref_slice %arg10[%dma_start3A_118, %dma_start3A_119] : memref<10240x64xf32, #tpu.memory_space<vmem_shared>> -> memref<10240x64xf32, #tpu.memory_space<vmem_shared>>
        tpu.enqueue_indirect_dma source(%arg5 : memref<128x64xf32, #tpu.memory_space<vmem>>) target(%dma_start3A_120 : memref<10240x64xf32, #tpu.memory_space<vmem_shared>>) offsets(%dma_start3A_117 : memref<128xi32, #tpu.memory_space<vmem>>) semaphore(%arg13 : memref<!tpu.dma_semaphore, #tpu.memory_space<semaphore_mem>>) {add = true}
      } else {
      }
      %add3A_60 = arith.constant 1 : i32
      %add3A_61 = arith.addi %mul3A_56, %add3A_60 : i32
      %lt3A_62 = arith.cmpi slt, %add3A_61, %select_n3A : i32
      %convert_element_type3A_63 = arith.extui %lt3A_62 : i1 to i32
      %cond3A_64 = arith.constant 0 : i32
      %cond3A_65 = arith.cmpi ne, %convert_element_type3A_63, %cond3A_64 : i32
      scf.if %cond3A_65 {
        %ge3A = arith.constant 1 : i32
        %ge3A_91 = arith.cmpi sge, %add3A_61, %ge3A : i32
        %convert_element_type3A_92 = arith.extui %ge3A_91 : i1 to i32
        %cond3A_93 = arith.constant 0 : i32
        %cond3A_94 = arith.cmpi ne, %convert_element_type3A_92, %cond3A_93 : i32
        scf.if %cond3A_94 {
          %dma_wait3A_121 = arith.constant 1 : i32
          %dma_wait3A_122 = arith.constant 0 : i32
          %dma_wait3A_123 = tpu.memref_slice %arg8[%dma_wait3A_121, %dma_wait3A_122] : memref<2x128xi32, #tpu.memory_space<vmem>> -> memref<1x128xi32, #tpu.memory_space<vmem>>
          %dma_wait3A_124 = tpu.memref_squeeze %dma_wait3A_123 : memref<1x128xi32, #tpu.memory_space<vmem>> -> memref<128xi32, #tpu.memory_space<vmem>>
          %dma_wait3A_125 = arith.constant 0 : i32
          %dma_wait3A_126 = arith.constant 0 : i32
          %dma_wait3A_127 = tpu.memref_slice %arg10[%dma_wait3A_125, %dma_wait3A_126] : memref<10240x64xf32, #tpu.memory_space<vmem_shared>> -> memref<10240x64xf32, #tpu.memory_space<vmem_shared>>
          tpu.wait_indirect_dma semaphore(%arg13 : memref<!tpu.dma_semaphore, #tpu.memory_space<semaphore_mem>>) src(%arg5 : memref<128x64xf32, #tpu.memory_space<vmem>>) dst(%dma_wait3A_127 : memref<10240x64xf32, #tpu.memory_space<vmem_shared>>)
        } else {
        }
        %add3A_95 = arith.constant 1 : i32
        %add3A_96 = arith.addi %add3A_61, %add3A_95 : i32
        %lt3A_97 = arith.cmpi slt, %add3A_96, %select_n3A : i32
        %convert_element_type3A_98 = arith.extui %lt3A_97 : i1 to i32
        %cond3A_99 = arith.constant 0 : i32
        %cond3A_100 = arith.cmpi ne, %convert_element_type3A_98, %cond3A_99 : i32
        scf.if %cond3A_100 {
          %dma_wait3A_121 = arith.constant 0 : i32
          %dma_wait3A_122 = arith.constant 0 : i32
          %dma_wait3A_123 = tpu.memref_slice %arg3[%dma_wait3A_121, %mul3A_22, %dma_wait3A_122] : memref<2x2500x128xi32, #tpu.memory_space<hbm>> -> memref<2x1x128xi32, #tpu.memory_space<hbm>>
          %dma_wait3A_124 = tpu.memref_squeeze %dma_wait3A_123 : memref<2x1x128xi32, #tpu.memory_space<hbm>> -> memref<2x128xi32, #tpu.memory_space<hbm>>
          %dma_wait3A_125 = arith.constant 0 : i32
          %dma_wait3A_126 = arith.constant 0 : i32
          %dma_wait3A_127 = tpu.memref_slice %arg3[%dma_wait3A_125, %mul3A_22, %dma_wait3A_126] : memref<2x2500x128xi32, #tpu.memory_space<hbm>> -> memref<2x1x128xi32, #tpu.memory_space<hbm>>
          %dma_wait3A_128 = tpu.memref_squeeze %dma_wait3A_127 : memref<2x1x128xi32, #tpu.memory_space<hbm>> -> memref<2x128xi32, #tpu.memory_space<hbm>>
          tpu.wait_dma2 semaphore(%arg17 : memref<!tpu.dma_semaphore, #tpu.memory_space<semaphore_mem>>) src(%dma_wait3A_128 : memref<2x128xi32, #tpu.memory_space<hbm>>) dst(%arg9 : memref<2x128xi32, #tpu.memory_space<vmem>>)
          %dma_start3A_129 = arith.constant 0 : i32
          %dma_start3A_130 = arith.constant 0 : i32
          %dma_start3A_131 = tpu.memref_slice %arg9[%dma_start3A_129, %dma_start3A_130] : memref<2x128xi32, #tpu.memory_space<vmem>> -> memref<1x128xi32, #tpu.memory_space<vmem>>
          %dma_start3A_132 = tpu.memref_squeeze %dma_start3A_131 : memref<1x128xi32, #tpu.memory_space<vmem>> -> memref<128xi32, #tpu.memory_space<vmem>>
          %dma_start3A_133 = arith.constant 0 : i32
          %dma_start3A_134 = arith.constant 0 : i32
          %dma_start3A_135 = tpu.memref_slice %arg2[%dma_start3A_133, %dma_start3A_134] : memref<10000x64xf32, #tpu.memory_space<hbm>> -> memref<10000x64xf32, #tpu.memory_space<hbm>>
          tpu.enqueue_indirect_dma source(%dma_start3A_135 : memref<10000x64xf32, #tpu.memory_space<hbm>>) target(%arg5 : memref<128x64xf32, #tpu.memory_space<vmem>>) offsets(%dma_start3A_132 : memref<128xi32, #tpu.memory_space<vmem>>) semaphore(%arg11 : memref<!tpu.dma_semaphore, #tpu.memory_space<semaphore_mem>>)
        } else {
        }
        %add3A_101 = arith.constant 2 : i32
        %add3A_102 = arith.addi %add3A_61, %add3A_101 : i32
        %lt3A_103 = arith.cmpi slt, %add3A_102, %select_n3A : i32
        %convert_element_type3A_104 = arith.extui %lt3A_103 : i1 to i32
        %cond3A_105 = arith.constant 0 : i32
        %cond3A_106 = arith.cmpi ne, %convert_element_type3A_104, %cond3A_105 : i32
        scf.if %cond3A_106 {
          %add3A_121 = arith.addi %mul3A_22, %add3A_61 : i32
          %add3A_122 = arith.constant 2 : i32
          %add3A_123 = arith.addi %add3A_121, %add3A_122 : i32
          %dma_start3A_124 = arith.constant 0 : i32
          %dma_start3A_125 = arith.constant 0 : i32
          %dma_start3A_126 = tpu.memref_slice %arg3[%dma_start3A_124, %add3A_123, %dma_start3A_125] : memref<2x2500x128xi32, #tpu.memory_space<hbm>> -> memref<2x1x128xi32, #tpu.memory_space<hbm>>
          %dma_start3A_127 = tpu.memref_squeeze %dma_start3A_126 : memref<2x1x128xi32, #tpu.memory_space<hbm>> -> memref<2x128xi32, #tpu.memory_space<hbm>>
          %dma_start3A_128 = arith.constant 0 : i32
          %dma_start3A_129 = arith.constant 0 : i32
          %dma_start3A_130 = tpu.memref_slice %arg3[%dma_start3A_128, %add3A_123, %dma_start3A_129] : memref<2x2500x128xi32, #tpu.memory_space<hbm>> -> memref<2x1x128xi32, #tpu.memory_space<hbm>>
          %dma_start3A_131 = tpu.memref_squeeze %dma_start3A_130 : memref<2x1x128xi32, #tpu.memory_space<hbm>> -> memref<2x128xi32, #tpu.memory_space<hbm>>
          tpu.enqueue_dma source(%dma_start3A_131 : memref<2x128xi32, #tpu.memory_space<hbm>>) target(%arg7 : memref<2x128xi32, #tpu.memory_space<vmem>>) target_semaphore(%arg15 : memref<!tpu.dma_semaphore, #tpu.memory_space<semaphore_mem>>)
        } else {
        }
        %dma_wait3A_107 = arith.constant 0 : i32
        %dma_wait3A_108 = arith.constant 0 : i32
        %dma_wait3A_109 = tpu.memref_slice %arg8[%dma_wait3A_107, %dma_wait3A_108] : memref<2x128xi32, #tpu.memory_space<vmem>> -> memref<1x128xi32, #tpu.memory_space<vmem>>
        %dma_wait3A_110 = tpu.memref_squeeze %dma_wait3A_109 : memref<1x128xi32, #tpu.memory_space<vmem>> -> memref<128xi32, #tpu.memory_space<vmem>>
        %dma_wait3A_111 = arith.constant 0 : i32
        %dma_wait3A_112 = arith.constant 0 : i32
        %dma_wait3A_113 = tpu.memref_slice %arg2[%dma_wait3A_111, %dma_wait3A_112] : memref<10000x64xf32, #tpu.memory_space<hbm>> -> memref<10000x64xf32, #tpu.memory_space<hbm>>
        tpu.wait_indirect_dma semaphore(%arg12 : memref<!tpu.dma_semaphore, #tpu.memory_space<semaphore_mem>>) src(%dma_wait3A_113 : memref<10000x64xf32, #tpu.memory_space<hbm>>) dst(%arg6 : memref<128x64xf32, #tpu.memory_space<vmem>>)
        %dma_start3A_114 = arith.constant 1 : i32
        %dma_start3A_115 = arith.constant 0 : i32
        %dma_start3A_116 = tpu.memref_slice %arg8[%dma_start3A_114, %dma_start3A_115] : memref<2x128xi32, #tpu.memory_space<vmem>> -> memref<1x128xi32, #tpu.memory_space<vmem>>
        %dma_start3A_117 = tpu.memref_squeeze %dma_start3A_116 : memref<1x128xi32, #tpu.memory_space<vmem>> -> memref<128xi32, #tpu.memory_space<vmem>>
        %dma_start3A_118 = arith.constant 0 : i32
        %dma_start3A_119 = arith.constant 0 : i32
        %dma_start3A_120 = tpu.memref_slice %arg10[%dma_start3A_118, %dma_start3A_119] : memref<10240x64xf32, #tpu.memory_space<vmem_shared>> -> memref<10240x64xf32, #tpu.memory_space<vmem_shared>>
        tpu.enqueue_indirect_dma source(%arg6 : memref<128x64xf32, #tpu.memory_space<vmem>>) target(%dma_start3A_120 : memref<10240x64xf32, #tpu.memory_space<vmem_shared>>) offsets(%dma_start3A_117 : memref<128xi32, #tpu.memory_space<vmem>>) semaphore(%arg14 : memref<!tpu.dma_semaphore, #tpu.memory_space<semaphore_mem>>) {add = true}
      } else {
      }
      %add3A_66 = arith.constant 2 : i32
      %add3A_67 = arith.addi %mul3A_56, %add3A_66 : i32
      %lt3A_68 = arith.cmpi slt, %add3A_67, %select_n3A : i32
      %convert_element_type3A_69 = arith.extui %lt3A_68 : i1 to i32
      %cond3A_70 = arith.constant 0 : i32
      %cond3A_71 = arith.cmpi ne, %convert_element_type3A_69, %cond3A_70 : i32
      scf.if %cond3A_71 {
        %ge3A = arith.constant 1 : i32
        %ge3A_91 = arith.cmpi sge, %add3A_67, %ge3A : i32
        %convert_element_type3A_92 = arith.extui %ge3A_91 : i1 to i32
        %cond3A_93 = arith.constant 0 : i32
        %cond3A_94 = arith.cmpi ne, %convert_element_type3A_92, %cond3A_93 : i32
        scf.if %cond3A_94 {
          %dma_wait3A_121 = arith.constant 1 : i32
          %dma_wait3A_122 = arith.constant 0 : i32
          %dma_wait3A_123 = tpu.memref_slice %arg9[%dma_wait3A_121, %dma_wait3A_122] : memref<2x128xi32, #tpu.memory_space<vmem>> -> memref<1x128xi32, #tpu.memory_space<vmem>>
          %dma_wait3A_124 = tpu.memref_squeeze %dma_wait3A_123 : memref<1x128xi32, #tpu.memory_space<vmem>> -> memref<128xi32, #tpu.memory_space<vmem>>
          %dma_wait3A_125 = arith.constant 0 : i32
          %dma_wait3A_126 = arith.constant 0 : i32
          %dma_wait3A_127 = tpu.memref_slice %arg10[%dma_wait3A_125, %dma_wait3A_126] : memref<10240x64xf32, #tpu.memory_space<vmem_shared>> -> memref<10240x64xf32, #tpu.memory_space<vmem_shared>>
          tpu.wait_indirect_dma semaphore(%arg14 : memref<!tpu.dma_semaphore, #tpu.memory_space<semaphore_mem>>) src(%arg6 : memref<128x64xf32, #tpu.memory_space<vmem>>) dst(%dma_wait3A_127 : memref<10240x64xf32, #tpu.memory_space<vmem_shared>>)
        } else {
        }
        %add3A_95 = arith.constant 1 : i32
        %add3A_96 = arith.addi %add3A_67, %add3A_95 : i32
        %lt3A_97 = arith.cmpi slt, %add3A_96, %select_n3A : i32
        %convert_element_type3A_98 = arith.extui %lt3A_97 : i1 to i32
        %cond3A_99 = arith.constant 0 : i32
        %cond3A_100 = arith.cmpi ne, %convert_element_type3A_98, %cond3A_99 : i32
        scf.if %cond3A_100 {
          %dma_wait3A_121 = arith.constant 0 : i32
          %dma_wait3A_122 = arith.constant 0 : i32
          %dma_wait3A_123 = tpu.memref_slice %arg3[%dma_wait3A_121, %mul3A_22, %dma_wait3A_122] : memref<2x2500x128xi32, #tpu.memory_space<hbm>> -> memref<2x1x128xi32, #tpu.memory_space<hbm>>
          %dma_wait3A_124 = tpu.memref_squeeze %dma_wait3A_123 : memref<2x1x128xi32, #tpu.memory_space<hbm>> -> memref<2x128xi32, #tpu.memory_space<hbm>>
          %dma_wait3A_125 = arith.constant 0 : i32
          %dma_wait3A_126 = arith.constant 0 : i32
          %dma_wait3A_127 = tpu.memref_slice %arg3[%dma_wait3A_125, %mul3A_22, %dma_wait3A_126] : memref<2x2500x128xi32, #tpu.memory_space<hbm>> -> memref<2x1x128xi32, #tpu.memory_space<hbm>>
          %dma_wait3A_128 = tpu.memref_squeeze %dma_wait3A_127 : memref<2x1x128xi32, #tpu.memory_space<hbm>> -> memref<2x128xi32, #tpu.memory_space<hbm>>
          tpu.wait_dma2 semaphore(%arg15 : memref<!tpu.dma_semaphore, #tpu.memory_space<semaphore_mem>>) src(%dma_wait3A_128 : memref<2x128xi32, #tpu.memory_space<hbm>>) dst(%arg7 : memref<2x128xi32, #tpu.memory_space<vmem>>)
          %dma_start3A_129 = arith.constant 0 : i32
          %dma_start3A_130 = arith.constant 0 : i32
          %dma_start3A_131 = tpu.memref_slice %arg7[%dma_start3A_129, %dma_start3A_130] : memref<2x128xi32, #tpu.memory_space<vmem>> -> memref<1x128xi32, #tpu.memory_space<vmem>>
          %dma_start3A_132 = tpu.memref_squeeze %dma_start3A_131 : memref<1x128xi32, #tpu.memory_space<vmem>> -> memref<128xi32, #tpu.memory_space<vmem>>
          %dma_start3A_133 = arith.constant 0 : i32
          %dma_start3A_134 = arith.constant 0 : i32
          %dma_start3A_135 = tpu.memref_slice %arg2[%dma_start3A_133, %dma_start3A_134] : memref<10000x64xf32, #tpu.memory_space<hbm>> -> memref<10000x64xf32, #tpu.memory_space<hbm>>
          tpu.enqueue_indirect_dma source(%dma_start3A_135 : memref<10000x64xf32, #tpu.memory_space<hbm>>) target(%arg6 : memref<128x64xf32, #tpu.memory_space<vmem>>) offsets(%dma_start3A_132 : memref<128xi32, #tpu.memory_space<vmem>>) semaphore(%arg12 : memref<!tpu.dma_semaphore, #tpu.memory_space<semaphore_mem>>)
        } else {
        }
        %add3A_101 = arith.constant 2 : i32
        %add3A_102 = arith.addi %add3A_67, %add3A_101 : i32
        %lt3A_103 = arith.cmpi slt, %add3A_102, %select_n3A : i32
        %convert_element_type3A_104 = arith.extui %lt3A_103 : i1 to i32
        %cond3A_105 = arith.constant 0 : i32
        %cond3A_106 = arith.cmpi ne, %convert_element_type3A_104, %cond3A_105 : i32
        scf.if %cond3A_106 {
          %add3A_121 = arith.addi %mul3A_22, %add3A_67 : i32
          %add3A_122 = arith.constant 2 : i32
          %add3A_123 = arith.addi %add3A_121, %add3A_122 : i32
          %dma_start3A_124 = arith.constant 0 : i32
          %dma_start3A_125 = arith.constant 0 : i32
          %dma_start3A_126 = tpu.memref_slice %arg3[%dma_start3A_124, %add3A_123, %dma_start3A_125] : memref<2x2500x128xi32, #tpu.memory_space<hbm>> -> memref<2x1x128xi32, #tpu.memory_space<hbm>>
          %dma_start3A_127 = tpu.memref_squeeze %dma_start3A_126 : memref<2x1x128xi32, #tpu.memory_space<hbm>> -> memref<2x128xi32, #tpu.memory_space<hbm>>
          %dma_start3A_128 = arith.constant 0 : i32
          %dma_start3A_129 = arith.constant 0 : i32
          %dma_start3A_130 = tpu.memref_slice %arg3[%dma_start3A_128, %add3A_123, %dma_start3A_129] : memref<2x2500x128xi32, #tpu.memory_space<hbm>> -> memref<2x1x128xi32, #tpu.memory_space<hbm>>
          %dma_start3A_131 = tpu.memref_squeeze %dma_start3A_130 : memref<2x1x128xi32, #tpu.memory_space<hbm>> -> memref<2x128xi32, #tpu.memory_space<hbm>>
          tpu.enqueue_dma source(%dma_start3A_131 : memref<2x128xi32, #tpu.memory_space<hbm>>) target(%arg8 : memref<2x128xi32, #tpu.memory_space<vmem>>) target_semaphore(%arg16 : memref<!tpu.dma_semaphore, #tpu.memory_space<semaphore_mem>>)
        } else {
        }
        %dma_wait3A_107 = arith.constant 0 : i32
        %dma_wait3A_108 = arith.constant 0 : i32
        %dma_wait3A_109 = tpu.memref_slice %arg9[%dma_wait3A_107, %dma_wait3A_108] : memref<2x128xi32, #tpu.memory_space<vmem>> -> memref<1x128xi32, #tpu.memory_space<vmem>>
        %dma_wait3A_110 = tpu.memref_squeeze %dma_wait3A_109 : memref<1x128xi32, #tpu.memory_space<vmem>> -> memref<128xi32, #tpu.memory_space<vmem>>
        %dma_wait3A_111 = arith.constant 0 : i32
        %dma_wait3A_112 = arith.constant 0 : i32
        %dma_wait3A_113 = tpu.memref_slice %arg2[%dma_wait3A_111, %dma_wait3A_112] : memref<10000x64xf32, #tpu.memory_space<hbm>> -> memref<10000x64xf32, #tpu.memory_space<hbm>>
        tpu.wait_indirect_dma semaphore(%arg11 : memref<!tpu.dma_semaphore, #tpu.memory_space<semaphore_mem>>) src(%dma_wait3A_113 : memref<10000x64xf32, #tpu.memory_space<hbm>>) dst(%arg5 : memref<128x64xf32, #tpu.memory_space<vmem>>)
        %dma_start3A_114 = arith.constant 1 : i32
        %dma_start3A_115 = arith.constant 0 : i32
        %dma_start3A_116 = tpu.memref_slice %arg9[%dma_start3A_114, %dma_start3A_115] : memref<2x128xi32, #tpu.memory_space<vmem>> -> memref<1x128xi32, #tpu.memory_space<vmem>>
        %dma_start3A_117 = tpu.memref_squeeze %dma_start3A_116 : memref<1x128xi32, #tpu.memory_space<vmem>> -> memref<128xi32, #tpu.memory_space<vmem>>
        %dma_start3A_118 = arith.constant 0 : i32
        %dma_start3A_119 = arith.constant 0 : i32
        %dma_start3A_120 = tpu.memref_slice %arg10[%dma_start3A_118, %dma_start3A_119] : memref<10240x64xf32, #tpu.memory_space<vmem_shared>> -> memref<10240x64xf32, #tpu.memory_space<vmem_shared>>
        tpu.enqueue_indirect_dma source(%arg5 : memref<128x64xf32, #tpu.memory_space<vmem>>) target(%dma_start3A_120 : memref<10240x64xf32, #tpu.memory_space<vmem_shared>>) offsets(%dma_start3A_117 : memref<128xi32, #tpu.memory_space<vmem>>) semaphore(%arg13 : memref<!tpu.dma_semaphore, #tpu.memory_space<semaphore_mem>>) {add = true}
      } else {
      }
      %add3A_72 = arith.constant 3 : i32
      %add3A_73 = arith.addi %mul3A_56, %add3A_72 : i32
      %lt3A_74 = arith.cmpi slt, %add3A_73, %select_n3A : i32
      %convert_element_type3A_75 = arith.extui %lt3A_74 : i1 to i32
      %cond3A_76 = arith.constant 0 : i32
      %cond3A_77 = arith.cmpi ne, %convert_element_type3A_75, %cond3A_76 : i32
      scf.if %cond3A_77 {
        %ge3A = arith.constant 1 : i32
        %ge3A_91 = arith.cmpi sge, %add3A_73, %ge3A : i32
        %convert_element_type3A_92 = arith.extui %ge3A_91 : i1 to i32
        %cond3A_93 = arith.constant 0 : i32
        %cond3A_94 = arith.cmpi ne, %convert_element_type3A_92, %cond3A_93 : i32
        scf.if %cond3A_94 {
          %dma_wait3A_121 = arith.constant 1 : i32
          %dma_wait3A_122 = arith.constant 0 : i32
          %dma_wait3A_123 = tpu.memref_slice %arg7[%dma_wait3A_121, %dma_wait3A_122] : memref<2x128xi32, #tpu.memory_space<vmem>> -> memref<1x128xi32, #tpu.memory_space<vmem>>
          %dma_wait3A_124 = tpu.memref_squeeze %dma_wait3A_123 : memref<1x128xi32, #tpu.memory_space<vmem>> -> memref<128xi32, #tpu.memory_space<vmem>>
          %dma_wait3A_125 = arith.constant 0 : i32
          %dma_wait3A_126 = arith.constant 0 : i32
          %dma_wait3A_127 = tpu.memref_slice %arg10[%dma_wait3A_125, %dma_wait3A_126] : memref<10240x64xf32, #tpu.memory_space<vmem_shared>> -> memref<10240x64xf32, #tpu.memory_space<vmem_shared>>
          tpu.wait_indirect_dma semaphore(%arg13 : memref<!tpu.dma_semaphore, #tpu.memory_space<semaphore_mem>>) src(%arg5 : memref<128x64xf32, #tpu.memory_space<vmem>>) dst(%dma_wait3A_127 : memref<10240x64xf32, #tpu.memory_space<vmem_shared>>)
        } else {
        }
        %add3A_95 = arith.constant 1 : i32
        %add3A_96 = arith.addi %add3A_73, %add3A_95 : i32
        %lt3A_97 = arith.cmpi slt, %add3A_96, %select_n3A : i32
        %convert_element_type3A_98 = arith.extui %lt3A_97 : i1 to i32
        %cond3A_99 = arith.constant 0 : i32
        %cond3A_100 = arith.cmpi ne, %convert_element_type3A_98, %cond3A_99 : i32
        scf.if %cond3A_100 {
          %dma_wait3A_121 = arith.constant 0 : i32
          %dma_wait3A_122 = arith.constant 0 : i32
          %dma_wait3A_123 = tpu.memref_slice %arg3[%dma_wait3A_121, %mul3A_22, %dma_wait3A_122] : memref<2x2500x128xi32, #tpu.memory_space<hbm>> -> memref<2x1x128xi32, #tpu.memory_space<hbm>>
          %dma_wait3A_124 = tpu.memref_squeeze %dma_wait3A_123 : memref<2x1x128xi32, #tpu.memory_space<hbm>> -> memref<2x128xi32, #tpu.memory_space<hbm>>
          %dma_wait3A_125 = arith.constant 0 : i32
          %dma_wait3A_126 = arith.constant 0 : i32
          %dma_wait3A_127 = tpu.memref_slice %arg3[%dma_wait3A_125, %mul3A_22, %dma_wait3A_126] : memref<2x2500x128xi32, #tpu.memory_space<hbm>> -> memref<2x1x128xi32, #tpu.memory_space<hbm>>
          %dma_wait3A_128 = tpu.memref_squeeze %dma_wait3A_127 : memref<2x1x128xi32, #tpu.memory_space<hbm>> -> memref<2x128xi32, #tpu.memory_space<hbm>>
          tpu.wait_dma2 semaphore(%arg16 : memref<!tpu.dma_semaphore, #tpu.memory_space<semaphore_mem>>) src(%dma_wait3A_128 : memref<2x128xi32, #tpu.memory_space<hbm>>) dst(%arg8 : memref<2x128xi32, #tpu.memory_space<vmem>>)
          %dma_start3A_129 = arith.constant 0 : i32
          %dma_start3A_130 = arith.constant 0 : i32
          %dma_start3A_131 = tpu.memref_slice %arg8[%dma_start3A_129, %dma_start3A_130] : memref<2x128xi32, #tpu.memory_space<vmem>> -> memref<1x128xi32, #tpu.memory_space<vmem>>
          %dma_start3A_132 = tpu.memref_squeeze %dma_start3A_131 : memref<1x128xi32, #tpu.memory_space<vmem>> -> memref<128xi32, #tpu.memory_space<vmem>>
          %dma_start3A_133 = arith.constant 0 : i32
          %dma_start3A_134 = arith.constant 0 : i32
          %dma_start3A_135 = tpu.memref_slice %arg2[%dma_start3A_133, %dma_start3A_134] : memref<10000x64xf32, #tpu.memory_space<hbm>> -> memref<10000x64xf32, #tpu.memory_space<hbm>>
          tpu.enqueue_indirect_dma source(%dma_start3A_135 : memref<10000x64xf32, #tpu.memory_space<hbm>>) target(%arg5 : memref<128x64xf32, #tpu.memory_space<vmem>>) offsets(%dma_start3A_132 : memref<128xi32, #tpu.memory_space<vmem>>) semaphore(%arg11 : memref<!tpu.dma_semaphore, #tpu.memory_space<semaphore_mem>>)
        } else {
        }
        %add3A_101 = arith.constant 2 : i32
        %add3A_102 = arith.addi %add3A_73, %add3A_101 : i32
        %lt3A_103 = arith.cmpi slt, %add3A_102, %select_n3A : i32
        %convert_element_type3A_104 = arith.extui %lt3A_103 : i1 to i32
        %cond3A_105 = arith.constant 0 : i32
        %cond3A_106 = arith.cmpi ne, %convert_element_type3A_104, %cond3A_105 : i32
        scf.if %cond3A_106 {
          %add3A_121 = arith.addi %mul3A_22, %add3A_73 : i32
          %add3A_122 = arith.constant 2 : i32
          %add3A_123 = arith.addi %add3A_121, %add3A_122 : i32
          %dma_start3A_124 = arith.constant 0 : i32
          %dma_start3A_125 = arith.constant 0 : i32
          %dma_start3A_126 = tpu.memref_slice %arg3[%dma_start3A_124, %add3A_123, %dma_start3A_125] : memref<2x2500x128xi32, #tpu.memory_space<hbm>> -> memref<2x1x128xi32, #tpu.memory_space<hbm>>
          %dma_start3A_127 = tpu.memref_squeeze %dma_start3A_126 : memref<2x1x128xi32, #tpu.memory_space<hbm>> -> memref<2x128xi32, #tpu.memory_space<hbm>>
          %dma_start3A_128 = arith.constant 0 : i32
          %dma_start3A_129 = arith.constant 0 : i32
          %dma_start3A_130 = tpu.memref_slice %arg3[%dma_start3A_128, %add3A_123, %dma_start3A_129] : memref<2x2500x128xi32, #tpu.memory_space<hbm>> -> memref<2x1x128xi32, #tpu.memory_space<hbm>>
          %dma_start3A_131 = tpu.memref_squeeze %dma_start3A_130 : memref<2x1x128xi32, #tpu.memory_space<hbm>> -> memref<2x128xi32, #tpu.memory_space<hbm>>
          tpu.enqueue_dma source(%dma_start3A_131 : memref<2x128xi32, #tpu.memory_space<hbm>>) target(%arg9 : memref<2x128xi32, #tpu.memory_space<vmem>>) target_semaphore(%arg17 : memref<!tpu.dma_semaphore, #tpu.memory_space<semaphore_mem>>)
        } else {
        }
        %dma_wait3A_107 = arith.constant 0 : i32
        %dma_wait3A_108 = arith.constant 0 : i32
        %dma_wait3A_109 = tpu.memref_slice %arg7[%dma_wait3A_107, %dma_wait3A_108] : memref<2x128xi32, #tpu.memory_space<vmem>> -> memref<1x128xi32, #tpu.memory_space<vmem>>
        %dma_wait3A_110 = tpu.memref_squeeze %dma_wait3A_109 : memref<1x128xi32, #tpu.memory_space<vmem>> -> memref<128xi32, #tpu.memory_space<vmem>>
        %dma_wait3A_111 = arith.constant 0 : i32
        %dma_wait3A_112 = arith.constant 0 : i32
        %dma_wait3A_113 = tpu.memref_slice %arg2[%dma_wait3A_111, %dma_wait3A_112] : memref<10000x64xf32, #tpu.memory_space<hbm>> -> memref<10000x64xf32, #tpu.memory_space<hbm>>
        tpu.wait_indirect_dma semaphore(%arg12 : memref<!tpu.dma_semaphore, #tpu.memory_space<semaphore_mem>>) src(%dma_wait3A_113 : memref<10000x64xf32, #tpu.memory_space<hbm>>) dst(%arg6 : memref<128x64xf32, #tpu.memory_space<vmem>>)
        %dma_start3A_114 = arith.constant 1 : i32
        %dma_start3A_115 = arith.constant 0 : i32
        %dma_start3A_116 = tpu.memref_slice %arg7[%dma_start3A_114, %dma_start3A_115] : memref<2x128xi32, #tpu.memory_space<vmem>> -> memref<1x128xi32, #tpu.memory_space<vmem>>
        %dma_start3A_117 = tpu.memref_squeeze %dma_start3A_116 : memref<1x128xi32, #tpu.memory_space<vmem>> -> memref<128xi32, #tpu.memory_space<vmem>>
        %dma_start3A_118 = arith.constant 0 : i32
        %dma_start3A_119 = arith.constant 0 : i32
        %dma_start3A_120 = tpu.memref_slice %arg10[%dma_start3A_118, %dma_start3A_119] : memref<10240x64xf32, #tpu.memory_space<vmem_shared>> -> memref<10240x64xf32, #tpu.memory_space<vmem_shared>>
        tpu.enqueue_indirect_dma source(%arg6 : memref<128x64xf32, #tpu.memory_space<vmem>>) target(%dma_start3A_120 : memref<10240x64xf32, #tpu.memory_space<vmem_shared>>) offsets(%dma_start3A_117 : memref<128xi32, #tpu.memory_space<vmem>>) semaphore(%arg14 : memref<!tpu.dma_semaphore, #tpu.memory_space<semaphore_mem>>) {add = true}
      } else {
      }
      %add3A_78 = arith.constant 4 : i32
      %add3A_79 = arith.addi %mul3A_56, %add3A_78 : i32
      %lt3A_80 = arith.cmpi slt, %add3A_79, %select_n3A : i32
      %convert_element_type3A_81 = arith.extui %lt3A_80 : i1 to i32
      %cond3A_82 = arith.constant 0 : i32
      %cond3A_83 = arith.cmpi ne, %convert_element_type3A_81, %cond3A_82 : i32
      scf.if %cond3A_83 {
        %ge3A = arith.constant 1 : i32
        %ge3A_91 = arith.cmpi sge, %add3A_79, %ge3A : i32
        %convert_element_type3A_92 = arith.extui %ge3A_91 : i1 to i32
        %cond3A_93 = arith.constant 0 : i32
        %cond3A_94 = arith.cmpi ne, %convert_element_type3A_92, %cond3A_93 : i32
        scf.if %cond3A_94 {
          %dma_wait3A_121 = arith.constant 1 : i32
          %dma_wait3A_122 = arith.constant 0 : i32
          %dma_wait3A_123 = tpu.memref_slice %arg8[%dma_wait3A_121, %dma_wait3A_122] : memref<2x128xi32, #tpu.memory_space<vmem>> -> memref<1x128xi32, #tpu.memory_space<vmem>>
          %dma_wait3A_124 = tpu.memref_squeeze %dma_wait3A_123 : memref<1x128xi32, #tpu.memory_space<vmem>> -> memref<128xi32, #tpu.memory_space<vmem>>
          %dma_wait3A_125 = arith.constant 0 : i32
          %dma_wait3A_126 = arith.constant 0 : i32
          %dma_wait3A_127 = tpu.memref_slice %arg10[%dma_wait3A_125, %dma_wait3A_126] : memref<10240x64xf32, #tpu.memory_space<vmem_shared>> -> memref<10240x64xf32, #tpu.memory_space<vmem_shared>>
          tpu.wait_indirect_dma semaphore(%arg14 : memref<!tpu.dma_semaphore, #tpu.memory_space<semaphore_mem>>) src(%arg6 : memref<128x64xf32, #tpu.memory_space<vmem>>) dst(%dma_wait3A_127 : memref<10240x64xf32, #tpu.memory_space<vmem_shared>>)
        } else {
        }
        %add3A_95 = arith.constant 1 : i32
        %add3A_96 = arith.addi %add3A_79, %add3A_95 : i32
        %lt3A_97 = arith.cmpi slt, %add3A_96, %select_n3A : i32
        %convert_element_type3A_98 = arith.extui %lt3A_97 : i1 to i32
        %cond3A_99 = arith.constant 0 : i32
        %cond3A_100 = arith.cmpi ne, %convert_element_type3A_98, %cond3A_99 : i32
        scf.if %cond3A_100 {
          %dma_wait3A_121 = arith.constant 0 : i32
          %dma_wait3A_122 = arith.constant 0 : i32
          %dma_wait3A_123 = tpu.memref_slice %arg3[%dma_wait3A_121, %mul3A_22, %dma_wait3A_122] : memref<2x2500x128xi32, #tpu.memory_space<hbm>> -> memref<2x1x128xi32, #tpu.memory_space<hbm>>
          %dma_wait3A_124 = tpu.memref_squeeze %dma_wait3A_123 : memref<2x1x128xi32, #tpu.memory_space<hbm>> -> memref<2x128xi32, #tpu.memory_space<hbm>>
          %dma_wait3A_125 = arith.constant 0 : i32
          %dma_wait3A_126 = arith.constant 0 : i32
          %dma_wait3A_127 = tpu.memref_slice %arg3[%dma_wait3A_125, %mul3A_22, %dma_wait3A_126] : memref<2x2500x128xi32, #tpu.memory_space<hbm>> -> memref<2x1x128xi32, #tpu.memory_space<hbm>>
          %dma_wait3A_128 = tpu.memref_squeeze %dma_wait3A_127 : memref<2x1x128xi32, #tpu.memory_space<hbm>> -> memref<2x128xi32, #tpu.memory_space<hbm>>
          tpu.wait_dma2 semaphore(%arg17 : memref<!tpu.dma_semaphore, #tpu.memory_space<semaphore_mem>>) src(%dma_wait3A_128 : memref<2x128xi32, #tpu.memory_space<hbm>>) dst(%arg9 : memref<2x128xi32, #tpu.memory_space<vmem>>)
          %dma_start3A_129 = arith.constant 0 : i32
          %dma_start3A_130 = arith.constant 0 : i32
          %dma_start3A_131 = tpu.memref_slice %arg9[%dma_start3A_129, %dma_start3A_130] : memref<2x128xi32, #tpu.memory_space<vmem>> -> memref<1x128xi32, #tpu.memory_space<vmem>>
          %dma_start3A_132 = tpu.memref_squeeze %dma_start3A_131 : memref<1x128xi32, #tpu.memory_space<vmem>> -> memref<128xi32, #tpu.memory_space<vmem>>
          %dma_start3A_133 = arith.constant 0 : i32
          %dma_start3A_134 = arith.constant 0 : i32
          %dma_start3A_135 = tpu.memref_slice %arg2[%dma_start3A_133, %dma_start3A_134] : memref<10000x64xf32, #tpu.memory_space<hbm>> -> memref<10000x64xf32, #tpu.memory_space<hbm>>
          tpu.enqueue_indirect_dma source(%dma_start3A_135 : memref<10000x64xf32, #tpu.memory_space<hbm>>) target(%arg6 : memref<128x64xf32, #tpu.memory_space<vmem>>) offsets(%dma_start3A_132 : memref<128xi32, #tpu.memory_space<vmem>>) semaphore(%arg12 : memref<!tpu.dma_semaphore, #tpu.memory_space<semaphore_mem>>)
        } else {
        }
        %add3A_101 = arith.constant 2 : i32
        %add3A_102 = arith.addi %add3A_79, %add3A_101 : i32
        %lt3A_103 = arith.cmpi slt, %add3A_102, %select_n3A : i32
        %convert_element_type3A_104 = arith.extui %lt3A_103 : i1 to i32
        %cond3A_105 = arith.constant 0 : i32
        %cond3A_106 = arith.cmpi ne, %convert_element_type3A_104, %cond3A_105 : i32
        scf.if %cond3A_106 {
          %add3A_121 = arith.addi %mul3A_22, %add3A_79 : i32
          %add3A_122 = arith.constant 2 : i32
          %add3A_123 = arith.addi %add3A_121, %add3A_122 : i32
          %dma_start3A_124 = arith.constant 0 : i32
          %dma_start3A_125 = arith.constant 0 : i32
          %dma_start3A_126 = tpu.memref_slice %arg3[%dma_start3A_124, %add3A_123, %dma_start3A_125] : memref<2x2500x128xi32, #tpu.memory_space<hbm>> -> memref<2x1x128xi32, #tpu.memory_space<hbm>>
          %dma_start3A_127 = tpu.memref_squeeze %dma_start3A_126 : memref<2x1x128xi32, #tpu.memory_space<hbm>> -> memref<2x128xi32, #tpu.memory_space<hbm>>
          %dma_start3A_128 = arith.constant 0 : i32
          %dma_start3A_129 = arith.constant 0 : i32
          %dma_start3A_130 = tpu.memref_slice %arg3[%dma_start3A_128, %add3A_123, %dma_start3A_129] : memref<2x2500x128xi32, #tpu.memory_space<hbm>> -> memref<2x1x128xi32, #tpu.memory_space<hbm>>
          %dma_start3A_131 = tpu.memref_squeeze %dma_start3A_130 : memref<2x1x128xi32, #tpu.memory_space<hbm>> -> memref<2x128xi32, #tpu.memory_space<hbm>>
          tpu.enqueue_dma source(%dma_start3A_131 : memref<2x128xi32, #tpu.memory_space<hbm>>) target(%arg7 : memref<2x128xi32, #tpu.memory_space<vmem>>) target_semaphore(%arg15 : memref<!tpu.dma_semaphore, #tpu.memory_space<semaphore_mem>>)
        } else {
        }
        %dma_wait3A_107 = arith.constant 0 : i32
        %dma_wait3A_108 = arith.constant 0 : i32
        %dma_wait3A_109 = tpu.memref_slice %arg8[%dma_wait3A_107, %dma_wait3A_108] : memref<2x128xi32, #tpu.memory_space<vmem>> -> memref<1x128xi32, #tpu.memory_space<vmem>>
        %dma_wait3A_110 = tpu.memref_squeeze %dma_wait3A_109 : memref<1x128xi32, #tpu.memory_space<vmem>> -> memref<128xi32, #tpu.memory_space<vmem>>
        %dma_wait3A_111 = arith.constant 0 : i32
        %dma_wait3A_112 = arith.constant 0 : i32
        %dma_wait3A_113 = tpu.memref_slice %arg2[%dma_wait3A_111, %dma_wait3A_112] : memref<10000x64xf32, #tpu.memory_space<hbm>> -> memref<10000x64xf32, #tpu.memory_space<hbm>>
        tpu.wait_indirect_dma semaphore(%arg11 : memref<!tpu.dma_semaphore, #tpu.memory_space<semaphore_mem>>) src(%dma_wait3A_113 : memref<10000x64xf32, #tpu.memory_space<hbm>>) dst(%arg5 : memref<128x64xf32, #tpu.memory_space<vmem>>)
        %dma_start3A_114 = arith.constant 1 : i32
        %dma_start3A_115 = arith.constant 0 : i32
        %dma_start3A_116 = tpu.memref_slice %arg8[%dma_start3A_114, %dma_start3A_115] : memref<2x128xi32, #tpu.memory_space<vmem>> -> memref<1x128xi32, #tpu.memory_space<vmem>>
        %dma_start3A_117 = tpu.memref_squeeze %dma_start3A_116 : memref<1x128xi32, #tpu.memory_space<vmem>> -> memref<128xi32, #tpu.memory_space<vmem>>
        %dma_start3A_118 = arith.constant 0 : i32
        %dma_start3A_119 = arith.constant 0 : i32
        %dma_start3A_120 = tpu.memref_slice %arg10[%dma_start3A_118, %dma_start3A_119] : memref<10240x64xf32, #tpu.memory_space<vmem_shared>> -> memref<10240x64xf32, #tpu.memory_space<vmem_shared>>
        tpu.enqueue_indirect_dma source(%arg5 : memref<128x64xf32, #tpu.memory_space<vmem>>) target(%dma_start3A_120 : memref<10240x64xf32, #tpu.memory_space<vmem_shared>>) offsets(%dma_start3A_117 : memref<128xi32, #tpu.memory_space<vmem>>) semaphore(%arg13 : memref<!tpu.dma_semaphore, #tpu.memory_space<semaphore_mem>>) {add = true}
      } else {
      }
      %add3A_84 = arith.constant 5 : i32
      %add3A_85 = arith.addi %mul3A_56, %add3A_84 : i32
      %lt3A_86 = arith.cmpi slt, %add3A_85, %select_n3A : i32
      %convert_element_type3A_87 = arith.extui %lt3A_86 : i1 to i32
      %cond3A_88 = arith.constant 0 : i32
      %cond3A_89 = arith.cmpi ne, %convert_element_type3A_87, %cond3A_88 : i32
      scf.if %cond3A_89 {
        %ge3A = arith.constant 1 : i32
        %ge3A_91 = arith.cmpi sge, %add3A_85, %ge3A : i32
        %convert_element_type3A_92 = arith.extui %ge3A_91 : i1 to i32
        %cond3A_93 = arith.constant 0 : i32
        %cond3A_94 = arith.cmpi ne, %convert_element_type3A_92, %cond3A_93 : i32
        scf.if %cond3A_94 {
          %dma_wait3A_121 = arith.constant 1 : i32
          %dma_wait3A_122 = arith.constant 0 : i32
          %dma_wait3A_123 = tpu.memref_slice %arg9[%dma_wait3A_121, %dma_wait3A_122] : memref<2x128xi32, #tpu.memory_space<vmem>> -> memref<1x128xi32, #tpu.memory_space<vmem>>
          %dma_wait3A_124 = tpu.memref_squeeze %dma_wait3A_123 : memref<1x128xi32, #tpu.memory_space<vmem>> -> memref<128xi32, #tpu.memory_space<vmem>>
          %dma_wait3A_125 = arith.constant 0 : i32
          %dma_wait3A_126 = arith.constant 0 : i32
          %dma_wait3A_127 = tpu.memref_slice %arg10[%dma_wait3A_125, %dma_wait3A_126] : memref<10240x64xf32, #tpu.memory_space<vmem_shared>> -> memref<10240x64xf32, #tpu.memory_space<vmem_shared>>
          tpu.wait_indirect_dma semaphore(%arg13 : memref<!tpu.dma_semaphore, #tpu.memory_space<semaphore_mem>>) src(%arg5 : memref<128x64xf32, #tpu.memory_space<vmem>>) dst(%dma_wait3A_127 : memref<10240x64xf32, #tpu.memory_space<vmem_shared>>)
        } else {
        }
        %add3A_95 = arith.constant 1 : i32
        %add3A_96 = arith.addi %add3A_85, %add3A_95 : i32
        %lt3A_97 = arith.cmpi slt, %add3A_96, %select_n3A : i32
        %convert_element_type3A_98 = arith.extui %lt3A_97 : i1 to i32
        %cond3A_99 = arith.constant 0 : i32
        %cond3A_100 = arith.cmpi ne, %convert_element_type3A_98, %cond3A_99 : i32
        scf.if %cond3A_100 {
          %dma_wait3A_121 = arith.constant 0 : i32
          %dma_wait3A_122 = arith.constant 0 : i32
          %dma_wait3A_123 = tpu.memref_slice %arg3[%dma_wait3A_121, %mul3A_22, %dma_wait3A_122] : memref<2x2500x128xi32, #tpu.memory_space<hbm>> -> memref<2x1x128xi32, #tpu.memory_space<hbm>>
          %dma_wait3A_124 = tpu.memref_squeeze %dma_wait3A_123 : memref<2x1x128xi32, #tpu.memory_space<hbm>> -> memref<2x128xi32, #tpu.memory_space<hbm>>
          %dma_wait3A_125 = arith.constant 0 : i32
          %dma_wait3A_126 = arith.constant 0 : i32
          %dma_wait3A_127 = tpu.memref_slice %arg3[%dma_wait3A_125, %mul3A_22, %dma_wait3A_126] : memref<2x2500x128xi32, #tpu.memory_space<hbm>> -> memref<2x1x128xi32, #tpu.memory_space<hbm>>
          %dma_wait3A_128 = tpu.memref_squeeze %dma_wait3A_127 : memref<2x1x128xi32, #tpu.memory_space<hbm>> -> memref<2x128xi32, #tpu.memory_space<hbm>>
          tpu.wait_dma2 semaphore(%arg15 : memref<!tpu.dma_semaphore, #tpu.memory_space<semaphore_mem>>) src(%dma_wait3A_128 : memref<2x128xi32, #tpu.memory_space<hbm>>) dst(%arg7 : memref<2x128xi32, #tpu.memory_space<vmem>>)
          %dma_start3A_129 = arith.constant 0 : i32
          %dma_start3A_130 = arith.constant 0 : i32
          %dma_start3A_131 = tpu.memref_slice %arg7[%dma_start3A_129, %dma_start3A_130] : memref<2x128xi32, #tpu.memory_space<vmem>> -> memref<1x128xi32, #tpu.memory_space<vmem>>
          %dma_start3A_132 = tpu.memref_squeeze %dma_start3A_131 : memref<1x128xi32, #tpu.memory_space<vmem>> -> memref<128xi32, #tpu.memory_space<vmem>>
          %dma_start3A_133 = arith.constant 0 : i32
          %dma_start3A_134 = arith.constant 0 : i32
          %dma_start3A_135 = tpu.memref_slice %arg2[%dma_start3A_133, %dma_start3A_134] : memref<10000x64xf32, #tpu.memory_space<hbm>> -> memref<10000x64xf32, #tpu.memory_space<hbm>>
          tpu.enqueue_indirect_dma source(%dma_start3A_135 : memref<10000x64xf32, #tpu.memory_space<hbm>>) target(%arg5 : memref<128x64xf32, #tpu.memory_space<vmem>>) offsets(%dma_start3A_132 : memref<128xi32, #tpu.memory_space<vmem>>) semaphore(%arg11 : memref<!tpu.dma_semaphore, #tpu.memory_space<semaphore_mem>>)
        } else {
        }
        %add3A_101 = arith.constant 2 : i32
        %add3A_102 = arith.addi %add3A_85, %add3A_101 : i32
        %lt3A_103 = arith.cmpi slt, %add3A_102, %select_n3A : i32
        %convert_element_type3A_104 = arith.extui %lt3A_103 : i1 to i32
        %cond3A_105 = arith.constant 0 : i32
        %cond3A_106 = arith.cmpi ne, %convert_element_type3A_104, %cond3A_105 : i32
        scf.if %cond3A_106 {
          %add3A_121 = arith.addi %mul3A_22, %add3A_85 : i32
          %add3A_122 = arith.constant 2 : i32
          %add3A_123 = arith.addi %add3A_121, %add3A_122 : i32
          %dma_start3A_124 = arith.constant 0 : i32
          %dma_start3A_125 = arith.constant 0 : i32
          %dma_start3A_126 = tpu.memref_slice %arg3[%dma_start3A_124, %add3A_123, %dma_start3A_125] : memref<2x2500x128xi32, #tpu.memory_space<hbm>> -> memref<2x1x128xi32, #tpu.memory_space<hbm>>
          %dma_start3A_127 = tpu.memref_squeeze %dma_start3A_126 : memref<2x1x128xi32, #tpu.memory_space<hbm>> -> memref<2x128xi32, #tpu.memory_space<hbm>>
          %dma_start3A_128 = arith.constant 0 : i32
          %dma_start3A_129 = arith.constant 0 : i32
          %dma_start3A_130 = tpu.memref_slice %arg3[%dma_start3A_128, %add3A_123, %dma_start3A_129] : memref<2x2500x128xi32, #tpu.memory_space<hbm>> -> memref<2x1x128xi32, #tpu.memory_space<hbm>>
          %dma_start3A_131 = tpu.memref_squeeze %dma_start3A_130 : memref<2x1x128xi32, #tpu.memory_space<hbm>> -> memref<2x128xi32, #tpu.memory_space<hbm>>
          tpu.enqueue_dma source(%dma_start3A_131 : memref<2x128xi32, #tpu.memory_space<hbm>>) target(%arg8 : memref<2x128xi32, #tpu.memory_space<vmem>>) target_semaphore(%arg16 : memref<!tpu.dma_semaphore, #tpu.memory_space<semaphore_mem>>)
        } else {
        }
        %dma_wait3A_107 = arith.constant 0 : i32
        %dma_wait3A_108 = arith.constant 0 : i32
        %dma_wait3A_109 = tpu.memref_slice %arg9[%dma_wait3A_107, %dma_wait3A_108] : memref<2x128xi32, #tpu.memory_space<vmem>> -> memref<1x128xi32, #tpu.memory_space<vmem>>
        %dma_wait3A_110 = tpu.memref_squeeze %dma_wait3A_109 : memref<1x128xi32, #tpu.memory_space<vmem>> -> memref<128xi32, #tpu.memory_space<vmem>>
        %dma_wait3A_111 = arith.constant 0 : i32
        %dma_wait3A_112 = arith.constant 0 : i32
        %dma_wait3A_113 = tpu.memref_slice %arg2[%dma_wait3A_111, %dma_wait3A_112] : memref<10000x64xf32, #tpu.memory_space<hbm>> -> memref<10000x64xf32, #tpu.memory_space<hbm>>
        tpu.wait_indirect_dma semaphore(%arg12 : memref<!tpu.dma_semaphore, #tpu.memory_space<semaphore_mem>>) src(%dma_wait3A_113 : memref<10000x64xf32, #tpu.memory_space<hbm>>) dst(%arg6 : memref<128x64xf32, #tpu.memory_space<vmem>>)
        %dma_start3A_114 = arith.constant 1 : i32
        %dma_start3A_115 = arith.constant 0 : i32
        %dma_start3A_116 = tpu.memref_slice %arg9[%dma_start3A_114, %dma_start3A_115] : memref<2x128xi32, #tpu.memory_space<vmem>> -> memref<1x128xi32, #tpu.memory_space<vmem>>
        %dma_start3A_117 = tpu.memref_squeeze %dma_start3A_116 : memref<1x128xi32, #tpu.memory_space<vmem>> -> memref<128xi32, #tpu.memory_space<vmem>>
        %dma_start3A_118 = arith.constant 0 : i32
        %dma_start3A_119 = arith.constant 0 : i32
        %dma_start3A_120 = tpu.memref_slice %arg10[%dma_start3A_118, %dma_start3A_119] : memref<10240x64xf32, #tpu.memory_space<vmem_shared>> -> memref<10240x64xf32, #tpu.memory_space<vmem_shared>>
        tpu.enqueue_indirect_dma source(%arg6 : memref<128x64xf32, #tpu.memory_space<vmem>>) target(%dma_start3A_120 : memref<10240x64xf32, #tpu.memory_space<vmem_shared>>) offsets(%dma_start3A_117 : memref<128xi32, #tpu.memory_space<vmem>>) semaphore(%arg14 : memref<!tpu.dma_semaphore, #tpu.memory_space<semaphore_mem>>) {add = true}
      } else {
      }
      %scan3A_90 = arith.constant 0 : i32
      scf.yield %scan3A_90 : i32
    }
    %scan3A_45 = arith.constant 14 : i32
    %dma_wait3A = arith.constant 1 : i32
    %dma_wait3A_46 = arith.constant 0 : i32
    %dma_wait3A_47 = tpu.memref_slice %arg7[%dma_wait3A, %dma_wait3A_46] : memref<2x128xi32, #tpu.memory_space<vmem>> -> memref<1x128xi32, #tpu.memory_space<vmem>>
    %dma_wait3A_48 = tpu.memref_squeeze %dma_wait3A_47 : memref<1x128xi32, #tpu.memory_space<vmem>> -> memref<128xi32, #tpu.memory_space<vmem>>
    %dma_wait3A_49 = arith.constant 0 : i32
    %dma_wait3A_50 = arith.constant 0 : i32
    %dma_wait3A_51 = tpu.memref_slice %arg10[%dma_wait3A_49, %dma_wait3A_50] : memref<10240x64xf32, #tpu.memory_space<vmem_shared>> -> memref<10240x64xf32, #tpu.memory_space<vmem_shared>>
    tpu.wait_indirect_dma semaphore(%arg13 : memref<!tpu.dma_semaphore, #tpu.memory_space<semaphore_mem>>) src(%arg5 : memref<128x64xf32, #tpu.memory_space<vmem>>) dst(%dma_wait3A_51 : memref<10240x64xf32, #tpu.memory_space<vmem_shared>>)
    %barrier3A_52 = arith.constant 0 : index
    tpu.barrier barrier_id(%barrier3A_52)
    "tpu.region"() ({
      %run_scoped3A = tpu.sem_alloc : memref<!tpu.dma_semaphore, #tpu.memory_space<semaphore_mem>>
      %dma_start3A_53 = arith.constant 0 : i32
      %dma_start3A_54 = tpu.memref_slice %arg4[%arg0, %mul3A_8, %dma_start3A_53] : memref<2x10240x64xf32, #tpu.memory_space<hbm>> -> memref<1x640x64xf32, #tpu.memory_space<hbm>>
      %dma_start3A_55 = tpu.memref_squeeze %dma_start3A_54 : memref<1x640x64xf32, #tpu.memory_space<hbm>> -> memref<640x64xf32, #tpu.memory_space<hbm>>
      %dma_start3A_56 = arith.constant 0 : i32
      %dma_start3A_57 = tpu.memref_slice %arg10[%mul3A_8, %dma_start3A_56] : memref<10240x64xf32, #tpu.memory_space<vmem_shared>> -> memref<640x64xf32, #tpu.memory_space<vmem_shared>>
      tpu.enqueue_dma source(%dma_start3A_57 : memref<640x64xf32, #tpu.memory_space<vmem_shared>>) target(%dma_start3A_55 : memref<640x64xf32, #tpu.memory_space<hbm>>) target_semaphore(%run_scoped3A : memref<!tpu.dma_semaphore, #tpu.memory_space<semaphore_mem>>)
      %dma_wait3A_58 = arith.constant 0 : i32
      %dma_wait3A_59 = tpu.memref_slice %arg4[%arg0, %mul3A_8, %dma_wait3A_58] : memref<2x10240x64xf32, #tpu.memory_space<hbm>> -> memref<1x640x64xf32, #tpu.memory_space<hbm>>
      %dma_wait3A_60 = tpu.memref_squeeze %dma_wait3A_59 : memref<1x640x64xf32, #tpu.memory_space<hbm>> -> memref<640x64xf32, #tpu.memory_space<hbm>>
      %dma_wait3A_61 = arith.constant 0 : i32
      %dma_wait3A_62 = tpu.memref_slice %arg10[%mul3A_8, %dma_wait3A_61] : memref<10240x64xf32, #tpu.memory_space<vmem_shared>> -> memref<640x64xf32, #tpu.memory_space<vmem_shared>>
      tpu.wait_dma2 semaphore(%run_scoped3A : memref<!tpu.dma_semaphore, #tpu.memory_space<semaphore_mem>>) src(%dma_wait3A_62 : memref<640x64xf32, #tpu.memory_space<vmem_shared>>) dst(%dma_wait3A_60 : memref<640x64xf32, #tpu.memory_space<hbm>>)
      tpu.yield
    }) : () -> ()
    return
  }
}

#map = affine_map<(d0, d1) -> (0, 0, 0)>
#map1 = affine_map<(d0, d1) -> (0)>
module attributes {stable_mosaic.version = 14 : i64} {
  func.func @_deg_body(%arg0: i32, %arg1: i32, %arg2: memref<2x2500x128xi32, #tpu.memory_space<hbm>>, %arg3: memref<10240xf32, #tpu.memory_space<hbm>>, %arg4: memref<2x157x128xi32, #tpu.memory_space<vmem>>, %arg5: memref<128xf32, #tpu.memory_space<vmem>>, %arg6: memref<640xf32, #tpu.memory_space<vmem>>, %arg7: memref<640xf32, #tpu.memory_space<vmem>>, %arg8: memref<640xf32, #tpu.memory_space<vmem>>, %arg9: memref<10240xf32, #tpu.memory_space<vmem_shared>>, %arg10: memref<!tpu.dma_semaphore, #tpu.memory_space<semaphore_mem>>) attributes {dimension_semantics = [#tpu.dimension_semantics<core_parallel>, #tpu.dimension_semantics<subcore_parallel>], iteration_bounds = array<i64: 2, 16>, scalar_prefetch = 0 : i64, scratch_operands = 7 : i64, tpu.core_type = #tpu.core_type<sc_vector_subcore>, window_params = [{transform_indices = #map}, {transform_indices = #map1}]} {
    %mul3A = arith.constant 640 : i32
    %mul3A_0 = arith.muli %arg1, %mul3A : i32
    %scan3A = arith.constant 0 : i32
    %scan3A_1 = arith.constant 0 : i32
    %scan3A_2 = arith.constant 8 : i32
    %scan3A_3 = arith.addi %scan3A_1, %scan3A_2 : i32
    %scan3A_4 = arith.constant 1 : i32
    %scan3A_5 = scf.for %scan3A_54 = %scan3A_1 to %scan3A_3 step %scan3A_4 iter_args(%scan3A_55 = %scan3A) -> (i32)  : i32 {
      %broadcast_in_dim3A = arith.constant 1.000000e+00 : f32
      %broadcast_in_dim3A_56 = vector.broadcast %broadcast_in_dim3A : f32 to vector<16xf32>
      %mul3A_57 = arith.constant 16 : i32
      %mul3A_58 = arith.muli %scan3A_54, %mul3A_57 : i32
      %swap3A = arith.index_cast %mul3A_58 : i32 to index
      %swap3A_59 = tpu.vector_load %arg5[%swap3A] {strides = array<i32>} : memref<128xf32, #tpu.memory_space<vmem>>, vector<16xf32>,
      %swap3A_60 = vector.shape_cast %swap3A_59 : vector<16xf32> to vector<16xf32>
      %swap3A_61 = vector.shape_cast %broadcast_in_dim3A_56 : vector<16xf32> to vector<16xf32>
      tpu.vector_store %arg5[%swap3A], %swap3A_61 {strides = array<i32>} : memref<128xf32, #tpu.memory_space<vmem>>, vector<16xf32>,
      %scan3A_62 = arith.constant 0 : i32
      scf.yield %scan3A_62 : i32
    }
    %scan3A_6 = arith.constant 8 : i32
    %scan3A_7 = arith.constant 0 : i32
    %scan3A_8 = arith.constant 0 : i32
    %scan3A_9 = arith.constant 40 : i32
    %scan3A_10 = arith.addi %scan3A_8, %scan3A_9 : i32
    %scan3A_11 = arith.constant 1 : i32
    %scan3A_12 = scf.for %scan3A_54 = %scan3A_8 to %scan3A_10 step %scan3A_11 iter_args(%scan3A_55 = %scan3A_7) -> (i32)  : i32 {
      %broadcast_in_dim3A = arith.constant 0.000000e+00 : f32
      %broadcast_in_dim3A_56 = vector.broadcast %broadcast_in_dim3A : f32 to vector<16xf32>
      %mul3A_57 = arith.constant 16 : i32
      %mul3A_58 = arith.muli %scan3A_54, %mul3A_57 : i32
      %swap3A = arith.index_cast %mul3A_58 : i32 to index
      %swap3A_59 = tpu.vector_load %arg6[%swap3A] {strides = array<i32>} : memref<640xf32, #tpu.memory_space<vmem>>, vector<16xf32>,
      %swap3A_60 = vector.shape_cast %swap3A_59 : vector<16xf32> to vector<16xf32>
      %swap3A_61 = vector.shape_cast %broadcast_in_dim3A_56 : vector<16xf32> to vector<16xf32>
      tpu.vector_store %arg6[%swap3A], %swap3A_61 {strides = array<i32>} : memref<640xf32, #tpu.memory_space<vmem>>, vector<16xf32>,
      %scan3A_62 = arith.constant 0 : i32
      scf.yield %scan3A_62 : i32
    }
    %scan3A_13 = arith.constant 40 : i32
    "tpu.region"() ({
      %run_scoped3A = tpu.sem_alloc : memref<!tpu.dma_semaphore, #tpu.memory_space<semaphore_mem>>
      %dma_start3A = tpu.memref_slice %arg9[%mul3A_0] : memref<10240xf32, #tpu.memory_space<vmem_shared>> -> memref<640xf32, #tpu.memory_space<vmem_shared>>
      %dma_start3A_54 = tpu.memref_slice %arg9[%mul3A_0] : memref<10240xf32, #tpu.memory_space<vmem_shared>> -> memref<640xf32, #tpu.memory_space<vmem_shared>>
      tpu.enqueue_dma source(%arg6 : memref<640xf32, #tpu.memory_space<vmem>>) target(%dma_start3A_54 : memref<640xf32, #tpu.memory_space<vmem_shared>>) target_semaphore(%run_scoped3A : memref<!tpu.dma_semaphore, #tpu.memory_space<semaphore_mem>>)
      %dma_wait3A = tpu.memref_slice %arg9[%mul3A_0] : memref<10240xf32, #tpu.memory_space<vmem_shared>> -> memref<640xf32, #tpu.memory_space<vmem_shared>>
      %dma_wait3A_55 = tpu.memref_slice %arg9[%mul3A_0] : memref<10240xf32, #tpu.memory_space<vmem_shared>> -> memref<640xf32, #tpu.memory_space<vmem_shared>>
      tpu.wait_dma2 semaphore(%run_scoped3A : memref<!tpu.dma_semaphore, #tpu.memory_space<semaphore_mem>>) src(%arg6 : memref<640xf32, #tpu.memory_space<vmem>>) dst(%dma_wait3A_55 : memref<640xf32, #tpu.memory_space<vmem_shared>>)
      tpu.yield
    }) : () -> ()
    %lt3A = arith.constant 4 : i32
    %lt3A_14 = arith.cmpi slt, %arg1, %lt3A : i32
    %jit3A = arith.constant 157 : i32
    %jit3A_15 = arith.constant 156 : i32
    %select_n3A = arith.select %lt3A_14, %jit3A, %jit3A_15 : i32
    %mul3A_16 = arith.constant 156 : i32
    %mul3A_17 = arith.muli %arg1, %mul3A_16 : i32
    %min3A = arith.constant 4 : i32
    %min3A_18 = arith.minsi %arg1, %min3A : i32
    %add3A = arith.addi %mul3A_17, %min3A_18 : i32
    %min3A_19 = arith.constant 2343 : i32
    %min3A_20 = arith.minsi %add3A, %min3A_19 : i32
    %sub3A = arith.subi %add3A, %min3A_20 : i32
    "tpu.region"() ({
      %run_scoped3A = tpu.sem_alloc : memref<!tpu.dma_semaphore, #tpu.memory_space<semaphore_mem>>
      %dma_start3A = arith.constant 0 : i32
      %dma_start3A_54 = arith.constant 0 : i32
      %dma_start3A_55 = tpu.memref_slice %arg2[%dma_start3A, %min3A_20, %dma_start3A_54] : memref<2x2500x128xi32, #tpu.memory_space<hbm>> -> memref<2x157x128xi32, #tpu.memory_space<hbm>>
      %dma_start3A_56 = arith.constant 0 : i32
      %dma_start3A_57 = arith.constant 0 : i32
      %dma_start3A_58 = tpu.memref_slice %arg2[%dma_start3A_56, %min3A_20, %dma_start3A_57] : memref<2x2500x128xi32, #tpu.memory_space<hbm>> -> memref<2x157x128xi32, #tpu.memory_space<hbm>>
      tpu.enqueue_dma source(%dma_start3A_58 : memref<2x157x128xi32, #tpu.memory_space<hbm>>) target(%arg4 : memref<2x157x128xi32, #tpu.memory_space<vmem>>) target_semaphore(%run_scoped3A : memref<!tpu.dma_semaphore, #tpu.memory_space<semaphore_mem>>)
      %dma_wait3A = arith.constant 0 : i32
      %dma_wait3A_59 = arith.constant 0 : i32
      %dma_wait3A_60 = tpu.memref_slice %arg2[%dma_wait3A, %min3A_20, %dma_wait3A_59] : memref<2x2500x128xi32, #tpu.memory_space<hbm>> -> memref<2x157x128xi32, #tpu.memory_space<hbm>>
      %dma_wait3A_61 = arith.constant 0 : i32
      %dma_wait3A_62 = arith.constant 0 : i32
      %dma_wait3A_63 = tpu.memref_slice %arg2[%dma_wait3A_61, %min3A_20, %dma_wait3A_62] : memref<2x2500x128xi32, #tpu.memory_space<hbm>> -> memref<2x157x128xi32, #tpu.memory_space<hbm>>
      tpu.wait_dma2 semaphore(%run_scoped3A : memref<!tpu.dma_semaphore, #tpu.memory_space<semaphore_mem>>) src(%dma_wait3A_63 : memref<2x157x128xi32, #tpu.memory_space<hbm>>) dst(%arg4 : memref<2x157x128xi32, #tpu.memory_space<vmem>>)
      tpu.yield
    }) : () -> ()
    %barrier3A = arith.constant 0 : index
    tpu.barrier barrier_id(%barrier3A)
    %while3A = arith.constant 0 : i32
    %while3A_21 = arith.constant 0 : i32
    %while3A_22 = arith.subi %select_n3A, %while3A : i32
    %while3A_23 = arith.addi %while3A, %while3A_22 : i32
    %while3A_24 = arith.constant 1 : i32
    %while3A_25 = arith.divsi %while3A_22, %while3A_24 : i32
    %while3A_26 = arith.muli %while3A_25, %while3A_24 : i32
    %while3A_27 = arith.addi %while3A, %while3A_26 : i32
    %while3A_28 = arith.constant 1 : i32
    %while3A_29 = scf.for %while3A_54 = %while3A to %while3A_27 step %while3A_28 iter_args(%while3A_55 = %while3A_21) -> (i32)  : i32 {
      %add3A_56 = arith.addi %sub3A, %while3A_54 : i32
      %dma_start3A = arith.constant 1 : i32
      %dma_start3A_57 = arith.constant 0 : i32
      %dma_start3A_58 = tpu.memref_slice %arg4[%dma_start3A, %add3A_56, %dma_start3A_57] : memref<2x157x128xi32, #tpu.memory_space<vmem>> -> memref<1x1x128xi32, #tpu.memory_space<vmem>>
      %dma_start3A_59 = tpu.memref_squeeze %dma_start3A_58 : memref<1x1x128xi32, #tpu.memory_space<vmem>> -> memref<128xi32, #tpu.memory_space<vmem>>
      %dma_start3A_60 = arith.constant 0 : i32
      %dma_start3A_61 = tpu.memref_slice %arg9[%dma_start3A_60] : memref<10240xf32, #tpu.memory_space<vmem_shared>> -> memref<10240xf32, #tpu.memory_space<vmem_shared>>
      tpu.enqueue_indirect_dma source(%arg5 : memref<128xf32, #tpu.memory_space<vmem>>) target(%dma_start3A_61 : memref<10240xf32, #tpu.memory_space<vmem_shared>>) offsets(%dma_start3A_59 : memref<128xi32, #tpu.memory_space<vmem>>) semaphore(%arg10 : memref<!tpu.dma_semaphore, #tpu.memory_space<semaphore_mem>>) {add = true}
      %while3A_62 = arith.constant 0 : i32
      scf.yield %while3A_62 : i32
    }
    %while3A_30 = arith.constant 1 : i32
    %while3A_31 = scf.for %while3A_54 = %while3A_27 to %while3A_23 step %while3A_30 iter_args(%while3A_55 = %while3A_29) -> (i32)  : i32 {
      %add3A_56 = arith.addi %sub3A, %while3A_54 : i32
      %dma_start3A = arith.constant 1 : i32
      %dma_start3A_57 = arith.constant 0 : i32
      %dma_start3A_58 = tpu.memref_slice %arg4[%dma_start3A, %add3A_56, %dma_start3A_57] : memref<2x157x128xi32, #tpu.memory_space<vmem>> -> memref<1x1x128xi32, #tpu.memory_space<vmem>>
      %dma_start3A_59 = tpu.memref_squeeze %dma_start3A_58 : memref<1x1x128xi32, #tpu.memory_space<vmem>> -> memref<128xi32, #tpu.memory_space<vmem>>
      %dma_start3A_60 = arith.constant 0 : i32
      %dma_start3A_61 = tpu.memref_slice %arg9[%dma_start3A_60] : memref<10240xf32, #tpu.memory_space<vmem_shared>> -> memref<10240xf32, #tpu.memory_space<vmem_shared>>
      tpu.enqueue_indirect_dma source(%arg5 : memref<128xf32, #tpu.memory_space<vmem>>) target(%dma_start3A_61 : memref<10240xf32, #tpu.memory_space<vmem_shared>>) offsets(%dma_start3A_59 : memref<128xi32, #tpu.memory_space<vmem>>) semaphore(%arg10 : memref<!tpu.dma_semaphore, #tpu.memory_space<semaphore_mem>>) {add = true}
      %while3A_62 = arith.constant 0 : i32
      scf.yield %while3A_62 : i32
    }
    %while3A_32 = arith.constant 0 : i32
    %while3A_33 = arith.constant 0 : i32
    %while3A_34 = arith.subi %select_n3A, %while3A_32 : i32
    %while3A_35 = arith.addi %while3A_32, %while3A_34 : i32
    %while3A_36 = arith.constant 1 : i32
    %while3A_37 = arith.divsi %while3A_34, %while3A_36 : i32
    %while3A_38 = arith.muli %while3A_37, %while3A_36 : i32
    %while3A_39 = arith.addi %while3A_32, %while3A_38 : i32
    %while3A_40 = arith.constant 1 : i32
    %while3A_41 = scf.for %while3A_54 = %while3A_32 to %while3A_39 step %while3A_40 iter_args(%while3A_55 = %while3A_33) -> (i32)  : i32 {
      %dma_wait3A = arith.constant 1 : i32
      %dma_wait3A_56 = arith.constant 0 : i32
      %dma_wait3A_57 = arith.constant 0 : i32
      %dma_wait3A_58 = tpu.memref_slice %arg4[%dma_wait3A, %dma_wait3A_56, %dma_wait3A_57] : memref<2x157x128xi32, #tpu.memory_space<vmem>> -> memref<1x1x128xi32, #tpu.memory_space<vmem>>
      %dma_wait3A_59 = tpu.memref_squeeze %dma_wait3A_58 : memref<1x1x128xi32, #tpu.memory_space<vmem>> -> memref<128xi32, #tpu.memory_space<vmem>>
      %dma_wait3A_60 = arith.constant 0 : i32
      %dma_wait3A_61 = tpu.memref_slice %arg9[%dma_wait3A_60] : memref<10240xf32, #tpu.memory_space<vmem_shared>> -> memref<10240xf32, #tpu.memory_space<vmem_shared>>
      tpu.wait_indirect_dma semaphore(%arg10 : memref<!tpu.dma_semaphore, #tpu.memory_space<semaphore_mem>>) src(%arg5 : memref<128xf32, #tpu.memory_space<vmem>>) dst(%dma_wait3A_61 : memref<10240xf32, #tpu.memory_space<vmem_shared>>)
      %while3A_62 = arith.constant 0 : i32
      scf.yield %while3A_62 : i32
    }
    %while3A_42 = arith.constant 1 : i32
    %while3A_43 = scf.for %while3A_54 = %while3A_39 to %while3A_35 step %while3A_42 iter_args(%while3A_55 = %while3A_41) -> (i32)  : i32 {
      %dma_wait3A = arith.constant 1 : i32
      %dma_wait3A_56 = arith.constant 0 : i32
      %dma_wait3A_57 = arith.constant 0 : i32
      %dma_wait3A_58 = tpu.memref_slice %arg4[%dma_wait3A, %dma_wait3A_56, %dma_wait3A_57] : memref<2x157x128xi32, #tpu.memory_space<vmem>> -> memref<1x1x128xi32, #tpu.memory_space<vmem>>
      %dma_wait3A_59 = tpu.memref_squeeze %dma_wait3A_58 : memref<1x1x128xi32, #tpu.memory_space<vmem>> -> memref<128xi32, #tpu.memory_space<vmem>>
      %dma_wait3A_60 = arith.constant 0 : i32
      %dma_wait3A_61 = tpu.memref_slice %arg9[%dma_wait3A_60] : memref<10240xf32, #tpu.memory_space<vmem_shared>> -> memref<10240xf32, #tpu.memory_space<vmem_shared>>
      tpu.wait_indirect_dma semaphore(%arg10 : memref<!tpu.dma_semaphore, #tpu.memory_space<semaphore_mem>>) src(%arg5 : memref<128xf32, #tpu.memory_space<vmem>>) dst(%dma_wait3A_61 : memref<10240xf32, #tpu.memory_space<vmem_shared>>)
      %while3A_62 = arith.constant 0 : i32
      scf.yield %while3A_62 : i32
    }
    %barrier3A_44 = arith.constant 0 : index
    tpu.barrier barrier_id(%barrier3A_44)
    "tpu.region"() ({
      %run_scoped3A = tpu.sem_alloc : memref<!tpu.dma_semaphore, #tpu.memory_space<semaphore_mem>>
      %dma_start3A = tpu.memref_slice %arg9[%mul3A_0] : memref<10240xf32, #tpu.memory_space<vmem_shared>> -> memref<640xf32, #tpu.memory_space<vmem_shared>>
      %dma_start3A_54 = tpu.memref_slice %arg9[%mul3A_0] : memref<10240xf32, #tpu.memory_space<vmem_shared>> -> memref<640xf32, #tpu.memory_space<vmem_shared>>
      tpu.enqueue_dma source(%dma_start3A_54 : memref<640xf32, #tpu.memory_space<vmem_shared>>) target(%arg7 : memref<640xf32, #tpu.memory_space<vmem>>) target_semaphore(%run_scoped3A : memref<!tpu.dma_semaphore, #tpu.memory_space<semaphore_mem>>)
      %dma_wait3A = tpu.memref_slice %arg9[%mul3A_0] : memref<10240xf32, #tpu.memory_space<vmem_shared>> -> memref<640xf32, #tpu.memory_space<vmem_shared>>
      %dma_wait3A_55 = tpu.memref_slice %arg9[%mul3A_0] : memref<10240xf32, #tpu.memory_space<vmem_shared>> -> memref<640xf32, #tpu.memory_space<vmem_shared>>
      tpu.wait_dma2 semaphore(%run_scoped3A : memref<!tpu.dma_semaphore, #tpu.memory_space<semaphore_mem>>) src(%dma_wait3A_55 : memref<640xf32, #tpu.memory_space<vmem_shared>>) dst(%arg7 : memref<640xf32, #tpu.memory_space<vmem>>)
      tpu.yield
    }) : () -> ()
    %scan3A_45 = arith.constant 0 : i32
    %scan3A_46 = arith.constant 0 : i32
    %scan3A_47 = arith.constant 40 : i32
    %scan3A_48 = arith.addi %scan3A_46, %scan3A_47 : i32
    %scan3A_49 = arith.constant 1 : i32
    %scan3A_50 = scf.for %scan3A_54 = %scan3A_46 to %scan3A_48 step %scan3A_49 iter_args(%scan3A_55 = %scan3A_45) -> (i32)  : i32 {
      %mul3A_56 = arith.constant 16 : i32
      %mul3A_57 = arith.muli %scan3A_54, %mul3A_56 : i32
      %get3A = arith.index_cast %mul3A_57 : i32 to index
      %get3A_58 = tpu.vector_load %arg7[%get3A] {strides = array<i32>} : memref<640xf32, #tpu.memory_space<vmem>>, vector<16xf32>,
      %get3A_59 = vector.shape_cast %get3A_58 : vector<16xf32> to vector<16xf32>
      %add3A_60 = arith.constant 1.000000e+00 : f32
      %add3A_61 = vector.broadcast %add3A_60 : f32 to vector<16xf32>
      %add3A_62 = arith.addf %get3A_59, %add3A_61 : vector<16xf32>
      %add3A_63 = arith.constant 1.000000e+00 : f32
      %add3A_64 = vector.broadcast %add3A_63 : f32 to vector<16xf32>
      %add3A_65 = arith.addf %add3A_62, %add3A_64 : vector<16xf32>
      %mul3A_66 = arith.constant 5.000000e-01 : f32
      %mul3A_67 = vector.broadcast %mul3A_66 : f32 to vector<16xf32>
      %mul3A_68 = arith.mulf %mul3A_67, %add3A_65 : vector<16xf32>
      %div3A = arith.divf %add3A_62, %mul3A_68 : vector<16xf32>
      %add3A_69 = arith.addf %mul3A_68, %div3A : vector<16xf32>
      %mul3A_70 = arith.constant 5.000000e-01 : f32
      %mul3A_71 = vector.broadcast %mul3A_70 : f32 to vector<16xf32>
      %mul3A_72 = arith.mulf %mul3A_71, %add3A_69 : vector<16xf32>
      %div3A_73 = arith.divf %add3A_62, %mul3A_72 : vector<16xf32>
      %add3A_74 = arith.addf %mul3A_72, %div3A_73 : vector<16xf32>
      %mul3A_75 = arith.constant 5.000000e-01 : f32
      %mul3A_76 = vector.broadcast %mul3A_75 : f32 to vector<16xf32>
      %mul3A_77 = arith.mulf %mul3A_76, %add3A_74 : vector<16xf32>
      %div3A_78 = arith.divf %add3A_62, %mul3A_77 : vector<16xf32>
      %add3A_79 = arith.addf %mul3A_77, %div3A_78 : vector<16xf32>
      %mul3A_80 = arith.constant 5.000000e-01 : f32
      %mul3A_81 = vector.broadcast %mul3A_80 : f32 to vector<16xf32>
      %mul3A_82 = arith.mulf %mul3A_81, %add3A_79 : vector<16xf32>
      %div3A_83 = arith.divf %add3A_62, %mul3A_82 : vector<16xf32>
      %add3A_84 = arith.addf %mul3A_82, %div3A_83 : vector<16xf32>
      %mul3A_85 = arith.constant 5.000000e-01 : f32
      %mul3A_86 = vector.broadcast %mul3A_85 : f32 to vector<16xf32>
      %mul3A_87 = arith.mulf %mul3A_86, %add3A_84 : vector<16xf32>
      %div3A_88 = arith.divf %add3A_62, %mul3A_87 : vector<16xf32>
      %add3A_89 = arith.addf %mul3A_87, %div3A_88 : vector<16xf32>
      %mul3A_90 = arith.constant 5.000000e-01 : f32
      %mul3A_91 = vector.broadcast %mul3A_90 : f32 to vector<16xf32>
      %mul3A_92 = arith.mulf %mul3A_91, %add3A_89 : vector<16xf32>
      %div3A_93 = arith.divf %add3A_62, %mul3A_92 : vector<16xf32>
      %add3A_94 = arith.addf %mul3A_92, %div3A_93 : vector<16xf32>
      %mul3A_95 = arith.constant 5.000000e-01 : f32
      %mul3A_96 = vector.broadcast %mul3A_95 : f32 to vector<16xf32>
      %mul3A_97 = arith.mulf %mul3A_96, %add3A_94 : vector<16xf32>
      %div3A_98 = arith.divf %add3A_62, %mul3A_97 : vector<16xf32>
      %add3A_99 = arith.addf %mul3A_97, %div3A_98 : vector<16xf32>
      %mul3A_100 = arith.constant 5.000000e-01 : f32
      %mul3A_101 = vector.broadcast %mul3A_100 : f32 to vector<16xf32>
      %mul3A_102 = arith.mulf %mul3A_101, %add3A_99 : vector<16xf32>
      %div3A_103 = arith.divf %add3A_62, %mul3A_102 : vector<16xf32>
      %add3A_104 = arith.addf %mul3A_102, %div3A_103 : vector<16xf32>
      %mul3A_105 = arith.constant 5.000000e-01 : f32
      %mul3A_106 = vector.broadcast %mul3A_105 : f32 to vector<16xf32>
      %mul3A_107 = arith.mulf %mul3A_106, %add3A_104 : vector<16xf32>
      %div3A_108 = arith.divf %add3A_62, %mul3A_107 : vector<16xf32>
      %add3A_109 = arith.addf %mul3A_107, %div3A_108 : vector<16xf32>
      %mul3A_110 = arith.constant 5.000000e-01 : f32
      %mul3A_111 = vector.broadcast %mul3A_110 : f32 to vector<16xf32>
      %mul3A_112 = arith.mulf %mul3A_111, %add3A_109 : vector<16xf32>
      %div3A_113 = arith.divf %add3A_62, %mul3A_112 : vector<16xf32>
      %add3A_114 = arith.addf %mul3A_112, %div3A_113 : vector<16xf32>
      %mul3A_115 = arith.constant 5.000000e-01 : f32
      %mul3A_116 = vector.broadcast %mul3A_115 : f32 to vector<16xf32>
      %mul3A_117 = arith.mulf %mul3A_116, %add3A_114 : vector<16xf32>
      %div3A_118 = arith.divf %add3A_62, %mul3A_117 : vector<16xf32>
      %add3A_119 = arith.addf %mul3A_117, %div3A_118 : vector<16xf32>
      %mul3A_120 = arith.constant 5.000000e-01 : f32
      %mul3A_121 = vector.broadcast %mul3A_120 : f32 to vector<16xf32>
      %mul3A_122 = arith.mulf %mul3A_121, %add3A_119 : vector<16xf32>
      %div3A_123 = arith.divf %add3A_62, %mul3A_122 : vector<16xf32>
      %add3A_124 = arith.addf %mul3A_122, %div3A_123 : vector<16xf32>
      %mul3A_125 = arith.constant 5.000000e-01 : f32
      %mul3A_126 = vector.broadcast %mul3A_125 : f32 to vector<16xf32>
      %mul3A_127 = arith.mulf %mul3A_126, %add3A_124 : vector<16xf32>
      %div3A_128 = arith.divf %add3A_62, %mul3A_127 : vector<16xf32>
      %add3A_129 = arith.addf %mul3A_127, %div3A_128 : vector<16xf32>
      %mul3A_130 = arith.constant 5.000000e-01 : f32
      %mul3A_131 = vector.broadcast %mul3A_130 : f32 to vector<16xf32>
      %mul3A_132 = arith.mulf %mul3A_131, %add3A_129 : vector<16xf32>
      %div3A_133 = arith.divf %add3A_62, %mul3A_132 : vector<16xf32>
      %add3A_134 = arith.addf %mul3A_132, %div3A_133 : vector<16xf32>
      %mul3A_135 = arith.constant 5.000000e-01 : f32
      %mul3A_136 = vector.broadcast %mul3A_135 : f32 to vector<16xf32>
      %mul3A_137 = arith.mulf %mul3A_136, %add3A_134 : vector<16xf32>
      %div3A_138 = arith.divf %add3A_62, %mul3A_137 : vector<16xf32>
      %add3A_139 = arith.addf %mul3A_137, %div3A_138 : vector<16xf32>
      %mul3A_140 = arith.constant 5.000000e-01 : f32
      %mul3A_141 = vector.broadcast %mul3A_140 : f32 to vector<16xf32>
      %mul3A_142 = arith.mulf %mul3A_141, %add3A_139 : vector<16xf32>
      %div3A_143 = arith.divf %add3A_62, %mul3A_142 : vector<16xf32>
      %add3A_144 = arith.addf %mul3A_142, %div3A_143 : vector<16xf32>
      %mul3A_145 = arith.constant 5.000000e-01 : f32
      %mul3A_146 = vector.broadcast %mul3A_145 : f32 to vector<16xf32>
      %mul3A_147 = arith.mulf %mul3A_146, %add3A_144 : vector<16xf32>
      %div3A_148 = arith.divf %add3A_62, %mul3A_147 : vector<16xf32>
      %add3A_149 = arith.addf %mul3A_147, %div3A_148 : vector<16xf32>
      %mul3A_150 = arith.constant 5.000000e-01 : f32
      %mul3A_151 = vector.broadcast %mul3A_150 : f32 to vector<16xf32>
      %mul3A_152 = arith.mulf %mul3A_151, %add3A_149 : vector<16xf32>
      %div3A_153 = arith.divf %add3A_62, %mul3A_152 : vector<16xf32>
      %add3A_154 = arith.addf %mul3A_152, %div3A_153 : vector<16xf32>
      %mul3A_155 = arith.constant 5.000000e-01 : f32
      %mul3A_156 = vector.broadcast %mul3A_155 : f32 to vector<16xf32>
      %mul3A_157 = arith.mulf %mul3A_156, %add3A_154 : vector<16xf32>
      %div3A_158 = arith.divf %add3A_62, %mul3A_157 : vector<16xf32>
      %add3A_159 = arith.addf %mul3A_157, %div3A_158 : vector<16xf32>
      %mul3A_160 = arith.constant 5.000000e-01 : f32
      %mul3A_161 = vector.broadcast %mul3A_160 : f32 to vector<16xf32>
      %mul3A_162 = arith.mulf %mul3A_161, %add3A_159 : vector<16xf32>
      %div3A_163 = arith.divf %add3A_62, %mul3A_162 : vector<16xf32>
      %add3A_164 = arith.addf %mul3A_162, %div3A_163 : vector<16xf32>
      %mul3A_165 = arith.constant 5.000000e-01 : f32
      %mul3A_166 = vector.broadcast %mul3A_165 : f32 to vector<16xf32>
      %mul3A_167 = arith.mulf %mul3A_166, %add3A_164 : vector<16xf32>
      %div3A_168 = arith.constant 1.000000e+00 : f32
      %div3A_169 = vector.broadcast %div3A_168 : f32 to vector<16xf32>
      %div3A_170 = arith.divf %div3A_169, %mul3A_167 : vector<16xf32>
      %mul3A_171 = arith.constant 16 : i32
      %mul3A_172 = arith.muli %scan3A_54, %mul3A_171 : i32
      %swap3A = arith.index_cast %mul3A_172 : i32 to index
      %swap3A_173 = tpu.vector_load %arg8[%swap3A] {strides = array<i32>} : memref<640xf32, #tpu.memory_space<vmem>>, vector<16xf32>,
      %swap3A_174 = vector.shape_cast %swap3A_173 : vector<16xf32> to vector<16xf32>
      %swap3A_175 = vector.shape_cast %div3A_170 : vector<16xf32> to vector<16xf32>
      tpu.vector_store %arg8[%swap3A], %swap3A_175 {strides = array<i32>} : memref<640xf32, #tpu.memory_space<vmem>>, vector<16xf32>,
      %scan3A_176 = arith.constant 0 : i32
      scf.yield %scan3A_176 : i32
    }
    %scan3A_51 = arith.constant 40 : i32
    %eq3A = arith.constant 0 : i32
    %eq3A_52 = arith.cmpi eq, %arg0, %eq3A : i32
    %convert_element_type3A = arith.extui %eq3A_52 : i1 to i32
    %cond3A = arith.constant 0 : i32
    %cond3A_53 = arith.cmpi ne, %convert_element_type3A, %cond3A : i32
    scf.if %cond3A_53 {
      "tpu.region"() ({
        %run_scoped3A = tpu.sem_alloc : memref<!tpu.dma_semaphore, #tpu.memory_space<semaphore_mem>>
        %dma_start3A = tpu.memref_slice %arg3[%mul3A_0] : memref<10240xf32, #tpu.memory_space<hbm>> -> memref<640xf32, #tpu.memory_space<hbm>>
        %dma_start3A_54 = tpu.memref_slice %arg3[%mul3A_0] : memref<10240xf32, #tpu.memory_space<hbm>> -> memref<640xf32, #tpu.memory_space<hbm>>
        tpu.enqueue_dma source(%arg8 : memref<640xf32, #tpu.memory_space<vmem>>) target(%dma_start3A_54 : memref<640xf32, #tpu.memory_space<hbm>>) target_semaphore(%run_scoped3A : memref<!tpu.dma_semaphore, #tpu.memory_space<semaphore_mem>>)
        %dma_wait3A = tpu.memref_slice %arg3[%mul3A_0] : memref<10240xf32, #tpu.memory_space<hbm>> -> memref<640xf32, #tpu.memory_space<hbm>>
        %dma_wait3A_55 = tpu.memref_slice %arg3[%mul3A_0] : memref<10240xf32, #tpu.memory_space<hbm>> -> memref<640xf32, #tpu.memory_space<hbm>>
        tpu.wait_dma2 semaphore(%run_scoped3A : memref<!tpu.dma_semaphore, #tpu.memory_space<semaphore_mem>>) src(%arg8 : memref<640xf32, #tpu.memory_space<vmem>>) dst(%dma_wait3A_55 : memref<640xf32, #tpu.memory_space<hbm>>)
        tpu.yield
      }) : () -> ()
    } else {
    }
    return
  }
}

module attributes {stable_mosaic.version = 14 : i64} {
  func.func @_tc1_body(%arg0: i32, %arg1: memref<512x1xf32, #tpu.memory_space<vmem>>, %arg2: memref<512x128xf32, #tpu.memory_space<vmem>>, %arg3: memref<128x128xf32, #tpu.memory_space<vmem>>, %arg4: memref<512x128xf32, #tpu.memory_space<vmem>>) attributes {dimension_semantics = [#tpu.dimension_semantics<arbitrary>], iteration_bounds = array<i64: 20>, scalar_prefetch = 0 : i64, scratch_operands = 0 : i64, tpu.core_type = #tpu.core_type<tc>, window_params = [{transform_indices = @transform_0, window_bounds = array<i64: 512, 1>}, {transform_indices = @transform_1, window_bounds = array<i64: 512, 128>}, {pipeline_mode = #tpu.pipeline_mode<synchronous>, transform_indices = @transform_2, window_bounds = array<i64: 128, 128>}, {transform_indices = @transform_3, window_bounds = array<i64: 512, 128>}]} {
    %get3A = arith.constant 0 : index
    %get3A_0 = arith.constant 0 : index
    %get3A_1 = vector.load %arg2[%get3A, %get3A_0] : memref<512x128xf32, #tpu.memory_space<vmem>>, vector<512x128xf32>
    %get3A_2 = arith.constant 0 : index
    %get3A_3 = arith.constant 0 : index
    %get3A_4 = vector.load %arg3[%get3A_2, %get3A_3] : memref<128x128xf32, #tpu.memory_space<vmem>>, vector<128x128xf32>
    %dot_general3A = arith.constant dense<0.000000e+00> : vector<512x128xf32>
    %dot_general3A_5 = tpu.matmul %get3A_1, %get3A_4, %dot_general3A {dimension_numbers = #tpu.dot_dimension_numbers<[1], [0], [0], [1], [0, 0, 1, 1], [], []>, transpose_lhs_hint = false} : vector<512x128xf32>, vector<128x128xf32>, vector<512x128xf32> -> vector<512x128xf32>
    %get3A_6 = arith.constant 0 : index
    %get3A_7 = arith.constant 0 : index
    %get3A_8 = vector.load %arg1[%get3A_6, %get3A_7] : memref<512x1xf32, #tpu.memory_space<vmem>>, vector<512x1xf32>
    %mul3A = vector.broadcast %get3A_8 : vector<512x1xf32> to vector<512x128xf32>
    %mul3A_9 = arith.mulf %dot_general3A_5, %mul3A : vector<512x128xf32>
    %swap3A = arith.constant 0 : index
    %swap3A_10 = arith.constant 0 : index
    %swap3A_11 = vector.load %arg4[%swap3A, %swap3A_10] : memref<512x128xf32, #tpu.memory_space<vmem>>, vector<512x128xf32>
    tpu.vector_store %arg4[%swap3A, %swap3A_10], %mul3A_9 {strides = array<i32>} : memref<512x128xf32, #tpu.memory_space<vmem>>, vector<512x128xf32>,
    return
  }
  func.func @transform_0(%arg0: i32) -> (i32, i32) {
    %c0_i32 = arith.constant 0 : i32
    %c0_i32_0 = arith.constant 0 : i32
    return %arg0, %c0_i32 : i32, i32
  }
  func.func @transform_1(%arg0: i32) -> (i32, i32) {
    %c0_i32 = arith.constant 0 : i32
    %c0_i32_0 = arith.constant 0 : i32
    return %arg0, %c0_i32 : i32, i32
  }
  func.func @transform_2(%arg0: i32) -> (i32, i32) {
    %c0_i32 = arith.constant 0 : i32
    %c0_i32_0 = arith.constant 0 : i32
    %c0_i32_1 = arith.constant 0 : i32
    return %c0_i32, %c0_i32_0 : i32, i32
  }
  func.func @transform_3(%arg0: i32) -> (i32, i32) {
    %c0_i32 = arith.constant 0 : i32
    %c0_i32_0 = arith.constant 0 : i32
    return %arg0, %c0_i32 : i32, i32
  }
}

module attributes {stable_mosaic.version = 14 : i64} {
  func.func @_tc2_body(%arg0: i32, %arg1: memref<512x1xf32, #tpu.memory_space<vmem>>, %arg2: memref<2x512x128xf32, #tpu.memory_space<vmem>>, %arg3: memref<512x128xf32, #tpu.memory_space<vmem>>, %arg4: memref<128x64xf32, #tpu.memory_space<vmem>>, %arg5: memref<128xf32, #tpu.memory_space<vmem>>, %arg6: memref<512x64xf32, #tpu.memory_space<vmem>>) attributes {dimension_semantics = [#tpu.dimension_semantics<arbitrary>], iteration_bounds = array<i64: 20>, scalar_prefetch = 0 : i64, scratch_operands = 0 : i64, tpu.core_type = #tpu.core_type<tc>, window_params = [{transform_indices = @transform_0, window_bounds = array<i64: 512, 1>}, {transform_indices = @transform_1, window_bounds = array<i64: 2, 512, 128>}, {transform_indices = @transform_2, window_bounds = array<i64: 512, 128>}, {pipeline_mode = #tpu.pipeline_mode<synchronous>, transform_indices = @transform_3, window_bounds = array<i64: 128, 64>}, {pipeline_mode = #tpu.pipeline_mode<synchronous>, transform_indices = @transform_4, window_bounds = array<i64: 128>}, {transform_indices = @transform_5, window_bounds = array<i64: 512, 64>}]} {
    %get3A = arith.constant 0 : index
    %get3A_0 = arith.constant 0 : index
    %get3A_1 = vector.load %arg1[%get3A, %get3A_0] : memref<512x1xf32, #tpu.memory_space<vmem>>, vector<512x1xf32>
    %get3A_2 = arith.constant 0 : index
    %get3A_3 = arith.constant 0 : index
    %get3A_4 = arith.constant 0 : index
    %get3A_5 = vector.load %arg2[%get3A_2, %get3A_3, %get3A_4] : memref<2x512x128xf32, #tpu.memory_space<vmem>>, vector<1x512x128xf32>
    %get3A_6 = vector.shape_cast %get3A_5 : vector<1x512x128xf32> to vector<512x128xf32>
    %get3A_7 = arith.constant 1 : index
    %get3A_8 = arith.constant 0 : index
    %get3A_9 = arith.constant 0 : index
    %get3A_10 = vector.load %arg2[%get3A_7, %get3A_8, %get3A_9] : memref<2x512x128xf32, #tpu.memory_space<vmem>>, vector<1x512x128xf32>
    %get3A_11 = vector.shape_cast %get3A_10 : vector<1x512x128xf32> to vector<512x128xf32>
    %add3A = arith.addf %get3A_6, %get3A_11 : vector<512x128xf32>
    %get3A_12 = arith.constant 0 : index
    %get3A_13 = arith.constant 0 : index
    %get3A_14 = vector.load %arg3[%get3A_12, %get3A_13] : memref<512x128xf32, #tpu.memory_space<vmem>>, vector<512x128xf32>
    %add3A_15 = arith.addf %add3A, %get3A_14 : vector<512x128xf32>
    %mul3A = vector.broadcast %get3A_1 : vector<512x1xf32> to vector<512x128xf32>
    %mul3A_16 = arith.mulf %add3A_15, %mul3A : vector<512x128xf32>
    %get3A_17 = arith.constant 0 : index
    %get3A_18 = vector.load %arg5[%get3A_17] : memref<128xf32, #tpu.memory_space<vmem>>, vector<128xf32>
    %broadcast_in_dim3A = vector.shape_cast %get3A_18 : vector<128xf32> to vector<1x128xf32>
    %add3A_19 = vector.broadcast %broadcast_in_dim3A : vector<1x128xf32> to vector<512x128xf32>
    %add3A_20 = arith.addf %mul3A_16, %add3A_19 : vector<512x128xf32>
    %max3A = arith.constant 0.000000e+00 : f32
    %max3A_21 = vector.broadcast %max3A : f32 to vector<512x128xf32>
    %max3A_22 = arith.maximumf %add3A_20, %max3A_21 : vector<512x128xf32>
    %get3A_23 = arith.constant 0 : index
    %get3A_24 = arith.constant 0 : index
    %get3A_25 = vector.load %arg4[%get3A_23, %get3A_24] : memref<128x64xf32, #tpu.memory_space<vmem>>, vector<128x64xf32>
    %dot_general3A = arith.constant dense<0.000000e+00> : vector<512x64xf32>
    %dot_general3A_26 = tpu.matmul %max3A_22, %get3A_25, %dot_general3A {dimension_numbers = #tpu.dot_dimension_numbers<[1], [0], [0], [1], [0, 0, 1, 1], [], []>, transpose_lhs_hint = false} : vector<512x128xf32>, vector<128x64xf32>, vector<512x64xf32> -> vector<512x64xf32>
    %mul3A_27 = vector.broadcast %get3A_1 : vector<512x1xf32> to vector<512x64xf32>
    %mul3A_28 = arith.mulf %dot_general3A_26, %mul3A_27 : vector<512x64xf32>
    %swap3A = arith.constant 0 : index
    %swap3A_29 = arith.constant 0 : index
    %swap3A_30 = vector.load %arg6[%swap3A, %swap3A_29] : memref<512x64xf32, #tpu.memory_space<vmem>>, vector<512x64xf32>
    tpu.vector_store %arg6[%swap3A, %swap3A_29], %mul3A_28 {strides = array<i32>} : memref<512x64xf32, #tpu.memory_space<vmem>>, vector<512x64xf32>,
    return
  }
  func.func @transform_0(%arg0: i32) -> (i32, i32) {
    %c0_i32 = arith.constant 0 : i32
    %c0_i32_0 = arith.constant 0 : i32
    return %arg0, %c0_i32 : i32, i32
  }
  func.func @transform_1(%arg0: i32) -> (i32, i32, i32) {
    %c0_i32 = arith.constant 0 : i32
    %c0_i32_0 = arith.constant 0 : i32
    %c0_i32_1 = arith.constant 0 : i32
    return %c0_i32, %arg0, %c0_i32_0 : i32, i32, i32
  }
  func.func @transform_2(%arg0: i32) -> (i32, i32) {
    %c0_i32 = arith.constant 0 : i32
    %c0_i32_0 = arith.constant 0 : i32
    return %arg0, %c0_i32 : i32, i32
  }
  func.func @transform_3(%arg0: i32) -> (i32, i32) {
    %c0_i32 = arith.constant 0 : i32
    %c0_i32_0 = arith.constant 0 : i32
    %c0_i32_1 = arith.constant 0 : i32
    return %c0_i32, %c0_i32_0 : i32, i32
  }
  func.func @transform_4(%arg0: i32) -> i32 {
    %c0_i32 = arith.constant 0 : i32
    %c0_i32_0 = arith.constant 0 : i32
    return %c0_i32 : i32
  }
  func.func @transform_5(%arg0: i32) -> (i32, i32) {
    %c0_i32 = arith.constant 0 : i32
    %c0_i32_0 = arith.constant 0 : i32
    return %arg0, %c0_i32 : i32, i32
  }
}

module attributes {stable_mosaic.version = 14 : i64} {
  func.func @_tc3_body(%arg0: i32, %arg1: memref<512x1xf32, #tpu.memory_space<vmem>>, %arg2: memref<2x512x64xf32, #tpu.memory_space<vmem>>, %arg3: memref<512x64xf32, #tpu.memory_space<vmem>>, %arg4: memref<64xf32, #tpu.memory_space<vmem>>, %arg5: memref<64x1xf32, #tpu.memory_space<vmem>>, %arg6: memref<1xf32, #tpu.memory_space<vmem>>, %arg7: memref<512x1xf32, #tpu.memory_space<vmem>>) attributes {dimension_semantics = [#tpu.dimension_semantics<arbitrary>], iteration_bounds = array<i64: 20>, scalar_prefetch = 0 : i64, scratch_operands = 0 : i64, tpu.core_type = #tpu.core_type<tc>, window_params = [{transform_indices = @transform_0, window_bounds = array<i64: 512, 1>}, {transform_indices = @transform_1, window_bounds = array<i64: 2, 512, 64>}, {transform_indices = @transform_2, window_bounds = array<i64: 512, 64>}, {pipeline_mode = #tpu.pipeline_mode<synchronous>, transform_indices = @transform_3, window_bounds = array<i64: 64>}, {pipeline_mode = #tpu.pipeline_mode<synchronous>, transform_indices = @transform_4, window_bounds = array<i64: 64, 1>}, {pipeline_mode = #tpu.pipeline_mode<synchronous>, transform_indices = @transform_5, window_bounds = array<i64: 1>}, {transform_indices = @transform_6, window_bounds = array<i64: 512, 1>}]} {
    %get3A = arith.constant 0 : index
    %get3A_0 = arith.constant 0 : index
    %get3A_1 = vector.load %arg1[%get3A, %get3A_0] : memref<512x1xf32, #tpu.memory_space<vmem>>, vector<512x1xf32>
    %get3A_2 = arith.constant 0 : index
    %get3A_3 = arith.constant 0 : index
    %get3A_4 = arith.constant 0 : index
    %get3A_5 = vector.load %arg2[%get3A_2, %get3A_3, %get3A_4] : memref<2x512x64xf32, #tpu.memory_space<vmem>>, vector<1x512x64xf32>
    %get3A_6 = vector.shape_cast %get3A_5 : vector<1x512x64xf32> to vector<512x64xf32>
    %get3A_7 = arith.constant 1 : index
    %get3A_8 = arith.constant 0 : index
    %get3A_9 = arith.constant 0 : index
    %get3A_10 = vector.load %arg2[%get3A_7, %get3A_8, %get3A_9] : memref<2x512x64xf32, #tpu.memory_space<vmem>>, vector<1x512x64xf32>
    %get3A_11 = vector.shape_cast %get3A_10 : vector<1x512x64xf32> to vector<512x64xf32>
    %add3A = arith.addf %get3A_6, %get3A_11 : vector<512x64xf32>
    %get3A_12 = arith.constant 0 : index
    %get3A_13 = arith.constant 0 : index
    %get3A_14 = vector.load %arg3[%get3A_12, %get3A_13] : memref<512x64xf32, #tpu.memory_space<vmem>>, vector<512x64xf32>
    %add3A_15 = arith.addf %add3A, %get3A_14 : vector<512x64xf32>
    %mul3A = vector.broadcast %get3A_1 : vector<512x1xf32> to vector<512x64xf32>
    %mul3A_16 = arith.mulf %add3A_15, %mul3A : vector<512x64xf32>
    %get3A_17 = arith.constant 0 : index
    %get3A_18 = vector.load %arg4[%get3A_17] : memref<64xf32, #tpu.memory_space<vmem>>, vector<64xf32>
    %broadcast_in_dim3A = vector.shape_cast %get3A_18 : vector<64xf32> to vector<1x64xf32>
    %add3A_19 = vector.broadcast %broadcast_in_dim3A : vector<1x64xf32> to vector<512x64xf32>
    %add3A_20 = arith.addf %mul3A_16, %add3A_19 : vector<512x64xf32>
    %get3A_21 = arith.constant 0 : index
    %get3A_22 = arith.constant 0 : index
    %get3A_23 = vector.load %arg5[%get3A_21, %get3A_22] : memref<64x1xf32, #tpu.memory_space<vmem>>, vector<64x1xf32>
    %dot_general3A = arith.constant dense<0.000000e+00> : vector<512x1xf32>
    %dot_general3A_24 = tpu.matmul %add3A_20, %get3A_23, %dot_general3A {dimension_numbers = #tpu.dot_dimension_numbers<[1], [0], [0], [1], [0, 0, 1, 1], [], []>, transpose_lhs_hint = false} : vector<512x64xf32>, vector<64x1xf32>, vector<512x1xf32> -> vector<512x1xf32>
    %get3A_25 = arith.constant 0 : index
    %get3A_26 = vector.load %arg6[%get3A_25] : memref<1xf32, #tpu.memory_space<vmem>>, vector<1xf32>
    %broadcast_in_dim3A_27 = vector.shape_cast %get3A_26 : vector<1xf32> to vector<1x1xf32>
    %add3A_28 = vector.broadcast %broadcast_in_dim3A_27 : vector<1x1xf32> to vector<512x1xf32>
    %add3A_29 = arith.addf %dot_general3A_24, %add3A_28 : vector<512x1xf32>
    %neg3A = arith.constant 0.000000e+00 : f32
    %neg3A_30 = vector.broadcast %neg3A : f32 to vector<512x1xf32>
    %neg3A_31 = arith.subf %neg3A_30, %add3A_29 : vector<512x1xf32>
    %exp3A = math.exp %neg3A_31 : vector<512x1xf32>
    %add3A_32 = arith.constant 1.000000e+00 : f32
    %add3A_33 = vector.broadcast %add3A_32 : f32 to vector<512x1xf32>
    %add3A_34 = arith.addf %add3A_33, %exp3A : vector<512x1xf32>
    %div3A = arith.constant 1.000000e+00 : f32
    %div3A_35 = vector.broadcast %div3A : f32 to vector<512x1xf32>
    %div3A_36 = arith.divf %div3A_35, %add3A_34 : vector<512x1xf32>
    %swap3A = arith.constant 0 : index
    %swap3A_37 = arith.constant 0 : index
    %swap3A_38 = vector.load %arg7[%swap3A, %swap3A_37] : memref<512x1xf32, #tpu.memory_space<vmem>>, vector<512x1xf32>
    tpu.vector_store %arg7[%swap3A, %swap3A_37], %div3A_36 {strides = array<i32>} : memref<512x1xf32, #tpu.memory_space<vmem>>, vector<512x1xf32>,
    return
  }
  func.func @transform_0(%arg0: i32) -> (i32, i32) {
    %c0_i32 = arith.constant 0 : i32
    %c0_i32_0 = arith.constant 0 : i32
    return %arg0, %c0_i32 : i32, i32
  }
  func.func @transform_1(%arg0: i32) -> (i32, i32, i32) {
    %c0_i32 = arith.constant 0 : i32
    %c0_i32_0 = arith.constant 0 : i32
    %c0_i32_1 = arith.constant 0 : i32
    return %c0_i32, %arg0, %c0_i32_0 : i32, i32, i32
  }
  func.func @transform_2(%arg0: i32) -> (i32, i32) {
    %c0_i32 = arith.constant 0 : i32
    %c0_i32_0 = arith.constant 0 : i32
    return %arg0, %c0_i32 : i32, i32
  }
  func.func @transform_3(%arg0: i32) -> i32 {
    %c0_i32 = arith.constant 0 : i32
    %c0_i32_0 = arith.constant 0 : i32
    return %c0_i32 : i32
  }
  func.func @transform_4(%arg0: i32) -> (i32, i32) {
    %c0_i32 = arith.constant 0 : i32
    %c0_i32_0 = arith.constant 0 : i32
    %c0_i32_1 = arith.constant 0 : i32
    return %c0_i32, %c0_i32_0 : i32, i32
  }
  func.func @transform_5(%arg0: i32) -> i32 {
    %c0_i32 = arith.constant 0 : i32
    %c0_i32_0 = arith.constant 0 : i32
    return %c0_i32 : i32
  }
  func.func @transform_6(%arg0: i32) -> (i32, i32) {
    %c0_i32 = arith.constant 0 : i32
    %c0_i32_0 = arith.constant 0 : i32
    return %arg0, %c0_i32 : i32, i32
  }
}

</mosaic_0001>

<sc_bundles>
// kernel: kernel.11.cloned.1.call-start
scs
__scs_entry_jumppad:
0x0: {  	(pc) =	sbr.rel $0x88, $3  }
0x1: {  	(tag) =	ssettag $0x0;
	lr =	simm.s32 $0x1  }
0x2: {  	[smem:$0x3F99] =	sst lr;
	_ =	strace $0xD0000000  }
0x3: {  	_ = 	snop  }
0x4: {  	_ = 	snop  }
0x5: {  	_ = 	snop  }
0x6: {  	_ = 	snop  }
0x7: {  	_ = 	snop  }
__scs_overlays_trampoline_lowered:
0x8: {  	[smem:$0x3FA8] =	sst s0  }
0x9: {  	[smem:$0x3FA9] =	sst s1  }
0xa: {  	[smem:$0x3FAA] =	sst s2  }
0xb: {  	[smem:$0x3FAB] =	sst s3  }
0xc: {  	[smem:$0x3FAC] =	sst s4  }
0xd: {  	[smem:$0x3FAD] =	sst s5  }
0xe: {  	[smem:$0x3FAE] =	sst s6  }
0xf: {  	[smem:$0x3FAF] =	sst s7  }
0x10: {  	[smem:$0x3FB0] =	sst s8  }
0x11: {  	[smem:$0x3FB1] =	sst s9;
	s0 =	simm.s32 @!p0 $0x0  }
0x12: {  	s1 =	sld [smem:$0x3F97];
	s0 =	simm.s32 @p0 $0x1  }
0x13: {  	[smem:$0x3FB2] =	sst s0;
	s0 =	simm.s32 @!p1 $0x0  }
0x14: {  	s2 =	sld [smem:$0x3F96];
	s0 =	simm.s32 @p1 $0x1  }
0x15: {  	[smem:$0x3FB3] =	sst s0;
	s0 =	simm.s32 @!p2 $0x0  }
0x16: {  	s3 =	sld [smem:$0x3FDB];
	s0 =	simm.s32 @p2 $0x1  }
0x17: {  	s4 =	simm.s32 $0x1BF5;
	[smem:$0x3FB5] =	sst s0  }
0x18: {  	s0 =	sld [smem:$0x3F98];
	_ =	swait.ge [sflag:s4], $0x0  }
0x19: {  	s7 =	sld [smem:$0x3F99]  }
0x1a: {  	s8 =	sadd.s32 $0xFFFFE003, lr  }
0x1b: {  	s9 =	sadd.s32 $0xFFFFFEF7, lr;
	s5 =	simm.s32 $0xFFFFFFFF;
	p2 =	slt.u32 s8, $0xFFFFF086  }
0x1c: {  	p1 =	slt.u32 s9, $0xF7A;
	s5 =	simm.s32 @!p2 $0x0  }
0x1d: {  	s5 =	simm.s32 @p1 $0x1;
	p0 =	seq.s32 s7, s2  }
0x1e: {  	s7 =	smul.u32 @!p0 $0xF7A, s2;
	p2 =	seq.s32 @!p0 s5, $0x0  }
0x1f: {  	s9 =	smul.u32 $0xF7A, s1;
	s8 =	simm.s32 @!p0 $0x1BF5;
	p2 =	por !p2, p0  }
0x20: {  	[sflag:s8] =	ssyncset.s32 @!p0 $0xFFFFF086;
	s6 =	sadd.s32 @!p0 s3, s7;
	s7 =	simm.s32 @!p0 $0x108  }
0x21: {  	s3 =	sadd.s32 s3, s9;
	s6 =	sadd.s32 @!p0 $0x88, s6;
	s7 =	simm.s32 @p2 $0x1082  }
0x22: {  	[simem:s7], [sflag:s8] =	dma.local @!p0 [hbm:s6], $0xF7A  }
0x23: {  	s9 =	sor.u32 $0xD0000000, s2;
	s6 =	simm.s32 $0x108;
	_ =	swait.ge @!p0 [sflag:s8], $0x0  }
0x24: {  	s3 =	sadd.s32 $0x88, s3;
	s6 =	simm.s32 @!p1 $0x1082;
	[sflag:s4] =	ssyncset.s32 $0xFFFFF086  }
0x25: {  	[simem:s6], [sflag:s4] =	dma.local [hbm:s3], $0xF7A  }
0x26: {  	[smem:$0x3F99] =	sst s1;
	(tag) =	ssettag s2;
	_ =	strace s9  }
0x27: {  	s1 =	sld [smem:$0x3FA9]  }
0x28: {  	s2 =	sld [smem:$0x3FAA]  }
0x29: {  	s4 =	sld [smem:$0x3FAC]  }
0x2a: {  	p0 =	seq.s32 s5, $0x0;
	s5 =	sld [smem:$0x3FAD]  }
0x2b: {  	s6 =	sld [smem:$0x3FAE]  }
0x2c: {  	s7 =	sld [smem:$0x3FAF]  }
0x2d: {  	s3 =	simm.s32 $0x108;
	s8 =	sld [smem:$0x3FB0]  }
0x2e: {  	s3 =	simm.s32 @!p0 $0x1082;
	s9 =	sld [smem:$0x3FB1]  }
0x2f: {  	lr =	sadd.s32 s0, s3;
	s0 =	sld [smem:$0x3FA8]  }
0x30: {  	s3 =	sld [smem:$0x3FAB]  }
0x31: {  	[smem:$0x3FB4] =	sst s10  }
0x32: {  	s10 =	sld [smem:$0x3FB2];
	_ =	sdelay $0x3  }
0x33: {  	p0 =	seq.s32 s10, $0x1;
	s10 =	sld [smem:$0x3FB4];
	_ =	sdelay $0x3  }
0x34: {  	[smem:$0x3FB4] =	sst s10  }
0x35: {  	s10 =	sld [smem:$0x3FB3];
	_ =	sdelay $0x3  }
0x36: {  	p1 =	seq.s32 s10, $0x1;
	s10 =	sld [smem:$0x3FB4];
	_ =	sdelay $0x3  }
0x37: {  	[smem:$0x3FB4] =	sst s10  }
0x38: {  	s10 =	sld [smem:$0x3FB5]  }
0x39: {  	_ = 	snop;
	(pc) =	sbr.ind lr, $3  }
0x3a: {  	_ = 	snop  }
0x3b: {  	_ = 	snop  }
0x3c: {  	p2 =	seq.s32 s10, $0x1;
	s10 =	sld [smem:$0x3FB4]  }
0x3d: {  	_ =	shalt  }
0x3e: {  	_ =	shalt  }
0x3f: {  	_ =	shalt  }
0x40: {  	_ =	shalt  }
0x41: {  	_ =	shalt  }
0x42: {  	_ =	shalt  }
0x43: {  	_ =	shalt  }
0x44: {  	_ =	shalt  }
0x45: {  	_ =	shalt  }
0x46: {  	_ =	shalt  }
0x47: {  	_ =	shalt  }
0x48: {  	_ =	shalt  }
0x49: {  	_ =	shalt  }
0x4a: {  	_ =	shalt  }
0x4b: {  	_ =	shalt  }
0x4c: {  	_ =	shalt  }
0x4d: {  	_ =	shalt  }
0x4e: {  	_ =	shalt  }
0x4f: {  	_ =	shalt  }
0x50: {  	_ =	shalt  }
0x51: {  	_ =	shalt  }
0x52: {  	_ =	shalt  }
0x53: {  	_ =	shalt  }
0x54: {  	_ =	shalt  }
0x55: {  	_ =	shalt  }
0x56: {  	_ =	shalt  }
0x57: {  	_ =	shalt  }
0x58: {  	_ =	shalt  }
0x59: {  	_ =	shalt  }
0x5a: {  	_ =	shalt  }
0x5b: {  	_ =	shalt  }
0x5c: {  	_ =	shalt  }
0x5d: {  	_ =	shalt  }
0x5e: {  	_ =	shalt  }
0x5f: {  	_ =	shalt  }
0x60: {  	_ =	shalt  }
0x61: {  	_ =	shalt  }
0x62: {  	_ =	shalt  }
0x63: {  	_ =	shalt  }
0x64: {  	_ =	shalt  }
0x65: {  	_ =	shalt  }
0x66: {  	_ =	shalt  }
0x67: {  	_ =	shalt  }
0x68: {  	_ =	shalt  }
0x69: {  	_ =	shalt  }
0x6a: {  	_ =	shalt  }
0x6b: {  	_ =	shalt  }
0x6c: {  	_ =	shalt  }
0x6d: {  	_ =	shalt  }
0x6e: {  	_ =	shalt  }
0x6f: {  	_ =	shalt  }
0x70: {  	_ =	shalt  }
0x71: {  	_ =	shalt  }
0x72: {  	_ =	shalt  }
0x73: {  	_ =	shalt  }
0x74: {  	_ =	shalt  }
0x75: {  	_ =	shalt  }
0x76: {  	_ =	shalt  }
0x77: {  	_ =	shalt  }
0x78: {  	_ =	shalt  }
0x79: {  	_ =	shalt  }
0x7a: {  	_ =	shalt  }
0x7b: {  	_ =	shalt  }
0x7c: {  	_ =	shalt  }
0x7d: {  	_ =	shalt  }
0x7e: {  	_ =	shalt  }
0x7f: {  	_ =	shalt  }
0x80: {  	_ =	shalt  }
0x81: {  	_ =	shalt  }
0x82: {  	_ =	shalt  }
0x83: {  	_ =	shalt  }
0x84: {  	_ =	shalt  }
0x85: {  	_ =	shalt  }
0x86: {  	_ =	shalt  }
0x87: {  	_ =	shalt  }
.Lfunc_end0:
.L_simem_size_0:
called_computation.1_lowered:
.L_overlay_start_0:
0x88: {  	s2 =	sld [smem:$0x3FD9]  }
0x89: {  	s3 =	sld [smem:$0x3FFE];
	_ =	sdelay $0x1  }
0x8a: {  	s1 =	srdreg.scid  }
0x8b: {  	s0 =	sand.u32 $0x1, s1  }
0x8c: {  	s16 =	sshll.u32 s0, $0xA;
	s2 =	sadd.s32 s3, s2  }
0x8d: {  	s2 =	sadd.s32 s2, s16  }
0x8e: {  	[smem:$0x3FC0] =	sst s2  }
0x8f: {  	_ = 	snop  }
0x90: {  	(tm) =	ssettm $0x1  }
0x91: {  	s17 =	sld [smem:$0x3FFB];
	_ =	sdelay $0x3  }
0x92: {  	_ =	strace s17  }
0x93: {  	s2 =	sld [smem:$0x3FFC];
	_ =	sdelay $0x3  }
0x94: {  	_ =	strace s2  }
0x95: {  	s2 =	sld [smem:$0x3FFD];
	_ =	sdelay $0x3  }
0x96: {  	_ =	strace s2  }
0x97: {  	_ =	strace $0x8FFFFFFF  }
0x98: {  	s18 =	sld [smem:$0x3FDB];
	_ =	sdelay $0x1  }
0x99: {  	s19 =	simm.s32 $_scs_section_size  }
0x9a: {  	s4 =	simm.s32 $_size__tile_overlayer_lowered;
	s5 =	simm.s32 $_tile_overlayer_lowered  }
0x9b: {  	s22 =	simm.s32 $0x1BFF;
	s21 =	sshll.u32 s5, $0x1;
	s2 =	sadd.s32 s19, s18  }
0x9c: {  	s6 =	simm.s32 $0x0;
	s20 =	sshll.u32 s4, $0x1;
	s4 =	sadd.s32 s21, s2  }
0x9d: {  	[timem:s6], [sflag:s22] =	dma.local [hbm:s4], s20  }
0x9e: {  	_ =	swait.ge [sflag:s22], s20  }
0x9f: {  	s3 =	ssub.s32 $0x0, s20;
	[sflag:s22] =	ssyncset.done $0x0  }
0xa0: {  	[sflag:s22] =	ssyncadd.s32 s3;
	_ =	sdelay $0x1  }
0xa1: {  	s23 =	simm.s32 $0x1B8B  }
0xa2: {  	_ =	swait.ge [sflag:s23], $0x1  }
0xa3: {  	[sflag:s23] =	ssyncset.done $0x0  }
0xa4: {  	s25 =	simm.s32 $0x1B8E;
	s24 =	sld [smem:$0x3FFE];
	[sflag:s23] =	ssyncadd.s32 $0xFFFFFFFF  }
0xa5: {  	s26 =	simm.s32 $execute0_lowered;
	[smem:$0x3FD2] =	sst s25  }
0xa6: {  	s4 =	sshll.u32 s26, $0x1;
	_ =	strace $0x80000049;
	[dreg:$0x1] =	wrdreg $0xFFFFFFFF  }
0xa7: {  	s28 =	simm.s32 $_size_execute0_lowered;
	s2 =	sadd.s32 s2, s4;
	[dreg:$0x0] =	wrdreg $0x0  }
0xa8: {  	s4 =	sshll.u32 s28, $0x1;
	[dreg:$0x2] =	wrdreg s2  }
0xa9: {  	[dreg:$0x3] =	wrdreg s4  }
0xaa: {  	[dreg:$0x4] =	wrdreg $0xC0  }
0xab: {  	_ =	task [dreg:s6], $0x5FFFF  }
0xac: {  	[dreg:$0x1] =	wrdreg $0xFFFFFFFF  }
0xad: {  	[dreg:$0x0] =	wrdreg $0x60  }
0xae: {  	[dreg:$0x2] =	wrdreg s24  }
0xaf: {  	[dreg:$0x3] =	wrdreg $0x83000  }
0xb0: {  	[dreg:$0x4] =	wrdreg $0x9  }
0xb1: {  	_ =	task.clear_ibuf [dreg:s6], $0x5FFFF;
	_ =	strace $0x90000049  }
0xb2: {  	s29 =	simm.s32 $0x9;
	_ =	strace $0x8000004B  }
0xb3: {  	_ =	swait.ge [sflag:s29], $0x1  }
0xb4: {  	[sflag:s29] =	ssyncadd.s32 $0xFFFFFFFF  }
0xb5: {  	_ =	strace $0x9000004B  }
0xb6: {  	_ =	sfence  }
0xb7: {  	s30 =	sld [smem:$0x0];
	_ =	sdelay $0x2  }
0xb8: {  	s31 =	sshll.u32 s1, $0xD;
	s1 =	sshrl.u32 s1, $0x2  }
0xb9: {  	s3 =	sand.u32 $0x4000, s31;
	s1 =	sadd.s32 s1, s30  }
0xba: {  	s0 =	sor.u32 s3, s0;
	s1 =	sshll.u32 s1, $0x11  }
0xbb: {  	s0 =	sor.u32 s1, s0  }
0xbc: {  	s0 =	sadd.s32 $0x8F2B, s0  }
0xbd: {  	[sflag:s0] =	ssyncadd.remote.s32 $0x1  }
0xbe: {  	_ =	sfence.sel $0xFFFF  }
0xbf: {  	[dreg:$0x0] =	wrdreg $0xFFFFFFFF;
	(pc) =	sbr.abs _section_cstart, $3  }
0xc0: {  	[dreg:$0x1] =	wrdreg $0xFFFFFFFF  }
0xc1: {  	_ =	task.clear_ibuf [dreg:s6], $0x2FFFF;
	_ =	strace $0x9FFFFFFF  }
0xc2: {  	(tm) =	ssettm $0x7FFFFFFF  }
0xc3: {  	_ =	shalt  }
tec
execute0_lowered:
.L_overlay_start_1:
0x0: {  	(tag) =	ssettag $0x1  }
0x1: {  	s0 =	rddreg [dreg:$0x0];
	s1 =	srdreg.scid  }
0x2: {  	s17 =	stileid.u32;
	s2 =	rddreg [dreg:$0x1]  }
0x3: {  	s4 =	simm.s32 $0x0;
	s28 =	simm.s32 $0x0;
	s3 =	smul.u32 $0x14000, s17  }
0x4: {  	s1 =	sand.u32 $0x1, s1;
	[smem:$0x7FF] =	sst s4;
	s7 =	smul.u32 $0x50000, s17  }
0x5: {  	s4 =	sadd.s32 $0x15C00, s0;
	s8 =	sadd.s32 $0x2200, s0;
	s29 =	smul.u32 $0x4F0, s17  }
0x6: {  	s5 =	smul.u32 $0x140000, s1;
	_ =	strace $0x8000004A;
	s6 =	ssub.s32 $0x2, s1  }
0x7: {  	s21 =	sshll.u32 s1, $0x4;
	s1 =	smul.u32 $0x4F00, s1;
	s20 =	sshrl.u32 s6, $0x1  }
0x8: {  	s7 =	sshrl.u32 s7, $0x2;
	s10 =	sor.u32 s17, s21;
	s21 =	simm.s32 $0x8  }
0x9: {  	s5 =	sadd.s32 s3, s5;
	s6 =	ssub.s32 s6, s20;
	s24 =	smul.u32 $0x2780, s10  }
0xa: {  	s22 =	sadd.s32 s7, s2;
	p0 =	seq.s32 s10, $0x1F;
	s11 =	smul.u32 $0x4F0, s10  }
0xb: {  	s1 =	sadd.s32 s1, s8;
	s5 =	sshrl.u32 s5, $0x3;
	s7 =	sadd.s32 $0x4000, s22  }
0xc: {  	s23 =	sadd.s32 $0x8000, s22;
	s9 =	sadd.s32 $0xC000, s22;
	[dreg:$0x5] =	wrdreg s7  }
0xd: {  	s31 =	sadd.s32 s29, s1;
	s19 =	smax.u32 s6, $0x1;
	[dreg:$0x6] =	wrdreg s23  }
0xe: {  	s0 =	sadd.s32 s5, s0;
	s5 =	sadd.s32 s3, s2;
	[dreg:$0x7] =	wrdreg s9  }
0xf: {  	s9 =	simm.s32 $0x33;
	s7 =	sshrl.u32 s24, $0x3;
	s3 =	sadd.s32 $0x10000, s22  }
0x10: {  	s10 =	sadd.s32 s8, s11;
	s1 =	sadd.s32 $0x70, s31;
	s22 =	simm.s32 $0x80  }
0x11: {  	s23 =	simm.s32 $0x4E200;
	s24 =	simm.s32 $0x8000;
	[dreg:$0x8] =	wrdreg s3  }
0x12: {  	s9 =	simm.s32 @!p0 $0x4F;
	s25 =	sadd.s32 s8, s7;
	[dreg:$0x9] =	wrdreg s10  }
0x13: {  	s18 =	sadd.s32 $0x3CE00, s0;
	s26 =	sadd.s32 $0xFFFFFFFF, s9;
	s12 =	sadd.s32 $0x10, s25  }
0x14: {  	s13 =	sadd.s32 $0xFFFFFFFE, s9;
	s14 =	sadd.s32 $0xFFFFFFFD, s9;
	s15 =	sadd.s32 $0xFFFFFFFC, s9  }
0x15: {  	s16 =	sadd.s32 $0xFFFFFFFB, s9;
	s30 =	sadd.s32 $0xFFFFFFF9, s9;
	[dreg:$0x3] =	wrdreg s26  }
0x16: {  	v0 =	vimm.f32 $0.0e+00;
	s17 =	sadd.s32 $0xFFFFFFFA, s9;
	[dreg:$0x4] =	wrdreg s30;
	s26 =	simm.s32 $0x3  }
.LBB2_1:
0x17: {  	s3 =	simm.s32 $0x0  }
0x18: {  	s0 =	sand.u32 $0xFE00, s3  }
0x19: {  	s3 =	sand.u32 $0x70, s3;
	s6 =	sshrl.u32 s0, $0x2  }
0x1a: {  	s0 =	simm.s32 $0x40;
	s6 =	sor.u32 s3, s6;
	s3 =	simm.s32 $0x0  }
.LBB2_2:
0x1b: {  	p0 =	sne.s32 s0, $0xFFC0  }
0x1c: {  	[tilespmem:s6+$0x0] =	vst v0;
	s3 =	sadd.s32 $0x10, s3;
	s6 =	smov.u32 s0;
	s0 =	sadd.s32 $0x40, s0  }
.Ltmp0:
0x1d: {  	(pc) =	sbr.rel @p0 .LBB2_2-.Ltmp0, $4  }
0x1e: {  	_ = 	snop  }
0x1f: {  	s6 =	sand.u32 $0xFE00, s6  }
0x20: {  	s7 =	sand.u32 $0x70, s3;
	s6 =	sshrl.u32 s6, $0x2  }
0x21: {  	s6 =	sor.u32 s7, s6  }
0x22: {  	[tilespmem:s6+$0x0] =	vst v0;
	s0 =	simm.s32 $0x0  }
0x23: {  	[spmem:s5] =	stream.linear.scatter [tilespmem:s0], [sflag:$0x8], $0x4000, $0x38;
	[tilespmem:$0x1C300] =	vst v63  }
0x24: {  	_ =	swait.ge [sflag:s21], $0x4000  }
0x25: {  	[sflag:s21] =	ssyncset.done $0x0  }
0x26: {  	s3 =	rddreg [dreg:$0x5];
	[sflag:s21] =	ssyncadd.s32 $0xFFFFC000  }
0x27: {  	[spmem:s3] =	stream.linear.scatter [tilespmem:s0], [sflag:$0x8], $0x4000, $0x38;
	[tilespmem:$0x1C300] =	vst v63  }
0x28: {  	_ =	swait.ge [sflag:s21], $0x4000  }
0x29: {  	[sflag:s21] =	ssyncset.done $0x0  }
0x2a: {  	s8 =	rddreg [dreg:$0x6];
	[sflag:s21] =	ssyncadd.s32 $0xFFFFC000  }
0x2b: {  	[spmem:s8] =	stream.linear.scatter [tilespmem:s0], [sflag:$0x8], $0x4000, $0x38;
	[tilespmem:$0x1C300] =	vst v63  }
0x2c: {  	_ =	swait.ge [sflag:s21], $0x4000  }
0x2d: {  	[sflag:s21] =	ssyncset.done $0x0  }
0x2e: {  	s10 =	rddreg [dreg:$0x7];
	[sflag:s21] =	ssyncadd.s32 $0xFFFFC000  }
0x2f: {  	[spmem:s10] =	stream.linear.scatter [tilespmem:s0], [sflag:$0x8], $0x4000, $0x38;
	[tilespmem:$0x1C300] =	vst v63  }
0x30: {  	_ =	swait.ge [sflag:s21], $0x4000  }
0x31: {  	[sflag:s21] =	ssyncset.done $0x0  }
0x32: {  	s11 =	rddreg [dreg:$0x8];
	[sflag:s21] =	ssyncadd.s32 $0xFFFFC000  }
0x33: {  	[spmem:s11] =	stream.linear.scatter [tilespmem:s0], [sflag:$0x8], $0x4000, $0x38;
	[tilespmem:$0x1C300] =	vst v63  }
0x34: {  	_ =	swait.ge [sflag:s21], $0x4000  }
0x35: {  	[sflag:s21] =	ssyncset.done $0x0  }
0x36: {  	s20 =	rddreg [dreg:$0x9];
	[sflag:s21] =	ssyncadd.s32 $0xFFFFC000  }
0x37: {  	[tilespmem:s24], [sflag:$0x8] =	stream.strided.gather [hbm4b:s20+s22], $0x100, s23, s22, $0x38;
	[tilespmem:$0x1C300] =	vst v63  }
0x38: {  	_ =	swait.ge [sflag:s21], $0x100  }
0x39: {  	p0 =	sle.u32 s9, $0x0;
	[sflag:s21] =	ssyncset.done $0x0  }
0x3a: {  	s25 =	simm.s32 $0x8100;
	p1 =	por @!p0 $0x1, $0x1;
	[sflag:s21] =	ssyncadd.s32 $0xFFFFFF00  }
0x3b: {  	[tilespmem:s25], [sflag:$0x6] =	stream.strided.gather [hbm4b:s12+s22], $0x100, s23, s22, $0x38;
	[tilespmem:$0x1C300] =	vst v63  }
0x3c: {  	p1 =	por p1, p0  }
0x3d: {  	[tilespmem:s0], [sflag:$0x1] =	stream.indirect.gather [hbm4b:s4+s22], $0x80, s24, s22, $0xb8;
	[tilespmem:$0x1C300] =	vst v63  }
0x3e: {  	s0 =	simm.s32 @!p1 $0x4;
	[bflag:$0x0] =	sbarrier.arrive $0xFFFF  }
0x3f: {  	_ =	swait.ge @!p1 [sflag:s0], $0x4000  }
0x40: {  	s3 =	rddreg [dreg:$0x3]  }
0x41: {  	p2 =	sle.u32 @!p0 s3, $0x0  }
0x42: {  	[sflag:s0] =	ssyncset.done @!p1 $0x0;
	p2 =	por p2, p0  }
0x43: {  	[sflag:s0] =	ssyncadd.s32 @!p1 $0xFFFFC000;
	p1 =	sle.u32 @!p0 s13, $0x0;
	s0 =	simm.s32 @!p2 $0x6  }
0x44: {  	p1 =	por p1, p0;
	s3 =	simm.s32 @!p2 $0x4000;
	_ =	swait.ge @!p2 [sflag:s0], $0x100  }
0x45: {  	s6 =	simm.s32 @!p1 $0x4E200;
	s7 =	simm.s32 @!p2 $0x80;
	[sflag:s0] =	ssyncset.done @!p2 $0x0  }
0x46: {  	s8 =	simm.s32 @!p2 $0x8100;
	[sflag:s0] =	ssyncadd.s32 @!p2 $0xFFFFFF00;
	s0 =	sadd.s32 @!p1 $0xFFFFFFB0, s1  }
0x47: {  	[tilespmem:s3], [sflag:$0x2] =	stream.indirect.gather @!p2 [hbm4b:s4+s7], $0x80, s8, s7, $0xb8;
	[tilespmem:$0x1C300] =	vst v63  }
0x48: {  	s3 =	simm.s32 @!p1 $0x8200;
	s7 =	simm.s32 @!p1 $0x80;
	s8 =	simm.s32 @!p0 $0x1  }
0x49: {  	[tilespmem:s3], [sflag:$0x7] =	stream.strided.gather @!p1 [hbm4b:s0+s7], $0x100, s6, s7, $0x38;
	[tilespmem:$0x1C300] =	vst v63  }
0x4a: {  	s0 =	simm.s32 @!p0 $0x0;
	_ =	swait.ge @!p0 [sflag:s8], $0x4000  }
0x4b: {  	s3 =	simm.s32 @!p0 $0x80;
	p1 =	sle.u32 s9, $0x1;
	[sflag:s8] =	ssyncset.done @!p0 $0x0  }
0x4c: {  	s6 =	simm.s32 @!p0 $0x8080;
	s7 =	simm.s32 @!p1 $0x3;
	[sflag:s8] =	ssyncadd.s32 @!p0 $0xFFFFC000  }
0x4d: {  	[spmem:s2] =	stream.indirect.scatter.add.f32 @!p0 [tilespmem:s0], [sflag:$0x3], $0x80, s6, s3, $0xb8;
	[tilespmem:$0x1C300] =	vst v63  }
0x4e: {  	p0 =	sle.u32 @!p1 s13, $0x0;
	_ =	swait.ge @!p1 [sflag:s7], $0x4000  }
0x4f: {  	p2 =	sle.u32 @!p1 s14, $0x0;
	p3 =	por p0, p1;
	[sflag:s7] =	ssyncset.done @!p1 $0x0  }
0x50: {  	p0 =	por p2, p1;
	s0 =	simm.s32 @!p3 $0x7;
	[sflag:s7] =	ssyncadd.s32 @!p1 $0xFFFFC000  }
0x51: {  	s3 =	simm.s32 @!p0 $0x8000;
	_ =	swait.ge @!p3 [sflag:s0], $0x100  }
0x52: {  	s6 =	simm.s32 @!p3 $0x0;
	s8 =	simm.s32 @!p3 $0x80;
	[sflag:s0] =	ssyncset.done @!p3 $0x0  }
0x53: {  	s20 =	simm.s32 @!p3 $0x8200;
	s7 =	simm.s32 @!p0 $0x4E200;
	[sflag:s0] =	ssyncadd.s32 @!p3 $0xFFFFFF00  }
0x54: {  	[tilespmem:s6], [sflag:$0x1] =	stream.indirect.gather @!p3 [hbm4b:s4+s8], $0x80, s20, s8, $0xb8;
	[tilespmem:$0x1C300] =	vst v63  }
0x55: {  	s0 =	sadd.s32 @!p0 $0xFFFFFFC0, s1;
	s6 =	simm.s32 @!p0 $0x80;
	s8 =	simm.s32 @!p1 $0x2  }
0x56: {  	[tilespmem:s3], [sflag:$0x5] =	stream.strided.gather @!p0 [hbm4b:s0+s6], $0x100, s7, s6, $0x38;
	[tilespmem:$0x1C300] =	vst v63  }
0x57: {  	s0 =	simm.s32 @!p1 $0x8180;
	_ =	swait.ge @!p1 [sflag:s8], $0x4000  }
0x58: {  	s3 =	simm.s32 @!p1 $0x4000;
	p0 =	sle.u32 s9, $0x2;
	[sflag:s8] =	ssyncset.done @!p1 $0x0  }
0x59: {  	s6 =	simm.s32 @!p1 $0x80;
	s7 =	simm.s32 @!p0 $0x4;
	[sflag:s8] =	ssyncadd.s32 @!p1 $0xFFFFC000  }
0x5a: {  	[spmem:s2] =	stream.indirect.scatter.add.f32 @!p1 [tilespmem:s3], [sflag:$0x4], $0x80, s0, s6, $0xb8;
	[tilespmem:$0x1C300] =	vst v63  }
0x5b: {  	p1 =	sle.u32 @!p0 s14, $0x0;
	_ =	swait.ge @!p0 [sflag:s7], $0x4000  }
0x5c: {  	p2 =	sle.u32 @!p0 s15, $0x0;
	p1 =	por p1, p0;
	[sflag:s7] =	ssyncset.done @!p0 $0x0  }
0x5d: {  	p2 =	por p2, p0;
	s0 =	simm.s32 @!p1 $0x5;
	[sflag:s7] =	ssyncadd.s32 @!p0 $0xFFFFC000  }
0x5e: {  	s3 =	simm.s32 @!p2 $0x8100;
	_ =	swait.ge @!p1 [sflag:s0], $0x100  }
0x5f: {  	s6 =	simm.s32 @!p1 $0x4000;
	s8 =	simm.s32 @!p1 $0x80;
	[sflag:s0] =	ssyncset.done @!p1 $0x0  }
0x60: {  	s20 =	simm.s32 @!p1 $0x8000;
	s7 =	simm.s32 @!p2 $0x4E200;
	[sflag:s0] =	ssyncadd.s32 @!p1 $0xFFFFFF00  }
0x61: {  	[tilespmem:s6], [sflag:$0x2] =	stream.indirect.gather @!p1 [hbm4b:s4+s8], $0x80, s20, s8, $0xb8;
	[tilespmem:$0x1C300] =	vst v63  }
0x62: {  	s0 =	sadd.s32 @!p2 $0xFFFFFFD0, s1;
	s6 =	simm.s32 @!p2 $0x80;
	s8 =	simm.s32 @!p0 $0x1  }
0x63: {  	[tilespmem:s3], [sflag:$0x6] =	stream.strided.gather @!p2 [hbm4b:s0+s6], $0x100, s7, s6, $0x38;
	[tilespmem:$0x1C300] =	vst v63  }
0x64: {  	p1 =	sle.u32 s9, $0x3;
	_ =	swait.ge @!p0 [sflag:s8], $0x4000  }
0x65: {  	s0 =	simm.s32 @!p0 $0x8280;
	s3 =	simm.s32 @!p0 $0x0;
	[sflag:s8] =	ssyncset.done @!p0 $0x0  }
0x66: {  	s6 =	simm.s32 @!p0 $0x80;
	s7 =	simm.s32 @!p1 $0x3;
	[sflag:s8] =	ssyncadd.s32 @!p0 $0xFFFFC000  }
0x67: {  	[spmem:s2] =	stream.indirect.scatter.add.f32 @!p0 [tilespmem:s3], [sflag:$0x3], $0x80, s0, s6, $0xb8;
	[tilespmem:$0x1C300] =	vst v63  }
0x68: {  	p0 =	sle.u32 @!p1 s15, $0x0;
	_ =	swait.ge @!p1 [sflag:s7], $0x4000  }
0x69: {  	p2 =	sle.u32 @!p1 s16, $0x0;
	p0 =	por p0, p1;
	[sflag:s7] =	ssyncset.done @!p1 $0x0  }
0x6a: {  	p2 =	por p2, p1;
	s0 =	simm.s32 @!p0 $0x6;
	[sflag:s7] =	ssyncadd.s32 @!p1 $0xFFFFC000  }
0x6b: {  	s3 =	simm.s32 @!p2 $0x8200;
	_ =	swait.ge @!p0 [sflag:s0], $0x100  }
0x6c: {  	s6 =	simm.s32 @!p0 $0x0;
	s8 =	simm.s32 @!p0 $0x80;
	[sflag:s0] =	ssyncset.done @!p0 $0x0  }
0x6d: {  	s20 =	simm.s32 @!p0 $0x8100;
	s7 =	simm.s32 @!p2 $0x4E200;
	[sflag:s0] =	ssyncadd.s32 @!p0 $0xFFFFFF00  }
0x6e: {  	[tilespmem:s6], [sflag:$0x1] =	stream.indirect.gather @!p0 [hbm4b:s4+s8], $0x80, s20, s8, $0xb8;
	[tilespmem:$0x1C300] =	vst v63  }
0x6f: {  	s0 =	sadd.s32 @!p2 $0xFFFFFFE0, s1;
	s6 =	simm.s32 @!p2 $0x80;
	s8 =	simm.s32 @!p1 $0x2  }
0x70: {  	[tilespmem:s3], [sflag:$0x7] =	stream.strided.gather @!p2 [hbm4b:s0+s6], $0x100, s7, s6, $0x38;
	[tilespmem:$0x1C300] =	vst v63  }
0x71: {  	p0 =	sle.u32 s9, $0x4;
	_ =	swait.ge @!p1 [sflag:s8], $0x4000  }
0x72: {  	s0 =	simm.s32 @!p1 $0x8080;
	s3 =	simm.s32 @!p1 $0x4000;
	[sflag:s8] =	ssyncset.done @!p1 $0x0  }
0x73: {  	s6 =	simm.s32 @!p1 $0x80;
	s7 =	simm.s32 @!p0 $0x4;
	[sflag:s8] =	ssyncadd.s32 @!p1 $0xFFFFC000  }
0x74: {  	[spmem:s2] =	stream.indirect.scatter.add.f32 @!p1 [tilespmem:s3], [sflag:$0x4], $0x80, s0, s6, $0xb8;
	[tilespmem:$0x1C300] =	vst v63  }
0x75: {  	p1 =	sle.u32 @!p0 s16, $0x0;
	_ =	swait.ge @!p0 [sflag:s7], $0x4000  }
0x76: {  	p2 =	sle.u32 @!p0 s17, $0x0;
	p1 =	por p1, p0;
	[sflag:s7] =	ssyncset.done @!p0 $0x0  }
0x77: {  	p2 =	por p2, p0;
	s0 =	simm.s32 @!p1 $0x7;
	[sflag:s7] =	ssyncadd.s32 @!p0 $0xFFFFC000  }
0x78: {  	s3 =	simm.s32 @!p2 $0x8000;
	_ =	swait.ge @!p1 [sflag:s0], $0x100  }
0x79: {  	s6 =	simm.s32 @!p1 $0x4000;
	s8 =	simm.s32 @!p1 $0x80;
	[sflag:s0] =	ssyncset.done @!p1 $0x0  }
0x7a: {  	s20 =	simm.s32 @!p1 $0x8200;
	s7 =	simm.s32 @!p2 $0x4E200;
	[sflag:s0] =	ssyncadd.s32 @!p1 $0xFFFFFF00  }
0x7b: {  	[tilespmem:s6], [sflag:$0x2] =	stream.indirect.gather @!p1 [hbm4b:s4+s8], $0x80, s20, s8, $0xb8;
	[tilespmem:$0x1C300] =	vst v63  }
0x7c: {  	s0 =	sadd.s32 @!p2 $0xFFFFFFF0, s1;
	s6 =	simm.s32 @!p2 $0x80;
	s8 =	simm.s32 @!p0 $0x1  }
0x7d: {  	[tilespmem:s3], [sflag:$0x5] =	stream.strided.gather @!p2 [hbm4b:s0+s6], $0x100, s7, s6, $0x38;
	[tilespmem:$0x1C300] =	vst v63  }
0x7e: {  	s0 =	simm.s32 @!p0 $0x8180;
	_ =	swait.ge @!p0 [sflag:s8], $0x4000  }
0x7f: {  	s3 =	simm.s32 @!p0 $0x0;
	p2 =	sle.u32 s9, $0x5;
	[sflag:s8] =	ssyncset.done @!p0 $0x0  }
0x80: {  	s6 =	simm.s32 @!p0 $0x80;
	s7 =	simm.s32 @!p2 $0x3;
	[sflag:s8] =	ssyncadd.s32 @!p0 $0xFFFFC000  }
0x81: {  	[spmem:s2] =	stream.indirect.scatter.add.f32 @!p0 [tilespmem:s3], [sflag:$0x3], $0x80, s0, s6, $0xb8;
	[tilespmem:$0x1C300] =	vst v63  }
0x82: {  	s30 =	simm.s32 $0x6;
	p0 =	sle.u32 @!p2 s17, $0x0;
	_ =	swait.ge @!p2 [sflag:s7], $0x4000  }
0x83: {  	s31 =	simm.s32 $0xC;
	p3 =	por p0, p2;
	[sflag:s7] =	ssyncset.done @!p2 $0x0  }
0x84: {  	s29 =	sadd.s32 $0x60, s1;
	s0 =	simm.s32 @!p3 $0x5;
	[sflag:s7] =	ssyncadd.s32 @!p2 $0xFFFFC000  }
0x85: {  	p1 =	sle.u32 s9, $0x6;
	s20 =	smov.u32 s1;
	_ =	swait.ge @!p3 [sflag:s0], $0x100  }
0x86: {  	p4 =	por @!p1 $0x0, $0x0;
	s25 =	simm.s32 @!p3 $0x80;
	s3 =	rddreg [dreg:$0x4]  }
0x87: {  	s8 =	simm.s32 @!p3 $0x8000;
	[sflag:s0] =	ssyncset.done @!p3 $0x0;
	p0 =	sle.u32 @!p2 s3, $0x0  }
0x88: {  	[sflag:s0] =	ssyncadd.s32 @!p3 $0xFFFFFF00;
	s0 =	simm.s32 @!p3 $0x0;
	p5 =	por p0, p2  }
0x89: {  	s3 =	simm.s32 @!p5 $0x80;
	s6 =	simm.s32 @!p5 $0x4E200;
	s7 =	simm.s32 @!p5 $0x8100  }
.LBB2_4:
0x8a: {  	[tilespmem:s0], [sflag:$0x1] =	stream.indirect.gather @!p3 [hbm4b:s4+s25], $0x80, s8, s25, $0xb8;
	[tilespmem:$0x1C300] =	vst v63  }
0x8b: {  	s0 =	simm.s32 @!p2 $0x2  }
0x8c: {  	[tilespmem:s7], [sflag:$0x6] =	stream.strided.gather @!p5 [hbm4b:s20+s3], $0x100, s6, s3, $0x38;
	[tilespmem:$0x1C300] =	vst v63  }
0x8d: {  	p3 =	por p4, p1;
	_ =	swait.ge @!p2 [sflag:s0], $0x4000  }
0x8e: {  	s3 =	simm.s32 @!p3 $0x4;
	s6 =	simm.s32 @!p2 $0x4000;
	[sflag:s0] =	ssyncset.done @!p2 $0x0  }
0x8f: {  	s7 =	simm.s32 @!p2 $0x8280;
	[sflag:s0] =	ssyncadd.s32 @!p2 $0xFFFFC000;
	s0 =	simm.s32 @!p2 $0x80  }
0x90: {  	[spmem:s2] =	stream.indirect.scatter.add.f32 @!p2 [tilespmem:s6], [sflag:$0x4], $0x80, s7, s0, $0xb8;
	[tilespmem:$0x1C300] =	vst v63  }
0x91: {  	_ =	swait.ge @!p3 [sflag:s3], $0x4000  }
0x92: {  	s25 =	smov.u32 s30;
	s0 =	rddreg [dreg:$0x3]  }
0x93: {  	[sflag:s3] =	ssyncset.done @!p3 $0x0;
	p2 =	sge.u32 @!p1 s25, s0  }
0x94: {  	[sflag:s3] =	ssyncadd.s32 @!p3 $0xFFFFC000;
	p3 =	por p2, p1  }
0x95: {  	p2 =	sge.u32 @!p1 s25, s13;
	s0 =	simm.s32 @!p3 $0x6  }
0x96: {  	p2 =	por p2, p1;
	s6 =	simm.s32 @!p3 $0x4000;
	_ =	swait.ge @!p3 [sflag:s0], $0x100  }
0x97: {  	s8 =	simm.s32 @!p3 $0x80;
	s10 =	simm.s32 @!p3 $0x8100;
	[sflag:s0] =	ssyncset.done @!p3 $0x0  }
0x98: {  	s7 =	simm.s32 @!p2 $0x4E200;
	s11 =	simm.s32 @!p2 $0x8200;
	[sflag:s0] =	ssyncadd.s32 @!p3 $0xFFFFFF00  }
0x99: {  	[tilespmem:s6], [sflag:$0x2] =	stream.indirect.gather @!p3 [hbm4b:s4+s8], $0x80, s10, s8, $0xb8;
	[tilespmem:$0x1C300] =	vst v63  }
0x9a: {  	s0 =	sadd.s32 @!p2 $0xFFFFFFB0, s29;
	s6 =	simm.s32 @!p2 $0x80;
	s8 =	simm.s32 @!p1 $0x1  }
0x9b: {  	[tilespmem:s11], [sflag:$0x7] =	stream.strided.gather @!p2 [hbm4b:s0+s6], $0x100, s7, s6, $0x38;
	[tilespmem:$0x1C300] =	vst v63  }
0x9c: {  	s3 =	sadd.s32 $0x1, s25;
	s10 =	simm.s32 @!p1 $0x0;
	_ =	swait.ge @!p1 [sflag:s8], $0x4000  }
0x9d: {  	s0 =	simm.s32 @!p1 $0x80;
	p2 =	sge.u32 s3, s9;
	[sflag:s8] =	ssyncset.done @!p1 $0x0  }
0x9e: {  	s3 =	simm.s32 @!p1 $0x8080;
	s6 =	simm.s32 @!p2 $0x3;
	[sflag:s8] =	ssyncadd.s32 @!p1 $0xFFFFC000  }
0x9f: {  	[spmem:s2] =	stream.indirect.scatter.add.f32 @!p1 [tilespmem:s10], [sflag:$0x3], $0x80, s3, s0, $0xb8;
	[tilespmem:$0x1C300] =	vst v63  }
0xa0: {  	p3 =	sge.u32 @!p2 s25, s13;
	_ =	swait.ge @!p2 [sflag:s6], $0x4000  }
0xa1: {  	p3 =	por p3, p2;
	[sflag:s6] =	ssyncset.done @!p2 $0x0  }
0xa2: {  	p4 =	sge.u32 @!p2 s25, s14;
	s0 =	simm.s32 @!p3 $0x7;
	[sflag:s6] =	ssyncadd.s32 @!p2 $0xFFFFC000  }
0xa3: {  	s8 =	simm.s32 @!p3 $0x80;
	p1 =	por p4, p2;
	_ =	swait.ge @!p3 [sflag:s0], $0x100  }
0xa4: {  	s10 =	simm.s32 @!p3 $0x8200;
	s3 =	simm.s32 @!p1 $0x8000;
	[sflag:s0] =	ssyncset.done @!p3 $0x0  }
0xa5: {  	s7 =	simm.s32 @!p1 $0x4E200;
	s6 =	simm.s32 @!p3 $0x0;
	[sflag:s0] =	ssyncadd.s32 @!p3 $0xFFFFFF00  }
0xa6: {  	[tilespmem:s6], [sflag:$0x1] =	stream.indirect.gather @!p3 [hbm4b:s4+s8], $0x80, s10, s8, $0xb8;
	[tilespmem:$0x1C300] =	vst v63  }
0xa7: {  	s11 =	simm.s32 @!p1 $0x80;
	s0 =	sadd.s32 @!p1 $0xFFFFFFC0, s29;
	s6 =	simm.s32 @!p2 $0x2  }
0xa8: {  	[tilespmem:s3], [sflag:$0x5] =	stream.strided.gather @!p1 [hbm4b:s0+s11], $0x100, s7, s11, $0x38;
	[tilespmem:$0x1C300] =	vst v63  }
0xa9: {  	s8 =	simm.s32 @!p2 $0x8180;
	s10 =	sadd.s32 $0x2, s25;
	_ =	swait.ge @!p2 [sflag:s6], $0x4000  }
0xaa: {  	s0 =	simm.s32 @!p2 $0x4000;
	p1 =	sge.u32 s10, s9;
	[sflag:s6] =	ssyncset.done @!p2 $0x0  }
0xab: {  	s7 =	simm.s32 @!p2 $0x80;
	s3 =	simm.s32 @!p1 $0x4;
	[sflag:s6] =	ssyncadd.s32 @!p2 $0xFFFFC000  }
0xac: {  	[spmem:s2] =	stream.indirect.scatter.add.f32 @!p2 [tilespmem:s0], [sflag:$0x4], $0x80, s8, s7, $0xb8;
	[tilespmem:$0x1C300] =	vst v63  }
0xad: {  	p3 =	sge.u32 @!p1 s25, s14;
	_ =	swait.ge @!p1 [sflag:s3], $0x4000  }
0xae: {  	p2 =	por p3, p1;
	[sflag:s3] =	ssyncset.done @!p1 $0x0  }
0xaf: {  	p3 =	sge.u32 @!p1 s25, s15;
	s0 =	simm.s32 @!p2 $0x5;
	[sflag:s3] =	ssyncadd.s32 @!p1 $0xFFFFC000  }
0xb0: {  	p3 =	por p3, p1;
	s6 =	simm.s32 @!p2 $0x4000;
	_ =	swait.ge @!p2 [sflag:s0], $0x100  }
0xb1: {  	s8 =	simm.s32 @!p2 $0x80;
	s10 =	simm.s32 @!p2 $0x8000;
	[sflag:s0] =	ssyncset.done @!p2 $0x0  }
0xb2: {  	s7 =	simm.s32 @!p3 $0x4E200;
	s11 =	simm.s32 @!p3 $0x80;
	[sflag:s0] =	ssyncadd.s32 @!p2 $0xFFFFFF00  }
0xb3: {  	[tilespmem:s6], [sflag:$0x2] =	stream.indirect.gather @!p2 [hbm4b:s4+s8], $0x80, s10, s8, $0xb8;
	[tilespmem:$0x1C300] =	vst v63  }
0xb4: {  	s3 =	simm.s32 @!p3 $0x8100;
	s0 =	sadd.s32 @!p3 $0xFFFFFFD0, s29;
	s6 =	simm.s32 @!p1 $0x1  }
0xb5: {  	[tilespmem:s3], [sflag:$0x6] =	stream.strided.gather @!p3 [hbm4b:s0+s11], $0x100, s7, s11, $0x38;
	[tilespmem:$0x1C300] =	vst v63  }
0xb6: {  	s8 =	simm.s32 @!p1 $0x8280;
	s11 =	sadd.s32 $0x3, s25;
	_ =	swait.ge @!p1 [sflag:s6], $0x4000  }
0xb7: {  	s0 =	simm.s32 @!p1 $0x0;
	p2 =	sge.u32 s11, s9;
	[sflag:s6] =	ssyncset.done @!p1 $0x0  }
0xb8: {  	s7 =	simm.s32 @!p1 $0x80;
	s3 =	simm.s32 @!p2 $0x3;
	[sflag:s6] =	ssyncadd.s32 @!p1 $0xFFFFC000  }
0xb9: {  	[spmem:s2] =	stream.indirect.scatter.add.f32 @!p1 [tilespmem:s0], [sflag:$0x3], $0x80, s8, s7, $0xb8;
	[tilespmem:$0x1C300] =	vst v63  }
0xba: {  	p3 =	sge.u32 @!p2 s25, s15;
	_ =	swait.ge @!p2 [sflag:s3], $0x4000  }
0xbb: {  	p1 =	por p3, p2;
	[sflag:s3] =	ssyncset.done @!p2 $0x0  }
0xbc: {  	p3 =	sge.u32 @!p2 s25, s16;
	s0 =	simm.s32 @!p1 $0x6;
	[sflag:s3] =	ssyncadd.s32 @!p2 $0xFFFFC000  }
0xbd: {  	p3 =	por p3, p2;
	s6 =	simm.s32 @!p1 $0x0;
	_ =	swait.ge @!p1 [sflag:s0], $0x100  }
0xbe: {  	s8 =	simm.s32 @!p1 $0x80;
	s10 =	simm.s32 @!p1 $0x8100;
	[sflag:s0] =	ssyncset.done @!p1 $0x0  }
0xbf: {  	s7 =	simm.s32 @!p3 $0x4E200;
	s11 =	simm.s32 @!p3 $0x80;
	[sflag:s0] =	ssyncadd.s32 @!p1 $0xFFFFFF00  }
0xc0: {  	[tilespmem:s6], [sflag:$0x1] =	stream.indirect.gather @!p1 [hbm4b:s4+s8], $0x80, s10, s8, $0xb8;
	[tilespmem:$0x1C300] =	vst v63  }
0xc1: {  	s3 =	simm.s32 @!p3 $0x8200;
	s0 =	sadd.s32 @!p3 $0xFFFFFFE0, s29;
	s6 =	simm.s32 @!p2 $0x2  }
0xc2: {  	[tilespmem:s3], [sflag:$0x7] =	stream.strided.gather @!p3 [hbm4b:s0+s11], $0x100, s7, s11, $0x38;
	[tilespmem:$0x1C300] =	vst v63  }
0xc3: {  	s8 =	simm.s32 @!p2 $0x8080;
	s10 =	sadd.s32 $0x4, s25;
	_ =	swait.ge @!p2 [sflag:s6], $0x4000  }
0xc4: {  	p1 =	sge.u32 s10, s9;
	s0 =	simm.s32 @!p2 $0x4000;
	[sflag:s6] =	ssyncset.done @!p2 $0x0  }
0xc5: {  	s7 =	simm.s32 @!p2 $0x80;
	s3 =	simm.s32 @!p1 $0x4;
	[sflag:s6] =	ssyncadd.s32 @!p2 $0xFFFFC000  }
0xc6: {  	[spmem:s2] =	stream.indirect.scatter.add.f32 @!p2 [tilespmem:s0], [sflag:$0x4], $0x80, s8, s7, $0xb8;
	[tilespmem:$0x1C300] =	vst v63  }
0xc7: {  	s30 =	smov.u32 s31;
	p3 =	sge.u32 @!p1 s25, s16;
	_ =	swait.ge @!p1 [sflag:s3], $0x4000  }
0xc8: {  	s31 =	sadd.s32 $0x6, s31;
	p2 =	por p3, p1;
	[sflag:s3] =	ssyncset.done @!p1 $0x0  }
0xc9: {  	p3 =	sge.u32 @!p1 s25, s17;
	s0 =	simm.s32 @!p2 $0x7;
	[sflag:s3] =	ssyncadd.s32 @!p1 $0xFFFFC000  }
0xca: {  	p3 =	por p3, p1;
	s6 =	simm.s32 @!p2 $0x4000;
	_ =	swait.ge @!p2 [sflag:s0], $0x100  }
0xcb: {  	s8 =	simm.s32 @!p2 $0x80;
	s10 =	simm.s32 @!p2 $0x8200;
	[sflag:s0] =	ssyncset.done @!p2 $0x0  }
0xcc: {  	s7 =	simm.s32 @!p3 $0x4E200;
	s11 =	simm.s32 @!p3 $0x80;
	[sflag:s0] =	ssyncadd.s32 @!p2 $0xFFFFFF00  }
0xcd: {  	[tilespmem:s6], [sflag:$0x2] =	stream.indirect.gather @!p2 [hbm4b:s4+s8], $0x80, s10, s8, $0xb8;
	[tilespmem:$0x1C300] =	vst v63  }
0xce: {  	s3 =	simm.s32 @!p3 $0x8000;
	s0 =	sadd.s32 @!p3 $0xFFFFFFF0, s29;
	s6 =	simm.s32 @!p1 $0x1  }
0xcf: {  	[tilespmem:s3], [sflag:$0x5] =	stream.strided.gather @!p3 [hbm4b:s0+s11], $0x100, s7, s11, $0x38;
	[tilespmem:$0x1C300] =	vst v63  }
0xd0: {  	s8 =	simm.s32 @!p1 $0x8180;
	s11 =	sadd.s32 $0x5, s25;
	_ =	swait.ge @!p1 [sflag:s6], $0x4000  }
0xd1: {  	s0 =	simm.s32 @!p1 $0x0;
	p2 =	sge.u32 s11, s9;
	[sflag:s6] =	ssyncset.done @!p1 $0x0  }
0xd2: {  	s7 =	simm.s32 @!p1 $0x80;
	s3 =	simm.s32 @!p2 $0x3;
	[sflag:s6] =	ssyncadd.s32 @!p1 $0xFFFFC000  }
0xd3: {  	[spmem:s2] =	stream.indirect.scatter.add.f32 @!p1 [tilespmem:s0], [sflag:$0x3], $0x80, s8, s7, $0xb8;
	[tilespmem:$0x1C300] =	vst v63  }
0xd4: {  	p0 =	sne.s32 s31, $0x54;
	p3 =	sge.u32 @!p2 s25, s17;
	_ =	swait.ge @!p2 [sflag:s3], $0x4000  }
0xd5: {  	s20 =	smov.u32 s29;
	p3 =	por p3, p2;
	[sflag:s3] =	ssyncset.done @!p2 $0x0  }
0xd6: {  	s29 =	sadd.s32 $0x60, s29;
	s0 =	simm.s32 @!p3 $0x5;
	[sflag:s3] =	ssyncadd.s32 @!p2 $0xFFFFC000  }
.Ltmp1:
0xd7: {  	p1 =	sge.u32 s30, s9;
	_ =	swait.ge @!p3 [sflag:s0], $0x100;
	(pc) =	sbr.rel @p0 .LBB2_4-.Ltmp1, $4  }
0xd8: {  	s8 =	simm.s32 @!p3 $0x8000;
	s3 =	rddreg [dreg:$0x4];
	[sflag:s0] =	ssyncset.done @!p3 $0x0  }
0xd9: {  	p4 =	seq.s32 @!p1 s30, $0x0;
	[sflag:s0] =	ssyncadd.s32 @!p3 $0xFFFFFF00;
	p5 =	sge.u32 @!p2 s25, s3  }
0xda: {  	s0 =	simm.s32 @!p3 $0x0;
	s25 =	simm.s32 @!p3 $0x80;
	p5 =	por p5, p2  }
0xdb: {  	s3 =	simm.s32 @!p5 $0x80;
	s6 =	simm.s32 @!p5 $0x4E200;
	s7 =	simm.s32 @!p5 $0x8100  }
0xdc: {  	[tilespmem:s0], [sflag:$0x1] =	stream.indirect.gather @!p3 [hbm4b:s4+s25], $0x80, s8, s25, $0xb8;
	[tilespmem:$0x1C300] =	vst v63  }
0xdd: {  	s0 =	simm.s32 @!p2 $0x2  }
0xde: {  	[tilespmem:s7], [sflag:$0x6] =	stream.strided.gather @!p5 [hbm4b:s20+s3], $0x100, s6, s3, $0x38;
	[tilespmem:$0x1C300] =	vst v63  }
0xdf: {  	p0 =	por p4, p1;
	_ =	swait.ge @!p2 [sflag:s0], $0x4000  }
0xe0: {  	s3 =	simm.s32 @!p0 $0x4;
	s6 =	simm.s32 @!p2 $0x4000;
	[sflag:s0] =	ssyncset.done @!p2 $0x0  }
0xe1: {  	s7 =	simm.s32 @!p2 $0x8280;
	[sflag:s0] =	ssyncadd.s32 @!p2 $0xFFFFC000;
	s0 =	simm.s32 @!p2 $0x80  }
0xe2: {  	[spmem:s2] =	stream.indirect.scatter.add.f32 @!p2 [tilespmem:s6], [sflag:$0x4], $0x80, s7, s0, $0xb8;
	[tilespmem:$0x1C300] =	vst v63  }
0xe3: {  	_ =	swait.ge @!p0 [sflag:s3], $0x4000  }
0xe4: {  	s0 =	rddreg [dreg:$0x3]  }
0xe5: {  	p2 =	sge.u32 @!p1 s30, s0  }
0xe6: {  	[sflag:s3] =	ssyncset.done @!p0 $0x0;
	p2 =	por p2, p1  }
0xe7: {  	[sflag:s3] =	ssyncadd.s32 @!p0 $0xFFFFC000;
	p0 =	sge.u32 @!p1 s30, s13;
	s0 =	simm.s32 @!p2 $0x6  }
0xe8: {  	p0 =	por p0, p1;
	s3 =	simm.s32 @!p2 $0x4000;
	_ =	swait.ge @!p2 [sflag:s0], $0x100  }
0xe9: {  	s6 =	simm.s32 @!p0 $0x4E200;
	s7 =	simm.s32 @!p2 $0x80;
	[sflag:s0] =	ssyncset.done @!p2 $0x0  }
0xea: {  	s8 =	simm.s32 @!p2 $0x8100;
	[sflag:s0] =	ssyncadd.s32 @!p2 $0xFFFFFF00;
	s0 =	sadd.s32 @!p0 $0xFFFFFFB0, s29  }
0xeb: {  	[tilespmem:s3], [sflag:$0x2] =	stream.indirect.gather @!p2 [hbm4b:s4+s7], $0x80, s8, s7, $0xb8;
	[tilespmem:$0x1C300] =	vst v63  }
0xec: {  	s3 =	simm.s32 @!p0 $0x8200;
	s7 =	simm.s32 @!p0 $0x80;
	s8 =	simm.s32 @!p1 $0x1  }
0xed: {  	[tilespmem:s3], [sflag:$0x7] =	stream.strided.gather @!p0 [hbm4b:s0+s7], $0x100, s6, s7, $0x38;
	[tilespmem:$0x1C300] =	vst v63  }
0xee: {  	s7 =	sadd.s32 $0x1, s30;
	s3 =	simm.s32 @!p1 $0x0;
	_ =	swait.ge @!p1 [sflag:s8], $0x4000  }
0xef: {  	s6 =	simm.s32 @!p1 $0x80;
	p0 =	sge.u32 s7, s9;
	[sflag:s8] =	ssyncset.done @!p1 $0x0  }
0xf0: {  	s0 =	simm.s32 @!p1 $0x8080;
	s7 =	simm.s32 @!p0 $0x3;
	[sflag:s8] =	ssyncadd.s32 @!p1 $0xFFFFC000  }
0xf1: {  	[spmem:s2] =	stream.indirect.scatter.add.f32 @!p1 [tilespmem:s3], [sflag:$0x3], $0x80, s0, s6, $0xb8;
	[tilespmem:$0x1C300] =	vst v63  }
0xf2: {  	p1 =	sge.u32 @!p0 s30, s13;
	_ =	swait.ge @!p0 [sflag:s7], $0x4000  }
0xf3: {  	p2 =	sge.u32 @!p0 s30, s14;
	p3 =	por p1, p0;
	[sflag:s7] =	ssyncset.done @!p0 $0x0  }
0xf4: {  	p1 =	por p2, p0;
	s0 =	simm.s32 @!p3 $0x7;
	[sflag:s7] =	ssyncadd.s32 @!p0 $0xFFFFC000  }
0xf5: {  	s3 =	simm.s32 @!p1 $0x8000;
	_ =	swait.ge @!p3 [sflag:s0], $0x100  }
0xf6: {  	s6 =	simm.s32 @!p3 $0x0;
	s8 =	simm.s32 @!p3 $0x80;
	[sflag:s0] =	ssyncset.done @!p3 $0x0  }
0xf7: {  	s10 =	simm.s32 @!p3 $0x8200;
	s7 =	simm.s32 @!p1 $0x4E200;
	[sflag:s0] =	ssyncadd.s32 @!p3 $0xFFFFFF00  }
0xf8: {  	[tilespmem:s6], [sflag:$0x1] =	stream.indirect.gather @!p3 [hbm4b:s4+s8], $0x80, s10, s8, $0xb8;
	[tilespmem:$0x1C300] =	vst v63  }
0xf9: {  	s0 =	sadd.s32 @!p1 $0xFFFFFFC0, s29;
	s6 =	simm.s32 @!p1 $0x80;
	s8 =	simm.s32 @!p0 $0x2  }
0xfa: {  	[tilespmem:s3], [sflag:$0x5] =	stream.strided.gather @!p1 [hbm4b:s0+s6], $0x100, s7, s6, $0x38;
	[tilespmem:$0x1C300] =	vst v63  }
0xfb: {  	s10 =	sadd.s32 $0x2, s30;
	s0 =	simm.s32 @!p0 $0x8180;
	_ =	swait.ge @!p0 [sflag:s8], $0x4000  }
0xfc: {  	s6 =	simm.s32 @!p0 $0x4000;
	p1 =	sge.u32 s10, s9;
	[sflag:s8] =	ssyncset.done @!p0 $0x0  }
0xfd: {  	s3 =	simm.s32 @!p0 $0x80;
	s7 =	simm.s32 @!p1 $0x4;
	[sflag:s8] =	ssyncadd.s32 @!p0 $0xFFFFC000  }
0xfe: {  	[spmem:s2] =	stream.indirect.scatter.add.f32 @!p0 [tilespmem:s6], [sflag:$0x4], $0x80, s0, s3, $0xb8;
	[tilespmem:$0x1C300] =	vst v63  }
0xff: {  	p0 =	sge.u32 @!p1 s30, s14;
	_ =	swait.ge @!p1 [sflag:s7], $0x4000  }
0x100: {  	p2 =	sge.u32 @!p1 s30, s15;
	p0 =	por p0, p1;
	[sflag:s7] =	ssyncset.done @!p1 $0x0  }
0x101: {  	p2 =	por p2, p1;
	s0 =	simm.s32 @!p0 $0x5;
	[sflag:s7] =	ssyncadd.s32 @!p1 $0xFFFFC000  }
0x102: {  	s11 =	sadd.s32 $0x3, s30;
	s3 =	simm.s32 @!p2 $0x8100;
	_ =	swait.ge @!p0 [sflag:s0], $0x100  }
0x103: {  	s6 =	simm.s32 @!p0 $0x4000;
	s8 =	simm.s32 @!p0 $0x80;
	[sflag:s0] =	ssyncset.done @!p0 $0x0  }
0x104: {  	s10 =	simm.s32 @!p0 $0x8000;
	s7 =	simm.s32 @!p2 $0x4E200;
	[sflag:s0] =	ssyncadd.s32 @!p0 $0xFFFFFF00  }
0x105: {  	[tilespmem:s6], [sflag:$0x2] =	stream.indirect.gather @!p0 [hbm4b:s4+s8], $0x80, s10, s8, $0xb8;
	[tilespmem:$0x1C300] =	vst v63  }
0x106: {  	s0 =	sadd.s32 @!p2 $0xFFFFFFD0, s29;
	s6 =	simm.s32 @!p2 $0x80;
	s8 =	simm.s32 @!p1 $0x1  }
0x107: {  	[tilespmem:s3], [sflag:$0x6] =	stream.strided.gather @!p2 [hbm4b:s0+s6], $0x100, s7, s6, $0x38;
	[tilespmem:$0x1C300] =	vst v63  }
0x108: {  	p0 =	sge.u32 s11, s9;
	_ =	swait.ge @!p1 [sflag:s8], $0x4000  }
0x109: {  	s0 =	simm.s32 @!p1 $0x8280;
	s6 =	simm.s32 @!p1 $0x0;
	[sflag:s8] =	ssyncset.done @!p1 $0x0  }
0x10a: {  	s3 =	simm.s32 @!p1 $0x80;
	s7 =	simm.s32 @!p0 $0x3;
	[sflag:s8] =	ssyncadd.s32 @!p1 $0xFFFFC000  }
0x10b: {  	[spmem:s2] =	stream.indirect.scatter.add.f32 @!p1 [tilespmem:s6], [sflag:$0x3], $0x80, s0, s3, $0xb8;
	[tilespmem:$0x1C300] =	vst v63  }
0x10c: {  	p1 =	sge.u32 @!p0 s30, s15;
	_ =	swait.ge @!p0 [sflag:s7], $0x4000  }
0x10d: {  	p2 =	sge.u32 @!p0 s30, s16;
	p1 =	por p1, p0;
	[sflag:s7] =	ssyncset.done @!p0 $0x0  }
0x10e: {  	p2 =	por p2, p0;
	s0 =	simm.s32 @!p1 $0x6;
	[sflag:s7] =	ssyncadd.s32 @!p0 $0xFFFFC000  }
0x10f: {  	s20 =	sadd.s32 $0x4, s30;
	s3 =	simm.s32 @!p2 $0x8200;
	_ =	swait.ge @!p1 [sflag:s0], $0x100  }
0x110: {  	s6 =	simm.s32 @!p1 $0x0;
	s8 =	simm.s32 @!p1 $0x80;
	[sflag:s0] =	ssyncset.done @!p1 $0x0  }
0x111: {  	s10 =	simm.s32 @!p1 $0x8100;
	s7 =	simm.s32 @!p2 $0x4E200;
	[sflag:s0] =	ssyncadd.s32 @!p1 $0xFFFFFF00  }
0x112: {  	[tilespmem:s6], [sflag:$0x1] =	stream.indirect.gather @!p1 [hbm4b:s4+s8], $0x80, s10, s8, $0xb8;
	[tilespmem:$0x1C300] =	vst v63  }
0x113: {  	s0 =	sadd.s32 @!p2 $0xFFFFFFE0, s29;
	s6 =	simm.s32 @!p2 $0x80;
	s8 =	simm.s32 @!p0 $0x2  }
0x114: {  	[tilespmem:s3], [sflag:$0x7] =	stream.strided.gather @!p2 [hbm4b:s0+s6], $0x100, s7, s6, $0x38;
	[tilespmem:$0x1C300] =	vst v63  }
0x115: {  	p1 =	sge.u32 s20, s9;
	_ =	swait.ge @!p0 [sflag:s8], $0x4000  }
0x116: {  	s0 =	simm.s32 @!p0 $0x8080;
	s6 =	simm.s32 @!p0 $0x4000;
	[sflag:s8] =	ssyncset.done @!p0 $0x0  }
0x117: {  	s3 =	simm.s32 @!p0 $0x80;
	s7 =	simm.s32 @!p1 $0x4;
	[sflag:s8] =	ssyncadd.s32 @!p0 $0xFFFFC000  }
0x118: {  	[spmem:s2] =	stream.indirect.scatter.add.f32 @!p0 [tilespmem:s6], [sflag:$0x4], $0x80, s0, s3, $0xb8;
	[tilespmem:$0x1C300] =	vst v63  }
0x119: {  	p0 =	sge.u32 @!p1 s30, s16;
	_ =	swait.ge @!p1 [sflag:s7], $0x4000  }
0x11a: {  	p2 =	sge.u32 @!p1 s30, s17;
	p0 =	por p0, p1;
	[sflag:s7] =	ssyncset.done @!p1 $0x0  }
0x11b: {  	p2 =	por p2, p1;
	s0 =	simm.s32 @!p0 $0x7;
	[sflag:s7] =	ssyncadd.s32 @!p1 $0xFFFFC000  }
0x11c: {  	s25 =	sadd.s32 $0x5, s30;
	s3 =	simm.s32 @!p2 $0x8000;
	_ =	swait.ge @!p0 [sflag:s0], $0x100  }
0x11d: {  	s6 =	simm.s32 @!p0 $0x4000;
	s8 =	simm.s32 @!p0 $0x80;
	[sflag:s0] =	ssyncset.done @!p0 $0x0  }
0x11e: {  	s10 =	simm.s32 @!p0 $0x8200;
	s7 =	simm.s32 @!p2 $0x4E200;
	[sflag:s0] =	ssyncadd.s32 @!p0 $0xFFFFFF00  }
0x11f: {  	[tilespmem:s6], [sflag:$0x2] =	stream.indirect.gather @!p0 [hbm4b:s4+s8], $0x80, s10, s8, $0xb8;
	[tilespmem:$0x1C300] =	vst v63  }
0x120: {  	s0 =	sadd.s32 @!p2 $0xFFFFFFF0, s29;
	s6 =	simm.s32 @!p2 $0x80;
	s8 =	simm.s32 @!p1 $0x1  }
0x121: {  	[tilespmem:s3], [sflag:$0x5] =	stream.strided.gather @!p2 [hbm4b:s0+s6], $0x100, s7, s6, $0x38;
	[tilespmem:$0x1C300] =	vst v63  }
0x122: {  	p0 =	sge.u32 s25, s9;
	_ =	swait.ge @!p1 [sflag:s8], $0x4000  }
0x123: {  	s0 =	simm.s32 @!p1 $0x8180;
	s6 =	simm.s32 @!p1 $0x0;
	[sflag:s8] =	ssyncset.done @!p1 $0x0  }
0x124: {  	s3 =	simm.s32 @!p1 $0x80;
	s7 =	simm.s32 @!p0 $0x3;
	[sflag:s8] =	ssyncadd.s32 @!p1 $0xFFFFC000  }
0x125: {  	[spmem:s2] =	stream.indirect.scatter.add.f32 @!p1 [tilespmem:s6], [sflag:$0x3], $0x80, s0, s3, $0xb8;
	[tilespmem:$0x1C300] =	vst v63  }
0x126: {  	p1 =	sge.u32 @!p0 s30, s17;
	_ =	swait.ge @!p0 [sflag:s7], $0x4000  }
0x127: {  	p1 =	por p1, p0;
	[sflag:s7] =	ssyncset.done @!p0 $0x0  }
0x128: {  	s0 =	simm.s32 @!p1 $0x5;
	[sflag:s7] =	ssyncadd.s32 @!p0 $0xFFFFC000  }
0x129: {  	_ =	swait.ge @!p1 [sflag:s0], $0x100  }
0x12a: {  	s3 =	rddreg [dreg:$0x4]  }
0x12b: {  	s6 =	simm.s32 @!p1 $0x8000;
	[sflag:s0] =	ssyncset.done @!p1 $0x0;
	p2 =	sge.u32 @!p0 s30, s3  }
0x12c: {  	[sflag:s0] =	ssyncadd.s32 @!p1 $0xFFFFFF00;
	s0 =	simm.s32 @!p1 $0x0;
	s3 =	simm.s32 @!p1 $0x80  }
0x12d: {  	[tilespmem:s0], [sflag:$0x1] =	stream.indirect.gather @!p1 [hbm4b:s4+s3], $0x80, s6, s3, $0xb8;
	[tilespmem:$0x1C300] =	vst v63  }
0x12e: {  	p2 =	por p2, p0;
	s6 =	simm.s32 @!p0 $0x2  }
0x12f: {  	s7 =	simm.s32 @!p2 $0x80;
	s0 =	simm.s32 @!p2 $0x4E200;
	s3 =	simm.s32 @!p2 $0x8100  }
0x130: {  	[tilespmem:s3], [sflag:$0x6] =	stream.strided.gather @!p2 [hbm4b:s29+s7], $0x100, s0, s7, $0x38;
	[tilespmem:$0x1C300] =	vst v63  }
0x131: {  	_ =	swait.ge @!p0 [sflag:s6], $0x4000  }
0x132: {  	s0 =	simm.s32 @!p0 $0x4000;
	[sflag:s6] =	ssyncset.done @!p0 $0x0  }
0x133: {  	s3 =	simm.s32 @!p0 $0x80;
	[sflag:s6] =	ssyncadd.s32 @!p0 $0xFFFFC000;
	s6 =	simm.s32 @!p0 $0x8280  }
0x134: {  	[spmem:s2] =	stream.indirect.scatter.add.f32 @!p0 [tilespmem:s0], [sflag:$0x4], $0x80, s6, s3, $0xb8;
	[tilespmem:$0x1C300] =	vst v63  }
0x135: {  	s31 =	sshrl.u32 s5, $0x3;
	_ =	swait.ge [sflag:s26], $0x4000  }
0x136: {  	s28 =	sadd.s32 $0x1, s28;
	s30 =	stileid.u32;
	[sflag:s26] =	ssyncset.done $0x0  }
0x137: {  	s0 =	sshll.u32 s30, $0x6;
	p0 =	sne.s32 s28, s19;
	[sflag:s26] =	ssyncadd.s32 $0xFFFFC000  }
.Ltmp2:
0x138: {  	s0 =	sor.u32 $0x1C08, s0;
	[bflag:$0x0] =	sbarrier.arrive $0xFFFF;
	(pc) =	sbr.rel @p0 .LBB2_1-.Ltmp2, $4  }
0x139: {  	[hbm:s18], [sflag:s0] =	dma.local [spmem:s31], $0x2800  }
0x13a: {  	_ =	swait.ge [sflag:s21], $0x2800  }
0x13b: {  	[sflag:s21] =	ssyncset.done $0x0  }
0x13c: {  	[sflag:s21] =	ssyncadd.s32 $0xFFFFD800  }
0x13d: {  	_ =	sfence.sel $0x180000  }
0x13e: {  	[bflag:$0x0] =	sbarrier.arrive $0xFFFF  }
0x13f: {  	_ =	strace $0x9000004A  }
0x140: {  	s0 =	stileid.u32;
	[bflag:$0x2] =	sbarrier.arrive $0xFFFF  }
0x141: {  	p0 =	sne.s32 s0, $0x0;
	s0 =	rddreg [dreg:$0x2]  }
0x142: {  	s0 =	sadd.s32 @!p0 $0x100000, s0  }
0x143: {  	[sflag:s0] =	ssyncadd.tile.s32 @!p0 $0x1;
	_ =	shalt  }
.Lfunc_end2:
_tile_overlayer_lowered:
.L_overlay_start_2:
0x144: {  	(tag) =	ssettag $0x2  }
0x145: {  	s0 =	rddreg [dreg:$0x0];
	s2 =	stileid.u32  }
0x146: {  	s1 =	rddreg [dreg:$0x1];
	p0 =	sne.s32 s2, $0x0  }
0x147: {  	s3 =	rddreg [dreg:$0x2];
	[bflag:$0x3] =	sbarrier.arrive $0xFFFF;
	s2 =	simm.s32 @!p0 $0x1C08  }
0x148: {  	[timem:s3], [sflag:s2] =	dma.local @!p0 [hbm:s0], s1  }
0x149: {  	s0 =	simm.s32 @!p0 $0x8  }
0x14a: {  	_ =	swait.ge @!p0 [sflag:s0], s1  }
0x14b: {  	s1 =	ssub.s32 @!p0 $0x0, s1;
	[sflag:s0] =	ssyncset.done @!p0 $0x0  }
0x14c: {  	[sflag:s0] =	ssyncadd.s32 @!p0 s1  }
0x14d: {  	[bflag:$0x3] =	sbarrier.arrive $0xFFFF  }
0x14e: {  	_ =	shalt  }

// kernel: kernel.14.cloned.1.call-start
scs
__scs_entry_jumppad:
0x0: {  	(pc) =	sbr.rel $0x88, $3  }
0x1: {  	(tag) =	ssettag $0x0;
	lr =	simm.s32 $0x1  }
0x2: {  	[smem:$0x3F99] =	sst lr;
	_ =	strace $0xD0000000  }
0x3: {  	_ = 	snop  }
0x4: {  	_ = 	snop  }
0x5: {  	_ = 	snop  }
0x6: {  	_ = 	snop  }
0x7: {  	_ = 	snop  }
__scs_overlays_trampoline_lowered:
0x8: {  	[smem:$0x3FA8] =	sst s0  }
0x9: {  	[smem:$0x3FA9] =	sst s1  }
0xa: {  	[smem:$0x3FAA] =	sst s2  }
0xb: {  	[smem:$0x3FAB] =	sst s3  }
0xc: {  	[smem:$0x3FAC] =	sst s4  }
0xd: {  	[smem:$0x3FAD] =	sst s5  }
0xe: {  	[smem:$0x3FAE] =	sst s6  }
0xf: {  	[smem:$0x3FAF] =	sst s7  }
0x10: {  	[smem:$0x3FB0] =	sst s8  }
0x11: {  	[smem:$0x3FB1] =	sst s9;
	s0 =	simm.s32 @!p0 $0x0  }
0x12: {  	s1 =	sld [smem:$0x3F97];
	s0 =	simm.s32 @p0 $0x1  }
0x13: {  	[smem:$0x3FB2] =	sst s0;
	s0 =	simm.s32 @!p1 $0x0  }
0x14: {  	s2 =	sld [smem:$0x3F96];
	s0 =	simm.s32 @p1 $0x1  }
0x15: {  	[smem:$0x3FB3] =	sst s0;
	s0 =	simm.s32 @!p2 $0x0  }
0x16: {  	s3 =	sld [smem:$0x3FDB];
	s0 =	simm.s32 @p2 $0x1  }
0x17: {  	s4 =	simm.s32 $0x1BF5;
	[smem:$0x3FB5] =	sst s0  }
0x18: {  	s0 =	sld [smem:$0x3F98];
	_ =	swait.ge [sflag:s4], $0x0  }
0x19: {  	s7 =	sld [smem:$0x3F99]  }
0x1a: {  	s8 =	sadd.s32 $0xFFFFE003, lr  }
0x1b: {  	s9 =	sadd.s32 $0xFFFFFEF7, lr;
	s5 =	simm.s32 $0xFFFFFFFF;
	p2 =	slt.u32 s8, $0xFFFFF086  }
0x1c: {  	p1 =	slt.u32 s9, $0xF7A;
	s5 =	simm.s32 @!p2 $0x0  }
0x1d: {  	s5 =	simm.s32 @p1 $0x1;
	p0 =	seq.s32 s7, s2  }
0x1e: {  	s7 =	smul.u32 @!p0 $0xF7A, s2;
	p2 =	seq.s32 @!p0 s5, $0x0  }
0x1f: {  	s9 =	smul.u32 $0xF7A, s1;
	s8 =	simm.s32 @!p0 $0x1BF5;
	p2 =	por !p2, p0  }
0x20: {  	[sflag:s8] =	ssyncset.s32 @!p0 $0xFFFFF086;
	s6 =	sadd.s32 @!p0 s3, s7;
	s7 =	simm.s32 @!p0 $0x108  }
0x21: {  	s3 =	sadd.s32 s3, s9;
	s6 =	sadd.s32 @!p0 $0x88, s6;
	s7 =	simm.s32 @p2 $0x1082  }
0x22: {  	[simem:s7], [sflag:s8] =	dma.local @!p0 [hbm:s6], $0xF7A  }
0x23: {  	s9 =	sor.u32 $0xD0000000, s2;
	s6 =	simm.s32 $0x108;
	_ =	swait.ge @!p0 [sflag:s8], $0x0  }
0x24: {  	s3 =	sadd.s32 $0x88, s3;
	s6 =	simm.s32 @!p1 $0x1082;
	[sflag:s4] =	ssyncset.s32 $0xFFFFF086  }
0x25: {  	[simem:s6], [sflag:s4] =	dma.local [hbm:s3], $0xF7A  }
0x26: {  	[smem:$0x3F99] =	sst s1;
	(tag) =	ssettag s2;
	_ =	strace s9  }
0x27: {  	s1 =	sld [smem:$0x3FA9]  }
0x28: {  	s2 =	sld [smem:$0x3FAA]  }
0x29: {  	s4 =	sld [smem:$0x3FAC]  }
0x2a: {  	p0 =	seq.s32 s5, $0x0;
	s5 =	sld [smem:$0x3FAD]  }
0x2b: {  	s6 =	sld [smem:$0x3FAE]  }
0x2c: {  	s7 =	sld [smem:$0x3FAF]  }
0x2d: {  	s3 =	simm.s32 $0x108;
	s8 =	sld [smem:$0x3FB0]  }
0x2e: {  	s3 =	simm.s32 @!p0 $0x1082;
	s9 =	sld [smem:$0x3FB1]  }
0x2f: {  	lr =	sadd.s32 s0, s3;
	s0 =	sld [smem:$0x3FA8]  }
0x30: {  	s3 =	sld [smem:$0x3FAB]  }
0x31: {  	[smem:$0x3FB4] =	sst s10  }
0x32: {  	s10 =	sld [smem:$0x3FB2];
	_ =	sdelay $0x3  }
0x33: {  	p0 =	seq.s32 s10, $0x1;
	s10 =	sld [smem:$0x3FB4];
	_ =	sdelay $0x3  }
0x34: {  	[smem:$0x3FB4] =	sst s10  }
0x35: {  	s10 =	sld [smem:$0x3FB3];
	_ =	sdelay $0x3  }
0x36: {  	p1 =	seq.s32 s10, $0x1;
	s10 =	sld [smem:$0x3FB4];
	_ =	sdelay $0x3  }
0x37: {  	[smem:$0x3FB4] =	sst s10  }
0x38: {  	s10 =	sld [smem:$0x3FB5]  }
0x39: {  	_ = 	snop;
	(pc) =	sbr.ind lr, $3  }
0x3a: {  	_ = 	snop  }
0x3b: {  	_ = 	snop  }
0x3c: {  	p2 =	seq.s32 s10, $0x1;
	s10 =	sld [smem:$0x3FB4]  }
0x3d: {  	_ =	shalt  }
0x3e: {  	_ =	shalt  }
0x3f: {  	_ =	shalt  }
0x40: {  	_ =	shalt  }
0x41: {  	_ =	shalt  }
0x42: {  	_ =	shalt  }
0x43: {  	_ =	shalt  }
0x44: {  	_ =	shalt  }
0x45: {  	_ =	shalt  }
0x46: {  	_ =	shalt  }
0x47: {  	_ =	shalt  }
0x48: {  	_ =	shalt  }
0x49: {  	_ =	shalt  }
0x4a: {  	_ =	shalt  }
0x4b: {  	_ =	shalt  }
0x4c: {  	_ =	shalt  }
0x4d: {  	_ =	shalt  }
0x4e: {  	_ =	shalt  }
0x4f: {  	_ =	shalt  }
0x50: {  	_ =	shalt  }
0x51: {  	_ =	shalt  }
0x52: {  	_ =	shalt  }
0x53: {  	_ =	shalt  }
0x54: {  	_ =	shalt  }
0x55: {  	_ =	shalt  }
0x56: {  	_ =	shalt  }
0x57: {  	_ =	shalt  }
0x58: {  	_ =	shalt  }
0x59: {  	_ =	shalt  }
0x5a: {  	_ =	shalt  }
0x5b: {  	_ =	shalt  }
0x5c: {  	_ =	shalt  }
0x5d: {  	_ =	shalt  }
0x5e: {  	_ =	shalt  }
0x5f: {  	_ =	shalt  }
0x60: {  	_ =	shalt  }
0x61: {  	_ =	shalt  }
0x62: {  	_ =	shalt  }
0x63: {  	_ =	shalt  }
0x64: {  	_ =	shalt  }
0x65: {  	_ =	shalt  }
0x66: {  	_ =	shalt  }
0x67: {  	_ =	shalt  }
0x68: {  	_ =	shalt  }
0x69: {  	_ =	shalt  }
0x6a: {  	_ =	shalt  }
0x6b: {  	_ =	shalt  }
0x6c: {  	_ =	shalt  }
0x6d: {  	_ =	shalt  }
0x6e: {  	_ =	shalt  }
0x6f: {  	_ =	shalt  }
0x70: {  	_ =	shalt  }
0x71: {  	_ =	shalt  }
0x72: {  	_ =	shalt  }
0x73: {  	_ =	shalt  }
0x74: {  	_ =	shalt  }
0x75: {  	_ =	shalt  }
0x76: {  	_ =	shalt  }
0x77: {  	_ =	shalt  }
0x78: {  	_ =	shalt  }
0x79: {  	_ =	shalt  }
0x7a: {  	_ =	shalt  }
0x7b: {  	_ =	shalt  }
0x7c: {  	_ =	shalt  }
0x7d: {  	_ =	shalt  }
0x7e: {  	_ =	shalt  }
0x7f: {  	_ =	shalt  }
0x80: {  	_ =	shalt  }
0x81: {  	_ =	shalt  }
0x82: {  	_ =	shalt  }
0x83: {  	_ =	shalt  }
0x84: {  	_ =	shalt  }
0x85: {  	_ =	shalt  }
0x86: {  	_ =	shalt  }
0x87: {  	_ =	shalt  }
.Lfunc_end0:
.L_simem_size_0:
called_computation.2_lowered:
.L_overlay_start_0:
0x88: {  	s2 =	sld [smem:$0x3FD9]  }
0x89: {  	s3 =	sld [smem:$0x3FFE];
	_ =	sdelay $0x1  }
0x8a: {  	s1 =	srdreg.scid  }
0x8b: {  	s0 =	sand.u32 $0x1, s1  }
0x8c: {  	s16 =	sshll.u32 s0, $0xA;
	s2 =	sadd.s32 s3, s2  }
0x8d: {  	s2 =	sadd.s32 s2, s16  }
0x8e: {  	[smem:$0x3FC0] =	sst s2  }
0x8f: {  	_ = 	snop  }
0x90: {  	(tm) =	ssettm $0x1  }
0x91: {  	s17 =	sld [smem:$0x3FFB];
	_ =	sdelay $0x3  }
0x92: {  	_ =	strace s17  }
0x93: {  	s2 =	sld [smem:$0x3FFC];
	_ =	sdelay $0x3  }
0x94: {  	_ =	strace s2  }
0x95: {  	s2 =	sld [smem:$0x3FFD];
	_ =	sdelay $0x3  }
0x96: {  	_ =	strace s2  }
0x97: {  	_ =	strace $0x8FFFFFFF  }
0x98: {  	s18 =	sld [smem:$0x3FDB];
	_ =	sdelay $0x1  }
0x99: {  	s19 =	simm.s32 $_scs_section_size  }
0x9a: {  	s4 =	simm.s32 $_size__tile_overlayer_lowered;
	s5 =	simm.s32 $_tile_overlayer_lowered  }
0x9b: {  	s22 =	simm.s32 $0x1BFF;
	s21 =	sshll.u32 s5, $0x1;
	s2 =	sadd.s32 s19, s18  }
0x9c: {  	s6 =	simm.s32 $0x0;
	s20 =	sshll.u32 s4, $0x1;
	s4 =	sadd.s32 s21, s2  }
0x9d: {  	[timem:s6], [sflag:s22] =	dma.local [hbm:s4], s20  }
0x9e: {  	_ =	swait.ge [sflag:s22], s20  }
0x9f: {  	s3 =	ssub.s32 $0x0, s20;
	[sflag:s22] =	ssyncset.done $0x0  }
0xa0: {  	[sflag:s22] =	ssyncadd.s32 s3;
	_ =	sdelay $0x1  }
0xa1: {  	s23 =	simm.s32 $0x1B8B  }
0xa2: {  	_ =	swait.ge [sflag:s23], $0x1  }
0xa3: {  	[sflag:s23] =	ssyncset.done $0x0  }
0xa4: {  	s25 =	simm.s32 $0x1B8E;
	s24 =	sld [smem:$0x3FFE];
	[sflag:s23] =	ssyncadd.s32 $0xFFFFFFFF  }
0xa5: {  	s26 =	simm.s32 $execute0_lowered;
	[smem:$0x3FD2] =	sst s25  }
0xa6: {  	s4 =	sshll.u32 s26, $0x1;
	_ =	strace $0x8000004C;
	[dreg:$0x1] =	wrdreg $0xFFFFFFFF  }
0xa7: {  	s28 =	simm.s32 $_size_execute0_lowered;
	s2 =	sadd.s32 s2, s4;
	[dreg:$0x0] =	wrdreg $0x0  }
0xa8: {  	s4 =	sshll.u32 s28, $0x1;
	[dreg:$0x2] =	wrdreg s2  }
0xa9: {  	[dreg:$0x3] =	wrdreg s4  }
0xaa: {  	[dreg:$0x4] =	wrdreg $0xC0  }
0xab: {  	_ =	task [dreg:s6], $0x5FFFF  }
0xac: {  	[dreg:$0x1] =	wrdreg $0xFFFFFFFF  }
0xad: {  	[dreg:$0x0] =	wrdreg $0x60  }
0xae: {  	[dreg:$0x2] =	wrdreg s24  }
0xaf: {  	[dreg:$0x3] =	wrdreg $0x43000  }
0xb0: {  	[dreg:$0x4] =	wrdreg $0x9  }
0xb1: {  	_ =	task.clear_ibuf [dreg:s6], $0x5FFFF;
	_ =	strace $0x9000004C  }
0xb2: {  	s29 =	simm.s32 $0x9;
	_ =	strace $0x8000004E  }
0xb3: {  	_ =	swait.ge [sflag:s29], $0x1  }
0xb4: {  	[sflag:s29] =	ssyncadd.s32 $0xFFFFFFFF  }
0xb5: {  	_ =	strace $0x9000004E  }
0xb6: {  	_ =	sfence  }
0xb7: {  	s30 =	sld [smem:$0x0];
	_ =	sdelay $0x2  }
0xb8: {  	s31 =	sshll.u32 s1, $0xD;
	s1 =	sshrl.u32 s1, $0x2  }
0xb9: {  	s3 =	sand.u32 $0x4000, s31;
	s1 =	sadd.s32 s1, s30  }
0xba: {  	s0 =	sor.u32 s3, s0;
	s1 =	sshll.u32 s1, $0x11  }
0xbb: {  	s0 =	sor.u32 s1, s0  }
0xbc: {  	s0 =	sadd.s32 $0x8F2B, s0  }
0xbd: {  	[sflag:s0] =	ssyncadd.remote.s32 $0x1  }
0xbe: {  	_ =	sfence.sel $0xFFFF  }
0xbf: {  	[dreg:$0x0] =	wrdreg $0xFFFFFFFF;
	(pc) =	sbr.abs _section_cstart, $3  }
0xc0: {  	[dreg:$0x1] =	wrdreg $0xFFFFFFFF  }
0xc1: {  	_ =	task.clear_ibuf [dreg:s6], $0x2FFFF;
	_ =	strace $0x9FFFFFFF  }
0xc2: {  	(tm) =	ssettm $0x7FFFFFFF  }
0xc3: {  	_ =	shalt  }
tec
execute0_lowered:
.L_overlay_start_1:
0x0: {  	(tag) =	ssettag $0x1  }
0x1: {  	s0 =	rddreg [dreg:$0x0];
	s1 =	srdreg.scid  }
0x2: {  	s17 =	stileid.u32;
	s2 =	rddreg [dreg:$0x1]  }
0x3: {  	s4 =	simm.s32 $0x0;
	s28 =	simm.s32 $0x0;
	s3 =	smul.u32 $0xA000, s17  }
0x4: {  	s1 =	sand.u32 $0x1, s1;
	[smem:$0x7FF] =	sst s4;
	s7 =	smul.u32 $0x28000, s17  }
0x5: {  	s4 =	sadd.s32 $0x15C00, s0;
	s8 =	sadd.s32 $0x2200, s0;
	s29 =	smul.u32 $0x4F0, s17  }
0x6: {  	s5 =	smul.u32 $0xA0000, s1;
	_ =	strace $0x8000004D;
	s6 =	ssub.s32 $0x2, s1  }
0x7: {  	s21 =	sshll.u32 s1, $0x4;
	s1 =	smul.u32 $0x4F00, s1;
	s20 =	sshrl.u32 s6, $0x1  }
0x8: {  	s7 =	sshrl.u32 s7, $0x2;
	s10 =	sor.u32 s17, s21;
	s21 =	simm.s32 $0x8  }
0x9: {  	s5 =	sadd.s32 s3, s5;
	s6 =	ssub.s32 s6, s20;
	s24 =	smul.u32 $0x2780, s10  }
0xa: {  	s22 =	sadd.s32 s7, s2;
	p0 =	seq.s32 s10, $0x1F;
	s11 =	smul.u32 $0x4F0, s10  }
0xb: {  	s1 =	sadd.s32 s1, s8;
	s5 =	sshrl.u32 s5, $0x3;
	s7 =	sadd.s32 $0x2000, s22  }
0xc: {  	s23 =	sadd.s32 $0x4000, s22;
	s9 =	sadd.s32 $0x6000, s22;
	[dreg:$0x5] =	wrdreg s7  }
0xd: {  	s31 =	sadd.s32 s29, s1;
	s19 =	smax.u32 s6, $0x1;
	[dreg:$0x6] =	wrdreg s23  }
0xe: {  	s0 =	sadd.s32 s5, s0;
	s5 =	sadd.s32 s3, s2;
	[dreg:$0x7] =	wrdreg s9  }
0xf: {  	s9 =	simm.s32 $0x33;
	s7 =	sshrl.u32 s24, $0x3;
	s3 =	sadd.s32 $0x8000, s22  }
0x10: {  	s10 =	sadd.s32 s8, s11;
	s1 =	sadd.s32 $0x70, s31;
	s22 =	simm.s32 $0x80  }
0x11: {  	s23 =	simm.s32 $0x4E200;
	s24 =	simm.s32 $0x4000;
	[dreg:$0x8] =	wrdreg s3  }
0x12: {  	s9 =	simm.s32 @!p0 $0x4F;
	s25 =	sadd.s32 s8, s7;
	[dreg:$0x9] =	wrdreg s10  }
0x13: {  	s18 =	sadd.s32 $0x29600, s0;
	s26 =	sadd.s32 $0xFFFFFFFF, s9;
	s12 =	sadd.s32 $0x10, s25  }
0x14: {  	s13 =	sadd.s32 $0xFFFFFFFE, s9;
	s14 =	sadd.s32 $0xFFFFFFFD, s9;
	s15 =	sadd.s32 $0xFFFFFFFC, s9  }
0x15: {  	s16 =	sadd.s32 $0xFFFFFFFB, s9;
	s30 =	sadd.s32 $0xFFFFFFF9, s9;
	[dreg:$0x3] =	wrdreg s26  }
0x16: {  	v0 =	vimm.f32 $0.0e+00;
	s17 =	sadd.s32 $0xFFFFFFFA, s9;
	[dreg:$0x4] =	wrdreg s30;
	s26 =	simm.s32 $0x3  }
.LBB2_1:
0x17: {  	s3 =	simm.s32 $0x0  }
0x18: {  	s0 =	sand.u32 $0x7F00, s3  }
0x19: {  	s3 =	sand.u32 $0x30, s3;
	s6 =	sshrl.u32 s0, $0x2  }
0x1a: {  	s0 =	simm.s32 $0x40;
	s6 =	sor.u32 s3, s6;
	s3 =	simm.s32 $0x0  }
.LBB2_2:
0x1b: {  	p0 =	sne.s32 s0, $0x7FC0  }
0x1c: {  	[tilespmem:s6+$0x0] =	vst v0;
	s3 =	sadd.s32 $0x10, s3;
	s6 =	smov.u32 s0;
	s0 =	sadd.s32 $0x40, s0  }
.Ltmp0:
0x1d: {  	(pc) =	sbr.rel @p0 .LBB2_2-.Ltmp0, $4  }
0x1e: {  	_ = 	snop  }
0x1f: {  	s6 =	sand.u32 $0x7F00, s6  }
0x20: {  	s7 =	sand.u32 $0x30, s3;
	s6 =	sshrl.u32 s6, $0x2  }
0x21: {  	s6 =	sor.u32 s7, s6  }
0x22: {  	[tilespmem:s6+$0x0] =	vst v0;
	s0 =	simm.s32 $0x0  }
0x23: {  	[spmem:s5] =	stream.linear.scatter [tilespmem:s0], [sflag:$0x8], $0x2000, $0x38;
	[tilespmem:$0xE300] =	vst v63  }
0x24: {  	_ =	swait.ge [sflag:s21], $0x2000  }
0x25: {  	[sflag:s21] =	ssyncset.done $0x0  }
0x26: {  	s3 =	rddreg [dreg:$0x5];
	[sflag:s21] =	ssyncadd.s32 $0xFFFFE000  }
0x27: {  	[spmem:s3] =	stream.linear.scatter [tilespmem:s0], [sflag:$0x8], $0x2000, $0x38;
	[tilespmem:$0xE300] =	vst v63  }
0x28: {  	_ =	swait.ge [sflag:s21], $0x2000  }
0x29: {  	[sflag:s21] =	ssyncset.done $0x0  }
0x2a: {  	s8 =	rddreg [dreg:$0x6];
	[sflag:s21] =	ssyncadd.s32 $0xFFFFE000  }
0x2b: {  	[spmem:s8] =	stream.linear.scatter [tilespmem:s0], [sflag:$0x8], $0x2000, $0x38;
	[tilespmem:$0xE300] =	vst v63  }
0x2c: {  	_ =	swait.ge [sflag:s21], $0x2000  }
0x2d: {  	[sflag:s21] =	ssyncset.done $0x0  }
0x2e: {  	s10 =	rddreg [dreg:$0x7];
	[sflag:s21] =	ssyncadd.s32 $0xFFFFE000  }
0x2f: {  	[spmem:s10] =	stream.linear.scatter [tilespmem:s0], [sflag:$0x8], $0x2000, $0x38;
	[tilespmem:$0xE300] =	vst v63  }
0x30: {  	_ =	swait.ge [sflag:s21], $0x2000  }
0x31: {  	[sflag:s21] =	ssyncset.done $0x0  }
0x32: {  	s11 =	rddreg [dreg:$0x8];
	[sflag:s21] =	ssyncadd.s32 $0xFFFFE000  }
0x33: {  	[spmem:s11] =	stream.linear.scatter [tilespmem:s0], [sflag:$0x8], $0x2000, $0x38;
	[tilespmem:$0xE300] =	vst v63  }
0x34: {  	_ =	swait.ge [sflag:s21], $0x2000  }
0x35: {  	[sflag:s21] =	ssyncset.done $0x0  }
0x36: {  	s20 =	rddreg [dreg:$0x9];
	[sflag:s21] =	ssyncadd.s32 $0xFFFFE000  }
0x37: {  	[tilespmem:s24], [sflag:$0x8] =	stream.strided.gather [hbm4b:s20+s22], $0x100, s23, s22, $0x38;
	[tilespmem:$0xE300] =	vst v63  }
0x38: {  	_ =	swait.ge [sflag:s21], $0x100  }
0x39: {  	p0 =	sle.u32 s9, $0x0;
	[sflag:s21] =	ssyncset.done $0x0  }
0x3a: {  	s25 =	simm.s32 $0x4100;
	p1 =	por @!p0 $0x1, $0x1;
	[sflag:s21] =	ssyncadd.s32 $0xFFFFFF00  }
0x3b: {  	[tilespmem:s25], [sflag:$0x6] =	stream.strided.gather [hbm4b:s12+s22], $0x100, s23, s22, $0x38;
	[tilespmem:$0xE300] =	vst v63  }
0x3c: {  	p1 =	por p1, p0  }
0x3d: {  	[tilespmem:s0], [sflag:$0x1] =	stream.indirect.gather [hbm4b:s4+s22], $0x40, s24, s22, $0xb8;
	[tilespmem:$0xE300] =	vst v63  }
0x3e: {  	s0 =	simm.s32 @!p1 $0x4;
	[bflag:$0x0] =	sbarrier.arrive $0xFFFF  }
0x3f: {  	_ =	swait.ge @!p1 [sflag:s0], $0x2000  }
0x40: {  	s3 =	rddreg [dreg:$0x3]  }
0x41: {  	p2 =	sle.u32 @!p0 s3, $0x0  }
0x42: {  	[sflag:s0] =	ssyncset.done @!p1 $0x0;
	p2 =	por p2, p0  }
0x43: {  	[sflag:s0] =	ssyncadd.s32 @!p1 $0xFFFFE000;
	p1 =	sle.u32 @!p0 s13, $0x0;
	s0 =	simm.s32 @!p2 $0x6  }
0x44: {  	p1 =	por p1, p0;
	s3 =	simm.s32 @!p2 $0x2000;
	_ =	swait.ge @!p2 [sflag:s0], $0x100  }
0x45: {  	s6 =	simm.s32 @!p1 $0x4E200;
	s7 =	simm.s32 @!p2 $0x80;
	[sflag:s0] =	ssyncset.done @!p2 $0x0  }
0x46: {  	s8 =	simm.s32 @!p2 $0x4100;
	[sflag:s0] =	ssyncadd.s32 @!p2 $0xFFFFFF00;
	s0 =	sadd.s32 @!p1 $0xFFFFFFB0, s1  }
0x47: {  	[tilespmem:s3], [sflag:$0x2] =	stream.indirect.gather @!p2 [hbm4b:s4+s7], $0x40, s8, s7, $0xb8;
	[tilespmem:$0xE300] =	vst v63  }
0x48: {  	s3 =	simm.s32 @!p1 $0x4200;
	s7 =	simm.s32 @!p1 $0x80;
	s8 =	simm.s32 @!p0 $0x1  }
0x49: {  	[tilespmem:s3], [sflag:$0x7] =	stream.strided.gather @!p1 [hbm4b:s0+s7], $0x100, s6, s7, $0x38;
	[tilespmem:$0xE300] =	vst v63  }
0x4a: {  	s0 =	simm.s32 @!p0 $0x0;
	_ =	swait.ge @!p0 [sflag:s8], $0x2000  }
0x4b: {  	s3 =	simm.s32 @!p0 $0x80;
	p1 =	sle.u32 s9, $0x1;
	[sflag:s8] =	ssyncset.done @!p0 $0x0  }
0x4c: {  	s6 =	simm.s32 @!p0 $0x4080;
	s7 =	simm.s32 @!p1 $0x3;
	[sflag:s8] =	ssyncadd.s32 @!p0 $0xFFFFE000  }
0x4d: {  	[spmem:s2] =	stream.indirect.scatter.add.f32 @!p0 [tilespmem:s0], [sflag:$0x3], $0x40, s6, s3, $0xb8;
	[tilespmem:$0xE300] =	vst v63  }
0x4e: {  	p0 =	sle.u32 @!p1 s13, $0x0;
	_ =	swait.ge @!p1 [sflag:s7], $0x2000  }
0x4f: {  	p2 =	sle.u32 @!p1 s14, $0x0;
	p3 =	por p0, p1;
	[sflag:s7] =	ssyncset.done @!p1 $0x0  }
0x50: {  	p0 =	por p2, p1;
	s0 =	simm.s32 @!p3 $0x7;
	[sflag:s7] =	ssyncadd.s32 @!p1 $0xFFFFE000  }
0x51: {  	s3 =	simm.s32 @!p0 $0x4000;
	_ =	swait.ge @!p3 [sflag:s0], $0x100  }
0x52: {  	s6 =	simm.s32 @!p3 $0x0;
	s8 =	simm.s32 @!p3 $0x80;
	[sflag:s0] =	ssyncset.done @!p3 $0x0  }
0x53: {  	s20 =	simm.s32 @!p3 $0x4200;
	s7 =	simm.s32 @!p0 $0x4E200;
	[sflag:s0] =	ssyncadd.s32 @!p3 $0xFFFFFF00  }
0x54: {  	[tilespmem:s6], [sflag:$0x1] =	stream.indirect.gather @!p3 [hbm4b:s4+s8], $0x40, s20, s8, $0xb8;
	[tilespmem:$0xE300] =	vst v63  }
0x55: {  	s0 =	sadd.s32 @!p0 $0xFFFFFFC0, s1;
	s6 =	simm.s32 @!p0 $0x80;
	s8 =	simm.s32 @!p1 $0x2  }
0x56: {  	[tilespmem:s3], [sflag:$0x5] =	stream.strided.gather @!p0 [hbm4b:s0+s6], $0x100, s7, s6, $0x38;
	[tilespmem:$0xE300] =	vst v63  }
0x57: {  	s0 =	simm.s32 @!p1 $0x4180;
	_ =	swait.ge @!p1 [sflag:s8], $0x2000  }
0x58: {  	s3 =	simm.s32 @!p1 $0x2000;
	p0 =	sle.u32 s9, $0x2;
	[sflag:s8] =	ssyncset.done @!p1 $0x0  }
0x59: {  	s6 =	simm.s32 @!p1 $0x80;
	s7 =	simm.s32 @!p0 $0x4;
	[sflag:s8] =	ssyncadd.s32 @!p1 $0xFFFFE000  }
0x5a: {  	[spmem:s2] =	stream.indirect.scatter.add.f32 @!p1 [tilespmem:s3], [sflag:$0x4], $0x40, s0, s6, $0xb8;
	[tilespmem:$0xE300] =	vst v63  }
0x5b: {  	p1 =	sle.u32 @!p0 s14, $0x0;
	_ =	swait.ge @!p0 [sflag:s7], $0x2000  }
0x5c: {  	p2 =	sle.u32 @!p0 s15, $0x0;
	p1 =	por p1, p0;
	[sflag:s7] =	ssyncset.done @!p0 $0x0  }
0x5d: {  	p2 =	por p2, p0;
	s0 =	simm.s32 @!p1 $0x5;
	[sflag:s7] =	ssyncadd.s32 @!p0 $0xFFFFE000  }
0x5e: {  	s3 =	simm.s32 @!p2 $0x4100;
	_ =	swait.ge @!p1 [sflag:s0], $0x100  }
0x5f: {  	s6 =	simm.s32 @!p1 $0x2000;
	s8 =	simm.s32 @!p1 $0x80;
	[sflag:s0] =	ssyncset.done @!p1 $0x0  }
0x60: {  	s20 =	simm.s32 @!p1 $0x4000;
	s7 =	simm.s32 @!p2 $0x4E200;
	[sflag:s0] =	ssyncadd.s32 @!p1 $0xFFFFFF00  }
0x61: {  	[tilespmem:s6], [sflag:$0x2] =	stream.indirect.gather @!p1 [hbm4b:s4+s8], $0x40, s20, s8, $0xb8;
	[tilespmem:$0xE300] =	vst v63  }
0x62: {  	s0 =	sadd.s32 @!p2 $0xFFFFFFD0, s1;
	s6 =	simm.s32 @!p2 $0x80;
	s8 =	simm.s32 @!p0 $0x1  }
0x63: {  	[tilespmem:s3], [sflag:$0x6] =	stream.strided.gather @!p2 [hbm4b:s0+s6], $0x100, s7, s6, $0x38;
	[tilespmem:$0xE300] =	vst v63  }
0x64: {  	p1 =	sle.u32 s9, $0x3;
	_ =	swait.ge @!p0 [sflag:s8], $0x2000  }
0x65: {  	s0 =	simm.s32 @!p0 $0x4280;
	s3 =	simm.s32 @!p0 $0x0;
	[sflag:s8] =	ssyncset.done @!p0 $0x0  }
0x66: {  	s6 =	simm.s32 @!p0 $0x80;
	s7 =	simm.s32 @!p1 $0x3;
	[sflag:s8] =	ssyncadd.s32 @!p0 $0xFFFFE000  }
0x67: {  	[spmem:s2] =	stream.indirect.scatter.add.f32 @!p0 [tilespmem:s3], [sflag:$0x3], $0x40, s0, s6, $0xb8;
	[tilespmem:$0xE300] =	vst v63  }
0x68: {  	p0 =	sle.u32 @!p1 s15, $0x0;
	_ =	swait.ge @!p1 [sflag:s7], $0x2000  }
0x69: {  	p2 =	sle.u32 @!p1 s16, $0x0;
	p0 =	por p0, p1;
	[sflag:s7] =	ssyncset.done @!p1 $0x0  }
0x6a: {  	p2 =	por p2, p1;
	s0 =	simm.s32 @!p0 $0x6;
	[sflag:s7] =	ssyncadd.s32 @!p1 $0xFFFFE000  }
0x6b: {  	s3 =	simm.s32 @!p2 $0x4200;
	_ =	swait.ge @!p0 [sflag:s0], $0x100  }
0x6c: {  	s6 =	simm.s32 @!p0 $0x0;
	s8 =	simm.s32 @!p0 $0x80;
	[sflag:s0] =	ssyncset.done @!p0 $0x0  }
0x6d: {  	s20 =	simm.s32 @!p0 $0x4100;
	s7 =	simm.s32 @!p2 $0x4E200;
	[sflag:s0] =	ssyncadd.s32 @!p0 $0xFFFFFF00  }
0x6e: {  	[tilespmem:s6], [sflag:$0x1] =	stream.indirect.gather @!p0 [hbm4b:s4+s8], $0x40, s20, s8, $0xb8;
	[tilespmem:$0xE300] =	vst v63  }
0x6f: {  	s0 =	sadd.s32 @!p2 $0xFFFFFFE0, s1;
	s6 =	simm.s32 @!p2 $0x80;
	s8 =	simm.s32 @!p1 $0x2  }
0x70: {  	[tilespmem:s3], [sflag:$0x7] =	stream.strided.gather @!p2 [hbm4b:s0+s6], $0x100, s7, s6, $0x38;
	[tilespmem:$0xE300] =	vst v63  }
0x71: {  	p0 =	sle.u32 s9, $0x4;
	_ =	swait.ge @!p1 [sflag:s8], $0x2000  }
0x72: {  	s0 =	simm.s32 @!p1 $0x4080;
	s3 =	simm.s32 @!p1 $0x2000;
	[sflag:s8] =	ssyncset.done @!p1 $0x0  }
0x73: {  	s6 =	simm.s32 @!p1 $0x80;
	s7 =	simm.s32 @!p0 $0x4;
	[sflag:s8] =	ssyncadd.s32 @!p1 $0xFFFFE000  }
0x74: {  	[spmem:s2] =	stream.indirect.scatter.add.f32 @!p1 [tilespmem:s3], [sflag:$0x4], $0x40, s0, s6, $0xb8;
	[tilespmem:$0xE300] =	vst v63  }
0x75: {  	p1 =	sle.u32 @!p0 s16, $0x0;
	_ =	swait.ge @!p0 [sflag:s7], $0x2000  }
0x76: {  	p2 =	sle.u32 @!p0 s17, $0x0;
	p1 =	por p1, p0;
	[sflag:s7] =	ssyncset.done @!p0 $0x0  }
0x77: {  	p2 =	por p2, p0;
	s0 =	simm.s32 @!p1 $0x7;
	[sflag:s7] =	ssyncadd.s32 @!p0 $0xFFFFE000  }
0x78: {  	s3 =	simm.s32 @!p2 $0x4000;
	_ =	swait.ge @!p1 [sflag:s0], $0x100  }
0x79: {  	s6 =	simm.s32 @!p1 $0x2000;
	s8 =	simm.s32 @!p1 $0x80;
	[sflag:s0] =	ssyncset.done @!p1 $0x0  }
0x7a: {  	s20 =	simm.s32 @!p1 $0x4200;
	s7 =	simm.s32 @!p2 $0x4E200;
	[sflag:s0] =	ssyncadd.s32 @!p1 $0xFFFFFF00  }
0x7b: {  	[tilespmem:s6], [sflag:$0x2] =	stream.indirect.gather @!p1 [hbm4b:s4+s8], $0x40, s20, s8, $0xb8;
	[tilespmem:$0xE300] =	vst v63  }
0x7c: {  	s0 =	sadd.s32 @!p2 $0xFFFFFFF0, s1;
	s6 =	simm.s32 @!p2 $0x80;
	s8 =	simm.s32 @!p0 $0x1  }
0x7d: {  	[tilespmem:s3], [sflag:$0x5] =	stream.strided.gather @!p2 [hbm4b:s0+s6], $0x100, s7, s6, $0x38;
	[tilespmem:$0xE300] =	vst v63  }
0x7e: {  	s0 =	simm.s32 @!p0 $0x4180;
	_ =	swait.ge @!p0 [sflag:s8], $0x2000  }
0x7f: {  	s3 =	simm.s32 @!p0 $0x0;
	p2 =	sle.u32 s9, $0x5;
	[sflag:s8] =	ssyncset.done @!p0 $0x0  }
0x80: {  	s6 =	simm.s32 @!p0 $0x80;
	s7 =	simm.s32 @!p2 $0x3;
	[sflag:s8] =	ssyncadd.s32 @!p0 $0xFFFFE000  }
0x81: {  	[spmem:s2] =	stream.indirect.scatter.add.f32 @!p0 [tilespmem:s3], [sflag:$0x3], $0x40, s0, s6, $0xb8;
	[tilespmem:$0xE300] =	vst v63  }
0x82: {  	s30 =	simm.s32 $0x6;
	p0 =	sle.u32 @!p2 s17, $0x0;
	_ =	swait.ge @!p2 [sflag:s7], $0x2000  }
0x83: {  	s31 =	simm.s32 $0xC;
	p3 =	por p0, p2;
	[sflag:s7] =	ssyncset.done @!p2 $0x0  }
0x84: {  	s29 =	sadd.s32 $0x60, s1;
	s0 =	simm.s32 @!p3 $0x5;
	[sflag:s7] =	ssyncadd.s32 @!p2 $0xFFFFE000  }
0x85: {  	p1 =	sle.u32 s9, $0x6;
	s20 =	smov.u32 s1;
	_ =	swait.ge @!p3 [sflag:s0], $0x100  }
0x86: {  	p4 =	por @!p1 $0x0, $0x0;
	s25 =	simm.s32 @!p3 $0x80;
	s3 =	rddreg [dreg:$0x4]  }
0x87: {  	s8 =	simm.s32 @!p3 $0x4000;
	[sflag:s0] =	ssyncset.done @!p3 $0x0;
	p0 =	sle.u32 @!p2 s3, $0x0  }
0x88: {  	[sflag:s0] =	ssyncadd.s32 @!p3 $0xFFFFFF00;
	s0 =	simm.s32 @!p3 $0x0;
	p5 =	por p0, p2  }
0x89: {  	s3 =	simm.s32 @!p5 $0x80;
	s6 =	simm.s32 @!p5 $0x4E200;
	s7 =	simm.s32 @!p5 $0x4100  }
.LBB2_4:
0x8a: {  	[tilespmem:s0], [sflag:$0x1] =	stream.indirect.gather @!p3 [hbm4b:s4+s25], $0x40, s8, s25, $0xb8;
	[tilespmem:$0xE300] =	vst v63  }
0x8b: {  	s0 =	simm.s32 @!p2 $0x2  }
0x8c: {  	[tilespmem:s7], [sflag:$0x6] =	stream.strided.gather @!p5 [hbm4b:s20+s3], $0x100, s6, s3, $0x38;
	[tilespmem:$0xE300] =	vst v63  }
0x8d: {  	p3 =	por p4, p1;
	_ =	swait.ge @!p2 [sflag:s0], $0x2000  }
0x8e: {  	s3 =	simm.s32 @!p3 $0x4;
	s6 =	simm.s32 @!p2 $0x2000;
	[sflag:s0] =	ssyncset.done @!p2 $0x0  }
0x8f: {  	s7 =	simm.s32 @!p2 $0x4280;
	[sflag:s0] =	ssyncadd.s32 @!p2 $0xFFFFE000;
	s0 =	simm.s32 @!p2 $0x80  }
0x90: {  	[spmem:s2] =	stream.indirect.scatter.add.f32 @!p2 [tilespmem:s6], [sflag:$0x4], $0x40, s7, s0, $0xb8;
	[tilespmem:$0xE300] =	vst v63  }
0x91: {  	_ =	swait.ge @!p3 [sflag:s3], $0x2000  }
0x92: {  	s25 =	smov.u32 s30;
	s0 =	rddreg [dreg:$0x3]  }
0x93: {  	[sflag:s3] =	ssyncset.done @!p3 $0x0;
	p2 =	sge.u32 @!p1 s25, s0  }
0x94: {  	[sflag:s3] =	ssyncadd.s32 @!p3 $0xFFFFE000;
	p3 =	por p2, p1  }
0x95: {  	p2 =	sge.u32 @!p1 s25, s13;
	s0 =	simm.s32 @!p3 $0x6  }
0x96: {  	p2 =	por p2, p1;
	s6 =	simm.s32 @!p3 $0x2000;
	_ =	swait.ge @!p3 [sflag:s0], $0x100  }
0x97: {  	s8 =	simm.s32 @!p3 $0x80;
	s10 =	simm.s32 @!p3 $0x4100;
	[sflag:s0] =	ssyncset.done @!p3 $0x0  }
0x98: {  	s7 =	simm.s32 @!p2 $0x4E200;
	s11 =	simm.s32 @!p2 $0x4200;
	[sflag:s0] =	ssyncadd.s32 @!p3 $0xFFFFFF00  }
0x99: {  	[tilespmem:s6], [sflag:$0x2] =	stream.indirect.gather @!p3 [hbm4b:s4+s8], $0x40, s10, s8, $0xb8;
	[tilespmem:$0xE300] =	vst v63  }
0x9a: {  	s0 =	sadd.s32 @!p2 $0xFFFFFFB0, s29;
	s6 =	simm.s32 @!p2 $0x80;
	s8 =	simm.s32 @!p1 $0x1  }
0x9b: {  	[tilespmem:s11], [sflag:$0x7] =	stream.strided.gather @!p2 [hbm4b:s0+s6], $0x100, s7, s6, $0x38;
	[tilespmem:$0xE300] =	vst v63  }
0x9c: {  	s3 =	sadd.s32 $0x1, s25;
	s10 =	simm.s32 @!p1 $0x0;
	_ =	swait.ge @!p1 [sflag:s8], $0x2000  }
0x9d: {  	s0 =	simm.s32 @!p1 $0x80;
	p2 =	sge.u32 s3, s9;
	[sflag:s8] =	ssyncset.done @!p1 $0x0  }
0x9e: {  	s3 =	simm.s32 @!p1 $0x4080;
	s6 =	simm.s32 @!p2 $0x3;
	[sflag:s8] =	ssyncadd.s32 @!p1 $0xFFFFE000  }
0x9f: {  	[spmem:s2] =	stream.indirect.scatter.add.f32 @!p1 [tilespmem:s10], [sflag:$0x3], $0x40, s3, s0, $0xb8;
	[tilespmem:$0xE300] =	vst v63  }
0xa0: {  	p3 =	sge.u32 @!p2 s25, s13;
	_ =	swait.ge @!p2 [sflag:s6], $0x2000  }
0xa1: {  	p3 =	por p3, p2;
	[sflag:s6] =	ssyncset.done @!p2 $0x0  }
0xa2: {  	p4 =	sge.u32 @!p2 s25, s14;
	s0 =	simm.s32 @!p3 $0x7;
	[sflag:s6] =	ssyncadd.s32 @!p2 $0xFFFFE000  }
0xa3: {  	s8 =	simm.s32 @!p3 $0x80;
	p1 =	por p4, p2;
	_ =	swait.ge @!p3 [sflag:s0], $0x100  }
0xa4: {  	s10 =	simm.s32 @!p3 $0x4200;
	s3 =	simm.s32 @!p1 $0x4000;
	[sflag:s0] =	ssyncset.done @!p3 $0x0  }
0xa5: {  	s7 =	simm.s32 @!p1 $0x4E200;
	s6 =	simm.s32 @!p3 $0x0;
	[sflag:s0] =	ssyncadd.s32 @!p3 $0xFFFFFF00  }
0xa6: {  	[tilespmem:s6], [sflag:$0x1] =	stream.indirect.gather @!p3 [hbm4b:s4+s8], $0x40, s10, s8, $0xb8;
	[tilespmem:$0xE300] =	vst v63  }
0xa7: {  	s11 =	simm.s32 @!p1 $0x80;
	s0 =	sadd.s32 @!p1 $0xFFFFFFC0, s29;
	s6 =	simm.s32 @!p2 $0x2  }
0xa8: {  	[tilespmem:s3], [sflag:$0x5] =	stream.strided.gather @!p1 [hbm4b:s0+s11], $0x100, s7, s11, $0x38;
	[tilespmem:$0xE300] =	vst v63  }
0xa9: {  	s8 =	simm.s32 @!p2 $0x4180;
	s10 =	sadd.s32 $0x2, s25;
	_ =	swait.ge @!p2 [sflag:s6], $0x2000  }
0xaa: {  	s0 =	simm.s32 @!p2 $0x2000;
	p1 =	sge.u32 s10, s9;
	[sflag:s6] =	ssyncset.done @!p2 $0x0  }
0xab: {  	s7 =	simm.s32 @!p2 $0x80;
	s3 =	simm.s32 @!p1 $0x4;
	[sflag:s6] =	ssyncadd.s32 @!p2 $0xFFFFE000  }
0xac: {  	[spmem:s2] =	stream.indirect.scatter.add.f32 @!p2 [tilespmem:s0], [sflag:$0x4], $0x40, s8, s7, $0xb8;
	[tilespmem:$0xE300] =	vst v63  }
0xad: {  	p3 =	sge.u32 @!p1 s25, s14;
	_ =	swait.ge @!p1 [sflag:s3], $0x2000  }
0xae: {  	p2 =	por p3, p1;
	[sflag:s3] =	ssyncset.done @!p1 $0x0  }
0xaf: {  	p3 =	sge.u32 @!p1 s25, s15;
	s0 =	simm.s32 @!p2 $0x5;
	[sflag:s3] =	ssyncadd.s32 @!p1 $0xFFFFE000  }
0xb0: {  	p3 =	por p3, p1;
	s6 =	simm.s32 @!p2 $0x2000;
	_ =	swait.ge @!p2 [sflag:s0], $0x100  }
0xb1: {  	s8 =	simm.s32 @!p2 $0x80;
	s10 =	simm.s32 @!p2 $0x4000;
	[sflag:s0] =	ssyncset.done @!p2 $0x0  }
0xb2: {  	s7 =	simm.s32 @!p3 $0x4E200;
	s11 =	simm.s32 @!p3 $0x80;
	[sflag:s0] =	ssyncadd.s32 @!p2 $0xFFFFFF00  }
0xb3: {  	[tilespmem:s6], [sflag:$0x2] =	stream.indirect.gather @!p2 [hbm4b:s4+s8], $0x40, s10, s8, $0xb8;
	[tilespmem:$0xE300] =	vst v63  }
0xb4: {  	s3 =	simm.s32 @!p3 $0x4100;
	s0 =	sadd.s32 @!p3 $0xFFFFFFD0, s29;
	s6 =	simm.s32 @!p1 $0x1  }
0xb5: {  	[tilespmem:s3], [sflag:$0x6] =	stream.strided.gather @!p3 [hbm4b:s0+s11], $0x100, s7, s11, $0x38;
	[tilespmem:$0xE300] =	vst v63  }
0xb6: {  	s8 =	simm.s32 @!p1 $0x4280;
	s11 =	sadd.s32 $0x3, s25;
	_ =	swait.ge @!p1 [sflag:s6], $0x2000  }
0xb7: {  	s0 =	simm.s32 @!p1 $0x0;
	p2 =	sge.u32 s11, s9;
	[sflag:s6] =	ssyncset.done @!p1 $0x0  }
0xb8: {  	s7 =	simm.s32 @!p1 $0x80;
	s3 =	simm.s32 @!p2 $0x3;
	[sflag:s6] =	ssyncadd.s32 @!p1 $0xFFFFE000  }
0xb9: {  	[spmem:s2] =	stream.indirect.scatter.add.f32 @!p1 [tilespmem:s0], [sflag:$0x3], $0x40, s8, s7, $0xb8;
	[tilespmem:$0xE300] =	vst v63  }
0xba: {  	p3 =	sge.u32 @!p2 s25, s15;
	_ =	swait.ge @!p2 [sflag:s3], $0x2000  }
0xbb: {  	p1 =	por p3, p2;
	[sflag:s3] =	ssyncset.done @!p2 $0x0  }
0xbc: {  	p3 =	sge.u32 @!p2 s25, s16;
	s0 =	simm.s32 @!p1 $0x6;
	[sflag:s3] =	ssyncadd.s32 @!p2 $0xFFFFE000  }
0xbd: {  	p3 =	por p3, p2;
	s6 =	simm.s32 @!p1 $0x0;
	_ =	swait.ge @!p1 [sflag:s0], $0x100  }
0xbe: {  	s8 =	simm.s32 @!p1 $0x80;
	s10 =	simm.s32 @!p1 $0x4100;
	[sflag:s0] =	ssyncset.done @!p1 $0x0  }
0xbf: {  	s7 =	simm.s32 @!p3 $0x4E200;
	s11 =	simm.s32 @!p3 $0x80;
	[sflag:s0] =	ssyncadd.s32 @!p1 $0xFFFFFF00  }
0xc0: {  	[tilespmem:s6], [sflag:$0x1] =	stream.indirect.gather @!p1 [hbm4b:s4+s8], $0x40, s10, s8, $0xb8;
	[tilespmem:$0xE300] =	vst v63  }
0xc1: {  	s3 =	simm.s32 @!p3 $0x4200;
	s0 =	sadd.s32 @!p3 $0xFFFFFFE0, s29;
	s6 =	simm.s32 @!p2 $0x2  }
0xc2: {  	[tilespmem:s3], [sflag:$0x7] =	stream.strided.gather @!p3 [hbm4b:s0+s11], $0x100, s7, s11, $0x38;
	[tilespmem:$0xE300] =	vst v63  }
0xc3: {  	s8 =	simm.s32 @!p2 $0x4080;
	s10 =	sadd.s32 $0x4, s25;
	_ =	swait.ge @!p2 [sflag:s6], $0x2000  }
0xc4: {  	p1 =	sge.u32 s10, s9;
	s0 =	simm.s32 @!p2 $0x2000;
	[sflag:s6] =	ssyncset.done @!p2 $0x0  }
0xc5: {  	s7 =	simm.s32 @!p2 $0x80;
	s3 =	simm.s32 @!p1 $0x4;
	[sflag:s6] =	ssyncadd.s32 @!p2 $0xFFFFE000  }
0xc6: {  	[spmem:s2] =	stream.indirect.scatter.add.f32 @!p2 [tilespmem:s0], [sflag:$0x4], $0x40, s8, s7, $0xb8;
	[tilespmem:$0xE300] =	vst v63  }
0xc7: {  	s30 =	smov.u32 s31;
	p3 =	sge.u32 @!p1 s25, s16;
	_ =	swait.ge @!p1 [sflag:s3], $0x2000  }
0xc8: {  	s31 =	sadd.s32 $0x6, s31;
	p2 =	por p3, p1;
	[sflag:s3] =	ssyncset.done @!p1 $0x0  }
0xc9: {  	p3 =	sge.u32 @!p1 s25, s17;
	s0 =	simm.s32 @!p2 $0x7;
	[sflag:s3] =	ssyncadd.s32 @!p1 $0xFFFFE000  }
0xca: {  	p3 =	por p3, p1;
	s6 =	simm.s32 @!p2 $0x2000;
	_ =	swait.ge @!p2 [sflag:s0], $0x100  }
0xcb: {  	s8 =	simm.s32 @!p2 $0x80;
	s10 =	simm.s32 @!p2 $0x4200;
	[sflag:s0] =	ssyncset.done @!p2 $0x0  }
0xcc: {  	s7 =	simm.s32 @!p3 $0x4E200;
	s11 =	simm.s32 @!p3 $0x80;
	[sflag:s0] =	ssyncadd.s32 @!p2 $0xFFFFFF00  }
0xcd: {  	[tilespmem:s6], [sflag:$0x2] =	stream.indirect.gather @!p2 [hbm4b:s4+s8], $0x40, s10, s8, $0xb8;
	[tilespmem:$0xE300] =	vst v63  }
0xce: {  	s3 =	simm.s32 @!p3 $0x4000;
	s0 =	sadd.s32 @!p3 $0xFFFFFFF0, s29;
	s6 =	simm.s32 @!p1 $0x1  }
0xcf: {  	[tilespmem:s3], [sflag:$0x5] =	stream.strided.gather @!p3 [hbm4b:s0+s11], $0x100, s7, s11, $0x38;
	[tilespmem:$0xE300] =	vst v63  }
0xd0: {  	s8 =	simm.s32 @!p1 $0x4180;
	s11 =	sadd.s32 $0x5, s25;
	_ =	swait.ge @!p1 [sflag:s6], $0x2000  }
0xd1: {  	s0 =	simm.s32 @!p1 $0x0;
	p2 =	sge.u32 s11, s9;
	[sflag:s6] =	ssyncset.done @!p1 $0x0  }
0xd2: {  	s7 =	simm.s32 @!p1 $0x80;
	s3 =	simm.s32 @!p2 $0x3;
	[sflag:s6] =	ssyncadd.s32 @!p1 $0xFFFFE000  }
0xd3: {  	[spmem:s2] =	stream.indirect.scatter.add.f32 @!p1 [tilespmem:s0], [sflag:$0x3], $0x40, s8, s7, $0xb8;
	[tilespmem:$0xE300] =	vst v63  }
0xd4: {  	p0 =	sne.s32 s31, $0x54;
	p3 =	sge.u32 @!p2 s25, s17;
	_ =	swait.ge @!p2 [sflag:s3], $0x2000  }
0xd5: {  	s20 =	smov.u32 s29;
	p3 =	por p3, p2;
	[sflag:s3] =	ssyncset.done @!p2 $0x0  }
0xd6: {  	s29 =	sadd.s32 $0x60, s29;
	s0 =	simm.s32 @!p3 $0x5;
	[sflag:s3] =	ssyncadd.s32 @!p2 $0xFFFFE000  }
.Ltmp1:
0xd7: {  	p1 =	sge.u32 s30, s9;
	_ =	swait.ge @!p3 [sflag:s0], $0x100;
	(pc) =	sbr.rel @p0 .LBB2_4-.Ltmp1, $4  }
0xd8: {  	s8 =	simm.s32 @!p3 $0x4000;
	s3 =	rddreg [dreg:$0x4];
	[sflag:s0] =	ssyncset.done @!p3 $0x0  }
0xd9: {  	p4 =	seq.s32 @!p1 s30, $0x0;
	[sflag:s0] =	ssyncadd.s32 @!p3 $0xFFFFFF00;
	p5 =	sge.u32 @!p2 s25, s3  }
0xda: {  	s0 =	simm.s32 @!p3 $0x0;
	s25 =	simm.s32 @!p3 $0x80;
	p5 =	por p5, p2  }
0xdb: {  	s3 =	simm.s32 @!p5 $0x80;
	s6 =	simm.s32 @!p5 $0x4E200;
	s7 =	simm.s32 @!p5 $0x4100  }
0xdc: {  	[tilespmem:s0], [sflag:$0x1] =	stream.indirect.gather @!p3 [hbm4b:s4+s25], $0x40, s8, s25, $0xb8;
	[tilespmem:$0xE300] =	vst v63  }
0xdd: {  	s0 =	simm.s32 @!p2 $0x2  }
0xde: {  	[tilespmem:s7], [sflag:$0x6] =	stream.strided.gather @!p5 [hbm4b:s20+s3], $0x100, s6, s3, $0x38;
	[tilespmem:$0xE300] =	vst v63  }
0xdf: {  	p0 =	por p4, p1;
	_ =	swait.ge @!p2 [sflag:s0], $0x2000  }
0xe0: {  	s3 =	simm.s32 @!p0 $0x4;
	s6 =	simm.s32 @!p2 $0x2000;
	[sflag:s0] =	ssyncset.done @!p2 $0x0  }
0xe1: {  	s7 =	simm.s32 @!p2 $0x4280;
	[sflag:s0] =	ssyncadd.s32 @!p2 $0xFFFFE000;
	s0 =	simm.s32 @!p2 $0x80  }
0xe2: {  	[spmem:s2] =	stream.indirect.scatter.add.f32 @!p2 [tilespmem:s6], [sflag:$0x4], $0x40, s7, s0, $0xb8;
	[tilespmem:$0xE300] =	vst v63  }
0xe3: {  	_ =	swait.ge @!p0 [sflag:s3], $0x2000  }
0xe4: {  	s0 =	rddreg [dreg:$0x3]  }
0xe5: {  	p2 =	sge.u32 @!p1 s30, s0  }
0xe6: {  	[sflag:s3] =	ssyncset.done @!p0 $0x0;
	p2 =	por p2, p1  }
0xe7: {  	[sflag:s3] =	ssyncadd.s32 @!p0 $0xFFFFE000;
	p0 =	sge.u32 @!p1 s30, s13;
	s0 =	simm.s32 @!p2 $0x6  }
0xe8: {  	p0 =	por p0, p1;
	s3 =	simm.s32 @!p2 $0x2000;
	_ =	swait.ge @!p2 [sflag:s0], $0x100  }
0xe9: {  	s6 =	simm.s32 @!p0 $0x4E200;
	s7 =	simm.s32 @!p2 $0x80;
	[sflag:s0] =	ssyncset.done @!p2 $0x0  }
0xea: {  	s8 =	simm.s32 @!p2 $0x4100;
	[sflag:s0] =	ssyncadd.s32 @!p2 $0xFFFFFF00;
	s0 =	sadd.s32 @!p0 $0xFFFFFFB0, s29  }
0xeb: {  	[tilespmem:s3], [sflag:$0x2] =	stream.indirect.gather @!p2 [hbm4b:s4+s7], $0x40, s8, s7, $0xb8;
	[tilespmem:$0xE300] =	vst v63  }
0xec: {  	s3 =	simm.s32 @!p0 $0x4200;
	s7 =	simm.s32 @!p0 $0x80;
	s8 =	simm.s32 @!p1 $0x1  }
0xed: {  	[tilespmem:s3], [sflag:$0x7] =	stream.strided.gather @!p0 [hbm4b:s0+s7], $0x100, s6, s7, $0x38;
	[tilespmem:$0xE300] =	vst v63  }
0xee: {  	s7 =	sadd.s32 $0x1, s30;
	s3 =	simm.s32 @!p1 $0x0;
	_ =	swait.ge @!p1 [sflag:s8], $0x2000  }
0xef: {  	s6 =	simm.s32 @!p1 $0x80;
	p0 =	sge.u32 s7, s9;
	[sflag:s8] =	ssyncset.done @!p1 $0x0  }
0xf0: {  	s0 =	simm.s32 @!p1 $0x4080;
	s7 =	simm.s32 @!p0 $0x3;
	[sflag:s8] =	ssyncadd.s32 @!p1 $0xFFFFE000  }
0xf1: {  	[spmem:s2] =	stream.indirect.scatter.add.f32 @!p1 [tilespmem:s3], [sflag:$0x3], $0x40, s0, s6, $0xb8;
	[tilespmem:$0xE300] =	vst v63  }
0xf2: {  	p1 =	sge.u32 @!p0 s30, s13;
	_ =	swait.ge @!p0 [sflag:s7], $0x2000  }
0xf3: {  	p2 =	sge.u32 @!p0 s30, s14;
	p3 =	por p1, p0;
	[sflag:s7] =	ssyncset.done @!p0 $0x0  }
0xf4: {  	p1 =	por p2, p0;
	s0 =	simm.s32 @!p3 $0x7;
	[sflag:s7] =	ssyncadd.s32 @!p0 $0xFFFFE000  }
0xf5: {  	s3 =	simm.s32 @!p1 $0x4000;
	_ =	swait.ge @!p3 [sflag:s0], $0x100  }
0xf6: {  	s6 =	simm.s32 @!p3 $0x0;
	s8 =	simm.s32 @!p3 $0x80;
	[sflag:s0] =	ssyncset.done @!p3 $0x0  }
0xf7: {  	s10 =	simm.s32 @!p3 $0x4200;
	s7 =	simm.s32 @!p1 $0x4E200;
	[sflag:s0] =	ssyncadd.s32 @!p3 $0xFFFFFF00  }
0xf8: {  	[tilespmem:s6], [sflag:$0x1] =	stream.indirect.gather @!p3 [hbm4b:s4+s8], $0x40, s10, s8, $0xb8;
	[tilespmem:$0xE300] =	vst v63  }
0xf9: {  	s0 =	sadd.s32 @!p1 $0xFFFFFFC0, s29;
	s6 =	simm.s32 @!p1 $0x80;
	s8 =	simm.s32 @!p0 $0x2  }
0xfa: {  	[tilespmem:s3], [sflag:$0x5] =	stream.strided.gather @!p1 [hbm4b:s0+s6], $0x100, s7, s6, $0x38;
	[tilespmem:$0xE300] =	vst v63  }
0xfb: {  	s10 =	sadd.s32 $0x2, s30;
	s0 =	simm.s32 @!p0 $0x4180;
	_ =	swait.ge @!p0 [sflag:s8], $0x2000  }
0xfc: {  	s6 =	simm.s32 @!p0 $0x2000;
	p1 =	sge.u32 s10, s9;
	[sflag:s8] =	ssyncset.done @!p0 $0x0  }
0xfd: {  	s3 =	simm.s32 @!p0 $0x80;
	s7 =	simm.s32 @!p1 $0x4;
	[sflag:s8] =	ssyncadd.s32 @!p0 $0xFFFFE000  }
0xfe: {  	[spmem:s2] =	stream.indirect.scatter.add.f32 @!p0 [tilespmem:s6], [sflag:$0x4], $0x40, s0, s3, $0xb8;
	[tilespmem:$0xE300] =	vst v63  }
0xff: {  	p0 =	sge.u32 @!p1 s30, s14;
	_ =	swait.ge @!p1 [sflag:s7], $0x2000  }
0x100: {  	p2 =	sge.u32 @!p1 s30, s15;
	p0 =	por p0, p1;
	[sflag:s7] =	ssyncset.done @!p1 $0x0  }
0x101: {  	p2 =	por p2, p1;
	s0 =	simm.s32 @!p0 $0x5;
	[sflag:s7] =	ssyncadd.s32 @!p1 $0xFFFFE000  }
0x102: {  	s11 =	sadd.s32 $0x3, s30;
	s3 =	simm.s32 @!p2 $0x4100;
	_ =	swait.ge @!p0 [sflag:s0], $0x100  }
0x103: {  	s6 =	simm.s32 @!p0 $0x2000;
	s8 =	simm.s32 @!p0 $0x80;
	[sflag:s0] =	ssyncset.done @!p0 $0x0  }
0x104: {  	s10 =	simm.s32 @!p0 $0x4000;
	s7 =	simm.s32 @!p2 $0x4E200;
	[sflag:s0] =	ssyncadd.s32 @!p0 $0xFFFFFF00  }
0x105: {  	[tilespmem:s6], [sflag:$0x2] =	stream.indirect.gather @!p0 [hbm4b:s4+s8], $0x40, s10, s8, $0xb8;
	[tilespmem:$0xE300] =	vst v63  }
0x106: {  	s0 =	sadd.s32 @!p2 $0xFFFFFFD0, s29;
	s6 =	simm.s32 @!p2 $0x80;
	s8 =	simm.s32 @!p1 $0x1  }
0x107: {  	[tilespmem:s3], [sflag:$0x6] =	stream.strided.gather @!p2 [hbm4b:s0+s6], $0x100, s7, s6, $0x38;
	[tilespmem:$0xE300] =	vst v63  }
0x108: {  	p0 =	sge.u32 s11, s9;
	_ =	swait.ge @!p1 [sflag:s8], $0x2000  }
0x109: {  	s0 =	simm.s32 @!p1 $0x4280;
	s6 =	simm.s32 @!p1 $0x0;
	[sflag:s8] =	ssyncset.done @!p1 $0x0  }
0x10a: {  	s3 =	simm.s32 @!p1 $0x80;
	s7 =	simm.s32 @!p0 $0x3;
	[sflag:s8] =	ssyncadd.s32 @!p1 $0xFFFFE000  }
0x10b: {  	[spmem:s2] =	stream.indirect.scatter.add.f32 @!p1 [tilespmem:s6], [sflag:$0x3], $0x40, s0, s3, $0xb8;
	[tilespmem:$0xE300] =	vst v63  }
0x10c: {  	p1 =	sge.u32 @!p0 s30, s15;
	_ =	swait.ge @!p0 [sflag:s7], $0x2000  }
0x10d: {  	p2 =	sge.u32 @!p0 s30, s16;
	p1 =	por p1, p0;
	[sflag:s7] =	ssyncset.done @!p0 $0x0  }
0x10e: {  	p2 =	por p2, p0;
	s0 =	simm.s32 @!p1 $0x6;
	[sflag:s7] =	ssyncadd.s32 @!p0 $0xFFFFE000  }
0x10f: {  	s20 =	sadd.s32 $0x4, s30;
	s3 =	simm.s32 @!p2 $0x4200;
	_ =	swait.ge @!p1 [sflag:s0], $0x100  }
0x110: {  	s6 =	simm.s32 @!p1 $0x0;
	s8 =	simm.s32 @!p1 $0x80;
	[sflag:s0] =	ssyncset.done @!p1 $0x0  }
0x111: {  	s10 =	simm.s32 @!p1 $0x4100;
	s7 =	simm.s32 @!p2 $0x4E200;
	[sflag:s0] =	ssyncadd.s32 @!p1 $0xFFFFFF00  }
0x112: {  	[tilespmem:s6], [sflag:$0x1] =	stream.indirect.gather @!p1 [hbm4b:s4+s8], $0x40, s10, s8, $0xb8;
	[tilespmem:$0xE300] =	vst v63  }
0x113: {  	s0 =	sadd.s32 @!p2 $0xFFFFFFE0, s29;
	s6 =	simm.s32 @!p2 $0x80;
	s8 =	simm.s32 @!p0 $0x2  }
0x114: {  	[tilespmem:s3], [sflag:$0x7] =	stream.strided.gather @!p2 [hbm4b:s0+s6], $0x100, s7, s6, $0x38;
	[tilespmem:$0xE300] =	vst v63  }
0x115: {  	p1 =	sge.u32 s20, s9;
	_ =	swait.ge @!p0 [sflag:s8], $0x2000  }
0x116: {  	s0 =	simm.s32 @!p0 $0x4080;
	s6 =	simm.s32 @!p0 $0x2000;
	[sflag:s8] =	ssyncset.done @!p0 $0x0  }
0x117: {  	s3 =	simm.s32 @!p0 $0x80;
	s7 =	simm.s32 @!p1 $0x4;
	[sflag:s8] =	ssyncadd.s32 @!p0 $0xFFFFE000  }
0x118: {  	[spmem:s2] =	stream.indirect.scatter.add.f32 @!p0 [tilespmem:s6], [sflag:$0x4], $0x40, s0, s3, $0xb8;
	[tilespmem:$0xE300] =	vst v63  }
0x119: {  	p0 =	sge.u32 @!p1 s30, s16;
	_ =	swait.ge @!p1 [sflag:s7], $0x2000  }
0x11a: {  	p2 =	sge.u32 @!p1 s30, s17;
	p0 =	por p0, p1;
	[sflag:s7] =	ssyncset.done @!p1 $0x0  }
0x11b: {  	p2 =	por p2, p1;
	s0 =	simm.s32 @!p0 $0x7;
	[sflag:s7] =	ssyncadd.s32 @!p1 $0xFFFFE000  }
0x11c: {  	s25 =	sadd.s32 $0x5, s30;
	s3 =	simm.s32 @!p2 $0x4000;
	_ =	swait.ge @!p0 [sflag:s0], $0x100  }
0x11d: {  	s6 =	simm.s32 @!p0 $0x2000;
	s8 =	simm.s32 @!p0 $0x80;
	[sflag:s0] =	ssyncset.done @!p0 $0x0  }
0x11e: {  	s10 =	simm.s32 @!p0 $0x4200;
	s7 =	simm.s32 @!p2 $0x4E200;
	[sflag:s0] =	ssyncadd.s32 @!p0 $0xFFFFFF00  }
0x11f: {  	[tilespmem:s6], [sflag:$0x2] =	stream.indirect.gather @!p0 [hbm4b:s4+s8], $0x40, s10, s8, $0xb8;
	[tilespmem:$0xE300] =	vst v63  }
0x120: {  	s0 =	sadd.s32 @!p2 $0xFFFFFFF0, s29;
	s6 =	simm.s32 @!p2 $0x80;
	s8 =	simm.s32 @!p1 $0x1  }
0x121: {  	[tilespmem:s3], [sflag:$0x5] =	stream.strided.gather @!p2 [hbm4b:s0+s6], $0x100, s7, s6, $0x38;
	[tilespmem:$0xE300] =	vst v63  }
0x122: {  	p0 =	sge.u32 s25, s9;
	_ =	swait.ge @!p1 [sflag:s8], $0x2000  }
0x123: {  	s0 =	simm.s32 @!p1 $0x4180;
	s6 =	simm.s32 @!p1 $0x0;
	[sflag:s8] =	ssyncset.done @!p1 $0x0  }
0x124: {  	s3 =	simm.s32 @!p1 $0x80;
	s7 =	simm.s32 @!p0 $0x3;
	[sflag:s8] =	ssyncadd.s32 @!p1 $0xFFFFE000  }
0x125: {  	[spmem:s2] =	stream.indirect.scatter.add.f32 @!p1 [tilespmem:s6], [sflag:$0x3], $0x40, s0, s3, $0xb8;
	[tilespmem:$0xE300] =	vst v63  }
0x126: {  	p1 =	sge.u32 @!p0 s30, s17;
	_ =	swait.ge @!p0 [sflag:s7], $0x2000  }
0x127: {  	p1 =	por p1, p0;
	[sflag:s7] =	ssyncset.done @!p0 $0x0  }
0x128: {  	s0 =	simm.s32 @!p1 $0x5;
	[sflag:s7] =	ssyncadd.s32 @!p0 $0xFFFFE000  }
0x129: {  	_ =	swait.ge @!p1 [sflag:s0], $0x100  }
0x12a: {  	s3 =	rddreg [dreg:$0x4]  }
0x12b: {  	s6 =	simm.s32 @!p1 $0x4000;
	[sflag:s0] =	ssyncset.done @!p1 $0x0;
	p2 =	sge.u32 @!p0 s30, s3  }
0x12c: {  	[sflag:s0] =	ssyncadd.s32 @!p1 $0xFFFFFF00;
	s0 =	simm.s32 @!p1 $0x0;
	s3 =	simm.s32 @!p1 $0x80  }
0x12d: {  	[tilespmem:s0], [sflag:$0x1] =	stream.indirect.gather @!p1 [hbm4b:s4+s3], $0x40, s6, s3, $0xb8;
	[tilespmem:$0xE300] =	vst v63  }
0x12e: {  	p2 =	por p2, p0;
	s6 =	simm.s32 @!p0 $0x2  }
0x12f: {  	s7 =	simm.s32 @!p2 $0x80;
	s0 =	simm.s32 @!p2 $0x4E200;
	s3 =	simm.s32 @!p2 $0x4100  }
0x130: {  	[tilespmem:s3], [sflag:$0x6] =	stream.strided.gather @!p2 [hbm4b:s29+s7], $0x100, s0, s7, $0x38;
	[tilespmem:$0xE300] =	vst v63  }
0x131: {  	_ =	swait.ge @!p0 [sflag:s6], $0x2000  }
0x132: {  	s0 =	simm.s32 @!p0 $0x2000;
	[sflag:s6] =	ssyncset.done @!p0 $0x0  }
0x133: {  	s3 =	simm.s32 @!p0 $0x80;
	[sflag:s6] =	ssyncadd.s32 @!p0 $0xFFFFE000;
	s6 =	simm.s32 @!p0 $0x4280  }
0x134: {  	[spmem:s2] =	stream.indirect.scatter.add.f32 @!p0 [tilespmem:s0], [sflag:$0x4], $0x40, s6, s3, $0xb8;
	[tilespmem:$0xE300] =	vst v63  }
0x135: {  	s31 =	sshrl.u32 s5, $0x3;
	_ =	swait.ge [sflag:s26], $0x2000  }
0x136: {  	s28 =	sadd.s32 $0x1, s28;
	s30 =	stileid.u32;
	[sflag:s26] =	ssyncset.done $0x0  }
0x137: {  	s0 =	sshll.u32 s30, $0x6;
	p0 =	sne.s32 s28, s19;
	[sflag:s26] =	ssyncadd.s32 $0xFFFFE000  }
.Ltmp2:
0x138: {  	s0 =	sor.u32 $0x1C08, s0;
	[bflag:$0x0] =	sbarrier.arrive $0xFFFF;
	(pc) =	sbr.rel @p0 .LBB2_1-.Ltmp2, $4  }
0x139: {  	[hbm:s18], [sflag:s0] =	dma.local [spmem:s31], $0x1400  }
0x13a: {  	_ =	swait.ge [sflag:s21], $0x1400  }
0x13b: {  	[sflag:s21] =	ssyncset.done $0x0  }
0x13c: {  	[sflag:s21] =	ssyncadd.s32 $0xFFFFEC00  }
0x13d: {  	_ =	sfence.sel $0x180000  }
0x13e: {  	[bflag:$0x0] =	sbarrier.arrive $0xFFFF  }
0x13f: {  	_ =	strace $0x9000004D  }
0x140: {  	s0 =	stileid.u32;
	[bflag:$0x2] =	sbarrier.arrive $0xFFFF  }
0x141: {  	p0 =	sne.s32 s0, $0x0;
	s0 =	rddreg [dreg:$0x2]  }
0x142: {  	s0 =	sadd.s32 @!p0 $0x100000, s0  }
0x143: {  	[sflag:s0] =	ssyncadd.tile.s32 @!p0 $0x1;
	_ =	shalt  }
.Lfunc_end2:
_tile_overlayer_lowered:
.L_overlay_start_2:
0x144: {  	(tag) =	ssettag $0x2  }
0x145: {  	s0 =	rddreg [dreg:$0x0];
	s2 =	stileid.u32  }
0x146: {  	s1 =	rddreg [dreg:$0x1];
	p0 =	sne.s32 s2, $0x0  }
0x147: {  	s3 =	rddreg [dreg:$0x2];
	[bflag:$0x3] =	sbarrier.arrive $0xFFFF;
	s2 =	simm.s32 @!p0 $0x1C08  }
0x148: {  	[timem:s3], [sflag:s2] =	dma.local @!p0 [hbm:s0], s1  }
0x149: {  	s0 =	simm.s32 @!p0 $0x8  }
0x14a: {  	_ =	swait.ge @!p0 [sflag:s0], s1  }
0x14b: {  	s1 =	ssub.s32 @!p0 $0x0, s1;
	[sflag:s0] =	ssyncset.done @!p0 $0x0  }
0x14c: {  	[sflag:s0] =	ssyncadd.s32 @!p0 s1  }
0x14d: {  	[bflag:$0x3] =	sbarrier.arrive $0xFFFF  }
0x14e: {  	_ =	shalt  }

// kernel: kernel.8.cloned.1.call-start
scs
__scs_entry_jumppad:
0x0: {  	(pc) =	sbr.rel $0x88, $3  }
0x1: {  	(tag) =	ssettag $0x0;
	lr =	simm.s32 $0x1  }
0x2: {  	[smem:$0x3F99] =	sst lr;
	_ =	strace $0xD0000000  }
0x3: {  	_ = 	snop  }
0x4: {  	_ = 	snop  }
0x5: {  	_ = 	snop  }
0x6: {  	_ = 	snop  }
0x7: {  	_ = 	snop  }
__scs_overlays_trampoline_lowered:
0x8: {  	[smem:$0x3FA8] =	sst s0  }
0x9: {  	[smem:$0x3FA9] =	sst s1  }
0xa: {  	[smem:$0x3FAA] =	sst s2  }
0xb: {  	[smem:$0x3FAB] =	sst s3  }
0xc: {  	[smem:$0x3FAC] =	sst s4  }
0xd: {  	[smem:$0x3FAD] =	sst s5  }
0xe: {  	[smem:$0x3FAE] =	sst s6  }
0xf: {  	[smem:$0x3FAF] =	sst s7  }
0x10: {  	[smem:$0x3FB0] =	sst s8  }
0x11: {  	[smem:$0x3FB1] =	sst s9;
	s0 =	simm.s32 @!p0 $0x0  }
0x12: {  	s1 =	sld [smem:$0x3F97];
	s0 =	simm.s32 @p0 $0x1  }
0x13: {  	[smem:$0x3FB2] =	sst s0;
	s0 =	simm.s32 @!p1 $0x0  }
0x14: {  	s2 =	sld [smem:$0x3F96];
	s0 =	simm.s32 @p1 $0x1  }
0x15: {  	[smem:$0x3FB3] =	sst s0;
	s0 =	simm.s32 @!p2 $0x0  }
0x16: {  	s3 =	sld [smem:$0x3FDB];
	s0 =	simm.s32 @p2 $0x1  }
0x17: {  	s4 =	simm.s32 $0x1BF5;
	[smem:$0x3FB5] =	sst s0  }
0x18: {  	s0 =	sld [smem:$0x3F98];
	_ =	swait.ge [sflag:s4], $0x0  }
0x19: {  	s7 =	sld [smem:$0x3F99]  }
0x1a: {  	s8 =	sadd.s32 $0xFFFFE003, lr  }
0x1b: {  	s9 =	sadd.s32 $0xFFFFFEF7, lr;
	s5 =	simm.s32 $0xFFFFFFFF;
	p2 =	slt.u32 s8, $0xFFFFF086  }
0x1c: {  	p1 =	slt.u32 s9, $0xF7A;
	s5 =	simm.s32 @!p2 $0x0  }
0x1d: {  	s5 =	simm.s32 @p1 $0x1;
	p0 =	seq.s32 s7, s2  }
0x1e: {  	s7 =	smul.u32 @!p0 $0xF7A, s2;
	p2 =	seq.s32 @!p0 s5, $0x0  }
0x1f: {  	s9 =	smul.u32 $0xF7A, s1;
	s8 =	simm.s32 @!p0 $0x1BF5;
	p2 =	por !p2, p0  }
0x20: {  	[sflag:s8] =	ssyncset.s32 @!p0 $0xFFFFF086;
	s6 =	sadd.s32 @!p0 s3, s7;
	s7 =	simm.s32 @!p0 $0x108  }
0x21: {  	s3 =	sadd.s32 s3, s9;
	s6 =	sadd.s32 @!p0 $0x88, s6;
	s7 =	simm.s32 @p2 $0x1082  }
0x22: {  	[simem:s7], [sflag:s8] =	dma.local @!p0 [hbm:s6], $0xF7A  }
0x23: {  	s9 =	sor.u32 $0xD0000000, s2;
	s6 =	simm.s32 $0x108;
	_ =	swait.ge @!p0 [sflag:s8], $0x0  }
0x24: {  	s3 =	sadd.s32 $0x88, s3;
	s6 =	simm.s32 @!p1 $0x1082;
	[sflag:s4] =	ssyncset.s32 $0xFFFFF086  }
0x25: {  	[simem:s6], [sflag:s4] =	dma.local [hbm:s3], $0xF7A  }
0x26: {  	[smem:$0x3F99] =	sst s1;
	(tag) =	ssettag s2;
	_ =	strace s9  }
0x27: {  	s1 =	sld [smem:$0x3FA9]  }
0x28: {  	s2 =	sld [smem:$0x3FAA]  }
0x29: {  	s4 =	sld [smem:$0x3FAC]  }
0x2a: {  	p0 =	seq.s32 s5, $0x0;
	s5 =	sld [smem:$0x3FAD]  }
0x2b: {  	s6 =	sld [smem:$0x3FAE]  }
0x2c: {  	s7 =	sld [smem:$0x3FAF]  }
0x2d: {  	s3 =	simm.s32 $0x108;
	s8 =	sld [smem:$0x3FB0]  }
0x2e: {  	s3 =	simm.s32 @!p0 $0x1082;
	s9 =	sld [smem:$0x3FB1]  }
0x2f: {  	lr =	sadd.s32 s0, s3;
	s0 =	sld [smem:$0x3FA8]  }
0x30: {  	s3 =	sld [smem:$0x3FAB]  }
0x31: {  	[smem:$0x3FB4] =	sst s10  }
0x32: {  	s10 =	sld [smem:$0x3FB2];
	_ =	sdelay $0x3  }
0x33: {  	p0 =	seq.s32 s10, $0x1;
	s10 =	sld [smem:$0x3FB4];
	_ =	sdelay $0x3  }
0x34: {  	[smem:$0x3FB4] =	sst s10  }
0x35: {  	s10 =	sld [smem:$0x3FB3];
	_ =	sdelay $0x3  }
0x36: {  	p1 =	seq.s32 s10, $0x1;
	s10 =	sld [smem:$0x3FB4];
	_ =	sdelay $0x3  }
0x37: {  	[smem:$0x3FB4] =	sst s10  }
0x38: {  	s10 =	sld [smem:$0x3FB5]  }
0x39: {  	_ = 	snop;
	(pc) =	sbr.ind lr, $3  }
0x3a: {  	_ = 	snop  }
0x3b: {  	_ = 	snop  }
0x3c: {  	p2 =	seq.s32 s10, $0x1;
	s10 =	sld [smem:$0x3FB4]  }
0x3d: {  	_ =	shalt  }
0x3e: {  	_ =	shalt  }
0x3f: {  	_ =	shalt  }
0x40: {  	_ =	shalt  }
0x41: {  	_ =	shalt  }
0x42: {  	_ =	shalt  }
0x43: {  	_ =	shalt  }
0x44: {  	_ =	shalt  }
0x45: {  	_ =	shalt  }
0x46: {  	_ =	shalt  }
0x47: {  	_ =	shalt  }
0x48: {  	_ =	shalt  }
0x49: {  	_ =	shalt  }
0x4a: {  	_ =	shalt  }
0x4b: {  	_ =	shalt  }
0x4c: {  	_ =	shalt  }
0x4d: {  	_ =	shalt  }
0x4e: {  	_ =	shalt  }
0x4f: {  	_ =	shalt  }
0x50: {  	_ =	shalt  }
0x51: {  	_ =	shalt  }
0x52: {  	_ =	shalt  }
0x53: {  	_ =	shalt  }
0x54: {  	_ =	shalt  }
0x55: {  	_ =	shalt  }
0x56: {  	_ =	shalt  }
0x57: {  	_ =	shalt  }
0x58: {  	_ =	shalt  }
0x59: {  	_ =	shalt  }
0x5a: {  	_ =	shalt  }
0x5b: {  	_ =	shalt  }
0x5c: {  	_ =	shalt  }
0x5d: {  	_ =	shalt  }
0x5e: {  	_ =	shalt  }
0x5f: {  	_ =	shalt  }
0x60: {  	_ =	shalt  }
0x61: {  	_ =	shalt  }
0x62: {  	_ =	shalt  }
0x63: {  	_ =	shalt  }
0x64: {  	_ =	shalt  }
0x65: {  	_ =	shalt  }
0x66: {  	_ =	shalt  }
0x67: {  	_ =	shalt  }
0x68: {  	_ =	shalt  }
0x69: {  	_ =	shalt  }
0x6a: {  	_ =	shalt  }
0x6b: {  	_ =	shalt  }
0x6c: {  	_ =	shalt  }
0x6d: {  	_ =	shalt  }
0x6e: {  	_ =	shalt  }
0x6f: {  	_ =	shalt  }
0x70: {  	_ =	shalt  }
0x71: {  	_ =	shalt  }
0x72: {  	_ =	shalt  }
0x73: {  	_ =	shalt  }
0x74: {  	_ =	shalt  }
0x75: {  	_ =	shalt  }
0x76: {  	_ =	shalt  }
0x77: {  	_ =	shalt  }
0x78: {  	_ =	shalt  }
0x79: {  	_ =	shalt  }
0x7a: {  	_ =	shalt  }
0x7b: {  	_ =	shalt  }
0x7c: {  	_ =	shalt  }
0x7d: {  	_ =	shalt  }
0x7e: {  	_ =	shalt  }
0x7f: {  	_ =	shalt  }
0x80: {  	_ =	shalt  }
0x81: {  	_ =	shalt  }
0x82: {  	_ =	shalt  }
0x83: {  	_ =	shalt  }
0x84: {  	_ =	shalt  }
0x85: {  	_ =	shalt  }
0x86: {  	_ =	shalt  }
0x87: {  	_ =	shalt  }
.Lfunc_end0:
.L_simem_size_0:
called_computation_lowered:
.L_overlay_start_0:
0x88: {  	s2 =	sld [smem:$0x3FD9]  }
0x89: {  	s3 =	sld [smem:$0x3FFE];
	_ =	sdelay $0x1  }
0x8a: {  	s1 =	srdreg.scid  }
0x8b: {  	s0 =	sand.u32 $0x1, s1  }
0x8c: {  	s16 =	sshll.u32 s0, $0xA;
	s2 =	sadd.s32 s3, s2  }
0x8d: {  	s2 =	sadd.s32 s2, s16  }
0x8e: {  	[smem:$0x3FC0] =	sst s2  }
0x8f: {  	_ = 	snop  }
0x90: {  	(tm) =	ssettm $0x1  }
0x91: {  	s17 =	sld [smem:$0x3FFB];
	_ =	sdelay $0x3  }
0x92: {  	_ =	strace s17  }
0x93: {  	s2 =	sld [smem:$0x3FFC];
	_ =	sdelay $0x3  }
0x94: {  	_ =	strace s2  }
0x95: {  	s2 =	sld [smem:$0x3FFD];
	_ =	sdelay $0x3  }
0x96: {  	_ =	strace s2  }
0x97: {  	_ =	strace $0x8FFFFFFF  }
0x98: {  	s18 =	sld [smem:$0x3FDB];
	_ =	sdelay $0x1  }
0x99: {  	s19 =	simm.s32 $_scs_section_size  }
0x9a: {  	s4 =	simm.s32 $_size__tile_overlayer_lowered;
	s5 =	simm.s32 $_tile_overlayer_lowered  }
0x9b: {  	s22 =	simm.s32 $0x1BFF;
	s21 =	sshll.u32 s5, $0x1;
	s2 =	sadd.s32 s19, s18  }
0x9c: {  	s6 =	simm.s32 $0x0;
	s20 =	sshll.u32 s4, $0x1;
	s4 =	sadd.s32 s21, s2  }
0x9d: {  	[timem:s6], [sflag:s22] =	dma.local [hbm:s4], s20  }
0x9e: {  	_ =	swait.ge [sflag:s22], s20  }
0x9f: {  	s3 =	ssub.s32 $0x0, s20;
	[sflag:s22] =	ssyncset.done $0x0  }
0xa0: {  	[sflag:s22] =	ssyncadd.s32 s3;
	_ =	sdelay $0x1  }
0xa1: {  	s23 =	simm.s32 $0x1B8B  }
0xa2: {  	_ =	swait.ge [sflag:s23], $0x1  }
0xa3: {  	[sflag:s23] =	ssyncset.done $0x0  }
0xa4: {  	s25 =	simm.s32 $0x1B8E;
	s24 =	sld [smem:$0x3FFE];
	[sflag:s23] =	ssyncadd.s32 $0xFFFFFFFF  }
0xa5: {  	s26 =	simm.s32 $execute0_lowered;
	[smem:$0x3FD2] =	sst s25  }
0xa6: {  	s4 =	sshll.u32 s26, $0x1;
	_ =	strace $0x80000046;
	[dreg:$0x1] =	wrdreg $0xFFFFFFFF  }
0xa7: {  	s28 =	simm.s32 $_size_execute0_lowered;
	s2 =	sadd.s32 s2, s4;
	[dreg:$0x0] =	wrdreg $0x0  }
0xa8: {  	s4 =	sshll.u32 s28, $0x1;
	[dreg:$0x2] =	wrdreg s2  }
0xa9: {  	[dreg:$0x3] =	wrdreg s4  }
0xaa: {  	[dreg:$0x4] =	wrdreg $0xC0  }
0xab: {  	_ =	task [dreg:s6], $0x5FFFF  }
0xac: {  	[dreg:$0x1] =	wrdreg $0xFFFFFFFF  }
0xad: {  	[dreg:$0x0] =	wrdreg $0x60  }
0xae: {  	[dreg:$0x2] =	wrdreg s24  }
0xaf: {  	[dreg:$0x3] =	wrdreg $0xA5000  }
0xb0: {  	[dreg:$0x4] =	wrdreg $0x9  }
0xb1: {  	_ =	task.clear_ibuf [dreg:s6], $0x5FFFF;
	_ =	strace $0x90000046  }
0xb2: {  	s29 =	simm.s32 $0x9;
	_ =	strace $0x80000048  }
0xb3: {  	_ =	swait.ge [sflag:s29], $0x1  }
0xb4: {  	[sflag:s29] =	ssyncadd.s32 $0xFFFFFFFF  }
0xb5: {  	_ =	strace $0x90000048  }
0xb6: {  	_ =	sfence  }
0xb7: {  	s30 =	sld [smem:$0x0];
	_ =	sdelay $0x2  }
0xb8: {  	s31 =	sshll.u32 s1, $0xD;
	s1 =	sshrl.u32 s1, $0x2  }
0xb9: {  	s3 =	sand.u32 $0x4000, s31;
	s1 =	sadd.s32 s1, s30  }
0xba: {  	s0 =	sor.u32 s3, s0;
	s1 =	sshll.u32 s1, $0x11  }
0xbb: {  	s0 =	sor.u32 s1, s0  }
0xbc: {  	s0 =	sadd.s32 $0x8F2B, s0  }
0xbd: {  	[sflag:s0] =	ssyncadd.remote.s32 $0x1  }
0xbe: {  	_ =	sfence.sel $0xFFFF  }
0xbf: {  	[dreg:$0x0] =	wrdreg $0xFFFFFFFF;
	(pc) =	sbr.abs _section_cstart, $3  }
0xc0: {  	[dreg:$0x1] =	wrdreg $0xFFFFFFFF  }
0xc1: {  	_ =	task.clear_ibuf [dreg:s6], $0x2FFFF;
	_ =	strace $0x9FFFFFFF  }
0xc2: {  	(tm) =	ssettm $0x7FFFFFFF  }
0xc3: {  	_ =	shalt  }
tec
execute0_lowered:
.L_overlay_start_1:
0x0: {  	(tag) =	ssettag $0x1  }
0x1: {  	s4 =	rddreg [dreg:$0x0]  }
0x2: {  	s2 =	rddreg [dreg:$0x1];
	s1 =	stileid.u32  }
0x3: {  	s0 =	rddreg [dreg:$0x2];
	s3 =	simm.s32 $0x0;
	s7 =	srdreg.scid  }
0x4: {  	s12 =	simm.s32 $0x4E80;
	s13 =	simm.s32 $0x4E200;
	s14 =	simm.s32 $0x80  }
0x5: {  	s15 =	simm.s32 $0x9D00;
	s16 =	simm.s32 $0x1;
	s17 =	simm.s32 $0xA000  }
0x6: {  	s5 =	smul.u32 $0x9C, s1;
	[smem:$0x7FF] =	sst s3;
	s6 =	smin.u32 s1, $0x4  }
0x7: {  	s28 =	smul.u32 $0x280, s1;
	s18 =	sand.u32 $0x1, s7;
	p0 =	slt.u32 s1, $0x4  }
0x8: {  	_ =	strace $0x80000047;
	s8 =	ssub.s32 $0x2, s18;
	s5 =	sadd.s32 s6, s5  }
0x9: {  	s10 =	sshrl.u32 s28, $0x3;
	s11 =	sshrl.u32 s8, $0x1;
	s29 =	smin.u32 s5, $0x927  }
0xa: {  	s10 =	sadd.s32 s10, s4;
	s8 =	ssub.s32 s8, s11;
	s11 =	simm.s32 $0x2  }
0xb: {  	s9 =	sshll.u32 s29, $0x4;
	s7 =	ssub.s32 s5, s29;
	s5 =	sadd.s32 s28, s2  }
0xc: {  	s8 =	smax.u32 s8, $0x1;
	s9 =	sadd.s32 s9, s4;
	s4 =	simm.s32 $0x9D  }
0xd: {  	s30 =	sshll.u32 s7, $0x9;
	s7 =	sadd.s32 $0x15C00, s10;
	s10 =	simm.s32 $0x9D80  }
0xe: {  	s4 =	simm.s32 @!p0 $0x9C;
	s6 =	sadd.s32 $0x2200, s9;
	s31 =	sshra.s32 s30, $0x2  }
0xf: {  	v0 =	vimm.f32 $1.000000000e+00;
	v1 =	vimm.f32 $0.0e+00;
	p0 =	sne.s32 s18, $0x0;
	s18 =	simm.s32 $0x0;
	s9 =	sadd.s32 $0x4E80, s31  }
.LBB2_1:
0x10: {  	[tilespmem:$0x9D00] =	vst v0  }
0x11: {  	[tilespmem:$0x9D10] =	vst v0  }
0x12: {  	[tilespmem:$0x9D20] =	vst v0  }
0x13: {  	[tilespmem:$0x9D30] =	vst v0  }
0x14: {  	[tilespmem:$0x9D40] =	vst v0  }
0x15: {  	[tilespmem:$0x9D50] =	vst v0  }
0x16: {  	[tilespmem:$0x9D60] =	vst v0  }
0x17: {  	[tilespmem:$0x9D70] =	vst v0  }
0x18: {  	[tilespmem:$0x9D80] =	vst v1  }
0x19: {  	[tilespmem:$0x9D90] =	vst v1  }
0x1a: {  	[tilespmem:$0x9DA0] =	vst v1  }
0x1b: {  	[tilespmem:$0x9DB0] =	vst v1  }
0x1c: {  	[tilespmem:$0x9DC0] =	vst v1  }
0x1d: {  	[tilespmem:$0x9DD0] =	vst v1  }
0x1e: {  	[tilespmem:$0x9DE0] =	vst v1  }
0x1f: {  	[tilespmem:$0x9DF0] =	vst v1  }
0x20: {  	[tilespmem:$0x9E00] =	vst v1  }
0x21: {  	[tilespmem:$0x9E10] =	vst v1  }
0x22: {  	[tilespmem:$0x9E20] =	vst v1  }
0x23: {  	[tilespmem:$0x9E30] =	vst v1  }
0x24: {  	[tilespmem:$0x9E40] =	vst v1  }
0x25: {  	[tilespmem:$0x9E50] =	vst v1  }
0x26: {  	[tilespmem:$0x9E60] =	vst v1  }
0x27: {  	[tilespmem:$0x9E70] =	vst v1  }
0x28: {  	[tilespmem:$0x9E80] =	vst v1  }
0x29: {  	[tilespmem:$0x9E90] =	vst v1  }
0x2a: {  	[tilespmem:$0x9EA0] =	vst v1  }
0x2b: {  	[tilespmem:$0x9EB0] =	vst v1  }
0x2c: {  	[tilespmem:$0x9EC0] =	vst v1  }
0x2d: {  	[tilespmem:$0x9ED0] =	vst v1  }
0x2e: {  	[tilespmem:$0x9EE0] =	vst v1  }
0x2f: {  	[tilespmem:$0x9EF0] =	vst v1  }
0x30: {  	[tilespmem:$0x9F00] =	vst v1  }
0x31: {  	[tilespmem:$0x9F10] =	vst v1  }
0x32: {  	[tilespmem:$0x9F20] =	vst v1  }
0x33: {  	[tilespmem:$0x9F30] =	vst v1  }
0x34: {  	[tilespmem:$0x9F40] =	vst v1  }
0x35: {  	[tilespmem:$0x9F50] =	vst v1  }
0x36: {  	[tilespmem:$0x9F60] =	vst v1  }
0x37: {  	[tilespmem:$0x9F70] =	vst v1  }
0x38: {  	[tilespmem:$0x9F80] =	vst v1  }
0x39: {  	[tilespmem:$0x9F90] =	vst v1  }
0x3a: {  	[tilespmem:$0x9FA0] =	vst v1  }
0x3b: {  	[tilespmem:$0x9FB0] =	vst v1  }
0x3c: {  	[tilespmem:$0x9FC0] =	vst v1  }
0x3d: {  	[tilespmem:$0x9FD0] =	vst v1  }
0x3e: {  	[tilespmem:$0x9FE0] =	vst v1  }
0x3f: {  	[tilespmem:$0x9FF0] =	vst v1  }
0x40: {  	[spmem:s5] =	stream.linear.scatter [tilespmem:s10], [sflag:$0x2], $0x280, $0x38;
	[tilespmem:$0xA780] =	vst v63  }
0x41: {  	_ =	swait.ge [sflag:s11], $0x280  }
0x42: {  	[sflag:s11] =	ssyncset.done $0x0  }
0x43: {  	p1 =	sne.s32 s4, $0x1;
	[sflag:s11] =	ssyncadd.s32 $0xFFFFFD80  }
0x44: {  	[tilespmem:s3], [sflag:$0x2] =	stream.strided.gather [hbm4b:s6+s12], $0x9D00, s13, s12, $0x38;
	[tilespmem:$0xA780] =	vst v63  }
.Ltmp0:
0x45: {  	_ =	swait.ge [sflag:s11], $0x9D00;
	(pc) =	sbr.rel @!p1 .LBB2_3-.Ltmp0, $4  }
0x46: {  	[sflag:s11] =	ssyncset.done $0x0  }
0x47: {  	[sflag:s11] =	ssyncadd.s32 $0xFFFF6300  }
0x48: {  	s19 =	sadd.s32 $0xFFFFFFFF, s4;
	s20 =	smov.u32 s9;
	[bflag:$0x0] =	sbarrier.arrive $0xFFFF  }
0x49: {  	[spmem:s2] =	stream.indirect.scatter.add.f32 [tilespmem:s15], [sflag:$0x1], $0x1, s9, s14, $0xb8;
	[tilespmem:$0xA780] =	vst v63  }
.LBB2_2:
0x4a: {  	p2 =	sne.s32 s19, $0x1  }
.Ltmp1:
0x4b: {  	_ = 	snop;
	(pc) =	sbr.rel @p2 .LBB2_2-.Ltmp1, $3  }
0x4c: {  	_ = 	snop  }
0x4d: {  	s19 =	sadd.s32 $0xFFFFFFFF, s19;
	s20 =	sadd.s32 $0x80, s20;
	_ =	sdelay $0x1  }
0x4e: {  	[spmem:s2] =	stream.indirect.scatter.add.f32 [tilespmem:s15], [sflag:$0x1], $0x1, s20, s14, $0xb8;
	[tilespmem:$0xA780] =	vst v63  }
.LBB2_3:
.Ltmp2:
0x4f: {  	(pc) =	sbr.rel @!p1 .LBB2_5-.Ltmp2, $3  }
0x50: {  	_ =	sdelay $0x1  }
0x51: {  	_ =	swait.ge [sflag:s16], $0x80  }
0x52: {  	s19 =	sadd.s32 $0xFFFFFFFF, s4;
	[sflag:s16] =	ssyncset.done $0x0  }
.LBB2_4:
0x53: {  	p1 =	sne.s32 s19, $0x1;
	s19 =	sadd.s32 $0xFFFFFFFF, s19;
	[sflag:s16] =	ssyncadd.s32 $0xFFFFFF80  }
.Ltmp3:
0x54: {  	(pc) =	sbr.rel @p1 .LBB2_4-.Ltmp3, $3  }
0x55: {  	_ =	sdelay $0x1  }
0x56: {  	_ =	swait.ge [sflag:s16], $0x80  }
0x57: {  	[sflag:s16] =	ssyncset.done $0x0  }
.LBB2_5:
0x58: {  	[sflag:s16] =	ssyncadd.s32 $0xFFFFFF80  }
0x59: {  	[bflag:$0x0] =	sbarrier.arrive $0xFFFF  }
0x5a: {  	[tilespmem:s17], [sflag:$0x2] =	stream.linear.gather [spmem:s5], $0x280, $0x38;
	[tilespmem:$0xA780] =	vst v63  }
0x5b: {  	_ =	swait.ge [sflag:s11], $0x280  }
0x5c: {  	[sflag:s11] =	ssyncset.done $0x0  }
0x5d: {  	s19 =	simm.s32 $0x0;
	[sflag:s11] =	ssyncadd.s32 $0xFFFFFD80  }
0x5e: {  	v2 =	vld [tilespmem:s19+$0xA000];
	_ =	sdelay $0x4  }
0x5f: {  	v12 =	vadd.f32 $1.000000000e+00, v2;
	_ =	sdelay $0x1  }
0x60: {  	v2 =	vadd.f32 $1.000000000e+00, v12;
	_ =	sdelay $0x1  }
0x61: {  	v2 =	vmul.f32 $5.000000000e-01, v2;
	_ =	sdelay $0x1  }
0x62: {  	(erf) = vrcp.f32 v2;
	_ =	sdelay $0x8  }
0x63: {  	v3 =	vpop (erf)  }
0x64: {  	v3 =	vmul.f32 v3, v12;
	_ =	sdelay $0x1  }
0x65: {  	v2 =	vadd.f32 v3, v2;
	_ =	sdelay $0x1  }
0x66: {  	v2 =	vmul.f32 $5.000000000e-01, v2;
	_ =	sdelay $0x1  }
0x67: {  	(erf) = vrcp.f32 v2;
	_ =	sdelay $0x2  }
0x68: {  	s20 =	simm.s32 $0x10  }
0x69: {  	v3 =	vld [tilespmem:s20+$0xA000];
	_ =	sdelay $0x4  }
0x6a: {  	v10 =	vadd.f32 $1.000000000e+00, v3;
	v4 =	vpop (erf)  }
0x6b: {  	v3 =	vmul.f32 v4, v12  }
0x6c: {  	v4 =	vadd.f32 $1.000000000e+00, v10  }
0x6d: {  	v2 =	vadd.f32 v3, v2  }
0x6e: {  	v3 =	vmul.f32 $5.000000000e-01, v4  }
0x6f: {  	v2 =	vmul.f32 $5.000000000e-01, v2  }
0x70: {  	(erf) = vrcp.f32 v3  }
0x71: {  	(erf) = vrcp.f32 v2;
	_ =	sdelay $0x7  }
0x72: {  	v4 =	vpop (erf)  }
0x73: {  	v4 =	vmul.f32 v4, v10;
	v5 =	vpop (erf)  }
0x74: {  	v5 =	vmul.f32 v5, v12  }
0x75: {  	v3 =	vadd.f32 v4, v3  }
0x76: {  	v2 =	vadd.f32 v5, v2  }
0x77: {  	v3 =	vmul.f32 $5.000000000e-01, v3  }
0x78: {  	v2 =	vmul.f32 $5.000000000e-01, v2  }
0x79: {  	(erf) = vrcp.f32 v3  }
0x7a: {  	(erf) = vrcp.f32 v2  }
0x7b: {  	s21 =	simm.s32 $0x20  }
0x7c: {  	v4 =	vld [tilespmem:s21+$0xA000];
	_ =	sdelay $0x4  }
0x7d: {  	v8 =	vadd.f32 $1.000000000e+00, v4  }
0x7e: {  	v5 =	vpop (erf)  }
0x7f: {  	v6 =	vadd.f32 $1.000000000e+00, v8;
	v4 =	vmul.f32 v5, v10;
	v5 =	vpop (erf)  }
0x80: {  	v5 =	vmul.f32 v5, v12  }
0x81: {  	v3 =	vadd.f32 v4, v3;
	v4 =	vmul.f32 $5.000000000e-01, v6  }
0x82: {  	v2 =	vadd.f32 v5, v2  }
0x83: {  	v3 =	vmul.f32 $5.000000000e-01, v3;
	(erf) = vrcp.f32 v4  }
0x84: {  	v2 =	vmul.f32 $5.000000000e-01, v2  }
0x85: {  	(erf) = vrcp.f32 v3  }
0x86: {  	(erf) = vrcp.f32 v2;
	_ =	sdelay $0x5  }
0x87: {  	v5 =	vpop (erf)  }
0x88: {  	v5 =	vmul.f32 v5, v8  }
0x89: {  	v6 =	vpop (erf)  }
0x8a: {  	v6 =	vmul.f32 v6, v10;
	v4 =	vadd.f32 v5, v4;
	v7 =	vpop (erf)  }
0x8b: {  	v5 =	vmul.f32 v7, v12  }
0x8c: {  	v3 =	vadd.f32 v6, v3;
	v4 =	vmul.f32 $5.000000000e-01, v4  }
0x8d: {  	v2 =	vadd.f32 v5, v2  }
0x8e: {  	v3 =	vmul.f32 $5.000000000e-01, v3;
	(erf) = vrcp.f32 v4  }
0x8f: {  	v2 =	vmul.f32 $5.000000000e-01, v2  }
0x90: {  	(erf) = vrcp.f32 v3  }
0x91: {  	s22 =	simm.s32 $0x30;
	(erf) = vrcp.f32 v2  }
0x92: {  	v5 =	vld [tilespmem:s22+$0xA000];
	_ =	sdelay $0x4  }
0x93: {  	v6 =	vadd.f32 $1.000000000e+00, v5;
	v7 =	vpop (erf)  }
0x94: {  	v7 =	vmul.f32 v7, v8  }
0x95: {  	v11 =	vadd.f32 $1.000000000e+00, v6;
	v5 =	vpop (erf)  }
0x96: {  	v4 =	vadd.f32 v7, v4;
	v9 =	vpop (erf)  }
0x97: {  	v7 =	vmul.f32 $5.000000000e-01, v11;
	v9 =	vmul.f32 v9, v12  }
0x98: {  	v4 =	vmul.f32 $5.000000000e-01, v4  }
0x99: {  	v5 =	vmul.f32 v5, v10;
	(erf) = vrcp.f32 v7;
	v2 =	vadd.f32 v9, v2  }
0x9a: {  	(erf) = vrcp.f32 v4  }
0x9b: {  	v3 =	vadd.f32 v5, v3;
	v2 =	vmul.f32 $5.000000000e-01, v2;
	_ =	sdelay $0x1  }
0x9c: {  	v3 =	vmul.f32 $5.000000000e-01, v3;
	(erf) = vrcp.f32 v2;
	_ =	sdelay $0x1  }
0x9d: {  	(erf) = vrcp.f32 v3;
	_ =	sdelay $0x2  }
0x9e: {  	v5 =	vpop (erf)  }
0x9f: {  	v9 =	vpop (erf)  }
0xa0: {  	v5 =	vmul.f32 v5, v6;
	v9 =	vmul.f32 v9, v8;
	_ =	sdelay $0x1  }
0xa1: {  	v5 =	vadd.f32 v5, v7;
	v11 =	vpop (erf)  }
0xa2: {  	v7 =	vmul.f32 v11, v12  }
0xa3: {  	v4 =	vadd.f32 v9, v4;
	v5 =	vmul.f32 $5.000000000e-01, v5;
	v9 =	vpop (erf)  }
0xa4: {  	v9 =	vmul.f32 v9, v10;
	v2 =	vadd.f32 v7, v2  }
0xa5: {  	(erf) = vrcp.f32 v5;
	v7 =	vmul.f32 $5.000000000e-01, v4  }
0xa6: {  	v3 =	vadd.f32 v9, v3;
	v2 =	vmul.f32 $5.000000000e-01, v2  }
0xa7: {  	(erf) = vrcp.f32 v7  }
0xa8: {  	v3 =	vmul.f32 $5.000000000e-01, v3;
	(erf) = vrcp.f32 v2  }
0xa9: {  	s23 =	simm.s32 $0x40  }
0xaa: {  	v4 =	vld [tilespmem:s23+$0xA000];
	(erf) = vrcp.f32 v3;
	_ =	sdelay $0x3  }
0xab: {  	v9 =	vpop (erf)  }
0xac: {  	v4 =	vadd.f32 $1.000000000e+00, v4;
	v9 =	vmul.f32 v9, v6  }
0xad: {  	v11 =	vpop (erf)  }
0xae: {  	v13 =	vadd.f32 $1.000000000e+00, v4;
	v14 =	vpop (erf)  }
0xaf: {  	v14 =	vmul.f32 v14, v12  }
0xb0: {  	v13 =	vmul.f32 $5.000000000e-01, v13;
	v5 =	vadd.f32 v9, v5;
	v9 =	vpop (erf)  }
0xb1: {  	v9 =	vmul.f32 v9, v10;
	v2 =	vadd.f32 v14, v2  }
0xb2: {  	(erf) = vrcp.f32 v13;
	v5 =	vmul.f32 $5.000000000e-01, v5  }
0xb3: {  	v3 =	vadd.f32 v9, v3;
	v2 =	vmul.f32 $5.000000000e-01, v2  }
0xb4: {  	v11 =	vmul.f32 v11, v8;
	(erf) = vrcp.f32 v5  }
0xb5: {  	v3 =	vmul.f32 $5.000000000e-01, v3;
	(erf) = vrcp.f32 v2  }
0xb6: {  	v7 =	vadd.f32 v11, v7  }
0xb7: {  	(erf) = vrcp.f32 v3  }
0xb8: {  	v7 =	vmul.f32 $5.000000000e-01, v7;
	_ =	sdelay $0x1  }
0xb9: {  	(erf) = vrcp.f32 v7  }
0xba: {  	v9 =	vpop (erf)  }
0xbb: {  	v9 =	vmul.f32 v9, v4  }
0xbc: {  	v11 =	vpop (erf)  }
0xbd: {  	v9 =	vadd.f32 v9, v13;
	v11 =	vmul.f32 v11, v6;
	v13 =	vpop (erf)  }
0xbe: {  	v13 =	vmul.f32 v13, v12  }
0xbf: {  	v5 =	vadd.f32 v11, v5;
	v14 =	vpop (erf)  }
0xc0: {  	v9 =	vmul.f32 $5.000000000e-01, v9;
	v11 =	vmul.f32 v14, v10;
	v2 =	vadd.f32 v13, v2  }
0xc1: {  	v5 =	vmul.f32 $5.000000000e-01, v5  }
0xc2: {  	(erf) = vrcp.f32 v9;
	v3 =	vadd.f32 v11, v3;
	v13 =	vpop (erf);
	v11 =	vmul.f32 $5.000000000e-01, v2  }
0xc3: {  	(erf) = vrcp.f32 v5;
	v13 =	vmul.f32 v13, v8  }
0xc4: {  	(erf) = vrcp.f32 v11  }
0xc5: {  	s24 =	simm.s32 $0x50;
	v3 =	vmul.f32 $5.000000000e-01, v3;
	v2 =	vadd.f32 v13, v7  }
0xc6: {  	v7 =	vld [tilespmem:s24+$0xA000]  }
0xc7: {  	(erf) = vrcp.f32 v3;
	v13 =	vmul.f32 $5.000000000e-01, v2;
	_ =	sdelay $0x1  }
0xc8: {  	(erf) = vrcp.f32 v13;
	_ =	sdelay $0x1  }
0xc9: {  	v14 =	vpop (erf);
	v2 =	vadd.f32 $1.000000000e+00, v7  }
0xca: {  	v14 =	vmul.f32 v14, v4;
	v7 =	vpop (erf)  }
0xcb: {  	v15 =	vadd.f32 $1.000000000e+00, v2;
	v16 =	vpop (erf)  }
0xcc: {  	v9 =	vadd.f32 v14, v9;
	v16 =	vmul.f32 v16, v12  }
0xcd: {  	v15 =	vmul.f32 $5.000000000e-01, v15  }
0xce: {  	v9 =	vmul.f32 $5.000000000e-01, v9;
	v14 =	vpop (erf);
	v11 =	vadd.f32 v16, v11  }
0xcf: {  	v14 =	vmul.f32 v14, v10;
	(erf) = vrcp.f32 v15  }
0xd0: {  	v16 =	vpop (erf);
	v11 =	vmul.f32 $5.000000000e-01, v11  }
0xd1: {  	v3 =	vadd.f32 v14, v3;
	(erf) = vrcp.f32 v9;
	v16 =	vmul.f32 v16, v8  }
0xd2: {  	v7 =	vmul.f32 v7, v6;
	(erf) = vrcp.f32 v11  }
0xd3: {  	v3 =	vmul.f32 $5.000000000e-01, v3;
	v13 =	vadd.f32 v16, v13  }
0xd4: {  	v5 =	vadd.f32 v7, v5  }
0xd5: {  	(erf) = vrcp.f32 v3;
	v7 =	vmul.f32 $5.000000000e-01, v13  }
0xd6: {  	v5 =	vmul.f32 $5.000000000e-01, v5  }
0xd7: {  	(erf) = vrcp.f32 v7  }
0xd8: {  	v13 =	vpop (erf);
	(erf) = vrcp.f32 v5  }
0xd9: {  	v13 =	vmul.f32 v13, v2  }
0xda: {  	v14 =	vpop (erf)  }
0xdb: {  	v13 =	vadd.f32 v13, v15;
	v15 =	vpop (erf)  }
0xdc: {  	v14 =	vmul.f32 v14, v4;
	v15 =	vmul.f32 v15, v12;
	_ =	sdelay $0x1  }
0xdd: {  	v9 =	vadd.f32 v14, v9;
	v16 =	vpop (erf)  }
0xde: {  	v16 =	vmul.f32 v16, v10;
	v11 =	vadd.f32 v15, v11  }
0xdf: {  	v13 =	vmul.f32 $5.000000000e-01, v13;
	v9 =	vmul.f32 $5.000000000e-01, v9;
	v15 =	vpop (erf)  }
0xe0: {  	v3 =	vadd.f32 v16, v3;
	v11 =	vmul.f32 $5.000000000e-01, v11;
	v14 =	vmul.f32 v15, v8;
	v15 =	vpop (erf)  }
0xe1: {  	(erf) = vrcp.f32 v13;
	v15 =	vmul.f32 v15, v6  }
0xe2: {  	(erf) = vrcp.f32 v11;
	v7 =	vadd.f32 v14, v7;
	v14 =	vmul.f32 $5.000000000e-01, v3  }
0xe3: {  	(erf) = vrcp.f32 v9;
	v3 =	vadd.f32 v15, v5  }
0xe4: {  	s25 =	simm.s32 $0x60;
	v7 =	vmul.f32 $5.000000000e-01, v7;
	(erf) = vrcp.f32 v14  }
0xe5: {  	v5 =	vld [tilespmem:s25+$0xA000];
	v15 =	vmul.f32 $5.000000000e-01, v3  }
0xe6: {  	(erf) = vrcp.f32 v7  }
0xe7: {  	(erf) = vrcp.f32 v15;
	_ =	sdelay $0x2  }
0xe8: {  	v3 =	vadd.f32 $1.000000000e+00, v5;
	v5 =	vpop (erf)  }
0xe9: {  	v5 =	vmul.f32 v5, v2;
	v17 =	vpop (erf)  }
0xea: {  	v18 =	vpop (erf);
	v17 =	vmul.f32 v17, v12  }
0xeb: {  	v16 =	vadd.f32 $1.000000000e+00, v3;
	v5 =	vadd.f32 v5, v13;
	v19 =	vpop (erf)  }
0xec: {  	v11 =	vadd.f32 v17, v11;
	v19 =	vmul.f32 v19, v10  }
0xed: {  	v16 =	vmul.f32 $5.000000000e-01, v16;
	v5 =	vmul.f32 $5.000000000e-01, v5;
	v13 =	vpop (erf)  }
0xee: {  	v11 =	vmul.f32 $5.000000000e-01, v11;
	v17 =	vpop (erf);
	v13 =	vmul.f32 v13, v8;
	v14 =	vadd.f32 v19, v14  }
0xef: {  	(erf) = vrcp.f32 v16;
	v17 =	vmul.f32 v17, v6  }
0xf0: {  	(erf) = vrcp.f32 v11;
	v7 =	vadd.f32 v13, v7;
	v13 =	vmul.f32 $5.000000000e-01, v14  }
0xf1: {  	v14 =	vmul.f32 v18, v4;
	(erf) = vrcp.f32 v5;
	v15 =	vadd.f32 v17, v15  }
0xf2: {  	v7 =	vmul.f32 $5.000000000e-01, v7;
	(erf) = vrcp.f32 v13  }
0xf3: {  	v9 =	vadd.f32 v14, v9;
	v14 =	vmul.f32 $5.000000000e-01, v15  }
0xf4: {  	(erf) = vrcp.f32 v7  }
0xf5: {  	v9 =	vmul.f32 $5.000000000e-01, v9;
	(erf) = vrcp.f32 v14;
	_ =	sdelay $0x1  }
0xf6: {  	(erf) = vrcp.f32 v9  }
0xf7: {  	v15 =	vpop (erf)  }
0xf8: {  	v15 =	vmul.f32 v15, v3;
	v17 =	vpop (erf)  }
0xf9: {  	v18 =	vpop (erf);
	v17 =	vmul.f32 v17, v12  }
0xfa: {  	v15 =	vadd.f32 v15, v16;
	v16 =	vpop (erf)  }
0xfb: {  	v11 =	vadd.f32 v17, v11;
	v17 =	vmul.f32 v18, v2;
	v16 =	vmul.f32 v16, v10  }
0xfc: {  	v15 =	vmul.f32 $5.000000000e-01, v15;
	v18 =	vpop (erf)  }
0xfd: {  	v11 =	vmul.f32 $5.000000000e-01, v11;
	v19 =	vpop (erf);
	v18 =	vmul.f32 v18, v8;
	v13 =	vadd.f32 v16, v13  }
0xfe: {  	(erf) = vrcp.f32 v15;
	v5 =	vadd.f32 v17, v5;
	v16 =	vmul.f32 v19, v6  }
0xff: {  	s26 =	simm.s32 $0x70;
	v17 =	vpop (erf);
	(erf) = vrcp.f32 v11;
	v7 =	vadd.f32 v18, v7;
	v13 =	vmul.f32 $5.000000000e-01, v13  }
0x100: {  	v18 =	vmul.f32 $5.000000000e-01, v5;
	v5 =	vmul.f32 v17, v4;
	v14 =	vadd.f32 v16, v14;
	v16 =	vld [tilespmem:s26+$0xA000]  }
0x101: {  	v7 =	vmul.f32 $5.000000000e-01, v7;
	(erf) = vrcp.f32 v13  }
0x102: {  	v5 =	vadd.f32 v5, v9;
	(erf) = vrcp.f32 v18  }
0x103: {  	v9 =	vmul.f32 $5.000000000e-01, v14;
	(erf) = vrcp.f32 v7  }
0x104: {  	v14 =	vmul.f32 $5.000000000e-01, v5  }
0x105: {  	(erf) = vrcp.f32 v9;
	v5 =	vadd.f32 $1.000000000e+00, v16  }
0x106: {  	(erf) = vrcp.f32 v14  }
0x107: {  	v16 =	vpop (erf);
	v17 =	vadd.f32 $1.000000000e+00, v5  }
0x108: {  	v16 =	vmul.f32 v16, v3  }
0x109: {  	v19 =	vpop (erf);
	v17 =	vmul.f32 $5.000000000e-01, v17  }
0x10a: {  	v19 =	vmul.f32 v19, v12;
	v20 =	vpop (erf)  }
0x10b: {  	v21 =	vpop (erf);
	v20 =	vmul.f32 v20, v10;
	(erf) = vrcp.f32 v17  }
0x10c: {  	v15 =	vadd.f32 v16, v15;
	v11 =	vadd.f32 v19, v11;
	v16 =	vpop (erf)  }
0x10d: {  	v16 =	vmul.f32 v16, v8;
	v13 =	vadd.f32 v20, v13  }
0x10e: {  	v15 =	vmul.f32 $5.000000000e-01, v15;
	v11 =	vmul.f32 $5.000000000e-01, v11;
	v19 =	vpop (erf)  }
0x10f: {  	v19 =	vmul.f32 v19, v6;
	v20 =	vpop (erf);
	v7 =	vadd.f32 v16, v7;
	v13 =	vmul.f32 $5.000000000e-01, v13  }
0x110: {  	(erf) = vrcp.f32 v11;
	v16 =	vmul.f32 v20, v4  }
0x111: {  	v9 =	vadd.f32 v19, v9;
	v7 =	vmul.f32 $5.000000000e-01, v7;
	(erf) = vrcp.f32 v13  }
0x112: {  	v19 =	vmul.f32 v21, v2;
	(erf) = vrcp.f32 v15;
	v14 =	vadd.f32 v16, v14  }
0x113: {  	v9 =	vmul.f32 $5.000000000e-01, v9;
	(erf) = vrcp.f32 v7  }
0x114: {  	v16 =	vadd.f32 v19, v18;
	v14 =	vmul.f32 $5.000000000e-01, v14;
	v18 =	vpop (erf)  }
0x115: {  	(erf) = vrcp.f32 v9;
	v18 =	vmul.f32 v18, v5  }
0x116: {  	(erf) = vrcp.f32 v14  }
0x117: {  	v16 =	vmul.f32 $5.000000000e-01, v16;
	_ =	sdelay $0x1  }
0x118: {  	(erf) = vrcp.f32 v16;
	v17 =	vadd.f32 v18, v17;
	v18 =	vpop (erf)  }
0x119: {  	v19 =	vpop (erf)  }
0x11a: {  	v18 =	vmul.f32 v18, v12;
	v20 =	vpop (erf)  }
0x11b: {  	v17 =	vmul.f32 $5.000000000e-01, v17;
	v19 =	vmul.f32 v19, v10;
	v21 =	vpop (erf)  }
0x11c: {  	v11 =	vadd.f32 v18, v11;
	v18 =	vmul.f32 v21, v8  }
0x11d: {  	(erf) = vrcp.f32 v17;
	v13 =	vadd.f32 v19, v13;
	v19 =	vmul.f32 v20, v3;
	v20 =	vpop (erf)  }
0x11e: {  	v11 =	vmul.f32 $5.000000000e-01, v11;
	v20 =	vmul.f32 v20, v6;
	v21 =	vpop (erf);
	v7 =	vadd.f32 v18, v7  }
0x11f: {  	v13 =	vmul.f32 $5.000000000e-01, v13;
	v15 =	vadd.f32 v19, v15;
	v18 =	vmul.f32 v21, v4  }
0x120: {  	(erf) = vrcp.f32 v11;
	v9 =	vadd.f32 v20, v9;
	v20 =	vmul.f32 $5.000000000e-01, v7  }
0x121: {  	v19 =	vpop (erf);
	(erf) = vrcp.f32 v13;
	v15 =	vmul.f32 $5.000000000e-01, v15  }
0x122: {  	s28 =	simm.s32 $0x80;
	v19 =	vmul.f32 v19, v2;
	(erf) = vrcp.f32 v20  }
0x123: {  	v7 =	vld [tilespmem:s28+$0xA000];
	v14 =	vadd.f32 v18, v14;
	v9 =	vmul.f32 $5.000000000e-01, v9  }
0x124: {  	(erf) = vrcp.f32 v15;
	v16 =	vadd.f32 v19, v16  }
0x125: {  	v14 =	vmul.f32 $5.000000000e-01, v14;
	(erf) = vrcp.f32 v9  }
0x126: {  	v16 =	vmul.f32 $5.000000000e-01, v16  }
0x127: {  	(erf) = vrcp.f32 v14  }
0x128: {  	v18 =	vpop (erf);
	v7 =	vadd.f32 $1.000000000e+00, v7;
	(erf) = vrcp.f32 v16  }
0x129: {  	v18 =	vmul.f32 v18, v5;
	v21 =	vpop (erf)  }
0x12a: {  	v19 =	vadd.f32 $1.000000000e+00, v7;
	v21 =	vmul.f32 v21, v12;
	v22 =	vpop (erf)  }
0x12b: {  	v22 =	vmul.f32 v22, v10;
	v23 =	vpop (erf)  }
0x12c: {  	v19 =	vmul.f32 $5.000000000e-01, v19;
	v11 =	vadd.f32 v21, v11;
	v21 =	vmul.f32 v23, v8  }
0x12d: {  	v17 =	vadd.f32 v18, v17;
	v18 =	vpop (erf);
	v13 =	vadd.f32 v22, v13  }
0x12e: {  	(erf) = vrcp.f32 v19;
	v23 =	vpop (erf);
	v11 =	vmul.f32 $5.000000000e-01, v11;
	v20 =	vadd.f32 v21, v20  }
0x12f: {  	v22 =	vmul.f32 v23, v6;
	v13 =	vmul.f32 $5.000000000e-01, v13  }
0x130: {  	v21 =	vpop (erf);
	(erf) = vrcp.f32 v11;
	v20 =	vmul.f32 $5.000000000e-01, v20  }
0x131: {  	v23 =	vpop (erf);
	v21 =	vmul.f32 v21, v4;
	(erf) = vrcp.f32 v13  }
0x132: {  	v9 =	vadd.f32 v22, v9;
	(erf) = vrcp.f32 v20  }
0x133: {  	v17 =	vmul.f32 $5.000000000e-01, v17;
	v18 =	vmul.f32 v18, v3;
	v14 =	vadd.f32 v21, v14  }
0x134: {  	v22 =	vmul.f32 v23, v2;
	v9 =	vmul.f32 $5.000000000e-01, v9  }
0x135: {  	(erf) = vrcp.f32 v17;
	v14 =	vmul.f32 $5.000000000e-01, v14  }
0x136: {  	v16 =	vadd.f32 v22, v16;
	(erf) = vrcp.f32 v9  }
0x137: {  	v15 =	vadd.f32 v18, v15;
	v21 =	vpop (erf);
	(erf) = vrcp.f32 v14  }
0x138: {  	v16 =	vmul.f32 $5.000000000e-01, v16;
	v18 =	vmul.f32 v21, v7  }
0x139: {  	v15 =	vmul.f32 $5.000000000e-01, v15;
	v21 =	vpop (erf)  }
0x13a: {  	(erf) = vrcp.f32 v16;
	v18 =	vadd.f32 v18, v19;
	v19 =	vmul.f32 v21, v12;
	v21 =	vpop (erf)  }
0x13b: {  	v22 =	vpop (erf)  }
0x13c: {  	(erf) = vrcp.f32 v15;
	v11 =	vadd.f32 v19, v11;
	v22 =	vmul.f32 v22, v8  }
0x13d: {  	v18 =	vmul.f32 $5.000000000e-01, v18;
	v21 =	vmul.f32 v21, v10  }
0x13e: {  	v19 =	vpop (erf);
	v11 =	vmul.f32 $5.000000000e-01, v11  }
0x13f: {  	(erf) = vrcp.f32 v18;
	v13 =	vadd.f32 v21, v13;
	v23 =	vpop (erf)  }
0x140: {  	v20 =	vadd.f32 v22, v20;
	v21 =	vmul.f32 v23, v6;
	v22 =	vpop (erf);
	(erf) = vrcp.f32 v11  }
0x141: {  	v19 =	vmul.f32 v19, v5;
	v13 =	vmul.f32 $5.000000000e-01, v13  }
0x142: {  	v22 =	vmul.f32 v22, v4;
	v9 =	vadd.f32 v21, v9  }
0x143: {  	v20 =	vmul.f32 $5.000000000e-01, v20;
	v23 =	vpop (erf);
	v17 =	vadd.f32 v19, v17;
	(erf) = vrcp.f32 v13  }
0x144: {  	s29 =	simm.s32 $0x90;
	v19 =	vmul.f32 v23, v2;
	v14 =	vadd.f32 v22, v14;
	v22 =	vmul.f32 $5.000000000e-01, v9  }
0x145: {  	v21 =	vld [tilespmem:s29+$0xA000];
	v23 =	vpop (erf);
	(erf) = vrcp.f32 v20;
	v17 =	vmul.f32 $5.000000000e-01, v17  }
0x146: {  	v9 =	vmul.f32 v23, v3;
	(erf) = vrcp.f32 v22  }
0x147: {  	v16 =	vadd.f32 v19, v16;
	v14 =	vmul.f32 $5.000000000e-01, v14  }
0x148: {  	v15 =	vadd.f32 v9, v15;
	v19 =	vpop (erf);
	(erf) = vrcp.f32 v17  }
0x149: {  	v16 =	vmul.f32 $5.000000000e-01, v16;
	(erf) = vrcp.f32 v14;
	v23 =	vpop (erf)  }
0x14a: {  	v9 =	vadd.f32 $1.000000000e+00, v21;
	v15 =	vmul.f32 $5.000000000e-01, v15;
	v23 =	vmul.f32 v23, v12  }
0x14b: {  	(erf) = vrcp.f32 v16  }
0x14c: {  	v21 =	vadd.f32 $1.000000000e+00, v9;
	(erf) = vrcp.f32 v15  }
0x14d: {  	v19 =	vmul.f32 v19, v7;
	v24 =	vpop (erf);
	v11 =	vadd.f32 v23, v11  }
0x14e: {  	v21 =	vmul.f32 $5.000000000e-01, v21;
	v24 =	vmul.f32 v24, v10;
	v23 =	vpop (erf)  }
0x14f: {  	v18 =	vadd.f32 v19, v18;
	v11 =	vmul.f32 $5.000000000e-01, v11;
	v19 =	vmul.f32 v23, v8;
	v23 =	vpop (erf)  }
0x150: {  	v13 =	vadd.f32 v24, v13;
	(erf) = vrcp.f32 v21;
	v23 =	vmul.f32 v23, v6  }
0x151: {  	v52 =	vpop (erf);
	(erf) = vrcp.f32 v11  }
0x152: {  	v13 =	vmul.f32 $5.000000000e-01, v13;
	v25 =	vpop (erf);
	v19 =	vadd.f32 v19, v20  }
0x153: {  	v18 =	vmul.f32 $5.000000000e-01, v18;
	v53 =	vmul.f32 v25, v4;
	v22 =	vadd.f32 v23, v22  }
0x154: {  	v19 =	vmul.f32 $5.000000000e-01, v19;
	v23 =	vpop (erf);
	(erf) = vrcp.f32 v13  }
0x155: {  	v14 =	vadd.f32 v53, v14;
	v22 =	vmul.f32 $5.000000000e-01, v22;
	v54 =	vpop (erf);
	v23 =	vmul.f32 v23, v2  }
0x156: {  	(erf) = vrcp.f32 v19;
	v55 =	vmul.f32 v54, v3  }
0x157: {  	v14 =	vmul.f32 $5.000000000e-01, v14;
	(erf) = vrcp.f32 v22;
	v16 =	vadd.f32 v23, v16  }
0x158: {  	v20 =	vmul.f32 v52, v5;
	(erf) = vrcp.f32 v18;
	v15 =	vadd.f32 v55, v15  }
0x159: {  	(erf) = vrcp.f32 v14;
	v23 =	vpop (erf);
	v16 =	vmul.f32 $5.000000000e-01, v16  }
0x15a: {  	v17 =	vadd.f32 v20, v17;
	v20 =	vmul.f32 v23, v9;
	v15 =	vmul.f32 $5.000000000e-01, v15;
	v23 =	vpop (erf)  }
0x15b: {  	(erf) = vrcp.f32 v16;
	v23 =	vmul.f32 v23, v12  }
0x15c: {  	v17 =	vmul.f32 $5.000000000e-01, v17;
	(erf) = vrcp.f32 v15  }
0x15d: {  	v20 =	vadd.f32 v20, v21;
	v21 =	vpop (erf);
	v11 =	vadd.f32 v23, v11  }
0x15e: {  	(erf) = vrcp.f32 v17;
	v21 =	vmul.f32 v21, v10  }
0x15f: {  	v20 =	vmul.f32 $5.000000000e-01, v20;
	v23 =	vpop (erf)  }
0x160: {  	v56 =	vpop (erf);
	v23 =	vmul.f32 v23, v8;
	v13 =	vadd.f32 v21, v13  }
0x161: {  	v21 =	vmul.f32 $5.000000000e-01, v11;
	(erf) = vrcp.f32 v20;
	v11 =	vpop (erf)  }
0x162: {  	v24 =	vmul.f32 v56, v6;
	v57 =	vpop (erf);
	v19 =	vadd.f32 v23, v19;
	v13 =	vmul.f32 $5.000000000e-01, v13  }
0x163: {  	(erf) = vrcp.f32 v21;
	v23 =	vmul.f32 v57, v4  }
0x164: {  	v11 =	vmul.f32 v11, v7;
	v22 =	vadd.f32 v24, v22;
	v58 =	vpop (erf);
	v19 =	vmul.f32 $5.000000000e-01, v19  }
0x165: {  	(erf) = vrcp.f32 v13;
	v59 =	vpop (erf);
	v24 =	vmul.f32 v58, v2;
	v14 =	vadd.f32 v23, v14  }
0x166: {  	v11 =	vadd.f32 v11, v18;
	v22 =	vmul.f32 $5.000000000e-01, v22;
	v18 =	vmul.f32 v59, v3  }
0x167: {  	s30 =	simm.s32 $0xA0;
	(erf) = vrcp.f32 v19;
	v60 =	vpop (erf);
	v61 =	vmul.f32 $5.000000000e-01, v14  }
0x168: {  	v23 =	vld [tilespmem:s30+$0xA000];
	v16 =	vadd.f32 v24, v16;
	v14 =	vmul.f32 $5.000000000e-01, v11;
	v11 =	vmul.f32 v60, v5  }
0x169: {  	v15 =	vadd.f32 v18, v15  }
0x16a: {  	(erf) = vrcp.f32 v22;
	v62 =	vmul.f32 $5.000000000e-01, v16;
	v16 =	vadd.f32 v11, v17  }
0x16b: {  	(erf) = vrcp.f32 v61  }
0x16c: {  	v17 =	vpop (erf);
	(erf) = vrcp.f32 v14  }
0x16d: {  	v11 =	vadd.f32 $1.000000000e+00, v23;
	v23 =	vmul.f32 $5.000000000e-01, v15;
	(erf) = vrcp.f32 v62;
	v15 =	vpop (erf)  }
0x16e: {  	v26 =	vmul.f32 $5.000000000e-01, v16;
	v12 =	vmul.f32 v15, v12;
	v16 =	vpop (erf)  }
0x16f: {  	v15 =	vadd.f32 $1.000000000e+00, v11;
	v16 =	vmul.f32 v16, v10  }
0x170: {  	v17 =	vmul.f32 v17, v9;
	(erf) = vrcp.f32 v23;
	v12 =	vadd.f32 v12, v21  }
0x171: {  	(erf) = vrcp.f32 v26;
	v15 =	vmul.f32 $5.000000000e-01, v15;
	v18 =	vpop (erf)  }
0x172: {  	v18 =	vmul.f32 v18, v8;
	v13 =	vadd.f32 v16, v13;
	v12 =	vmul.f32 $5.000000000e-01, v12  }
0x173: {  	v17 =	vadd.f32 v17, v20;
	(erf) = vrcp.f32 v15;
	v16 =	vpop (erf)  }
0x174: {  	v18 =	vadd.f32 v18, v19;
	v20 =	vmul.f32 v16, v6;
	v21 =	vpop (erf);
	v16 =	vmul.f32 $5.000000000e-01, v13  }
0x175: {  	(erf) = vrcp.f32 v12;
	v21 =	vmul.f32 v21, v4  }
0x176: {  	v19 =	vmul.f32 $5.000000000e-01, v18;
	v12 =	vpop (erf)  }
0x177: {  	v13 =	vmul.f32 $5.000000000e-01, v17;
	v20 =	vadd.f32 v20, v22;
	(erf) = vrcp.f32 v16;
	v17 =	vpop (erf)  }
0x178: {  	v18 =	vadd.f32 v21, v61;
	(erf) = vrcp.f32 v19;
	v17 =	vmul.f32 v17, v2  }
0x179: {  	v12 =	vmul.f32 v12, v7;
	v20 =	vmul.f32 $5.000000000e-01, v20;
	v21 =	vpop (erf)  }
0x17a: {  	v18 =	vmul.f32 $5.000000000e-01, v18;
	v22 =	vpop (erf);
	v21 =	vmul.f32 v21, v3;
	v17 =	vadd.f32 v17, v62  }
0x17b: {  	(erf) = vrcp.f32 v20;
	v63 =	vmul.f32 v22, v5  }
0x17c: {  	(erf) = vrcp.f32 v18;
	v21 =	vadd.f32 v21, v23;
	v17 =	vmul.f32 $5.000000000e-01, v17  }
0x17d: {  	s31 =	simm.s32 $0x2C0;
	v22 =	vpop (erf);
	(erf) = vrcp.f32 v13;
	v23 =	vadd.f32 v63, v26  }
.LBB2_6:
0x17e: {  	p1 =	sne.s32 s31, $0x9C0;
	v12 =	vadd.f32 v12, v14;
	v14 =	vmul.f32 $5.000000000e-01, v21;
	(erf) = vrcp.f32 v17;
	v21 =	vpop (erf)  }
0x17f: {  	v24 =	vmul.f32 v22, v11;
	v23 =	vmul.f32 $5.000000000e-01, v23;
	[tilespmem:s19+$0xA280] =	vst v21;
	s19 =	smov.u32 s20;
	s20 =	smov.u32 s21;
	s21 =	smov.u32 s22  }
0x180: {  	s22 =	smov.u32 s23;
	s23 =	smov.u32 s24;
	s24 =	smov.u32 s25;
	v12 =	vmul.f32 $5.000000000e-01, v12;
	(erf) = vrcp.f32 v14;
	v21 =	vpop (erf)  }
0x181: {  	s25 =	smov.u32 s26;
	s26 =	smov.u32 s28;
	s28 =	smov.u32 s29;
	(erf) = vrcp.f32 v23;
	v21 =	vmul.f32 v21, v10  }
0x182: {  	s29 =	smov.u32 s30;
	v26 =	vadd.f32 v24, v15;
	v22 =	vpop (erf)  }
0x183: {  	(erf) = vrcp.f32 v12;
	v25 =	vmul.f32 v22, v8;
	v16 =	vadd.f32 v21, v16  }
0x184: {  	v21 =	vmul.f32 $5.000000000e-01, v26;
	v15 =	vpop (erf)  }
0x185: {  	v24 =	vpop (erf);
	v15 =	vmul.f32 v15, v6;
	v19 =	vadd.f32 v25, v19;
	v16 =	vmul.f32 $5.000000000e-01, v16  }
0x186: {  	(erf) = vrcp.f32 v21;
	v22 =	vpop (erf);
	v26 =	vmul.f32 v24, v4  }
0x187: {  	v25 =	vpop (erf);
	v27 =	vadd.f32 v15, v20;
	v19 =	vmul.f32 $5.000000000e-01, v19;
	(erf) = vrcp.f32 v16  }
0x188: {  	v20 =	vmul.f32 v22, v9;
	v22 =	vmul.f32 v25, v2;
	v18 =	vadd.f32 v26, v18  }
0x189: {  	v24 =	vpop (erf);
	v25 =	vmul.f32 $5.000000000e-01, v27;
	(erf) = vrcp.f32 v19  }
0x18a: {  	s30 =	sshra.s32 s31, $0x2;
	v15 =	vpop (erf);
	v24 =	vmul.f32 v24, v3;
	v17 =	vadd.f32 v22, v17;
	v18 =	vmul.f32 $5.000000000e-01, v18  }
0x18b: {  	v13 =	vadd.f32 v20, v13;
	v22 =	vld [tilespmem:s30+$0xA000];
	v15 =	vmul.f32 v15, v5;
	(erf) = vrcp.f32 v25  }
0x18c: {  	v20 =	vpop (erf);
	v24 =	vadd.f32 v24, v14;
	v17 =	vmul.f32 $5.000000000e-01, v17;
	(erf) = vrcp.f32 v18  }
0x18d: {  	v14 =	vmul.f32 $5.000000000e-01, v13;
	v26 =	vmul.f32 v20, v7  }
0x18e: {  	v15 =	vadd.f32 v15, v23;
	v23 =	vmul.f32 $5.000000000e-01, v24;
	(erf) = vrcp.f32 v17  }
0x18f: {  	v20 =	vpop (erf);
	(erf) = vrcp.f32 v14;
	v12 =	vadd.f32 v26, v12  }
0x190: {  	v24 =	vmul.f32 $5.000000000e-01, v15;
	v22 =	vadd.f32 $1.000000000e+00, v22;
	(erf) = vrcp.f32 v23;
	v13 =	vpop (erf)  }
0x191: {  	v26 =	vmul.f32 $5.000000000e-01, v12;
	v12 =	vmul.f32 v13, v10;
	v10 =	vmovc v8;
	v8 =	vmovc v6;
	v6 =	vmov v4  }
0x192: {  	v4 =	vmov v2;
	v13 =	vadd.f32 $1.000000000e+00, v22;
	(erf) = vrcp.f32 v24;
	v15 =	vpop (erf)  }
0x193: {  	v2 =	vmovc v3;
	v3 =	vmovc v5;
	(erf) = vrcp.f32 v26;
	v27 =	vmul.f32 v15, v10;
	v12 =	vadd.f32 v12, v16  }
0x194: {  	v5 =	vmov v7;
	v15 =	vmul.f32 $5.000000000e-01, v13;
	v13 =	vmul.f32 v20, v11;
	v16 =	vpop (erf)  }
0x195: {  	v7 =	vpop (erf);
	v16 =	vmul.f32 v16, v8;
	v19 =	vadd.f32 v27, v19;
	v27 =	vmul.f32 $5.000000000e-01, v12  }
0x196: {  	(erf) = vrcp.f32 v15;
	v13 =	vadd.f32 v13, v21;
	v20 =	vmul.f32 v7, v6;
	v7 =	vmovc v9;
	v9 =	vmovc v11  }
0x197: {  	v11 =	vpop (erf);
	v21 =	vadd.f32 v16, v25;
	v16 =	vmul.f32 $5.000000000e-01, v19;
	(erf) = vrcp.f32 v27  }
0x198: {  	v13 =	vmul.f32 $5.000000000e-01, v13;
	v12 =	vpop (erf);
	v25 =	vmul.f32 v11, v4;
	v11 =	vmov v22  }
0x199: {  	v18 =	vadd.f32 v20, v18;
	v22 =	vpop (erf);
	v19 =	vmul.f32 $5.000000000e-01, v21;
	(erf) = vrcp.f32 v16  }
0x19a: {  	v12 =	vmul.f32 v12, v7;
	v21 =	vmul.f32 v22, v2;
	v17 =	vadd.f32 v25, v17  }
.Ltmp4:
0x19b: {  	v20 =	vmul.f32 $5.000000000e-01, v18;
	v22 =	vpop (erf);
	(erf) = vrcp.f32 v19;
	(pc) =	sbr.rel @p1 .LBB2_6-.Ltmp4, $4  }
0x19c: {  	v25 =	vpop (erf);
	v27 =	vmul.f32 v22, v3;
	v23 =	vadd.f32 v21, v23;
	v18 =	vmul.f32 $5.000000000e-01, v17  }
0x19d: {  	v25 =	vmul.f32 v25, v5;
	(erf) = vrcp.f32 v20  }
0x19e: {  	v21 =	vadd.f32 v27, v24;
	v17 =	vmul.f32 $5.000000000e-01, v23;
	(erf) = vrcp.f32 v18  }
0x19f: {  	s31 =	sadd.s32 $0x40, s31;
	v22 =	vpop (erf);
	(erf) = vrcp.f32 v13;
	v23 =	vadd.f32 v25, v26  }
0x1a0: {  	v14 =	vadd.f32 v12, v14;
	v21 =	vmul.f32 $5.000000000e-01, v21;
	(erf) = vrcp.f32 v17  }
0x1a1: {  	v22 =	vmul.f32 v22, v11;
	v23 =	vmul.f32 $5.000000000e-01, v23  }
0x1a2: {  	v12 =	vpop (erf);
	v14 =	vmul.f32 $5.000000000e-01, v14;
	(erf) = vrcp.f32 v21  }
0x1a3: {  	v24 =	vpop (erf);
	v15 =	vadd.f32 v22, v15;
	(erf) = vrcp.f32 v23  }
0x1a4: {  	v24 =	vmul.f32 v24, v10;
	v60 =	vpop (erf);
	(erf) = vrcp.f32 v14  }
0x1a5: {  	v15 =	vmul.f32 $5.000000000e-01, v15;
	v22 =	vmul.f32 v60, v8  }
0x1a6: {  	v16 =	vadd.f32 v24, v16;
	v61 =	vpop (erf)  }
0x1a7: {  	(erf) = vrcp.f32 v15;
	v25 =	vpop (erf);
	v24 =	vmul.f32 v61, v6;
	v19 =	vadd.f32 v22, v19  }
0x1a8: {  	v16 =	vmul.f32 $5.000000000e-01, v16;
	v62 =	vpop (erf);
	v25 =	vmul.f32 v25, v4  }
0x1a9: {  	v20 =	vadd.f32 v24, v20;
	v63 =	vpop (erf);
	v19 =	vmul.f32 $5.000000000e-01, v19;
	v22 =	vmul.f32 v62, v9  }
0x1aa: {  	(erf) = vrcp.f32 v16;
	v24 =	vmul.f32 v63, v2;
	v18 =	vadd.f32 v25, v18  }
0x1ab: {  	v28 =	vpop (erf);
	v20 =	vmul.f32 $5.000000000e-01, v20;
	(erf) = vrcp.f32 v19;
	v13 =	vadd.f32 v22, v13  }
0x1ac: {  	v29 =	vadd.f32 v24, v17;
	v30 =	vpop (erf);
	v25 =	vmul.f32 v28, v3;
	v18 =	vmul.f32 $5.000000000e-01, v18  }
0x1ad: {  	v31 =	vmul.f32 v30, v5;
	(erf) = vrcp.f32 v20  }
0x1ae: {  	v32 =	vpop (erf);
	v13 =	vmul.f32 $5.000000000e-01, v13;
	v21 =	vadd.f32 v25, v21;
	v17 =	vmul.f32 $5.000000000e-01, v29  }
0x1af: {  	(erf) = vrcp.f32 v18;
	v24 =	vmul.f32 v32, v7  }
0x1b0: {  	v22 =	vadd.f32 v31, v23;
	v21 =	vmul.f32 $5.000000000e-01, v21;
	(erf) = vrcp.f32 v17  }
0x1b1: {  	v33 =	vpop (erf);
	v14 =	vadd.f32 v24, v14;
	(erf) = vrcp.f32 v13  }
0x1b2: {  	v22 =	vmul.f32 $5.000000000e-01, v22;
	(erf) = vrcp.f32 v21  }
0x1b3: {  	v34 =	vpop (erf);
	v14 =	vmul.f32 $5.000000000e-01, v14  }
0x1b4: {  	v35 =	vmul.f32 v34, v10;
	(erf) = vrcp.f32 v22  }
0x1b5: {  	v36 =	vpop (erf)  }
0x1b6: {  	(erf) = vrcp.f32 v14;
	v24 =	vmul.f32 v36, v8;
	v10 =	vadd.f32 v35, v16;
	v38 =	vpop (erf)  }
0x1b7: {  	v23 =	vmul.f32 v38, v6  }
0x1b8: {  	v39 =	vpop (erf);
	v19 =	vadd.f32 v24, v19;
	v10 =	vmul.f32 $5.000000000e-01, v10  }
0x1b9: {  	v37 =	vmul.f32 v33, v11;
	v40 =	vmul.f32 v39, v4;
	v41 =	vpop (erf);
	v20 =	vadd.f32 v23, v20  }
0x1ba: {  	v19 =	vmul.f32 $5.000000000e-01, v19;
	(erf) = vrcp.f32 v10;
	v42 =	vpop (erf)  }
0x1bb: {  	v43 =	vmul.f32 v41, v2;
	v16 =	vadd.f32 v40, v18;
	v44 =	vpop (erf);
	v45 =	vmul.f32 $5.000000000e-01, v20  }
0x1bc: {  	v15 =	vadd.f32 v37, v15;
	(erf) = vrcp.f32 v19;
	v46 =	vmul.f32 v44, v3  }
0x1bd: {  	v17 =	vadd.f32 v43, v17;
	v47 =	vpop (erf);
	v16 =	vmul.f32 $5.000000000e-01, v16;
	(erf) = vrcp.f32 v45  }
0x1be: {  	v15 =	vmul.f32 $5.000000000e-01, v15;
	v23 =	vmul.f32 v47, v5  }
0x1bf: {  	v48 =	vpop (erf);
	v20 =	vadd.f32 v46, v21;
	v17 =	vmul.f32 $5.000000000e-01, v17;
	(erf) = vrcp.f32 v16  }
0x1c0: {  	v10 =	vmul.f32 v42, v9;
	v49 =	vmul.f32 v48, v7;
	v22 =	vadd.f32 v23, v22  }
0x1c1: {  	v20 =	vmul.f32 $5.000000000e-01, v20;
	(erf) = vrcp.f32 v17  }
0x1c2: {  	v14 =	vadd.f32 v49, v14;
	(erf) = vrcp.f32 v15;
	v50 =	vmul.f32 $5.000000000e-01, v22  }
0x1c3: {  	v13 =	vadd.f32 v10, v13;
	(erf) = vrcp.f32 v20  }
0x1c4: {  	v10 =	vpop (erf);
	v14 =	vmul.f32 $5.000000000e-01, v14;
	(erf) = vrcp.f32 v50  }
0x1c5: {  	v13 =	vmul.f32 $5.000000000e-01, v13;
	v51 =	vpop (erf)  }
0x1c6: {  	(erf) = vrcp.f32 v14;
	v22 =	vmul.f32 v51, v8;
	v52 =	vpop (erf)  }
0x1c7: {  	v23 =	vmul.f32 v52, v6  }
0x1c8: {  	(erf) = vrcp.f32 v13;
	v19 =	vadd.f32 v22, v19;
	v53 =	vpop (erf)  }
0x1c9: {  	v22 =	vmul.f32 v53, v4;
	v18 =	vadd.f32 v23, v45  }
0x1ca: {  	v54 =	vpop (erf);
	v19 =	vmul.f32 $5.000000000e-01, v19  }
0x1cb: {  	v55 =	vpop (erf);
	v24 =	vmul.f32 v54, v2;
	v16 =	vadd.f32 v22, v16;
	v18 =	vmul.f32 $5.000000000e-01, v18  }
0x1cc: {  	v56 =	vpop (erf);
	(erf) = vrcp.f32 v19;
	v57 =	vmul.f32 v55, v11  }
0x1cd: {  	v58 =	vmul.f32 v56, v3;
	v17 =	vadd.f32 v24, v17;
	v59 =	vpop (erf);
	v16 =	vmul.f32 $5.000000000e-01, v16  }
0x1ce: {  	(erf) = vrcp.f32 v18;
	v24 =	vmul.f32 v59, v5  }
0x1cf: {  	v60 =	vpop (erf);
	v15 =	vadd.f32 v57, v15;
	v20 =	vadd.f32 v58, v20;
	v17 =	vmul.f32 $5.000000000e-01, v17  }
0x1d0: {  	v61 =	vmul.f32 v60, v7;
	(erf) = vrcp.f32 v16  }
0x1d1: {  	v62 =	vpop (erf);
	v21 =	vadd.f32 v24, v50;
	v15 =	vmul.f32 $5.000000000e-01, v15;
	v20 =	vmul.f32 $5.000000000e-01, v20  }
0x1d2: {  	(erf) = vrcp.f32 v17;
	v23 =	vmul.f32 v62, v9  }
0x1d3: {  	v14 =	vadd.f32 v61, v14;
	v21 =	vmul.f32 $5.000000000e-01, v21;
	(erf) = vrcp.f32 v20  }
0x1d4: {  	v13 =	vadd.f32 v23, v13;
	(erf) = vrcp.f32 v15  }
0x1d5: {  	v14 =	vmul.f32 $5.000000000e-01, v14;
	(erf) = vrcp.f32 v21  }
0x1d6: {  	v13 =	vmul.f32 $5.000000000e-01, v13  }
0x1d7: {  	v63 =	vpop (erf);
	(erf) = vrcp.f32 v14  }
0x1d8: {  	v24 =	vmul.f32 v63, v8;
	v25 =	vpop (erf);
	(erf) = vrcp.f32 v13  }
0x1d9: {  	v22 =	vmul.f32 v25, v6;
	v26 =	vpop (erf)  }
0x1da: {  	v8 =	vadd.f32 v24, v19;
	v27 =	vmul.f32 v26, v4  }
0x1db: {  	v28 =	vpop (erf);
	v18 =	vadd.f32 v22, v18  }
0x1dc: {  	v8 =	vmul.f32 $5.000000000e-01, v8;
	v29 =	vmul.f32 v28, v2;
	v16 =	vadd.f32 v27, v16;
	v30 =	vpop (erf)  }
0x1dd: {  	v18 =	vmul.f32 $5.000000000e-01, v18;
	v31 =	vpop (erf);
	v23 =	vmul.f32 v30, v3  }
0x1de: {  	(erf) = vrcp.f32 v8;
	v17 =	vadd.f32 v29, v17;
	v16 =	vmul.f32 $5.000000000e-01, v16;
	v32 =	vpop (erf)  }
0x1df: {  	(erf) = vrcp.f32 v18;
	v8 =	vmul.f32 v32, v5;
	v20 =	vadd.f32 v23, v20  }
0x1e0: {  	v33 =	vpop (erf);
	v17 =	vmul.f32 $5.000000000e-01, v17;
	(erf) = vrcp.f32 v16  }
0x1e1: {  	v34 =	vpop (erf);
	v22 =	vmul.f32 v33, v7;
	v20 =	vmul.f32 $5.000000000e-01, v20  }
0x1e2: {  	v8 =	vadd.f32 v8, v21;
	v35 =	vmul.f32 v34, v9;
	(erf) = vrcp.f32 v17  }
0x1e3: {  	v37 =	vmul.f32 v31, v11;
	v14 =	vadd.f32 v22, v14  }
0x1e4: {  	v36 =	vmul.f32 $5.000000000e-01, v8;
	(erf) = vrcp.f32 v20;
	v13 =	vadd.f32 v35, v13  }
0x1e5: {  	v15 =	vadd.f32 v37, v15;
	v14 =	vmul.f32 $5.000000000e-01, v14  }
0x1e6: {  	(erf) = vrcp.f32 v36;
	v13 =	vmul.f32 $5.000000000e-01, v13  }
0x1e7: {  	v15 =	vmul.f32 $5.000000000e-01, v15;
	v8 =	vpop (erf);
	(erf) = vrcp.f32 v14  }
0x1e8: {  	(erf) = vrcp.f32 v13;
	v38 =	vpop (erf)  }
0x1e9: {  	v19 =	vmul.f32 v38, v6;
	v39 =	vpop (erf);
	(erf) = vrcp.f32 v15;
	_ =	sdelay $0x1  }
0x1ea: {  	v21 =	vmul.f32 v39, v4;
	v40 =	vpop (erf);
	v18 =	vadd.f32 v19, v18  }
0x1eb: {  	v41 =	vmul.f32 v40, v2  }
0x1ec: {  	v16 =	vadd.f32 v21, v16;
	v42 =	vpop (erf);
	v18 =	vmul.f32 $5.000000000e-01, v18  }
0x1ed: {  	v43 =	vmul.f32 v42, v3;
	v17 =	vadd.f32 v41, v17  }
0x1ee: {  	v16 =	vmul.f32 $5.000000000e-01, v16;
	v44 =	vpop (erf);
	(erf) = vrcp.f32 v18  }
0x1ef: {  	v45 =	vmul.f32 v44, v5;
	v20 =	vadd.f32 v43, v20;
	v46 =	vpop (erf);
	v17 =	vmul.f32 $5.000000000e-01, v17  }
0x1f0: {  	(erf) = vrcp.f32 v16;
	v47 =	vpop (erf);
	v21 =	vmul.f32 v46, v7  }
0x1f1: {  	v19 =	vadd.f32 v45, v36;
	v20 =	vmul.f32 $5.000000000e-01, v20;
	v48 =	vmul.f32 v47, v9;
	v49 =	vpop (erf)  }
0x1f2: {  	(erf) = vrcp.f32 v17;
	v50 =	vmul.f32 v49, v11  }
0x1f3: {  	v14 =	vadd.f32 v21, v14;
	v19 =	vmul.f32 $5.000000000e-01, v19;
	(erf) = vrcp.f32 v20  }
0x1f4: {  	v13 =	vadd.f32 v48, v13  }
0x1f5: {  	v14 =	vmul.f32 $5.000000000e-01, v14;
	v15 =	vadd.f32 v50, v15;
	(erf) = vrcp.f32 v19  }
0x1f6: {  	v13 =	vmul.f32 $5.000000000e-01, v13  }
0x1f7: {  	(erf) = vrcp.f32 v14;
	v15 =	vmul.f32 $5.000000000e-01, v15  }
0x1f8: {  	v51 =	vpop (erf);
	(erf) = vrcp.f32 v13  }
0x1f9: {  	v52 =	vmul.f32 v51, v6;
	v53 =	vpop (erf);
	(erf) = vrcp.f32 v15  }
0x1fa: {  	v21 =	vmul.f32 v53, v4  }
0x1fb: {  	v6 =	vadd.f32 v52, v18;
	v54 =	vpop (erf)  }
0x1fc: {  	v18 =	vmul.f32 v54, v2;
	v16 =	vadd.f32 v21, v16;
	v55 =	vpop (erf)  }
0x1fd: {  	v6 =	vmul.f32 $5.000000000e-01, v6;
	v56 =	vmul.f32 v55, v3  }
0x1fe: {  	v17 =	vadd.f32 v18, v17;
	v16 =	vmul.f32 $5.000000000e-01, v16;
	v57 =	vpop (erf)  }
0x1ff: {  	(erf) = vrcp.f32 v6;
	v58 =	vmul.f32 v57, v5;
	v59 =	vadd.f32 v56, v20  }
0x200: {  	v60 =	vpop (erf);
	v17 =	vmul.f32 $5.000000000e-01, v17;
	(erf) = vrcp.f32 v16  }
0x201: {  	v20 =	vmul.f32 v60, v7;
	v61 =	vpop (erf);
	v18 =	vmul.f32 $5.000000000e-01, v59  }
0x202: {  	v6 =	vadd.f32 v58, v19;
	(erf) = vrcp.f32 v17;
	v62 =	vpop (erf);
	v21 =	vmul.f32 v61, v9  }
0x203: {  	v14 =	vadd.f32 v20, v14;
	v19 =	vmul.f32 v62, v11  }
0x204: {  	v63 =	vmul.f32 $5.000000000e-01, v6;
	(erf) = vrcp.f32 v18;
	v23 =	vadd.f32 v21, v13  }
0x205: {  	v24 =	vmul.f32 $5.000000000e-01, v14;
	v25 =	vadd.f32 v19, v15  }
0x206: {  	(erf) = vrcp.f32 v63;
	v26 =	vmul.f32 $5.000000000e-01, v23  }
0x207: {  	(erf) = vrcp.f32 v24;
	v14 =	vmul.f32 $5.000000000e-01, v25  }
0x208: {  	(erf) = vrcp.f32 v26  }
0x209: {  	v6 =	vpop (erf);
	(erf) = vrcp.f32 v14  }
0x20a: {  	v27 =	vpop (erf)  }
0x20b: {  	v19 =	vmul.f32 v27, v4;
	v28 =	vpop (erf)  }
0x20c: {  	v21 =	vmul.f32 v28, v2  }
0x20d: {  	v16 =	vadd.f32 v19, v16;
	v29 =	vpop (erf)  }
0x20e: {  	v19 =	vmul.f32 v29, v3;
	v17 =	vadd.f32 v21, v17  }
0x20f: {  	v16 =	vmul.f32 $5.000000000e-01, v16;
	v30 =	vpop (erf)  }
0x210: {  	v21 =	vmul.f32 v30, v5;
	v31 =	vpop (erf);
	v18 =	vadd.f32 v19, v18;
	v17 =	vmul.f32 $5.000000000e-01, v17  }
0x211: {  	(erf) = vrcp.f32 v16;
	v32 =	vmul.f32 v31, v7;
	v33 =	vpop (erf)  }
0x212: {  	v20 =	vadd.f32 v21, v63;
	v18 =	vmul.f32 $5.000000000e-01, v18;
	v34 =	vpop (erf);
	v22 =	vmul.f32 v33, v9  }
0x213: {  	(erf) = vrcp.f32 v17;
	v13 =	vadd.f32 v32, v24;
	v35 =	vmul.f32 v34, v11  }
0x214: {  	v20 =	vmul.f32 $5.000000000e-01, v20;
	v15 =	vadd.f32 v22, v26  }
0x215: {  	(erf) = vrcp.f32 v18;
	v13 =	vmul.f32 $5.000000000e-01, v13;
	v14 =	vadd.f32 v35, v14  }
0x216: {  	(erf) = vrcp.f32 v20;
	v15 =	vmul.f32 $5.000000000e-01, v15  }
0x217: {  	(erf) = vrcp.f32 v13;
	v14 =	vmul.f32 $5.000000000e-01, v14  }
0x218: {  	(erf) = vrcp.f32 v15  }
0x219: {  	(erf) = vrcp.f32 v14;
	_ =	sdelay $0x1  }
0x21a: {  	v36 =	vpop (erf)  }
0x21b: {  	v37 =	vmul.f32 v36, v4;
	v38 =	vpop (erf)  }
0x21c: {  	v19 =	vmul.f32 v38, v2  }
0x21d: {  	v4 =	vadd.f32 v37, v16;
	v39 =	vpop (erf)  }
0x21e: {  	v16 =	vmul.f32 v39, v3;
	v17 =	vadd.f32 v19, v17;
	v40 =	vpop (erf)  }
0x21f: {  	v4 =	vmul.f32 $5.000000000e-01, v4;
	v41 =	vmul.f32 v40, v5;
	v42 =	vpop (erf)  }
0x220: {  	v16 =	vadd.f32 v16, v18;
	v17 =	vmul.f32 $5.000000000e-01, v17;
	v43 =	vmul.f32 v42, v7;
	v44 =	vpop (erf)  }
0x221: {  	(erf) = vrcp.f32 v4;
	v45 =	vadd.f32 v41, v20;
	v46 =	vmul.f32 v44, v9;
	v47 =	vpop (erf)  }
0x222: {  	v16 =	vmul.f32 $5.000000000e-01, v16;
	v13 =	vadd.f32 v43, v13;
	v48 =	vmul.f32 v47, v11  }
0x223: {  	(erf) = vrcp.f32 v17;
	v49 =	vmul.f32 $5.000000000e-01, v45;
	v50 =	vadd.f32 v46, v15  }
0x224: {  	(erf) = vrcp.f32 v16;
	v13 =	vmul.f32 $5.000000000e-01, v13;
	v14 =	vadd.f32 v48, v14  }
0x225: {  	(erf) = vrcp.f32 v49;
	v15 =	vmul.f32 $5.000000000e-01, v50  }
0x226: {  	(erf) = vrcp.f32 v13;
	v14 =	vmul.f32 $5.000000000e-01, v14  }
0x227: {  	(erf) = vrcp.f32 v15  }
0x228: {  	(erf) = vrcp.f32 v14;
	_ =	sdelay $0x2  }
0x229: {  	v4 =	vpop (erf)  }
0x22a: {  	v51 =	vpop (erf)  }
0x22b: {  	v18 =	vmul.f32 v51, v2;
	v52 =	vpop (erf)  }
0x22c: {  	v19 =	vmul.f32 v52, v3;
	v53 =	vpop (erf)  }
0x22d: {  	v17 =	vadd.f32 v18, v17;
	v54 =	vpop (erf);
	v21 =	vmul.f32 v53, v5  }
0x22e: {  	v16 =	vadd.f32 v19, v16;
	v18 =	vmul.f32 v54, v7;
	v55 =	vpop (erf)  }
0x22f: {  	v17 =	vmul.f32 $5.000000000e-01, v17;
	v20 =	vadd.f32 v21, v49;
	v19 =	vmul.f32 v55, v9;
	v56 =	vpop (erf)  }
0x230: {  	v16 =	vmul.f32 $5.000000000e-01, v16;
	v13 =	vadd.f32 v18, v13;
	v57 =	vmul.f32 v56, v11  }
0x231: {  	(erf) = vrcp.f32 v17;
	v20 =	vmul.f32 $5.000000000e-01, v20;
	v15 =	vadd.f32 v19, v15  }
0x232: {  	(erf) = vrcp.f32 v16;
	v13 =	vmul.f32 $5.000000000e-01, v13;
	v14 =	vadd.f32 v57, v14  }
0x233: {  	(erf) = vrcp.f32 v20;
	v15 =	vmul.f32 $5.000000000e-01, v15  }
0x234: {  	(erf) = vrcp.f32 v13;
	v14 =	vmul.f32 $5.000000000e-01, v14  }
0x235: {  	(erf) = vrcp.f32 v15  }
0x236: {  	(erf) = vrcp.f32 v14;
	_ =	sdelay $0x3  }
0x237: {  	v58 =	vpop (erf)  }
0x238: {  	v2 =	vmul.f32 v58, v2;
	v59 =	vpop (erf)  }
0x239: {  	v18 =	vmul.f32 v59, v3;
	v60 =	vpop (erf)  }
0x23a: {  	v2 =	vadd.f32 v2, v17;
	v61 =	vpop (erf);
	v19 =	vmul.f32 v60, v5  }
0x23b: {  	v16 =	vadd.f32 v18, v16;
	v17 =	vmul.f32 v61, v7;
	v62 =	vpop (erf)  }
0x23c: {  	v2 =	vmul.f32 $5.000000000e-01, v2;
	v19 =	vadd.f32 v19, v20;
	v18 =	vmul.f32 v62, v9;
	v63 =	vpop (erf)  }
0x23d: {  	v16 =	vmul.f32 $5.000000000e-01, v16;
	v13 =	vadd.f32 v17, v13;
	v22 =	vmul.f32 v63, v11  }
0x23e: {  	(erf) = vrcp.f32 v2;
	v19 =	vmul.f32 $5.000000000e-01, v19;
	v2 =	vadd.f32 v18, v15  }
0x23f: {  	(erf) = vrcp.f32 v16;
	v13 =	vmul.f32 $5.000000000e-01, v13;
	v14 =	vadd.f32 v22, v14  }
0x240: {  	(erf) = vrcp.f32 v19;
	v15 =	vmul.f32 $5.000000000e-01, v2  }
0x241: {  	(erf) = vrcp.f32 v13;
	v14 =	vmul.f32 $5.000000000e-01, v14  }
0x242: {  	(erf) = vrcp.f32 v15  }
0x243: {  	(erf) = vrcp.f32 v14;
	_ =	sdelay $0x3  }
0x244: {  	v2 =	vpop (erf)  }
0x245: {  	v23 =	vpop (erf)  }
0x246: {  	v17 =	vmul.f32 v23, v3;
	v24 =	vpop (erf)  }
0x247: {  	v18 =	vmul.f32 v24, v5;
	v25 =	vpop (erf)  }
0x248: {  	v16 =	vadd.f32 v17, v16;
	v26 =	vpop (erf);
	v20 =	vmul.f32 v25, v7  }
0x249: {  	v18 =	vadd.f32 v18, v19;
	v17 =	vmul.f32 v26, v9;
	v27 =	vpop (erf)  }
0x24a: {  	v16 =	vmul.f32 $5.000000000e-01, v16;
	v13 =	vadd.f32 v20, v13;
	v19 =	vmul.f32 v27, v11  }
0x24b: {  	v18 =	vmul.f32 $5.000000000e-01, v18;
	v15 =	vadd.f32 v17, v15  }
0x24c: {  	(erf) = vrcp.f32 v16;
	v13 =	vmul.f32 $5.000000000e-01, v13;
	v14 =	vadd.f32 v19, v14  }
0x24d: {  	(erf) = vrcp.f32 v18;
	v15 =	vmul.f32 $5.000000000e-01, v15  }
0x24e: {  	(erf) = vrcp.f32 v13;
	v14 =	vmul.f32 $5.000000000e-01, v14  }
0x24f: {  	(erf) = vrcp.f32 v15  }
0x250: {  	(erf) = vrcp.f32 v14;
	_ =	sdelay $0x4  }
0x251: {  	v28 =	vpop (erf)  }
0x252: {  	v3 =	vmul.f32 v28, v3;
	v29 =	vpop (erf)  }
0x253: {  	v17 =	vmul.f32 v29, v5;
	v30 =	vpop (erf)  }
0x254: {  	v3 =	vadd.f32 v3, v16;
	v31 =	vpop (erf);
	v19 =	vmul.f32 v30, v7  }
0x255: {  	v17 =	vadd.f32 v17, v18;
	v16 =	vmul.f32 v31, v9;
	v32 =	vpop (erf)  }
0x256: {  	v3 =	vmul.f32 $5.000000000e-01, v3;
	v13 =	vadd.f32 v19, v13;
	v18 =	vmul.f32 v32, v11  }
0x257: {  	v17 =	vmul.f32 $5.000000000e-01, v17;
	v15 =	vadd.f32 v16, v15  }
0x258: {  	(erf) = vrcp.f32 v3;
	v3 =	vmul.f32 $5.000000000e-01, v13;
	v33 =	vadd.f32 v18, v14  }
0x259: {  	(erf) = vrcp.f32 v17;
	v34 =	vmul.f32 $5.000000000e-01, v15  }
0x25a: {  	(erf) = vrcp.f32 v3;
	v13 =	vmul.f32 $5.000000000e-01, v33  }
0x25b: {  	(erf) = vrcp.f32 v34  }
0x25c: {  	(erf) = vrcp.f32 v13;
	_ =	sdelay $0x4  }
0x25d: {  	v35 =	vpop (erf)  }
0x25e: {  	v36 =	vpop (erf)  }
0x25f: {  	v16 =	vmul.f32 v36, v5;
	v37 =	vpop (erf)  }
0x260: {  	v18 =	vmul.f32 v37, v7;
	v38 =	vpop (erf)  }
0x261: {  	v16 =	vadd.f32 v16, v17;
	v39 =	vpop (erf);
	v19 =	vmul.f32 v38, v9  }
0x262: {  	v3 =	vadd.f32 v18, v3;
	v17 =	vmul.f32 v39, v11  }
0x263: {  	v16 =	vmul.f32 $5.000000000e-01, v16;
	v14 =	vadd.f32 v19, v34  }
0x264: {  	v3 =	vmul.f32 $5.000000000e-01, v3;
	v13 =	vadd.f32 v17, v13  }
0x265: {  	(erf) = vrcp.f32 v16;
	v14 =	vmul.f32 $5.000000000e-01, v14  }
0x266: {  	(erf) = vrcp.f32 v3;
	v13 =	vmul.f32 $5.000000000e-01, v13  }
0x267: {  	(erf) = vrcp.f32 v14  }
0x268: {  	(erf) = vrcp.f32 v13;
	_ =	sdelay $0x5  }
0x269: {  	v40 =	vpop (erf)  }
0x26a: {  	v41 =	vmul.f32 v40, v5;
	v42 =	vpop (erf)  }
0x26b: {  	v17 =	vmul.f32 v42, v7;
	v43 =	vpop (erf)  }
0x26c: {  	v5 =	vadd.f32 v41, v16;
	v44 =	vpop (erf);
	v18 =	vmul.f32 v43, v9  }
0x26d: {  	v3 =	vadd.f32 v17, v3;
	v16 =	vmul.f32 v44, v11  }
0x26e: {  	v5 =	vmul.f32 $5.000000000e-01, v5;
	v14 =	vadd.f32 v18, v14  }
0x26f: {  	v3 =	vmul.f32 $5.000000000e-01, v3;
	v13 =	vadd.f32 v16, v13  }
0x270: {  	(erf) = vrcp.f32 v5;
	v45 =	vmul.f32 $5.000000000e-01, v14  }
0x271: {  	(erf) = vrcp.f32 v3;
	v13 =	vmul.f32 $5.000000000e-01, v13  }
0x272: {  	(erf) = vrcp.f32 v45  }
0x273: {  	(erf) = vrcp.f32 v13;
	_ =	sdelay $0x5  }
0x274: {  	v46 =	vpop (erf)  }
0x275: {  	v47 =	vpop (erf)  }
0x276: {  	v16 =	vmul.f32 v47, v7;
	v48 =	vpop (erf)  }
0x277: {  	v17 =	vmul.f32 v48, v9;
	v49 =	vpop (erf)  }
0x278: {  	v3 =	vadd.f32 v16, v3;
	v50 =	vmul.f32 v49, v11  }
0x279: {  	v5 =	vadd.f32 v17, v45  }
0x27a: {  	v3 =	vmul.f32 $5.000000000e-01, v3;
	v13 =	vadd.f32 v50, v13  }
0x27b: {  	v5 =	vmul.f32 $5.000000000e-01, v5  }
0x27c: {  	(erf) = vrcp.f32 v3;
	v13 =	vmul.f32 $5.000000000e-01, v13  }
0x27d: {  	(erf) = vrcp.f32 v5  }
0x27e: {  	(erf) = vrcp.f32 v13;
	_ =	sdelay $0x6  }
0x27f: {  	v51 =	vpop (erf)  }
0x280: {  	v52 =	vmul.f32 v51, v7;
	v53 =	vpop (erf)  }
0x281: {  	v16 =	vmul.f32 v53, v9;
	v54 =	vpop (erf)  }
0x282: {  	v3 =	vadd.f32 v52, v3;
	v55 =	vmul.f32 v54, v11  }
0x283: {  	v5 =	vadd.f32 v16, v5  }
0x284: {  	v3 =	vmul.f32 $5.000000000e-01, v3;
	v7 =	vadd.f32 v55, v13  }
0x285: {  	v5 =	vmul.f32 $5.000000000e-01, v5  }
0x286: {  	(erf) = vrcp.f32 v3;
	v3 =	vmul.f32 $5.000000000e-01, v7  }
0x287: {  	(erf) = vrcp.f32 v5  }
0x288: {  	(erf) = vrcp.f32 v3;
	_ =	sdelay $0x6  }
0x289: {  	v56 =	vpop (erf)  }
0x28a: {  	v57 =	vpop (erf)  }
0x28b: {  	v13 =	vmul.f32 v57, v9;
	v58 =	vpop (erf)  }
0x28c: {  	v16 =	vmul.f32 v58, v11  }
0x28d: {  	v5 =	vadd.f32 v13, v5  }
0x28e: {  	v3 =	vadd.f32 v16, v3  }
0x28f: {  	v5 =	vmul.f32 $5.000000000e-01, v5  }
0x290: {  	v3 =	vmul.f32 $5.000000000e-01, v3  }
0x291: {  	(erf) = vrcp.f32 v5  }
0x292: {  	(erf) = vrcp.f32 v3;
	_ =	sdelay $0x7  }
0x293: {  	v59 =	vpop (erf)  }
0x294: {  	v60 =	vmul.f32 v59, v9;
	v61 =	vpop (erf)  }
0x295: {  	v13 =	vmul.f32 v61, v11  }
0x296: {  	v5 =	vadd.f32 v60, v5  }
0x297: {  	v3 =	vadd.f32 v13, v3  }
0x298: {  	v5 =	vmul.f32 $5.000000000e-01, v5  }
0x299: {  	v3 =	vmul.f32 $5.000000000e-01, v3  }
0x29a: {  	(erf) = vrcp.f32 v5  }
0x29b: {  	(erf) = vrcp.f32 v3;
	_ =	sdelay $0x7  }
0x29c: {  	v5 =	vpop (erf)  }
0x29d: {  	v62 =	vpop (erf)  }
0x29e: {  	v9 =	vmul.f32 v62, v11;
	_ =	sdelay $0x1  }
0x29f: {  	v3 =	vadd.f32 v9, v3;
	_ =	sdelay $0x1  }
0x2a0: {  	v3 =	vmul.f32 $5.000000000e-01, v3;
	_ =	sdelay $0x1  }
0x2a1: {  	(erf) = vrcp.f32 v3;
	_ =	sdelay $0x8  }
0x2a2: {  	v63 =	vpop (erf)  }
0x2a3: {  	v9 =	vmul.f32 v63, v11;
	_ =	sdelay $0x1  }
0x2a4: {  	v3 =	vadd.f32 v9, v3;
	_ =	sdelay $0x1  }
0x2a5: {  	v3 =	vmul.f32 $5.000000000e-01, v3;
	_ =	sdelay $0x1  }
0x2a6: {  	[tilespmem:s19+$0xA280] =	vst v12;
	(erf) = vrcp.f32 v3  }
0x2a7: {  	[tilespmem:s20+$0xA280] =	vst v10  }
0x2a8: {  	[tilespmem:s21+$0xA280] =	vst v8  }
0x2a9: {  	[tilespmem:s22+$0xA280] =	vst v6  }
0x2aa: {  	[tilespmem:s23+$0xA280] =	vst v4  }
0x2ab: {  	[tilespmem:s24+$0xA280] =	vst v2  }
0x2ac: {  	[tilespmem:s25+$0xA280] =	vst v35  }
0x2ad: {  	[tilespmem:s26+$0xA280] =	vst v46  }
0x2ae: {  	[tilespmem:s28+$0xA280] =	vst v56  }
0x2af: {  	s18 =	sadd.s32 $0x1, s18;
	[tilespmem:s29+$0xA280] =	vst v5;
	v2 =	vpop (erf)  }
0x2b0: {  	s19 =	simm.s32 @!p0 $0x0;
	p1 =	sne.s32 s18, s8;
	s20 =	simm.s32 @!p0 $0xA280;
	[tilespmem:s30+$0xA280] =	vst v2  }
0x2b1: {  	[hbm4b:s7+s19] =	stream.linear.scatter @!p0 [tilespmem:s20], [sflag:$0x2], $0x280, $0x38;
	[tilespmem:$0xA780] =	vst v63  }
.Ltmp5:
0x2b2: {  	_ = 	snop;
	(pc) =	sbr.rel @p1 .LBB2_1-.Ltmp5, $4  }
0x2b3: {  	s19 =	simm.s32 @!p0 $0x2  }
0x2b4: {  	_ =	swait.ge @!p0 [sflag:s19], $0x280  }
0x2b5: {  	[sflag:s19] =	ssyncset.done @!p0 $0x0  }
0x2b6: {  	[sflag:s19] =	ssyncadd.s32 @!p0 $0xFFFFFD80  }
0x2b7: {  	_ =	sfence.sel $0x180000  }
0x2b8: {  	[bflag:$0x0] =	sbarrier.arrive $0xFFFF  }
0x2b9: {  	p0 =	sne.s32 s1, $0x0;
	_ =	strace $0x90000047  }
0x2ba: {  	s0 =	sadd.s32 @!p0 $0x100000, s0;
	[bflag:$0x2] =	sbarrier.arrive $0xFFFF  }
0x2bb: {  	[sflag:s0] =	ssyncadd.tile.s32 @!p0 $0x1;
	_ =	shalt  }
.Lfunc_end2:
_tile_overlayer_lowered:
.L_overlay_start_2:
0x2bc: {  	(tag) =	ssettag $0x2  }
0x2bd: {  	s0 =	rddreg [dreg:$0x0];
	s2 =	stileid.u32  }
0x2be: {  	s1 =	rddreg [dreg:$0x1];
	p0 =	sne.s32 s2, $0x0  }
0x2bf: {  	s3 =	rddreg [dreg:$0x2];
	[bflag:$0x3] =	sbarrier.arrive $0xFFFF;
	s2 =	simm.s32 @!p0 $0x1C02  }
0x2c0: {  	[timem:s3], [sflag:s2] =	dma.local @!p0 [hbm:s0], s1  }
0x2c1: {  	s0 =	simm.s32 @!p0 $0x2  }
0x2c2: {  	_ =	swait.ge @!p0 [sflag:s0], s1  }
0x2c3: {  	s1 =	ssub.s32 @!p0 $0x0, s1;
	[sflag:s0] =	ssyncset.done @!p0 $0x0  }
0x2c4: {  	[sflag:s0] =	ssyncadd.s32 @!p0 s1  }
0x2c5: {  	[bflag:$0x3] =	sbarrier.arrive $0xFFFF  }
0x2c6: {  	_ =	shalt  }

</sc_bundles>
